<compile_context>
chip_gen: v7x
topology: tpu7x:2x2x1
jax: 0.10.2.dev20260603
libtpu: 0.0.44.dev20260713+nightly
codegen_flags: <defaults>
</compile_context>

<pallas_src>
import functools

import jax
import jax.numpy as jnp
from jax import lax
from jax.experimental import pallas as pl
from jax.experimental.pallas import tpu as pltpu
from jax.experimental.pallas import tpu_sc as plsc

NC = 2
NS = 16
NW = NC * NS
L = 16
BE = 80
CH = 80
ROWB = 384


def _dot_t(a, w):
    return lax.dot_general(a, w, (((1,), (1,)), ((), ())),
                           preferred_element_type=jnp.float32)


def _pre_body(x_ref, we0_ref, p_ref, q_ref):
    d = x_ref.shape[1]
    a = we0_ref[:, 0:d]
    b = we0_ref[:, d:2 * d]
    c = we0_ref[:, 2 * d:3 * d]
    xb = x_ref[...]
    p_ref[...] = _dot_t(xb, a + c)
    q_ref[...] = _dot_t(xb, b - c)


def _post_body(x_ref, s0_ref, s1_ref, xs0_ref, xs1_ref, c0_ref, c1_ref,
               we1_ref, wn0_ref, wn1_ref, o_ref):
    d = x_ref.shape[1]
    x = x_ref[...]
    s = s0_ref[...] + s1_ref[...]
    xs = xs0_ref[...] + xs1_ref[...]
    cnt = (c0_ref[...] + c1_ref[...])[:, 0:1]
    sums = xs - cnt * x + _dot_t(s, we1_ref[...])
    agg = sums / jnp.maximum(cnt, 1.0)
    u = wn0_ref[:, 0:d]
    v = wn0_ref[:, d:2 * d]
    z = _dot_t(x, u) + _dot_t(agg, v)
    t = jnp.where(z > 0, z, jnp.exp(z) - 1.0)
    o_ref[...] = x + _dot_t(t, wn1_ref[...])


@functools.lru_cache(maxsize=None)
def _build_sc_agg(npad: int, d: int, bpw: int):
    nch = npad // CH
    kmax = nch // NS
    assert nch % NS == 0 and bpw % 2 == 0
    mesh = plsc.VectorSubcoreMesh(core_axis_name="c", subcore_axis_name="s",
                                  num_cores=NC, num_subcores=NS)

    @functools.partial(
        pl.kernel,
        out_type=(
            jax.ShapeDtypeStruct((NC * npad, d), jnp.float32),
            jax.ShapeDtypeStruct((NC * npad, d), jnp.float32),
            jax.ShapeDtypeStruct((NC * npad, d), jnp.float32),
        ),
        mesh=mesh,
        scratch_types=[
            pltpu.VMEM((BE,), jnp.int32),
            pltpu.VMEM((BE,), jnp.int32),
            pltpu.VMEM((BE,), jnp.int32),
            pltpu.VMEM((BE,), jnp.int32),
            pltpu.VMEM((BE, d), jnp.float32),
            pltpu.VMEM((BE, d), jnp.float32),
            pltpu.VMEM((BE, d), jnp.float32),
            pltpu.VMEM((BE, d), jnp.float32),
            pltpu.VMEM_SHARED((npad, d), jnp.float32),
            pltpu.SemaphoreType.DMA,
            pltpu.SemaphoreType.DMA,
            pltpu.SemaphoreType.DMA,
            pltpu.SemaphoreType.DMA,
        ],
    )
    def sc_agg(p_hbm, q_hbm, xp_hbm, src_hbm, dst_hbm, z_hbm,
               s_out, xs_out, cnt_out,
               is0, is1, id0, id1, ra0, ra1, rb0, rb1, acc_sh,
               si0, si1, sg0, sg1):
        cid = lax.axis_index("c")
        sid = lax.axis_index("s")
        wid = sid * NC + cid
        idx_s = (is0, is1)
        idx_d = (id0, id1)
        ra = (ra0, ra1)
        rb = (rb0, rb1)
        si = (si0, si1)
        sg = (sg0, sg1)

        def for_chunks(fn):
            def body(k, _):
                fn((sid + NS * k) * CH)
                return 0
            lax.fori_loop(0, kmax, body, 0)

        def zero_chunk(off):
            sl = pl.ds(off, CH)
            pltpu.sync_copy(z_hbm.at[sl], acc_sh.at[sl])

        def dump_chunk_to(out_ref, rezero):
            def fn(off):
                sl = pl.ds(off, CH)
                pltpu.sync_copy(acc_sh.at[sl],
                                out_ref.at[pl.ds(cid * npad + off, CH)])
                if rezero:
                    pltpu.sync_copy(z_hbm.at[sl], acc_sh.at[sl])
            return fn

        def fire_idx(k, bi, want_src):
            off = (wid * bpw + bi) * BE
            if want_src:
                pltpu.async_copy(src_hbm.at[pl.ds(off, BE)], idx_s[k], si[k])
            pltpu.async_copy(dst_hbm.at[pl.ds(off, BE)], idx_d[k], si[k])

        def drain_idx(k, want_src):
            if want_src:
                pltpu.make_async_copy(
                    src_hbm.at[pl.ds(0, BE)], idx_s[k], si[k]).wait()
            pltpu.make_async_copy(
                dst_hbm.at[pl.ds(0, BE)], idx_d[k], si[k]).wait()

        def fire_gather(k, tbls):
            bufs = (ra[k], rb[k])
            for t, (tbl, ik) in enumerate(tbls):
                pltpu.async_copy(tbl.at[ik[k]], bufs[t], sg[k])

        def drain_gather(k, tbls):
            bufs = (ra[k], rb[k])
            for t, (tbl, ik) in enumerate(tbls):
                pltpu.make_async_copy(tbl.at[ik[k]], bufs[t], sg[k]).wait()

        def run_phase(tbls, compute, scatter_src, want_src):
            fire_idx(0, 0, want_src)
            drain_idx(0, want_src)
            fire_gather(0, tbls)
            fire_idx(1, 1, want_src)

            def substep(k, bi_next):
                drain_gather(k, tbls)
                drain_idx(1 - k, want_src)
                fire_gather(1 - k, tbls)
                compute(k)
                pltpu.sync_copy(scatter_src(k), acc_sh.at[idx_d[k]],
                                add=True)
                fire_idx(k, bi_next, want_src)

            def body(j, _):
                substep(0, jnp.minimum(2 * j + 2, bpw - 1))
                substep(1, jnp.minimum(2 * j + 3, bpw - 1))
                return 0
            lax.fori_loop(0, bpw // 2, body, 0)
            drain_gather(0, tbls)
            drain_idx(1, want_src)

        for_chunks(zero_chunk)
        plsc.subcore_barrier()

        def elu(k):
            @plsc.parallel_loop(0, BE, unroll=8)
            def _(r):
                for cc in range(d // L):
                    sl = pl.ds(cc * L, L)
                    z = ra[k][r, sl] + rb[k][r, sl]
                    ra[k][r, sl] = jnp.where(z > 0, z, jnp.exp(z) - 1.0)

        run_phase(((p_hbm, idx_s), (q_hbm, idx_d)), elu,
                  lambda k: ra[k], True)
        plsc.subcore_barrier()
        for_chunks(dump_chunk_to(s_out, rezero=True))
        plsc.subcore_barrier()

        run_phase(((xp_hbm, idx_s),), lambda k: None,
                  lambda k: ra[k], True)
        plsc.subcore_barrier()
        for_chunks(dump_chunk_to(xs_out, rezero=True))

        def fill_ones_row(i, _):
            for cc in range(d // L):
                ra0[i, pl.ds(cc * L, L)] = jnp.ones((L,), jnp.float32)
            return 0
        lax.fori_loop(0, BE, fill_ones_row, 0)
        plsc.subcore_barrier()

        run_phase((), lambda k: None, lambda k: ra0, False)
        plsc.subcore_barrier()
        for_chunks(dump_chunk_to(cnt_out, rezero=False))

    return sc_agg


def kernel(x, edge_index, We0, We1, Wn0, Wn1):
    n, d = x.shape
    e = edge_index.shape[1]
    npad_sc = (n // (CH * NS) + 1) * (CH * NS)
    npad_tc = (n // ROWB + 1) * ROWB
    bpw = -(-e // (NW * BE))
    bpw += bpw % 2
    epad = bpw * NW * BE

    x_pad = jnp.pad(x, ((0, npad_tc - n), (0, 0)))
    pad = epad - e
    src = jnp.concatenate([edge_index[0], jnp.full((pad,), n, jnp.int32)])
    dst = jnp.concatenate([edge_index[1], jnp.full((pad,), n, jnp.int32)])

    nb = npad_tc // ROWB
    row_spec = pl.BlockSpec((ROWB, d), lambda i: (i, 0))

    p, q = pl.pallas_call(
        _pre_body,
        grid=(nb,),
        in_specs=[row_spec, pl.BlockSpec((d, 3 * d), lambda i: (0, 0))],
        out_specs=[row_spec, row_spec],
        out_shape=[jax.ShapeDtypeStruct((npad_tc, d), jnp.float32)] * 2,
    )(x_pad, We0)

    z128 = jnp.zeros((npad_sc, d), jnp.float32)
    s_parts, xs_parts, cnt_parts = _build_sc_agg(npad_sc, d, bpw)(
        p, q, x_pad, src, dst, z128)
    tc_pad = ((0, 0), (0, npad_tc - npad_sc), (0, 0))
    s_parts = jnp.pad(s_parts.reshape(NC, npad_sc, d), tc_pad)
    xs_parts = jnp.pad(xs_parts.reshape(NC, npad_sc, d), tc_pad)
    cnt_parts = jnp.pad(cnt_parts.reshape(NC, npad_sc, d), tc_pad)

    out_pad = pl.pallas_call(
        _post_body,
        grid=(nb,),
        in_specs=[row_spec,
                  row_spec, row_spec, row_spec, row_spec,
                  row_spec, row_spec,
                  pl.BlockSpec((d, d), lambda i: (0, 0)),
                  pl.BlockSpec((d, 2 * d), lambda i: (0, 0)),
                  pl.BlockSpec((d, d), lambda i: (0, 0))],
        out_specs=row_spec,
        out_shape=jax.ShapeDtypeStruct((npad_tc, d), jnp.float32),
    )(x_pad, s_parts[0], s_parts[1], xs_parts[0], xs_parts[1],
      cnt_parts[0], cnt_parts[1], We1, Wn0, Wn1)

    return out_pad[:n]

# --- scband reference (transcript-rebuilt; emitter-appended) ---
"""Pipeline reference for scband-simple-mp-layer-36189394436111 (READ-ONLY COPY).

The authoritative reference and input builder live on the scoring server;
editing this copy changes nothing except your own understanding.
"""

import jax, jax.numpy as jnp
import numpy as np

N = 10000
E = 320000
D = 128  # input_channels == hidden_channels (required by forward's residual)
H = 128


def setup_inputs(seed: int = 0) -> dict:
    key = jax.random.key(seed)
    ks = jax.random.split(key, 8)
    x = jax.random.normal(ks[0], (N, D), dtype=jnp.float32)
    edge_index = jax.random.randint(ks[1], (2, E), 0, N, dtype=jnp.int32)
    # Linear weights, torch nn.Linear convention: W[out_features, in_features], no bias
    We0 = jax.random.normal(ks[2], (H, 3 * H), dtype=jnp.float32) * (1.0 / np.sqrt(3 * H))
    We1 = jax.random.normal(ks[3], (H, H), dtype=jnp.float32) * (1.0 / np.sqrt(H))
    Wn0 = jax.random.normal(ks[4], (H, 2 * H), dtype=jnp.float32) * (1.0 / np.sqrt(2 * H))
    Wn1 = jax.random.normal(ks[5], (H, H), dtype=jnp.float32) * (1.0 / np.sqrt(H))
    return {"x": x, "edge_index": edge_index, "We0": We0, "We1": We1, "Wn0": Wn0, "Wn1": Wn1}


def reference(x, edge_index, We0, We1, Wn0, Wn1):
    src = edge_index[0]
    dst = edge_index[1]
    # gather endpoint features
    x_own = jnp.take(x, src, axis=0)
    x_nei = jnp.take(x, dst, axis=0)
    edge_attr = x_own - x_nei
    edge_attr_t = jnp.concatenate([x_own, x_nei, edge_attr], axis=1)
    # edge_updater MLP: Linear(3H->H) + ELU + Linear(H->H)
    edge_attr_t = jax.nn.elu(edge_attr_t @ We0.T)
    edge_attr_t = edge_attr_t @ We1.T
    edge_attr = edge_attr + edge_attr_t
    # EdgeAggregation: mean-aggregate edge_attr at destination nodes (PyG default flow:
    # messages aggregated at edge_index[1])
    sums = jax.ops.segment_sum(edge_attr, dst, num_segments=N)
    counts = jax.ops.segment_sum(jnp.ones((E,), dtype=x.dtype), dst, num_segments=N)
    edge_agg = sums / jnp.maximum(counts, 1.0)[:, None]
    # node_updater MLP: Linear(2H->H) + ELU + Linear(H->H)
    x_t = jnp.concatenate([x, edge_agg], axis=1)
    x_t = jax.nn.elu(x_t @ Wn0.T)
    x_t = x_t @ Wn1.T
    return x + x_t

if __name__ == "__main__":
    import jax
    _d = setup_inputs()
    print(jax.jit(kernel)(*tuple(_d.values())))

</pallas_src>

<mosaic_0001>
#map = affine_map<(d0, d1) -> (0, 0)>
#map1 = affine_map<(d0, d1) -> (0)>
module attributes {stable_mosaic.version = 14 : i64} {
  func.func @sc_agg(%arg0: i32, %arg1: i32, %arg2: memref<10368x128xf32, #tpu.memory_space<hbm>>, %arg3: memref<10368x128xf32, #tpu.memory_space<hbm>>, %arg4: memref<10368x128xf32, #tpu.memory_space<hbm>>, %arg5: memref<322560xi32, #tpu.memory_space<hbm>>, %arg6: memref<322560xi32, #tpu.memory_space<hbm>>, %arg7: memref<10240x128xf32, #tpu.memory_space<hbm>>, %arg8: memref<20480x128xf32, #tpu.memory_space<hbm>>, %arg9: memref<20480x128xf32, #tpu.memory_space<hbm>>, %arg10: memref<20480x128xf32, #tpu.memory_space<hbm>>, %arg11: memref<80xi32, #tpu.memory_space<vmem>>, %arg12: memref<80xi32, #tpu.memory_space<vmem>>, %arg13: memref<80xi32, #tpu.memory_space<vmem>>, %arg14: memref<80xi32, #tpu.memory_space<vmem>>, %arg15: memref<80x128xf32, #tpu.memory_space<vmem>>, %arg16: memref<80x128xf32, #tpu.memory_space<vmem>>, %arg17: memref<80x128xf32, #tpu.memory_space<vmem>>, %arg18: memref<80x128xf32, #tpu.memory_space<vmem>>, %arg19: memref<10240x128xf32, #tpu.memory_space<vmem_shared>>, %arg20: memref<!tpu.dma_semaphore, #tpu.memory_space<semaphore_mem>>, %arg21: memref<!tpu.dma_semaphore, #tpu.memory_space<semaphore_mem>>, %arg22: memref<!tpu.dma_semaphore, #tpu.memory_space<semaphore_mem>>, %arg23: memref<!tpu.dma_semaphore, #tpu.memory_space<semaphore_mem>>) attributes {dimension_semantics = [#tpu.dimension_semantics<core_parallel>, #tpu.dimension_semantics<subcore_parallel>], iteration_bounds = array<i64: 2, 16>, scalar_prefetch = 0 : i64, scratch_operands = 13 : i64, tpu.core_type = #tpu.core_type<sc_vector_subcore>, window_params = [{transform_indices = #map}, {transform_indices = #map}, {transform_indices = #map}, {transform_indices = #map1}, {transform_indices = #map1}, {transform_indices = #map}, {transform_indices = #map}, {transform_indices = #map}, {transform_indices = #map}]} {
    %mul3A = arith.constant 2 : i32
    %mul3A_0 = arith.muli %arg1, %mul3A : i32
    %add3A = arith.addi %mul3A_0, %arg0 : i32
    %scan3A = arith.constant 0 : i32
    %scan3A_1 = arith.constant 0 : i32
    %scan3A_2 = arith.constant 8 : i32
    %scan3A_3 = arith.addi %scan3A_1, %scan3A_2 : i32
    %scan3A_4 = arith.constant 1 : i32
    %scan3A_5 = scf.for %scan3A_173 = %scan3A_1 to %scan3A_3 step %scan3A_4 iter_args(%scan3A_174 = %scan3A) -> (i32)  : i32 {
      %mul3A_175 = arith.constant 16 : i32
      %mul3A_176 = arith.muli %mul3A_175, %scan3A_173 : i32
      %add3A_177 = arith.addi %arg1, %mul3A_176 : i32
      %mul3A_178 = arith.constant 80 : i32
      %mul3A_179 = arith.muli %add3A_177, %mul3A_178 : i32
      "tpu.region"() ({
        %run_scoped3A = tpu.sem_alloc : memref<!tpu.dma_semaphore, #tpu.memory_space<semaphore_mem>>
        %dma_start3A_181 = arith.constant 0 : i32
        %dma_start3A_182 = tpu.memref_slice %arg19[%mul3A_179, %dma_start3A_181] : memref<10240x128xf32, #tpu.memory_space<vmem_shared>> -> memref<80x128xf32, #tpu.memory_space<vmem_shared>>
        %dma_start3A_183 = arith.constant 0 : i32
        %dma_start3A_184 = tpu.memref_slice %arg7[%mul3A_179, %dma_start3A_183] : memref<10240x128xf32, #tpu.memory_space<hbm>> -> memref<80x128xf32, #tpu.memory_space<hbm>>
        tpu.enqueue_dma source(%dma_start3A_184 : memref<80x128xf32, #tpu.memory_space<hbm>>) target(%dma_start3A_182 : memref<80x128xf32, #tpu.memory_space<vmem_shared>>) target_semaphore(%run_scoped3A : memref<!tpu.dma_semaphore, #tpu.memory_space<semaphore_mem>>)
        %dma_wait3A_185 = arith.constant 0 : i32
        %dma_wait3A_186 = tpu.memref_slice %arg19[%mul3A_179, %dma_wait3A_185] : memref<10240x128xf32, #tpu.memory_space<vmem_shared>> -> memref<80x128xf32, #tpu.memory_space<vmem_shared>>
        %dma_wait3A_187 = arith.constant 0 : i32
        %dma_wait3A_188 = tpu.memref_slice %arg7[%mul3A_179, %dma_wait3A_187] : memref<10240x128xf32, #tpu.memory_space<hbm>> -> memref<80x128xf32, #tpu.memory_space<hbm>>
        tpu.wait_dma2 semaphore(%run_scoped3A : memref<!tpu.dma_semaphore, #tpu.memory_space<semaphore_mem>>) src(%dma_wait3A_188 : memref<80x128xf32, #tpu.memory_space<hbm>>) dst(%dma_wait3A_186 : memref<80x128xf32, #tpu.memory_space<vmem_shared>>)
        tpu.yield
      }) : () -> ()
      %scan3A_180 = arith.constant 0 : i32
      scf.yield %scan3A_180 : i32
    }
    %scan3A_6 = arith.constant 8 : i32
    %barrier3A = arith.constant 0 : index
    tpu.barrier barrier_id(%barrier3A)
    %mul3A_7 = arith.constant 126 : i32
    %mul3A_8 = arith.muli %add3A, %mul3A_7 : i32
    %add3A_9 = arith.constant 0 : i32
    %add3A_10 = arith.addi %mul3A_8, %add3A_9 : i32
    %mul3A_11 = arith.constant 80 : i32
    %mul3A_12 = arith.muli %add3A_10, %mul3A_11 : i32
    %dma_start3A = tpu.memref_slice %arg5[%mul3A_12] : memref<322560xi32, #tpu.memory_space<hbm>> -> memref<80xi32, #tpu.memory_space<hbm>>
    %dma_start3A_13 = tpu.memref_slice %arg5[%mul3A_12] : memref<322560xi32, #tpu.memory_space<hbm>> -> memref<80xi32, #tpu.memory_space<hbm>>
    tpu.enqueue_dma source(%dma_start3A_13 : memref<80xi32, #tpu.memory_space<hbm>>) target(%arg11 : memref<80xi32, #tpu.memory_space<vmem>>) target_semaphore(%arg20 : memref<!tpu.dma_semaphore, #tpu.memory_space<semaphore_mem>>)
    %dma_start3A_14 = tpu.memref_slice %arg6[%mul3A_12] : memref<322560xi32, #tpu.memory_space<hbm>> -> memref<80xi32, #tpu.memory_space<hbm>>
    %dma_start3A_15 = tpu.memref_slice %arg6[%mul3A_12] : memref<322560xi32, #tpu.memory_space<hbm>> -> memref<80xi32, #tpu.memory_space<hbm>>
    tpu.enqueue_dma source(%dma_start3A_15 : memref<80xi32, #tpu.memory_space<hbm>>) target(%arg13 : memref<80xi32, #tpu.memory_space<vmem>>) target_semaphore(%arg20 : memref<!tpu.dma_semaphore, #tpu.memory_space<semaphore_mem>>)
    %dma_wait3A = arith.constant 0 : i32
    %dma_wait3A_16 = tpu.memref_slice %arg5[%dma_wait3A] : memref<322560xi32, #tpu.memory_space<hbm>> -> memref<80xi32, #tpu.memory_space<hbm>>
    %dma_wait3A_17 = arith.constant 0 : i32
    %dma_wait3A_18 = tpu.memref_slice %arg5[%dma_wait3A_17] : memref<322560xi32, #tpu.memory_space<hbm>> -> memref<80xi32, #tpu.memory_space<hbm>>
    tpu.wait_dma2 semaphore(%arg20 : memref<!tpu.dma_semaphore, #tpu.memory_space<semaphore_mem>>) src(%dma_wait3A_18 : memref<80xi32, #tpu.memory_space<hbm>>) dst(%arg11 : memref<80xi32, #tpu.memory_space<vmem>>)
    %dma_wait3A_19 = arith.constant 0 : i32
    %dma_wait3A_20 = tpu.memref_slice %arg6[%dma_wait3A_19] : memref<322560xi32, #tpu.memory_space<hbm>> -> memref<80xi32, #tpu.memory_space<hbm>>
    %dma_wait3A_21 = arith.constant 0 : i32
    %dma_wait3A_22 = tpu.memref_slice %arg6[%dma_wait3A_21] : memref<322560xi32, #tpu.memory_space<hbm>> -> memref<80xi32, #tpu.memory_space<hbm>>
    tpu.wait_dma2 semaphore(%arg20 : memref<!tpu.dma_semaphore, #tpu.memory_space<semaphore_mem>>) src(%dma_wait3A_22 : memref<80xi32, #tpu.memory_space<hbm>>) dst(%arg13 : memref<80xi32, #tpu.memory_space<vmem>>)
    %dma_start3A_23 = arith.constant 0 : i32
    %dma_start3A_24 = arith.constant 0 : i32
    %dma_start3A_25 = tpu.memref_slice %arg2[%dma_start3A_23, %dma_start3A_24] : memref<10368x128xf32, #tpu.memory_space<hbm>> -> memref<10368x128xf32, #tpu.memory_space<hbm>>
    tpu.enqueue_indirect_dma source(%dma_start3A_25 : memref<10368x128xf32, #tpu.memory_space<hbm>>) target(%arg15 : memref<80x128xf32, #tpu.memory_space<vmem>>) offsets(%arg11 : memref<80xi32, #tpu.memory_space<vmem>>) semaphore(%arg22 : memref<!tpu.dma_semaphore, #tpu.memory_space<semaphore_mem>>)
    %dma_start3A_26 = arith.constant 0 : i32
    %dma_start3A_27 = arith.constant 0 : i32
    %dma_start3A_28 = tpu.memref_slice %arg3[%dma_start3A_26, %dma_start3A_27] : memref<10368x128xf32, #tpu.memory_space<hbm>> -> memref<10368x128xf32, #tpu.memory_space<hbm>>
    tpu.enqueue_indirect_dma source(%dma_start3A_28 : memref<10368x128xf32, #tpu.memory_space<hbm>>) target(%arg17 : memref<80x128xf32, #tpu.memory_space<vmem>>) offsets(%arg13 : memref<80xi32, #tpu.memory_space<vmem>>) semaphore(%arg22 : memref<!tpu.dma_semaphore, #tpu.memory_space<semaphore_mem>>)
    %mul3A_29 = arith.constant 126 : i32
    %mul3A_30 = arith.muli %add3A, %mul3A_29 : i32
    %add3A_31 = arith.constant 1 : i32
    %add3A_32 = arith.addi %mul3A_30, %add3A_31 : i32
    %mul3A_33 = arith.constant 80 : i32
    %mul3A_34 = arith.muli %add3A_32, %mul3A_33 : i32
    %dma_start3A_35 = tpu.memref_slice %arg5[%mul3A_34] : memref<322560xi32, #tpu.memory_space<hbm>> -> memref<80xi32, #tpu.memory_space<hbm>>
    %dma_start3A_36 = tpu.memref_slice %arg5[%mul3A_34] : memref<322560xi32, #tpu.memory_space<hbm>> -> memref<80xi32, #tpu.memory_space<hbm>>
    tpu.enqueue_dma source(%dma_start3A_36 : memref<80xi32, #tpu.memory_space<hbm>>) target(%arg12 : memref<80xi32, #tpu.memory_space<vmem>>) target_semaphore(%arg21 : memref<!tpu.dma_semaphore, #tpu.memory_space<semaphore_mem>>)
    %dma_start3A_37 = tpu.memref_slice %arg6[%mul3A_34] : memref<322560xi32, #tpu.memory_space<hbm>> -> memref<80xi32, #tpu.memory_space<hbm>>
    %dma_start3A_38 = tpu.memref_slice %arg6[%mul3A_34] : memref<322560xi32, #tpu.memory_space<hbm>> -> memref<80xi32, #tpu.memory_space<hbm>>
    tpu.enqueue_dma source(%dma_start3A_38 : memref<80xi32, #tpu.memory_space<hbm>>) target(%arg14 : memref<80xi32, #tpu.memory_space<vmem>>) target_semaphore(%arg21 : memref<!tpu.dma_semaphore, #tpu.memory_space<semaphore_mem>>)
    %scan3A_39 = arith.constant 0 : i32
    %scan3A_40 = arith.constant 0 : i32
    %scan3A_41 = arith.constant 63 : i32
    %scan3A_42 = arith.addi %scan3A_40, %scan3A_41 : i32
    %scan3A_43 = arith.constant 1 : i32
    %scan3A_44 = scf.for %scan3A_173 = %scan3A_40 to %scan3A_42 step %scan3A_43 iter_args(%scan3A_174 = %scan3A_39) -> (i32)  : i32 {
      %mul3A_175 = arith.constant 2 : i32
      %mul3A_176 = arith.muli %mul3A_175, %scan3A_173 : i32
      %add3A_177 = arith.constant 2 : i32
      %add3A_178 = arith.addi %mul3A_176, %add3A_177 : i32
      %min3A = arith.constant 125 : i32
      %min3A_179 = arith.minsi %add3A_178, %min3A : i32
      %dma_wait3A_180 = arith.constant 0 : i32
      %dma_wait3A_181 = arith.constant 0 : i32
      %dma_wait3A_182 = tpu.memref_slice %arg2[%dma_wait3A_180, %dma_wait3A_181] : memref<10368x128xf32, #tpu.memory_space<hbm>> -> memref<10368x128xf32, #tpu.memory_space<hbm>>
      tpu.wait_indirect_dma semaphore(%arg22 : memref<!tpu.dma_semaphore, #tpu.memory_space<semaphore_mem>>) src(%dma_wait3A_182 : memref<10368x128xf32, #tpu.memory_space<hbm>>) dst(%arg15 : memref<80x128xf32, #tpu.memory_space<vmem>>)
      %dma_wait3A_183 = arith.constant 0 : i32
      %dma_wait3A_184 = arith.constant 0 : i32
      %dma_wait3A_185 = tpu.memref_slice %arg3[%dma_wait3A_183, %dma_wait3A_184] : memref<10368x128xf32, #tpu.memory_space<hbm>> -> memref<10368x128xf32, #tpu.memory_space<hbm>>
      tpu.wait_indirect_dma semaphore(%arg22 : memref<!tpu.dma_semaphore, #tpu.memory_space<semaphore_mem>>) src(%dma_wait3A_185 : memref<10368x128xf32, #tpu.memory_space<hbm>>) dst(%arg17 : memref<80x128xf32, #tpu.memory_space<vmem>>)
      %dma_wait3A_186 = arith.constant 0 : i32
      %dma_wait3A_187 = tpu.memref_slice %arg5[%dma_wait3A_186] : memref<322560xi32, #tpu.memory_space<hbm>> -> memref<80xi32, #tpu.memory_space<hbm>>
      %dma_wait3A_188 = arith.constant 0 : i32
      %dma_wait3A_189 = tpu.memref_slice %arg5[%dma_wait3A_188] : memref<322560xi32, #tpu.memory_space<hbm>> -> memref<80xi32, #tpu.memory_space<hbm>>
      tpu.wait_dma2 semaphore(%arg21 : memref<!tpu.dma_semaphore, #tpu.memory_space<semaphore_mem>>) src(%dma_wait3A_189 : memref<80xi32, #tpu.memory_space<hbm>>) dst(%arg12 : memref<80xi32, #tpu.memory_space<vmem>>)
      %dma_wait3A_190 = arith.constant 0 : i32
      %dma_wait3A_191 = tpu.memref_slice %arg6[%dma_wait3A_190] : memref<322560xi32, #tpu.memory_space<hbm>> -> memref<80xi32, #tpu.memory_space<hbm>>
      %dma_wait3A_192 = arith.constant 0 : i32
      %dma_wait3A_193 = tpu.memref_slice %arg6[%dma_wait3A_192] : memref<322560xi32, #tpu.memory_space<hbm>> -> memref<80xi32, #tpu.memory_space<hbm>>
      tpu.wait_dma2 semaphore(%arg21 : memref<!tpu.dma_semaphore, #tpu.memory_space<semaphore_mem>>) src(%dma_wait3A_193 : memref<80xi32, #tpu.memory_space<hbm>>) dst(%arg14 : memref<80xi32, #tpu.memory_space<vmem>>)
      %dma_start3A_194 = arith.constant 0 : i32
      %dma_start3A_195 = arith.constant 0 : i32
      %dma_start3A_196 = tpu.memref_slice %arg2[%dma_start3A_194, %dma_start3A_195] : memref<10368x128xf32, #tpu.memory_space<hbm>> -> memref<10368x128xf32, #tpu.memory_space<hbm>>
      tpu.enqueue_indirect_dma source(%dma_start3A_196 : memref<10368x128xf32, #tpu.memory_space<hbm>>) target(%arg16 : memref<80x128xf32, #tpu.memory_space<vmem>>) offsets(%arg12 : memref<80xi32, #tpu.memory_space<vmem>>) semaphore(%arg23 : memref<!tpu.dma_semaphore, #tpu.memory_space<semaphore_mem>>)
      %dma_start3A_197 = arith.constant 0 : i32
      %dma_start3A_198 = arith.constant 0 : i32
      %dma_start3A_199 = tpu.memref_slice %arg3[%dma_start3A_197, %dma_start3A_198] : memref<10368x128xf32, #tpu.memory_space<hbm>> -> memref<10368x128xf32, #tpu.memory_space<hbm>>
      tpu.enqueue_indirect_dma source(%dma_start3A_199 : memref<10368x128xf32, #tpu.memory_space<hbm>>) target(%arg18 : memref<80x128xf32, #tpu.memory_space<vmem>>) offsets(%arg14 : memref<80xi32, #tpu.memory_space<vmem>>) semaphore(%arg23 : memref<!tpu.dma_semaphore, #tpu.memory_space<semaphore_mem>>)
      %parallel_loop3A = arith.constant 0 : i32
      %parallel_loop3A_200 = arith.constant 80 : i32
      %parallel_loop3A_201 = arith.constant 1 : i32
      scf.for %parallel_loop3A_250 = %parallel_loop3A to %parallel_loop3A_200 step %parallel_loop3A_201  : i32 {
        %parallel_loop3A_251 = arith.index_cast %parallel_loop3A_250 : i32 to index
        %parallel_loop3A_252 = arith.constant 0 : index
        %parallel_loop3A_253 = tpu.vector_load %arg15[%parallel_loop3A_251, %parallel_loop3A_252] {strides = array<i32>} : memref<80x128xf32, #tpu.memory_space<vmem>>, vector<1x16xf32>,
        %parallel_loop3A_254 = vector.shape_cast %parallel_loop3A_253 : vector<1x16xf32> to vector<16xf32>
        %parallel_loop3A_255 = arith.index_cast %parallel_loop3A_250 : i32 to index
        %parallel_loop3A_256 = arith.constant 0 : index
        %parallel_loop3A_257 = tpu.vector_load %arg17[%parallel_loop3A_255, %parallel_loop3A_256] {strides = array<i32>} : memref<80x128xf32, #tpu.memory_space<vmem>>, vector<1x16xf32>,
        %parallel_loop3A_258 = vector.shape_cast %parallel_loop3A_257 : vector<1x16xf32> to vector<16xf32>
        %parallel_loop3A_259 = arith.addf %parallel_loop3A_254, %parallel_loop3A_258 : vector<16xf32>
        %parallel_loop3A_260 = arith.constant 0.000000e+00 : f32
        %parallel_loop3A_261 = vector.broadcast %parallel_loop3A_260 : f32 to vector<16xf32>
        %parallel_loop3A_262 = arith.cmpf ogt, %parallel_loop3A_259, %parallel_loop3A_261 : vector<16xf32>
        %parallel_loop3A_263 = math.exp %parallel_loop3A_259 : vector<16xf32>
        %parallel_loop3A_264 = arith.constant 1.000000e+00 : f32
        %parallel_loop3A_265 = vector.broadcast %parallel_loop3A_264 : f32 to vector<16xf32>
        %parallel_loop3A_266 = arith.subf %parallel_loop3A_263, %parallel_loop3A_265 : vector<16xf32>
        %parallel_loop3A_267 = arith.select %parallel_loop3A_262, %parallel_loop3A_259, %parallel_loop3A_266 : vector<16xi1>, vector<16xf32>
        %parallel_loop3A_268 = arith.index_cast %parallel_loop3A_250 : i32 to index
        %parallel_loop3A_269 = arith.constant 0 : index
        %parallel_loop3A_270 = tpu.vector_load %arg15[%parallel_loop3A_268, %parallel_loop3A_269] {strides = array<i32>} : memref<80x128xf32, #tpu.memory_space<vmem>>, vector<1x16xf32>,
        %parallel_loop3A_271 = vector.shape_cast %parallel_loop3A_270 : vector<1x16xf32> to vector<16xf32>
        %parallel_loop3A_272 = vector.shape_cast %parallel_loop3A_267 : vector<16xf32> to vector<1x16xf32>
        tpu.vector_store %arg15[%parallel_loop3A_268, %parallel_loop3A_269], %parallel_loop3A_272 {strides = array<i32>} : memref<80x128xf32, #tpu.memory_space<vmem>>, vector<1x16xf32>,
        %parallel_loop3A_273 = arith.index_cast %parallel_loop3A_250 : i32 to index
        %parallel_loop3A_274 = arith.constant 16 : index
        %parallel_loop3A_275 = tpu.vector_load %arg15[%parallel_loop3A_273, %parallel_loop3A_274] {strides = array<i32>} : memref<80x128xf32, #tpu.memory_space<vmem>>, vector<1x16xf32>,
        %parallel_loop3A_276 = vector.shape_cast %parallel_loop3A_275 : vector<1x16xf32> to vector<16xf32>
        %parallel_loop3A_277 = arith.index_cast %parallel_loop3A_250 : i32 to index
        %parallel_loop3A_278 = arith.constant 16 : index
        %parallel_loop3A_279 = tpu.vector_load %arg17[%parallel_loop3A_277, %parallel_loop3A_278] {strides = array<i32>} : memref<80x128xf32, #tpu.memory_space<vmem>>, vector<1x16xf32>,
        %parallel_loop3A_280 = vector.shape_cast %parallel_loop3A_279 : vector<1x16xf32> to vector<16xf32>
        %parallel_loop3A_281 = arith.addf %parallel_loop3A_276, %parallel_loop3A_280 : vector<16xf32>
        %parallel_loop3A_282 = arith.constant 0.000000e+00 : f32
        %parallel_loop3A_283 = vector.broadcast %parallel_loop3A_282 : f32 to vector<16xf32>
        %parallel_loop3A_284 = arith.cmpf ogt, %parallel_loop3A_281, %parallel_loop3A_283 : vector<16xf32>
        %parallel_loop3A_285 = math.exp %parallel_loop3A_281 : vector<16xf32>
        %parallel_loop3A_286 = arith.constant 1.000000e+00 : f32
        %parallel_loop3A_287 = vector.broadcast %parallel_loop3A_286 : f32 to vector<16xf32>
        %parallel_loop3A_288 = arith.subf %parallel_loop3A_285, %parallel_loop3A_287 : vector<16xf32>
        %parallel_loop3A_289 = arith.select %parallel_loop3A_284, %parallel_loop3A_281, %parallel_loop3A_288 : vector<16xi1>, vector<16xf32>
        %parallel_loop3A_290 = arith.index_cast %parallel_loop3A_250 : i32 to index
        %parallel_loop3A_291 = arith.constant 16 : index
        %parallel_loop3A_292 = tpu.vector_load %arg15[%parallel_loop3A_290, %parallel_loop3A_291] {strides = array<i32>} : memref<80x128xf32, #tpu.memory_space<vmem>>, vector<1x16xf32>,
        %parallel_loop3A_293 = vector.shape_cast %parallel_loop3A_292 : vector<1x16xf32> to vector<16xf32>
        %parallel_loop3A_294 = vector.shape_cast %parallel_loop3A_289 : vector<16xf32> to vector<1x16xf32>
        tpu.vector_store %arg15[%parallel_loop3A_290, %parallel_loop3A_291], %parallel_loop3A_294 {strides = array<i32>} : memref<80x128xf32, #tpu.memory_space<vmem>>, vector<1x16xf32>,
        %parallel_loop3A_295 = arith.index_cast %parallel_loop3A_250 : i32 to index
        %parallel_loop3A_296 = arith.constant 32 : index
        %parallel_loop3A_297 = tpu.vector_load %arg15[%parallel_loop3A_295, %parallel_loop3A_296] {strides = array<i32>} : memref<80x128xf32, #tpu.memory_space<vmem>>, vector<1x16xf32>,
        %parallel_loop3A_298 = vector.shape_cast %parallel_loop3A_297 : vector<1x16xf32> to vector<16xf32>
        %parallel_loop3A_299 = arith.index_cast %parallel_loop3A_250 : i32 to index
        %parallel_loop3A_300 = arith.constant 32 : index
        %parallel_loop3A_301 = tpu.vector_load %arg17[%parallel_loop3A_299, %parallel_loop3A_300] {strides = array<i32>} : memref<80x128xf32, #tpu.memory_space<vmem>>, vector<1x16xf32>,
        %parallel_loop3A_302 = vector.shape_cast %parallel_loop3A_301 : vector<1x16xf32> to vector<16xf32>
        %parallel_loop3A_303 = arith.addf %parallel_loop3A_298, %parallel_loop3A_302 : vector<16xf32>
        %parallel_loop3A_304 = arith.constant 0.000000e+00 : f32
        %parallel_loop3A_305 = vector.broadcast %parallel_loop3A_304 : f32 to vector<16xf32>
        %parallel_loop3A_306 = arith.cmpf ogt, %parallel_loop3A_303, %parallel_loop3A_305 : vector<16xf32>
        %parallel_loop3A_307 = math.exp %parallel_loop3A_303 : vector<16xf32>
        %parallel_loop3A_308 = arith.constant 1.000000e+00 : f32
        %parallel_loop3A_309 = vector.broadcast %parallel_loop3A_308 : f32 to vector<16xf32>
        %parallel_loop3A_310 = arith.subf %parallel_loop3A_307, %parallel_loop3A_309 : vector<16xf32>
        %parallel_loop3A_311 = arith.select %parallel_loop3A_306, %parallel_loop3A_303, %parallel_loop3A_310 : vector<16xi1>, vector<16xf32>
        %parallel_loop3A_312 = arith.index_cast %parallel_loop3A_250 : i32 to index
        %parallel_loop3A_313 = arith.constant 32 : index
        %parallel_loop3A_314 = tpu.vector_load %arg15[%parallel_loop3A_312, %parallel_loop3A_313] {strides = array<i32>} : memref<80x128xf32, #tpu.memory_space<vmem>>, vector<1x16xf32>,
        %parallel_loop3A_315 = vector.shape_cast %parallel_loop3A_314 : vector<1x16xf32> to vector<16xf32>
        %parallel_loop3A_316 = vector.shape_cast %parallel_loop3A_311 : vector<16xf32> to vector<1x16xf32>
        tpu.vector_store %arg15[%parallel_loop3A_312, %parallel_loop3A_313], %parallel_loop3A_316 {strides = array<i32>} : memref<80x128xf32, #tpu.memory_space<vmem>>, vector<1x16xf32>,
        %parallel_loop3A_317 = arith.index_cast %parallel_loop3A_250 : i32 to index
        %parallel_loop3A_318 = arith.constant 48 : index
        %parallel_loop3A_319 = tpu.vector_load %arg15[%parallel_loop3A_317, %parallel_loop3A_318] {strides = array<i32>} : memref<80x128xf32, #tpu.memory_space<vmem>>, vector<1x16xf32>,
        %parallel_loop3A_320 = vector.shape_cast %parallel_loop3A_319 : vector<1x16xf32> to vector<16xf32>
        %parallel_loop3A_321 = arith.index_cast %parallel_loop3A_250 : i32 to index
        %parallel_loop3A_322 = arith.constant 48 : index
        %parallel_loop3A_323 = tpu.vector_load %arg17[%parallel_loop3A_321, %parallel_loop3A_322] {strides = array<i32>} : memref<80x128xf32, #tpu.memory_space<vmem>>, vector<1x16xf32>,
        %parallel_loop3A_324 = vector.shape_cast %parallel_loop3A_323 : vector<1x16xf32> to vector<16xf32>
        %parallel_loop3A_325 = arith.addf %parallel_loop3A_320, %parallel_loop3A_324 : vector<16xf32>
        %parallel_loop3A_326 = arith.constant 0.000000e+00 : f32
        %parallel_loop3A_327 = vector.broadcast %parallel_loop3A_326 : f32 to vector<16xf32>
        %parallel_loop3A_328 = arith.cmpf ogt, %parallel_loop3A_325, %parallel_loop3A_327 : vector<16xf32>
        %parallel_loop3A_329 = math.exp %parallel_loop3A_325 : vector<16xf32>
        %parallel_loop3A_330 = arith.constant 1.000000e+00 : f32
        %parallel_loop3A_331 = vector.broadcast %parallel_loop3A_330 : f32 to vector<16xf32>
        %parallel_loop3A_332 = arith.subf %parallel_loop3A_329, %parallel_loop3A_331 : vector<16xf32>
        %parallel_loop3A_333 = arith.select %parallel_loop3A_328, %parallel_loop3A_325, %parallel_loop3A_332 : vector<16xi1>, vector<16xf32>
        %parallel_loop3A_334 = arith.index_cast %parallel_loop3A_250 : i32 to index
        %parallel_loop3A_335 = arith.constant 48 : index
        %parallel_loop3A_336 = tpu.vector_load %arg15[%parallel_loop3A_334, %parallel_loop3A_335] {strides = array<i32>} : memref<80x128xf32, #tpu.memory_space<vmem>>, vector<1x16xf32>,
        %parallel_loop3A_337 = vector.shape_cast %parallel_loop3A_336 : vector<1x16xf32> to vector<16xf32>
        %parallel_loop3A_338 = vector.shape_cast %parallel_loop3A_333 : vector<16xf32> to vector<1x16xf32>
        tpu.vector_store %arg15[%parallel_loop3A_334, %parallel_loop3A_335], %parallel_loop3A_338 {strides = array<i32>} : memref<80x128xf32, #tpu.memory_space<vmem>>, vector<1x16xf32>,
        %parallel_loop3A_339 = arith.index_cast %parallel_loop3A_250 : i32 to index
        %parallel_loop3A_340 = arith.constant 64 : index
        %parallel_loop3A_341 = tpu.vector_load %arg15[%parallel_loop3A_339, %parallel_loop3A_340] {strides = array<i32>} : memref<80x128xf32, #tpu.memory_space<vmem>>, vector<1x16xf32>,
        %parallel_loop3A_342 = vector.shape_cast %parallel_loop3A_341 : vector<1x16xf32> to vector<16xf32>
        %parallel_loop3A_343 = arith.index_cast %parallel_loop3A_250 : i32 to index
        %parallel_loop3A_344 = arith.constant 64 : index
        %parallel_loop3A_345 = tpu.vector_load %arg17[%parallel_loop3A_343, %parallel_loop3A_344] {strides = array<i32>} : memref<80x128xf32, #tpu.memory_space<vmem>>, vector<1x16xf32>,
        %parallel_loop3A_346 = vector.shape_cast %parallel_loop3A_345 : vector<1x16xf32> to vector<16xf32>
        %parallel_loop3A_347 = arith.addf %parallel_loop3A_342, %parallel_loop3A_346 : vector<16xf32>
        %parallel_loop3A_348 = arith.constant 0.000000e+00 : f32
        %parallel_loop3A_349 = vector.broadcast %parallel_loop3A_348 : f32 to vector<16xf32>
        %parallel_loop3A_350 = arith.cmpf ogt, %parallel_loop3A_347, %parallel_loop3A_349 : vector<16xf32>
        %parallel_loop3A_351 = math.exp %parallel_loop3A_347 : vector<16xf32>
        %parallel_loop3A_352 = arith.constant 1.000000e+00 : f32
        %parallel_loop3A_353 = vector.broadcast %parallel_loop3A_352 : f32 to vector<16xf32>
        %parallel_loop3A_354 = arith.subf %parallel_loop3A_351, %parallel_loop3A_353 : vector<16xf32>
        %parallel_loop3A_355 = arith.select %parallel_loop3A_350, %parallel_loop3A_347, %parallel_loop3A_354 : vector<16xi1>, vector<16xf32>
        %parallel_loop3A_356 = arith.index_cast %parallel_loop3A_250 : i32 to index
        %parallel_loop3A_357 = arith.constant 64 : index
        %parallel_loop3A_358 = tpu.vector_load %arg15[%parallel_loop3A_356, %parallel_loop3A_357] {strides = array<i32>} : memref<80x128xf32, #tpu.memory_space<vmem>>, vector<1x16xf32>,
        %parallel_loop3A_359 = vector.shape_cast %parallel_loop3A_358 : vector<1x16xf32> to vector<16xf32>
        %parallel_loop3A_360 = vector.shape_cast %parallel_loop3A_355 : vector<16xf32> to vector<1x16xf32>
        tpu.vector_store %arg15[%parallel_loop3A_356, %parallel_loop3A_357], %parallel_loop3A_360 {strides = array<i32>} : memref<80x128xf32, #tpu.memory_space<vmem>>, vector<1x16xf32>,
        %parallel_loop3A_361 = arith.index_cast %parallel_loop3A_250 : i32 to index
        %parallel_loop3A_362 = arith.constant 80 : index
        %parallel_loop3A_363 = tpu.vector_load %arg15[%parallel_loop3A_361, %parallel_loop3A_362] {strides = array<i32>} : memref<80x128xf32, #tpu.memory_space<vmem>>, vector<1x16xf32>,
        %parallel_loop3A_364 = vector.shape_cast %parallel_loop3A_363 : vector<1x16xf32> to vector<16xf32>
        %parallel_loop3A_365 = arith.index_cast %parallel_loop3A_250 : i32 to index
        %parallel_loop3A_366 = arith.constant 80 : index
        %parallel_loop3A_367 = tpu.vector_load %arg17[%parallel_loop3A_365, %parallel_loop3A_366] {strides = array<i32>} : memref<80x128xf32, #tpu.memory_space<vmem>>, vector<1x16xf32>,
        %parallel_loop3A_368 = vector.shape_cast %parallel_loop3A_367 : vector<1x16xf32> to vector<16xf32>
        %parallel_loop3A_369 = arith.addf %parallel_loop3A_364, %parallel_loop3A_368 : vector<16xf32>
        %parallel_loop3A_370 = arith.constant 0.000000e+00 : f32
        %parallel_loop3A_371 = vector.broadcast %parallel_loop3A_370 : f32 to vector<16xf32>
        %parallel_loop3A_372 = arith.cmpf ogt, %parallel_loop3A_369, %parallel_loop3A_371 : vector<16xf32>
        %parallel_loop3A_373 = math.exp %parallel_loop3A_369 : vector<16xf32>
        %parallel_loop3A_374 = arith.constant 1.000000e+00 : f32
        %parallel_loop3A_375 = vector.broadcast %parallel_loop3A_374 : f32 to vector<16xf32>
        %parallel_loop3A_376 = arith.subf %parallel_loop3A_373, %parallel_loop3A_375 : vector<16xf32>
        %parallel_loop3A_377 = arith.select %parallel_loop3A_372, %parallel_loop3A_369, %parallel_loop3A_376 : vector<16xi1>, vector<16xf32>
        %parallel_loop3A_378 = arith.index_cast %parallel_loop3A_250 : i32 to index
        %parallel_loop3A_379 = arith.constant 80 : index
        %parallel_loop3A_380 = tpu.vector_load %arg15[%parallel_loop3A_378, %parallel_loop3A_379] {strides = array<i32>} : memref<80x128xf32, #tpu.memory_space<vmem>>, vector<1x16xf32>,
        %parallel_loop3A_381 = vector.shape_cast %parallel_loop3A_380 : vector<1x16xf32> to vector<16xf32>
        %parallel_loop3A_382 = vector.shape_cast %parallel_loop3A_377 : vector<16xf32> to vector<1x16xf32>
        tpu.vector_store %arg15[%parallel_loop3A_378, %parallel_loop3A_379], %parallel_loop3A_382 {strides = array<i32>} : memref<80x128xf32, #tpu.memory_space<vmem>>, vector<1x16xf32>,
        %parallel_loop3A_383 = arith.index_cast %parallel_loop3A_250 : i32 to index
        %parallel_loop3A_384 = arith.constant 96 : index
        %parallel_loop3A_385 = tpu.vector_load %arg15[%parallel_loop3A_383, %parallel_loop3A_384] {strides = array<i32>} : memref<80x128xf32, #tpu.memory_space<vmem>>, vector<1x16xf32>,
        %parallel_loop3A_386 = vector.shape_cast %parallel_loop3A_385 : vector<1x16xf32> to vector<16xf32>
        %parallel_loop3A_387 = arith.index_cast %parallel_loop3A_250 : i32 to index
        %parallel_loop3A_388 = arith.constant 96 : index
        %parallel_loop3A_389 = tpu.vector_load %arg17[%parallel_loop3A_387, %parallel_loop3A_388] {strides = array<i32>} : memref<80x128xf32, #tpu.memory_space<vmem>>, vector<1x16xf32>,
        %parallel_loop3A_390 = vector.shape_cast %parallel_loop3A_389 : vector<1x16xf32> to vector<16xf32>
        %parallel_loop3A_391 = arith.addf %parallel_loop3A_386, %parallel_loop3A_390 : vector<16xf32>
        %parallel_loop3A_392 = arith.constant 0.000000e+00 : f32
        %parallel_loop3A_393 = vector.broadcast %parallel_loop3A_392 : f32 to vector<16xf32>
        %parallel_loop3A_394 = arith.cmpf ogt, %parallel_loop3A_391, %parallel_loop3A_393 : vector<16xf32>
        %parallel_loop3A_395 = math.exp %parallel_loop3A_391 : vector<16xf32>
        %parallel_loop3A_396 = arith.constant 1.000000e+00 : f32
        %parallel_loop3A_397 = vector.broadcast %parallel_loop3A_396 : f32 to vector<16xf32>
        %parallel_loop3A_398 = arith.subf %parallel_loop3A_395, %parallel_loop3A_397 : vector<16xf32>
        %parallel_loop3A_399 = arith.select %parallel_loop3A_394, %parallel_loop3A_391, %parallel_loop3A_398 : vector<16xi1>, vector<16xf32>
        %parallel_loop3A_400 = arith.index_cast %parallel_loop3A_250 : i32 to index
        %parallel_loop3A_401 = arith.constant 96 : index
        %parallel_loop3A_402 = tpu.vector_load %arg15[%parallel_loop3A_400, %parallel_loop3A_401] {strides = array<i32>} : memref<80x128xf32, #tpu.memory_space<vmem>>, vector<1x16xf32>,
        %parallel_loop3A_403 = vector.shape_cast %parallel_loop3A_402 : vector<1x16xf32> to vector<16xf32>
        %parallel_loop3A_404 = vector.shape_cast %parallel_loop3A_399 : vector<16xf32> to vector<1x16xf32>
        tpu.vector_store %arg15[%parallel_loop3A_400, %parallel_loop3A_401], %parallel_loop3A_404 {strides = array<i32>} : memref<80x128xf32, #tpu.memory_space<vmem>>, vector<1x16xf32>,
        %parallel_loop3A_405 = arith.index_cast %parallel_loop3A_250 : i32 to index
        %parallel_loop3A_406 = arith.constant 112 : index
        %parallel_loop3A_407 = tpu.vector_load %arg15[%parallel_loop3A_405, %parallel_loop3A_406] {strides = array<i32>} : memref<80x128xf32, #tpu.memory_space<vmem>>, vector<1x16xf32>,
        %parallel_loop3A_408 = vector.shape_cast %parallel_loop3A_407 : vector<1x16xf32> to vector<16xf32>
        %parallel_loop3A_409 = arith.index_cast %parallel_loop3A_250 : i32 to index
        %parallel_loop3A_410 = arith.constant 112 : index
        %parallel_loop3A_411 = tpu.vector_load %arg17[%parallel_loop3A_409, %parallel_loop3A_410] {strides = array<i32>} : memref<80x128xf32, #tpu.memory_space<vmem>>, vector<1x16xf32>,
        %parallel_loop3A_412 = vector.shape_cast %parallel_loop3A_411 : vector<1x16xf32> to vector<16xf32>
        %parallel_loop3A_413 = arith.addf %parallel_loop3A_408, %parallel_loop3A_412 : vector<16xf32>
        %parallel_loop3A_414 = arith.constant 0.000000e+00 : f32
        %parallel_loop3A_415 = vector.broadcast %parallel_loop3A_414 : f32 to vector<16xf32>
        %parallel_loop3A_416 = arith.cmpf ogt, %parallel_loop3A_413, %parallel_loop3A_415 : vector<16xf32>
        %parallel_loop3A_417 = math.exp %parallel_loop3A_413 : vector<16xf32>
        %parallel_loop3A_418 = arith.constant 1.000000e+00 : f32
        %parallel_loop3A_419 = vector.broadcast %parallel_loop3A_418 : f32 to vector<16xf32>
        %parallel_loop3A_420 = arith.subf %parallel_loop3A_417, %parallel_loop3A_419 : vector<16xf32>
        %parallel_loop3A_421 = arith.select %parallel_loop3A_416, %parallel_loop3A_413, %parallel_loop3A_420 : vector<16xi1>, vector<16xf32>
        %parallel_loop3A_422 = arith.index_cast %parallel_loop3A_250 : i32 to index
        %parallel_loop3A_423 = arith.constant 112 : index
        %parallel_loop3A_424 = tpu.vector_load %arg15[%parallel_loop3A_422, %parallel_loop3A_423] {strides = array<i32>} : memref<80x128xf32, #tpu.memory_space<vmem>>, vector<1x16xf32>,
        %parallel_loop3A_425 = vector.shape_cast %parallel_loop3A_424 : vector<1x16xf32> to vector<16xf32>
        %parallel_loop3A_426 = vector.shape_cast %parallel_loop3A_421 : vector<16xf32> to vector<1x16xf32>
        tpu.vector_store %arg15[%parallel_loop3A_422, %parallel_loop3A_423], %parallel_loop3A_426 {strides = array<i32>} : memref<80x128xf32, #tpu.memory_space<vmem>>, vector<1x16xf32>,
      } {sc.loop_unroll_factor = 8 : i64, sc.parallel_access}
      "tpu.region"() ({
        %run_scoped3A = tpu.sem_alloc : memref<!tpu.dma_semaphore, #tpu.memory_space<semaphore_mem>>
        %dma_start3A_250 = arith.constant 0 : i32
        %dma_start3A_251 = arith.constant 0 : i32
        %dma_start3A_252 = tpu.memref_slice %arg19[%dma_start3A_250, %dma_start3A_251] : memref<10240x128xf32, #tpu.memory_space<vmem_shared>> -> memref<10240x128xf32, #tpu.memory_space<vmem_shared>>
        tpu.enqueue_indirect_dma source(%arg15 : memref<80x128xf32, #tpu.memory_space<vmem>>) target(%dma_start3A_252 : memref<10240x128xf32, #tpu.memory_space<vmem_shared>>) offsets(%arg13 : memref<80xi32, #tpu.memory_space<vmem>>) semaphore(%run_scoped3A : memref<!tpu.dma_semaphore, #tpu.memory_space<semaphore_mem>>) {add = true}
        %dma_wait3A_253 = arith.constant 0 : i32
        %dma_wait3A_254 = arith.constant 0 : i32
        %dma_wait3A_255 = tpu.memref_slice %arg19[%dma_wait3A_253, %dma_wait3A_254] : memref<10240x128xf32, #tpu.memory_space<vmem_shared>> -> memref<10240x128xf32, #tpu.memory_space<vmem_shared>>
        tpu.wait_indirect_dma semaphore(%run_scoped3A : memref<!tpu.dma_semaphore, #tpu.memory_space<semaphore_mem>>) src(%arg15 : memref<80x128xf32, #tpu.memory_space<vmem>>) dst(%dma_wait3A_255 : memref<10240x128xf32, #tpu.memory_space<vmem_shared>>)
        tpu.yield
      }) : () -> ()
      %mul3A_202 = arith.constant 126 : i32
      %mul3A_203 = arith.muli %add3A, %mul3A_202 : i32
      %add3A_204 = arith.addi %mul3A_203, %min3A_179 : i32
      %mul3A_205 = arith.constant 80 : i32
      %mul3A_206 = arith.muli %add3A_204, %mul3A_205 : i32
      %dma_start3A_207 = tpu.memref_slice %arg5[%mul3A_206] : memref<322560xi32, #tpu.memory_space<hbm>> -> memref<80xi32, #tpu.memory_space<hbm>>
      %dma_start3A_208 = tpu.memref_slice %arg5[%mul3A_206] : memref<322560xi32, #tpu.memory_space<hbm>> -> memref<80xi32, #tpu.memory_space<hbm>>
      tpu.enqueue_dma source(%dma_start3A_208 : memref<80xi32, #tpu.memory_space<hbm>>) target(%arg11 : memref<80xi32, #tpu.memory_space<vmem>>) target_semaphore(%arg20 : memref<!tpu.dma_semaphore, #tpu.memory_space<semaphore_mem>>)
      %dma_start3A_209 = tpu.memref_slice %arg6[%mul3A_206] : memref<322560xi32, #tpu.memory_space<hbm>> -> memref<80xi32, #tpu.memory_space<hbm>>
      %dma_start3A_210 = tpu.memref_slice %arg6[%mul3A_206] : memref<322560xi32, #tpu.memory_space<hbm>> -> memref<80xi32, #tpu.memory_space<hbm>>
      tpu.enqueue_dma source(%dma_start3A_210 : memref<80xi32, #tpu.memory_space<hbm>>) target(%arg13 : memref<80xi32, #tpu.memory_space<vmem>>) target_semaphore(%arg20 : memref<!tpu.dma_semaphore, #tpu.memory_space<semaphore_mem>>)
      %mul3A_211 = arith.constant 2 : i32
      %mul3A_212 = arith.muli %mul3A_211, %scan3A_173 : i32
      %add3A_213 = arith.constant 3 : i32
      %add3A_214 = arith.addi %mul3A_212, %add3A_213 : i32
      %min3A_215 = arith.constant 125 : i32
      %min3A_216 = arith.minsi %add3A_214, %min3A_215 : i32
      %dma_wait3A_217 = arith.constant 0 : i32
      %dma_wait3A_218 = arith.constant 0 : i32
      %dma_wait3A_219 = tpu.memref_slice %arg2[%dma_wait3A_217, %dma_wait3A_218] : memref<10368x128xf32, #tpu.memory_space<hbm>> -> memref<10368x128xf32, #tpu.memory_space<hbm>>
      tpu.wait_indirect_dma semaphore(%arg23 : memref<!tpu.dma_semaphore, #tpu.memory_space<semaphore_mem>>) src(%dma_wait3A_219 : memref<10368x128xf32, #tpu.memory_space<hbm>>) dst(%arg16 : memref<80x128xf32, #tpu.memory_space<vmem>>)
      %dma_wait3A_220 = arith.constant 0 : i32
      %dma_wait3A_221 = arith.constant 0 : i32
      %dma_wait3A_222 = tpu.memref_slice %arg3[%dma_wait3A_220, %dma_wait3A_221] : memref<10368x128xf32, #tpu.memory_space<hbm>> -> memref<10368x128xf32, #tpu.memory_space<hbm>>
      tpu.wait_indirect_dma semaphore(%arg23 : memref<!tpu.dma_semaphore, #tpu.memory_space<semaphore_mem>>) src(%dma_wait3A_222 : memref<10368x128xf32, #tpu.memory_space<hbm>>) dst(%arg18 : memref<80x128xf32, #tpu.memory_space<vmem>>)
      %dma_wait3A_223 = arith.constant 0 : i32
      %dma_wait3A_224 = tpu.memref_slice %arg5[%dma_wait3A_223] : memref<322560xi32, #tpu.memory_space<hbm>> -> memref<80xi32, #tpu.memory_space<hbm>>
      %dma_wait3A_225 = arith.constant 0 : i32
      %dma_wait3A_226 = tpu.memref_slice %arg5[%dma_wait3A_225] : memref<322560xi32, #tpu.memory_space<hbm>> -> memref<80xi32, #tpu.memory_space<hbm>>
      tpu.wait_dma2 semaphore(%arg20 : memref<!tpu.dma_semaphore, #tpu.memory_space<semaphore_mem>>) src(%dma_wait3A_226 : memref<80xi32, #tpu.memory_space<hbm>>) dst(%arg11 : memref<80xi32, #tpu.memory_space<vmem>>)
      %dma_wait3A_227 = arith.constant 0 : i32
      %dma_wait3A_228 = tpu.memref_slice %arg6[%dma_wait3A_227] : memref<322560xi32, #tpu.memory_space<hbm>> -> memref<80xi32, #tpu.memory_space<hbm>>
      %dma_wait3A_229 = arith.constant 0 : i32
      %dma_wait3A_230 = tpu.memref_slice %arg6[%dma_wait3A_229] : memref<322560xi32, #tpu.memory_space<hbm>> -> memref<80xi32, #tpu.memory_space<hbm>>
      tpu.wait_dma2 semaphore(%arg20 : memref<!tpu.dma_semaphore, #tpu.memory_space<semaphore_mem>>) src(%dma_wait3A_230 : memref<80xi32, #tpu.memory_space<hbm>>) dst(%arg13 : memref<80xi32, #tpu.memory_space<vmem>>)
      %dma_start3A_231 = arith.constant 0 : i32
      %dma_start3A_232 = arith.constant 0 : i32
      %dma_start3A_233 = tpu.memref_slice %arg2[%dma_start3A_231, %dma_start3A_232] : memref<10368x128xf32, #tpu.memory_space<hbm>> -> memref<10368x128xf32, #tpu.memory_space<hbm>>
      tpu.enqueue_indirect_dma source(%dma_start3A_233 : memref<10368x128xf32, #tpu.memory_space<hbm>>) target(%arg15 : memref<80x128xf32, #tpu.memory_space<vmem>>) offsets(%arg11 : memref<80xi32, #tpu.memory_space<vmem>>) semaphore(%arg22 : memref<!tpu.dma_semaphore, #tpu.memory_space<semaphore_mem>>)
      %dma_start3A_234 = arith.constant 0 : i32
      %dma_start3A_235 = arith.constant 0 : i32
      %dma_start3A_236 = tpu.memref_slice %arg3[%dma_start3A_234, %dma_start3A_235] : memref<10368x128xf32, #tpu.memory_space<hbm>> -> memref<10368x128xf32, #tpu.memory_space<hbm>>
      tpu.enqueue_indirect_dma source(%dma_start3A_236 : memref<10368x128xf32, #tpu.memory_space<hbm>>) target(%arg17 : memref<80x128xf32, #tpu.memory_space<vmem>>) offsets(%arg13 : memref<80xi32, #tpu.memory_space<vmem>>) semaphore(%arg22 : memref<!tpu.dma_semaphore, #tpu.memory_space<semaphore_mem>>)
      %parallel_loop3A_237 = arith.constant 0 : i32
      %parallel_loop3A_238 = arith.constant 80 : i32
      %parallel_loop3A_239 = arith.constant 1 : i32
      scf.for %parallel_loop3A_250 = %parallel_loop3A_237 to %parallel_loop3A_238 step %parallel_loop3A_239  : i32 {
        %parallel_loop3A_251 = arith.index_cast %parallel_loop3A_250 : i32 to index
        %parallel_loop3A_252 = arith.constant 0 : index
        %parallel_loop3A_253 = tpu.vector_load %arg16[%parallel_loop3A_251, %parallel_loop3A_252] {strides = array<i32>} : memref<80x128xf32, #tpu.memory_space<vmem>>, vector<1x16xf32>,
        %parallel_loop3A_254 = vector.shape_cast %parallel_loop3A_253 : vector<1x16xf32> to vector<16xf32>
        %parallel_loop3A_255 = arith.index_cast %parallel_loop3A_250 : i32 to index
        %parallel_loop3A_256 = arith.constant 0 : index
        %parallel_loop3A_257 = tpu.vector_load %arg18[%parallel_loop3A_255, %parallel_loop3A_256] {strides = array<i32>} : memref<80x128xf32, #tpu.memory_space<vmem>>, vector<1x16xf32>,
        %parallel_loop3A_258 = vector.shape_cast %parallel_loop3A_257 : vector<1x16xf32> to vector<16xf32>
        %parallel_loop3A_259 = arith.addf %parallel_loop3A_254, %parallel_loop3A_258 : vector<16xf32>
        %parallel_loop3A_260 = arith.constant 0.000000e+00 : f32
        %parallel_loop3A_261 = vector.broadcast %parallel_loop3A_260 : f32 to vector<16xf32>
        %parallel_loop3A_262 = arith.cmpf ogt, %parallel_loop3A_259, %parallel_loop3A_261 : vector<16xf32>
        %parallel_loop3A_263 = math.exp %parallel_loop3A_259 : vector<16xf32>
        %parallel_loop3A_264 = arith.constant 1.000000e+00 : f32
        %parallel_loop3A_265 = vector.broadcast %parallel_loop3A_264 : f32 to vector<16xf32>
        %parallel_loop3A_266 = arith.subf %parallel_loop3A_263, %parallel_loop3A_265 : vector<16xf32>
        %parallel_loop3A_267 = arith.select %parallel_loop3A_262, %parallel_loop3A_259, %parallel_loop3A_266 : vector<16xi1>, vector<16xf32>
        %parallel_loop3A_268 = arith.index_cast %parallel_loop3A_250 : i32 to index
        %parallel_loop3A_269 = arith.constant 0 : index
        %parallel_loop3A_270 = tpu.vector_load %arg16[%parallel_loop3A_268, %parallel_loop3A_269] {strides = array<i32>} : memref<80x128xf32, #tpu.memory_space<vmem>>, vector<1x16xf32>,
        %parallel_loop3A_271 = vector.shape_cast %parallel_loop3A_270 : vector<1x16xf32> to vector<16xf32>
        %parallel_loop3A_272 = vector.shape_cast %parallel_loop3A_267 : vector<16xf32> to vector<1x16xf32>
        tpu.vector_store %arg16[%parallel_loop3A_268, %parallel_loop3A_269], %parallel_loop3A_272 {strides = array<i32>} : memref<80x128xf32, #tpu.memory_space<vmem>>, vector<1x16xf32>,
        %parallel_loop3A_273 = arith.index_cast %parallel_loop3A_250 : i32 to index
        %parallel_loop3A_274 = arith.constant 16 : index
        %parallel_loop3A_275 = tpu.vector_load %arg16[%parallel_loop3A_273, %parallel_loop3A_274] {strides = array<i32>} : memref<80x128xf32, #tpu.memory_space<vmem>>, vector<1x16xf32>,
        %parallel_loop3A_276 = vector.shape_cast %parallel_loop3A_275 : vector<1x16xf32> to vector<16xf32>
        %parallel_loop3A_277 = arith.index_cast %parallel_loop3A_250 : i32 to index
        %parallel_loop3A_278 = arith.constant 16 : index
        %parallel_loop3A_279 = tpu.vector_load %arg18[%parallel_loop3A_277, %parallel_loop3A_278] {strides = array<i32>} : memref<80x128xf32, #tpu.memory_space<vmem>>, vector<1x16xf32>,
        %parallel_loop3A_280 = vector.shape_cast %parallel_loop3A_279 : vector<1x16xf32> to vector<16xf32>
        %parallel_loop3A_281 = arith.addf %parallel_loop3A_276, %parallel_loop3A_280 : vector<16xf32>
        %parallel_loop3A_282 = arith.constant 0.000000e+00 : f32
        %parallel_loop3A_283 = vector.broadcast %parallel_loop3A_282 : f32 to vector<16xf32>
        %parallel_loop3A_284 = arith.cmpf ogt, %parallel_loop3A_281, %parallel_loop3A_283 : vector<16xf32>
        %parallel_loop3A_285 = math.exp %parallel_loop3A_281 : vector<16xf32>
        %parallel_loop3A_286 = arith.constant 1.000000e+00 : f32
        %parallel_loop3A_287 = vector.broadcast %parallel_loop3A_286 : f32 to vector<16xf32>
        %parallel_loop3A_288 = arith.subf %parallel_loop3A_285, %parallel_loop3A_287 : vector<16xf32>
        %parallel_loop3A_289 = arith.select %parallel_loop3A_284, %parallel_loop3A_281, %parallel_loop3A_288 : vector<16xi1>, vector<16xf32>
        %parallel_loop3A_290 = arith.index_cast %parallel_loop3A_250 : i32 to index
        %parallel_loop3A_291 = arith.constant 16 : index
        %parallel_loop3A_292 = tpu.vector_load %arg16[%parallel_loop3A_290, %parallel_loop3A_291] {strides = array<i32>} : memref<80x128xf32, #tpu.memory_space<vmem>>, vector<1x16xf32>,
        %parallel_loop3A_293 = vector.shape_cast %parallel_loop3A_292 : vector<1x16xf32> to vector<16xf32>
        %parallel_loop3A_294 = vector.shape_cast %parallel_loop3A_289 : vector<16xf32> to vector<1x16xf32>
        tpu.vector_store %arg16[%parallel_loop3A_290, %parallel_loop3A_291], %parallel_loop3A_294 {strides = array<i32>} : memref<80x128xf32, #tpu.memory_space<vmem>>, vector<1x16xf32>,
        %parallel_loop3A_295 = arith.index_cast %parallel_loop3A_250 : i32 to index
        %parallel_loop3A_296 = arith.constant 32 : index
        %parallel_loop3A_297 = tpu.vector_load %arg16[%parallel_loop3A_295, %parallel_loop3A_296] {strides = array<i32>} : memref<80x128xf32, #tpu.memory_space<vmem>>, vector<1x16xf32>,
        %parallel_loop3A_298 = vector.shape_cast %parallel_loop3A_297 : vector<1x16xf32> to vector<16xf32>
        %parallel_loop3A_299 = arith.index_cast %parallel_loop3A_250 : i32 to index
        %parallel_loop3A_300 = arith.constant 32 : index
        %parallel_loop3A_301 = tpu.vector_load %arg18[%parallel_loop3A_299, %parallel_loop3A_300] {strides = array<i32>} : memref<80x128xf32, #tpu.memory_space<vmem>>, vector<1x16xf32>,
        %parallel_loop3A_302 = vector.shape_cast %parallel_loop3A_301 : vector<1x16xf32> to vector<16xf32>
        %parallel_loop3A_303 = arith.addf %parallel_loop3A_298, %parallel_loop3A_302 : vector<16xf32>
        %parallel_loop3A_304 = arith.constant 0.000000e+00 : f32
        %parallel_loop3A_305 = vector.broadcast %parallel_loop3A_304 : f32 to vector<16xf32>
        %parallel_loop3A_306 = arith.cmpf ogt, %parallel_loop3A_303, %parallel_loop3A_305 : vector<16xf32>
        %parallel_loop3A_307 = math.exp %parallel_loop3A_303 : vector<16xf32>
        %parallel_loop3A_308 = arith.constant 1.000000e+00 : f32
        %parallel_loop3A_309 = vector.broadcast %parallel_loop3A_308 : f32 to vector<16xf32>
        %parallel_loop3A_310 = arith.subf %parallel_loop3A_307, %parallel_loop3A_309 : vector<16xf32>
        %parallel_loop3A_311 = arith.select %parallel_loop3A_306, %parallel_loop3A_303, %parallel_loop3A_310 : vector<16xi1>, vector<16xf32>
        %parallel_loop3A_312 = arith.index_cast %parallel_loop3A_250 : i32 to index
        %parallel_loop3A_313 = arith.constant 32 : index
        %parallel_loop3A_314 = tpu.vector_load %arg16[%parallel_loop3A_312, %parallel_loop3A_313] {strides = array<i32>} : memref<80x128xf32, #tpu.memory_space<vmem>>, vector<1x16xf32>,
        %parallel_loop3A_315 = vector.shape_cast %parallel_loop3A_314 : vector<1x16xf32> to vector<16xf32>
        %parallel_loop3A_316 = vector.shape_cast %parallel_loop3A_311 : vector<16xf32> to vector<1x16xf32>
        tpu.vector_store %arg16[%parallel_loop3A_312, %parallel_loop3A_313], %parallel_loop3A_316 {strides = array<i32>} : memref<80x128xf32, #tpu.memory_space<vmem>>, vector<1x16xf32>,
        %parallel_loop3A_317 = arith.index_cast %parallel_loop3A_250 : i32 to index
        %parallel_loop3A_318 = arith.constant 48 : index
        %parallel_loop3A_319 = tpu.vector_load %arg16[%parallel_loop3A_317, %parallel_loop3A_318] {strides = array<i32>} : memref<80x128xf32, #tpu.memory_space<vmem>>, vector<1x16xf32>,
        %parallel_loop3A_320 = vector.shape_cast %parallel_loop3A_319 : vector<1x16xf32> to vector<16xf32>
        %parallel_loop3A_321 = arith.index_cast %parallel_loop3A_250 : i32 to index
        %parallel_loop3A_322 = arith.constant 48 : index
        %parallel_loop3A_323 = tpu.vector_load %arg18[%parallel_loop3A_321, %parallel_loop3A_322] {strides = array<i32>} : memref<80x128xf32, #tpu.memory_space<vmem>>, vector<1x16xf32>,
        %parallel_loop3A_324 = vector.shape_cast %parallel_loop3A_323 : vector<1x16xf32> to vector<16xf32>
        %parallel_loop3A_325 = arith.addf %parallel_loop3A_320, %parallel_loop3A_324 : vector<16xf32>
        %parallel_loop3A_326 = arith.constant 0.000000e+00 : f32
        %parallel_loop3A_327 = vector.broadcast %parallel_loop3A_326 : f32 to vector<16xf32>
        %parallel_loop3A_328 = arith.cmpf ogt, %parallel_loop3A_325, %parallel_loop3A_327 : vector<16xf32>
        %parallel_loop3A_329 = math.exp %parallel_loop3A_325 : vector<16xf32>
        %parallel_loop3A_330 = arith.constant 1.000000e+00 : f32
        %parallel_loop3A_331 = vector.broadcast %parallel_loop3A_330 : f32 to vector<16xf32>
        %parallel_loop3A_332 = arith.subf %parallel_loop3A_329, %parallel_loop3A_331 : vector<16xf32>
        %parallel_loop3A_333 = arith.select %parallel_loop3A_328, %parallel_loop3A_325, %parallel_loop3A_332 : vector<16xi1>, vector<16xf32>
        %parallel_loop3A_334 = arith.index_cast %parallel_loop3A_250 : i32 to index
        %parallel_loop3A_335 = arith.constant 48 : index
        %parallel_loop3A_336 = tpu.vector_load %arg16[%parallel_loop3A_334, %parallel_loop3A_335] {strides = array<i32>} : memref<80x128xf32, #tpu.memory_space<vmem>>, vector<1x16xf32>,
        %parallel_loop3A_337 = vector.shape_cast %parallel_loop3A_336 : vector<1x16xf32> to vector<16xf32>
        %parallel_loop3A_338 = vector.shape_cast %parallel_loop3A_333 : vector<16xf32> to vector<1x16xf32>
        tpu.vector_store %arg16[%parallel_loop3A_334, %parallel_loop3A_335], %parallel_loop3A_338 {strides = array<i32>} : memref<80x128xf32, #tpu.memory_space<vmem>>, vector<1x16xf32>,
        %parallel_loop3A_339 = arith.index_cast %parallel_loop3A_250 : i32 to index
        %parallel_loop3A_340 = arith.constant 64 : index
        %parallel_loop3A_341 = tpu.vector_load %arg16[%parallel_loop3A_339, %parallel_loop3A_340] {strides = array<i32>} : memref<80x128xf32, #tpu.memory_space<vmem>>, vector<1x16xf32>,
        %parallel_loop3A_342 = vector.shape_cast %parallel_loop3A_341 : vector<1x16xf32> to vector<16xf32>
        %parallel_loop3A_343 = arith.index_cast %parallel_loop3A_250 : i32 to index
        %parallel_loop3A_344 = arith.constant 64 : index
        %parallel_loop3A_345 = tpu.vector_load %arg18[%parallel_loop3A_343, %parallel_loop3A_344] {strides = array<i32>} : memref<80x128xf32, #tpu.memory_space<vmem>>, vector<1x16xf32>,
        %parallel_loop3A_346 = vector.shape_cast %parallel_loop3A_345 : vector<1x16xf32> to vector<16xf32>
        %parallel_loop3A_347 = arith.addf %parallel_loop3A_342, %parallel_loop3A_346 : vector<16xf32>
        %parallel_loop3A_348 = arith.constant 0.000000e+00 : f32
        %parallel_loop3A_349 = vector.broadcast %parallel_loop3A_348 : f32 to vector<16xf32>
        %parallel_loop3A_350 = arith.cmpf ogt, %parallel_loop3A_347, %parallel_loop3A_349 : vector<16xf32>
        %parallel_loop3A_351 = math.exp %parallel_loop3A_347 : vector<16xf32>
        %parallel_loop3A_352 = arith.constant 1.000000e+00 : f32
        %parallel_loop3A_353 = vector.broadcast %parallel_loop3A_352 : f32 to vector<16xf32>
        %parallel_loop3A_354 = arith.subf %parallel_loop3A_351, %parallel_loop3A_353 : vector<16xf32>
        %parallel_loop3A_355 = arith.select %parallel_loop3A_350, %parallel_loop3A_347, %parallel_loop3A_354 : vector<16xi1>, vector<16xf32>
        %parallel_loop3A_356 = arith.index_cast %parallel_loop3A_250 : i32 to index
        %parallel_loop3A_357 = arith.constant 64 : index
        %parallel_loop3A_358 = tpu.vector_load %arg16[%parallel_loop3A_356, %parallel_loop3A_357] {strides = array<i32>} : memref<80x128xf32, #tpu.memory_space<vmem>>, vector<1x16xf32>,
        %parallel_loop3A_359 = vector.shape_cast %parallel_loop3A_358 : vector<1x16xf32> to vector<16xf32>
        %parallel_loop3A_360 = vector.shape_cast %parallel_loop3A_355 : vector<16xf32> to vector<1x16xf32>
        tpu.vector_store %arg16[%parallel_loop3A_356, %parallel_loop3A_357], %parallel_loop3A_360 {strides = array<i32>} : memref<80x128xf32, #tpu.memory_space<vmem>>, vector<1x16xf32>,
        %parallel_loop3A_361 = arith.index_cast %parallel_loop3A_250 : i32 to index
        %parallel_loop3A_362 = arith.constant 80 : index
        %parallel_loop3A_363 = tpu.vector_load %arg16[%parallel_loop3A_361, %parallel_loop3A_362] {strides = array<i32>} : memref<80x128xf32, #tpu.memory_space<vmem>>, vector<1x16xf32>,
        %parallel_loop3A_364 = vector.shape_cast %parallel_loop3A_363 : vector<1x16xf32> to vector<16xf32>
        %parallel_loop3A_365 = arith.index_cast %parallel_loop3A_250 : i32 to index
        %parallel_loop3A_366 = arith.constant 80 : index
        %parallel_loop3A_367 = tpu.vector_load %arg18[%parallel_loop3A_365, %parallel_loop3A_366] {strides = array<i32>} : memref<80x128xf32, #tpu.memory_space<vmem>>, vector<1x16xf32>,
        %parallel_loop3A_368 = vector.shape_cast %parallel_loop3A_367 : vector<1x16xf32> to vector<16xf32>
        %parallel_loop3A_369 = arith.addf %parallel_loop3A_364, %parallel_loop3A_368 : vector<16xf32>
        %parallel_loop3A_370 = arith.constant 0.000000e+00 : f32
        %parallel_loop3A_371 = vector.broadcast %parallel_loop3A_370 : f32 to vector<16xf32>
        %parallel_loop3A_372 = arith.cmpf ogt, %parallel_loop3A_369, %parallel_loop3A_371 : vector<16xf32>
        %parallel_loop3A_373 = math.exp %parallel_loop3A_369 : vector<16xf32>
        %parallel_loop3A_374 = arith.constant 1.000000e+00 : f32
        %parallel_loop3A_375 = vector.broadcast %parallel_loop3A_374 : f32 to vector<16xf32>
        %parallel_loop3A_376 = arith.subf %parallel_loop3A_373, %parallel_loop3A_375 : vector<16xf32>
        %parallel_loop3A_377 = arith.select %parallel_loop3A_372, %parallel_loop3A_369, %parallel_loop3A_376 : vector<16xi1>, vector<16xf32>
        %parallel_loop3A_378 = arith.index_cast %parallel_loop3A_250 : i32 to index
        %parallel_loop3A_379 = arith.constant 80 : index
        %parallel_loop3A_380 = tpu.vector_load %arg16[%parallel_loop3A_378, %parallel_loop3A_379] {strides = array<i32>} : memref<80x128xf32, #tpu.memory_space<vmem>>, vector<1x16xf32>,
        %parallel_loop3A_381 = vector.shape_cast %parallel_loop3A_380 : vector<1x16xf32> to vector<16xf32>
        %parallel_loop3A_382 = vector.shape_cast %parallel_loop3A_377 : vector<16xf32> to vector<1x16xf32>
        tpu.vector_store %arg16[%parallel_loop3A_378, %parallel_loop3A_379], %parallel_loop3A_382 {strides = array<i32>} : memref<80x128xf32, #tpu.memory_space<vmem>>, vector<1x16xf32>,
        %parallel_loop3A_383 = arith.index_cast %parallel_loop3A_250 : i32 to index
        %parallel_loop3A_384 = arith.constant 96 : index
        %parallel_loop3A_385 = tpu.vector_load %arg16[%parallel_loop3A_383, %parallel_loop3A_384] {strides = array<i32>} : memref<80x128xf32, #tpu.memory_space<vmem>>, vector<1x16xf32>,
        %parallel_loop3A_386 = vector.shape_cast %parallel_loop3A_385 : vector<1x16xf32> to vector<16xf32>
        %parallel_loop3A_387 = arith.index_cast %parallel_loop3A_250 : i32 to index
        %parallel_loop3A_388 = arith.constant 96 : index
        %parallel_loop3A_389 = tpu.vector_load %arg18[%parallel_loop3A_387, %parallel_loop3A_388] {strides = array<i32>} : memref<80x128xf32, #tpu.memory_space<vmem>>, vector<1x16xf32>,
        %parallel_loop3A_390 = vector.shape_cast %parallel_loop3A_389 : vector<1x16xf32> to vector<16xf32>
        %parallel_loop3A_391 = arith.addf %parallel_loop3A_386, %parallel_loop3A_390 : vector<16xf32>
        %parallel_loop3A_392 = arith.constant 0.000000e+00 : f32
        %parallel_loop3A_393 = vector.broadcast %parallel_loop3A_392 : f32 to vector<16xf32>
        %parallel_loop3A_394 = arith.cmpf ogt, %parallel_loop3A_391, %parallel_loop3A_393 : vector<16xf32>
        %parallel_loop3A_395 = math.exp %parallel_loop3A_391 : vector<16xf32>
        %parallel_loop3A_396 = arith.constant 1.000000e+00 : f32
        %parallel_loop3A_397 = vector.broadcast %parallel_loop3A_396 : f32 to vector<16xf32>
        %parallel_loop3A_398 = arith.subf %parallel_loop3A_395, %parallel_loop3A_397 : vector<16xf32>
        %parallel_loop3A_399 = arith.select %parallel_loop3A_394, %parallel_loop3A_391, %parallel_loop3A_398 : vector<16xi1>, vector<16xf32>
        %parallel_loop3A_400 = arith.index_cast %parallel_loop3A_250 : i32 to index
        %parallel_loop3A_401 = arith.constant 96 : index
        %parallel_loop3A_402 = tpu.vector_load %arg16[%parallel_loop3A_400, %parallel_loop3A_401] {strides = array<i32>} : memref<80x128xf32, #tpu.memory_space<vmem>>, vector<1x16xf32>,
        %parallel_loop3A_403 = vector.shape_cast %parallel_loop3A_402 : vector<1x16xf32> to vector<16xf32>
        %parallel_loop3A_404 = vector.shape_cast %parallel_loop3A_399 : vector<16xf32> to vector<1x16xf32>
        tpu.vector_store %arg16[%parallel_loop3A_400, %parallel_loop3A_401], %parallel_loop3A_404 {strides = array<i32>} : memref<80x128xf32, #tpu.memory_space<vmem>>, vector<1x16xf32>,
        %parallel_loop3A_405 = arith.index_cast %parallel_loop3A_250 : i32 to index
        %parallel_loop3A_406 = arith.constant 112 : index
        %parallel_loop3A_407 = tpu.vector_load %arg16[%parallel_loop3A_405, %parallel_loop3A_406] {strides = array<i32>} : memref<80x128xf32, #tpu.memory_space<vmem>>, vector<1x16xf32>,
        %parallel_loop3A_408 = vector.shape_cast %parallel_loop3A_407 : vector<1x16xf32> to vector<16xf32>
        %parallel_loop3A_409 = arith.index_cast %parallel_loop3A_250 : i32 to index
        %parallel_loop3A_410 = arith.constant 112 : index
        %parallel_loop3A_411 = tpu.vector_load %arg18[%parallel_loop3A_409, %parallel_loop3A_410] {strides = array<i32>} : memref<80x128xf32, #tpu.memory_space<vmem>>, vector<1x16xf32>,
        %parallel_loop3A_412 = vector.shape_cast %parallel_loop3A_411 : vector<1x16xf32> to vector<16xf32>
        %parallel_loop3A_413 = arith.addf %parallel_loop3A_408, %parallel_loop3A_412 : vector<16xf32>
        %parallel_loop3A_414 = arith.constant 0.000000e+00 : f32
        %parallel_loop3A_415 = vector.broadcast %parallel_loop3A_414 : f32 to vector<16xf32>
        %parallel_loop3A_416 = arith.cmpf ogt, %parallel_loop3A_413, %parallel_loop3A_415 : vector<16xf32>
        %parallel_loop3A_417 = math.exp %parallel_loop3A_413 : vector<16xf32>
        %parallel_loop3A_418 = arith.constant 1.000000e+00 : f32
        %parallel_loop3A_419 = vector.broadcast %parallel_loop3A_418 : f32 to vector<16xf32>
        %parallel_loop3A_420 = arith.subf %parallel_loop3A_417, %parallel_loop3A_419 : vector<16xf32>
        %parallel_loop3A_421 = arith.select %parallel_loop3A_416, %parallel_loop3A_413, %parallel_loop3A_420 : vector<16xi1>, vector<16xf32>
        %parallel_loop3A_422 = arith.index_cast %parallel_loop3A_250 : i32 to index
        %parallel_loop3A_423 = arith.constant 112 : index
        %parallel_loop3A_424 = tpu.vector_load %arg16[%parallel_loop3A_422, %parallel_loop3A_423] {strides = array<i32>} : memref<80x128xf32, #tpu.memory_space<vmem>>, vector<1x16xf32>,
        %parallel_loop3A_425 = vector.shape_cast %parallel_loop3A_424 : vector<1x16xf32> to vector<16xf32>
        %parallel_loop3A_426 = vector.shape_cast %parallel_loop3A_421 : vector<16xf32> to vector<1x16xf32>
        tpu.vector_store %arg16[%parallel_loop3A_422, %parallel_loop3A_423], %parallel_loop3A_426 {strides = array<i32>} : memref<80x128xf32, #tpu.memory_space<vmem>>, vector<1x16xf32>,
      } {sc.loop_unroll_factor = 8 : i64, sc.parallel_access}
      "tpu.region"() ({
        %run_scoped3A = tpu.sem_alloc : memref<!tpu.dma_semaphore, #tpu.memory_space<semaphore_mem>>
        %dma_start3A_250 = arith.constant 0 : i32
        %dma_start3A_251 = arith.constant 0 : i32
        %dma_start3A_252 = tpu.memref_slice %arg19[%dma_start3A_250, %dma_start3A_251] : memref<10240x128xf32, #tpu.memory_space<vmem_shared>> -> memref<10240x128xf32, #tpu.memory_space<vmem_shared>>
        tpu.enqueue_indirect_dma source(%arg16 : memref<80x128xf32, #tpu.memory_space<vmem>>) target(%dma_start3A_252 : memref<10240x128xf32, #tpu.memory_space<vmem_shared>>) offsets(%arg14 : memref<80xi32, #tpu.memory_space<vmem>>) semaphore(%run_scoped3A : memref<!tpu.dma_semaphore, #tpu.memory_space<semaphore_mem>>) {add = true}
        %dma_wait3A_253 = arith.constant 0 : i32
        %dma_wait3A_254 = arith.constant 0 : i32
        %dma_wait3A_255 = tpu.memref_slice %arg19[%dma_wait3A_253, %dma_wait3A_254] : memref<10240x128xf32, #tpu.memory_space<vmem_shared>> -> memref<10240x128xf32, #tpu.memory_space<vmem_shared>>
        tpu.wait_indirect_dma semaphore(%run_scoped3A : memref<!tpu.dma_semaphore, #tpu.memory_space<semaphore_mem>>) src(%arg16 : memref<80x128xf32, #tpu.memory_space<vmem>>) dst(%dma_wait3A_255 : memref<10240x128xf32, #tpu.memory_space<vmem_shared>>)
        tpu.yield
      }) : () -> ()
      %mul3A_240 = arith.constant 126 : i32
      %mul3A_241 = arith.muli %add3A, %mul3A_240 : i32
      %add3A_242 = arith.addi %mul3A_241, %min3A_216 : i32
      %mul3A_243 = arith.constant 80 : i32
      %mul3A_244 = arith.muli %add3A_242, %mul3A_243 : i32
      %dma_start3A_245 = tpu.memref_slice %arg5[%mul3A_244] : memref<322560xi32, #tpu.memory_space<hbm>> -> memref<80xi32, #tpu.memory_space<hbm>>
      %dma_start3A_246 = tpu.memref_slice %arg5[%mul3A_244] : memref<322560xi32, #tpu.memory_space<hbm>> -> memref<80xi32, #tpu.memory_space<hbm>>
      tpu.enqueue_dma source(%dma_start3A_246 : memref<80xi32, #tpu.memory_space<hbm>>) target(%arg12 : memref<80xi32, #tpu.memory_space<vmem>>) target_semaphore(%arg21 : memref<!tpu.dma_semaphore, #tpu.memory_space<semaphore_mem>>)
      %dma_start3A_247 = tpu.memref_slice %arg6[%mul3A_244] : memref<322560xi32, #tpu.memory_space<hbm>> -> memref<80xi32, #tpu.memory_space<hbm>>
      %dma_start3A_248 = tpu.memref_slice %arg6[%mul3A_244] : memref<322560xi32, #tpu.memory_space<hbm>> -> memref<80xi32, #tpu.memory_space<hbm>>
      tpu.enqueue_dma source(%dma_start3A_248 : memref<80xi32, #tpu.memory_space<hbm>>) target(%arg14 : memref<80xi32, #tpu.memory_space<vmem>>) target_semaphore(%arg21 : memref<!tpu.dma_semaphore, #tpu.memory_space<semaphore_mem>>)
      %scan3A_249 = arith.constant 0 : i32
      scf.yield %scan3A_249 : i32
    }
    %scan3A_45 = arith.constant 63 : i32
    %dma_wait3A_46 = arith.constant 0 : i32
    %dma_wait3A_47 = arith.constant 0 : i32
    %dma_wait3A_48 = tpu.memref_slice %arg2[%dma_wait3A_46, %dma_wait3A_47] : memref<10368x128xf32, #tpu.memory_space<hbm>> -> memref<10368x128xf32, #tpu.memory_space<hbm>>
    tpu.wait_indirect_dma semaphore(%arg22 : memref<!tpu.dma_semaphore, #tpu.memory_space<semaphore_mem>>) src(%dma_wait3A_48 : memref<10368x128xf32, #tpu.memory_space<hbm>>) dst(%arg15 : memref<80x128xf32, #tpu.memory_space<vmem>>)
    %dma_wait3A_49 = arith.constant 0 : i32
    %dma_wait3A_50 = arith.constant 0 : i32
    %dma_wait3A_51 = tpu.memref_slice %arg3[%dma_wait3A_49, %dma_wait3A_50] : memref<10368x128xf32, #tpu.memory_space<hbm>> -> memref<10368x128xf32, #tpu.memory_space<hbm>>
    tpu.wait_indirect_dma semaphore(%arg22 : memref<!tpu.dma_semaphore, #tpu.memory_space<semaphore_mem>>) src(%dma_wait3A_51 : memref<10368x128xf32, #tpu.memory_space<hbm>>) dst(%arg17 : memref<80x128xf32, #tpu.memory_space<vmem>>)
    %dma_wait3A_52 = arith.constant 0 : i32
    %dma_wait3A_53 = tpu.memref_slice %arg5[%dma_wait3A_52] : memref<322560xi32, #tpu.memory_space<hbm>> -> memref<80xi32, #tpu.memory_space<hbm>>
    %dma_wait3A_54 = arith.constant 0 : i32
    %dma_wait3A_55 = tpu.memref_slice %arg5[%dma_wait3A_54] : memref<322560xi32, #tpu.memory_space<hbm>> -> memref<80xi32, #tpu.memory_space<hbm>>
    tpu.wait_dma2 semaphore(%arg21 : memref<!tpu.dma_semaphore, #tpu.memory_space<semaphore_mem>>) src(%dma_wait3A_55 : memref<80xi32, #tpu.memory_space<hbm>>) dst(%arg12 : memref<80xi32, #tpu.memory_space<vmem>>)
    %dma_wait3A_56 = arith.constant 0 : i32
    %dma_wait3A_57 = tpu.memref_slice %arg6[%dma_wait3A_56] : memref<322560xi32, #tpu.memory_space<hbm>> -> memref<80xi32, #tpu.memory_space<hbm>>
    %dma_wait3A_58 = arith.constant 0 : i32
    %dma_wait3A_59 = tpu.memref_slice %arg6[%dma_wait3A_58] : memref<322560xi32, #tpu.memory_space<hbm>> -> memref<80xi32, #tpu.memory_space<hbm>>
    tpu.wait_dma2 semaphore(%arg21 : memref<!tpu.dma_semaphore, #tpu.memory_space<semaphore_mem>>) src(%dma_wait3A_59 : memref<80xi32, #tpu.memory_space<hbm>>) dst(%arg14 : memref<80xi32, #tpu.memory_space<vmem>>)
    %barrier3A_60 = arith.constant 0 : index
    tpu.barrier barrier_id(%barrier3A_60)
    %scan3A_61 = arith.constant 0 : i32
    %scan3A_62 = arith.constant 0 : i32
    %scan3A_63 = arith.constant 8 : i32
    %scan3A_64 = arith.addi %scan3A_62, %scan3A_63 : i32
    %scan3A_65 = arith.constant 1 : i32
    %scan3A_66 = scf.for %scan3A_173 = %scan3A_62 to %scan3A_64 step %scan3A_65 iter_args(%scan3A_174 = %scan3A_61) -> (i32)  : i32 {
      %mul3A_175 = arith.constant 16 : i32
      %mul3A_176 = arith.muli %mul3A_175, %scan3A_173 : i32
      %add3A_177 = arith.addi %arg1, %mul3A_176 : i32
      %mul3A_178 = arith.constant 80 : i32
      %mul3A_179 = arith.muli %add3A_177, %mul3A_178 : i32
      %mul3A_180 = arith.constant 10240 : i32
      %mul3A_181 = arith.muli %arg0, %mul3A_180 : i32
      %add3A_182 = arith.addi %mul3A_181, %mul3A_179 : i32
      "tpu.region"() ({
        %run_scoped3A = tpu.sem_alloc : memref<!tpu.dma_semaphore, #tpu.memory_space<semaphore_mem>>
        %dma_start3A_184 = arith.constant 0 : i32
        %dma_start3A_185 = tpu.memref_slice %arg8[%add3A_182, %dma_start3A_184] : memref<20480x128xf32, #tpu.memory_space<hbm>> -> memref<80x128xf32, #tpu.memory_space<hbm>>
        %dma_start3A_186 = arith.constant 0 : i32
        %dma_start3A_187 = tpu.memref_slice %arg19[%mul3A_179, %dma_start3A_186] : memref<10240x128xf32, #tpu.memory_space<vmem_shared>> -> memref<80x128xf32, #tpu.memory_space<vmem_shared>>
        tpu.enqueue_dma source(%dma_start3A_187 : memref<80x128xf32, #tpu.memory_space<vmem_shared>>) target(%dma_start3A_185 : memref<80x128xf32, #tpu.memory_space<hbm>>) target_semaphore(%run_scoped3A : memref<!tpu.dma_semaphore, #tpu.memory_space<semaphore_mem>>)
        %dma_wait3A_188 = arith.constant 0 : i32
        %dma_wait3A_189 = tpu.memref_slice %arg8[%add3A_182, %dma_wait3A_188] : memref<20480x128xf32, #tpu.memory_space<hbm>> -> memref<80x128xf32, #tpu.memory_space<hbm>>
        %dma_wait3A_190 = arith.constant 0 : i32
        %dma_wait3A_191 = tpu.memref_slice %arg19[%mul3A_179, %dma_wait3A_190] : memref<10240x128xf32, #tpu.memory_space<vmem_shared>> -> memref<80x128xf32, #tpu.memory_space<vmem_shared>>
        tpu.wait_dma2 semaphore(%run_scoped3A : memref<!tpu.dma_semaphore, #tpu.memory_space<semaphore_mem>>) src(%dma_wait3A_191 : memref<80x128xf32, #tpu.memory_space<vmem_shared>>) dst(%dma_wait3A_189 : memref<80x128xf32, #tpu.memory_space<hbm>>)
        tpu.yield
      }) : () -> ()
      "tpu.region"() ({
        %run_scoped3A = tpu.sem_alloc : memref<!tpu.dma_semaphore, #tpu.memory_space<semaphore_mem>>
        %dma_start3A_184 = arith.constant 0 : i32
        %dma_start3A_185 = tpu.memref_slice %arg19[%mul3A_179, %dma_start3A_184] : memref<10240x128xf32, #tpu.memory_space<vmem_shared>> -> memref<80x128xf32, #tpu.memory_space<vmem_shared>>
        %dma_start3A_186 = arith.constant 0 : i32
        %dma_start3A_187 = tpu.memref_slice %arg7[%mul3A_179, %dma_start3A_186] : memref<10240x128xf32, #tpu.memory_space<hbm>> -> memref<80x128xf32, #tpu.memory_space<hbm>>
        tpu.enqueue_dma source(%dma_start3A_187 : memref<80x128xf32, #tpu.memory_space<hbm>>) target(%dma_start3A_185 : memref<80x128xf32, #tpu.memory_space<vmem_shared>>) target_semaphore(%run_scoped3A : memref<!tpu.dma_semaphore, #tpu.memory_space<semaphore_mem>>)
        %dma_wait3A_188 = arith.constant 0 : i32
        %dma_wait3A_189 = tpu.memref_slice %arg19[%mul3A_179, %dma_wait3A_188] : memref<10240x128xf32, #tpu.memory_space<vmem_shared>> -> memref<80x128xf32, #tpu.memory_space<vmem_shared>>
        %dma_wait3A_190 = arith.constant 0 : i32
        %dma_wait3A_191 = tpu.memref_slice %arg7[%mul3A_179, %dma_wait3A_190] : memref<10240x128xf32, #tpu.memory_space<hbm>> -> memref<80x128xf32, #tpu.memory_space<hbm>>
        tpu.wait_dma2 semaphore(%run_scoped3A : memref<!tpu.dma_semaphore, #tpu.memory_space<semaphore_mem>>) src(%dma_wait3A_191 : memref<80x128xf32, #tpu.memory_space<hbm>>) dst(%dma_wait3A_189 : memref<80x128xf32, #tpu.memory_space<vmem_shared>>)
        tpu.yield
      }) : () -> ()
      %scan3A_183 = arith.constant 0 : i32
      scf.yield %scan3A_183 : i32
    }
    %scan3A_67 = arith.constant 8 : i32
    %barrier3A_68 = arith.constant 0 : index
    tpu.barrier barrier_id(%barrier3A_68)
    %mul3A_69 = arith.constant 126 : i32
    %mul3A_70 = arith.muli %add3A, %mul3A_69 : i32
    %add3A_71 = arith.constant 0 : i32
    %add3A_72 = arith.addi %mul3A_70, %add3A_71 : i32
    %mul3A_73 = arith.constant 80 : i32
    %mul3A_74 = arith.muli %add3A_72, %mul3A_73 : i32
    %dma_start3A_75 = tpu.memref_slice %arg5[%mul3A_74] : memref<322560xi32, #tpu.memory_space<hbm>> -> memref<80xi32, #tpu.memory_space<hbm>>
    %dma_start3A_76 = tpu.memref_slice %arg5[%mul3A_74] : memref<322560xi32, #tpu.memory_space<hbm>> -> memref<80xi32, #tpu.memory_space<hbm>>
    tpu.enqueue_dma source(%dma_start3A_76 : memref<80xi32, #tpu.memory_space<hbm>>) target(%arg11 : memref<80xi32, #tpu.memory_space<vmem>>) target_semaphore(%arg20 : memref<!tpu.dma_semaphore, #tpu.memory_space<semaphore_mem>>)
    %dma_start3A_77 = tpu.memref_slice %arg6[%mul3A_74] : memref<322560xi32, #tpu.memory_space<hbm>> -> memref<80xi32, #tpu.memory_space<hbm>>
    %dma_start3A_78 = tpu.memref_slice %arg6[%mul3A_74] : memref<322560xi32, #tpu.memory_space<hbm>> -> memref<80xi32, #tpu.memory_space<hbm>>
    tpu.enqueue_dma source(%dma_start3A_78 : memref<80xi32, #tpu.memory_space<hbm>>) target(%arg13 : memref<80xi32, #tpu.memory_space<vmem>>) target_semaphore(%arg20 : memref<!tpu.dma_semaphore, #tpu.memory_space<semaphore_mem>>)
    %dma_wait3A_79 = arith.constant 0 : i32
    %dma_wait3A_80 = tpu.memref_slice %arg5[%dma_wait3A_79] : memref<322560xi32, #tpu.memory_space<hbm>> -> memref<80xi32, #tpu.memory_space<hbm>>
    %dma_wait3A_81 = arith.constant 0 : i32
    %dma_wait3A_82 = tpu.memref_slice %arg5[%dma_wait3A_81] : memref<322560xi32, #tpu.memory_space<hbm>> -> memref<80xi32, #tpu.memory_space<hbm>>
    tpu.wait_dma2 semaphore(%arg20 : memref<!tpu.dma_semaphore, #tpu.memory_space<semaphore_mem>>) src(%dma_wait3A_82 : memref<80xi32, #tpu.memory_space<hbm>>) dst(%arg11 : memref<80xi32, #tpu.memory_space<vmem>>)
    %dma_wait3A_83 = arith.constant 0 : i32
    %dma_wait3A_84 = tpu.memref_slice %arg6[%dma_wait3A_83] : memref<322560xi32, #tpu.memory_space<hbm>> -> memref<80xi32, #tpu.memory_space<hbm>>
    %dma_wait3A_85 = arith.constant 0 : i32
    %dma_wait3A_86 = tpu.memref_slice %arg6[%dma_wait3A_85] : memref<322560xi32, #tpu.memory_space<hbm>> -> memref<80xi32, #tpu.memory_space<hbm>>
    tpu.wait_dma2 semaphore(%arg20 : memref<!tpu.dma_semaphore, #tpu.memory_space<semaphore_mem>>) src(%dma_wait3A_86 : memref<80xi32, #tpu.memory_space<hbm>>) dst(%arg13 : memref<80xi32, #tpu.memory_space<vmem>>)
    %dma_start3A_87 = arith.constant 0 : i32
    %dma_start3A_88 = arith.constant 0 : i32
    %dma_start3A_89 = tpu.memref_slice %arg4[%dma_start3A_87, %dma_start3A_88] : memref<10368x128xf32, #tpu.memory_space<hbm>> -> memref<10368x128xf32, #tpu.memory_space<hbm>>
    tpu.enqueue_indirect_dma source(%dma_start3A_89 : memref<10368x128xf32, #tpu.memory_space<hbm>>) target(%arg15 : memref<80x128xf32, #tpu.memory_space<vmem>>) offsets(%arg11 : memref<80xi32, #tpu.memory_space<vmem>>) semaphore(%arg22 : memref<!tpu.dma_semaphore, #tpu.memory_space<semaphore_mem>>)
    %mul3A_90 = arith.constant 126 : i32
    %mul3A_91 = arith.muli %add3A, %mul3A_90 : i32
    %add3A_92 = arith.constant 1 : i32
    %add3A_93 = arith.addi %mul3A_91, %add3A_92 : i32
    %mul3A_94 = arith.constant 80 : i32
    %mul3A_95 = arith.muli %add3A_93, %mul3A_94 : i32
    %dma_start3A_96 = tpu.memref_slice %arg5[%mul3A_95] : memref<322560xi32, #tpu.memory_space<hbm>> -> memref<80xi32, #tpu.memory_space<hbm>>
    %dma_start3A_97 = tpu.memref_slice %arg5[%mul3A_95] : memref<322560xi32, #tpu.memory_space<hbm>> -> memref<80xi32, #tpu.memory_space<hbm>>
    tpu.enqueue_dma source(%dma_start3A_97 : memref<80xi32, #tpu.memory_space<hbm>>) target(%arg12 : memref<80xi32, #tpu.memory_space<vmem>>) target_semaphore(%arg21 : memref<!tpu.dma_semaphore, #tpu.memory_space<semaphore_mem>>)
    %dma_start3A_98 = tpu.memref_slice %arg6[%mul3A_95] : memref<322560xi32, #tpu.memory_space<hbm>> -> memref<80xi32, #tpu.memory_space<hbm>>
    %dma_start3A_99 = tpu.memref_slice %arg6[%mul3A_95] : memref<322560xi32, #tpu.memory_space<hbm>> -> memref<80xi32, #tpu.memory_space<hbm>>
    tpu.enqueue_dma source(%dma_start3A_99 : memref<80xi32, #tpu.memory_space<hbm>>) target(%arg14 : memref<80xi32, #tpu.memory_space<vmem>>) target_semaphore(%arg21 : memref<!tpu.dma_semaphore, #tpu.memory_space<semaphore_mem>>)
    %scan3A_100 = arith.constant 0 : i32
    %scan3A_101 = arith.constant 0 : i32
    %scan3A_102 = arith.constant 63 : i32
    %scan3A_103 = arith.addi %scan3A_101, %scan3A_102 : i32
    %scan3A_104 = arith.constant 1 : i32
    %scan3A_105 = scf.for %scan3A_173 = %scan3A_101 to %scan3A_103 step %scan3A_104 iter_args(%scan3A_174 = %scan3A_100) -> (i32)  : i32 {
      %mul3A_175 = arith.constant 2 : i32
      %mul3A_176 = arith.muli %mul3A_175, %scan3A_173 : i32
      %add3A_177 = arith.constant 2 : i32
      %add3A_178 = arith.addi %mul3A_176, %add3A_177 : i32
      %min3A = arith.constant 125 : i32
      %min3A_179 = arith.minsi %add3A_178, %min3A : i32
      %dma_wait3A_180 = arith.constant 0 : i32
      %dma_wait3A_181 = arith.constant 0 : i32
      %dma_wait3A_182 = tpu.memref_slice %arg4[%dma_wait3A_180, %dma_wait3A_181] : memref<10368x128xf32, #tpu.memory_space<hbm>> -> memref<10368x128xf32, #tpu.memory_space<hbm>>
      tpu.wait_indirect_dma semaphore(%arg22 : memref<!tpu.dma_semaphore, #tpu.memory_space<semaphore_mem>>) src(%dma_wait3A_182 : memref<10368x128xf32, #tpu.memory_space<hbm>>) dst(%arg15 : memref<80x128xf32, #tpu.memory_space<vmem>>)
      %dma_wait3A_183 = arith.constant 0 : i32
      %dma_wait3A_184 = tpu.memref_slice %arg5[%dma_wait3A_183] : memref<322560xi32, #tpu.memory_space<hbm>> -> memref<80xi32, #tpu.memory_space<hbm>>
      %dma_wait3A_185 = arith.constant 0 : i32
      %dma_wait3A_186 = tpu.memref_slice %arg5[%dma_wait3A_185] : memref<322560xi32, #tpu.memory_space<hbm>> -> memref<80xi32, #tpu.memory_space<hbm>>
      tpu.wait_dma2 semaphore(%arg21 : memref<!tpu.dma_semaphore, #tpu.memory_space<semaphore_mem>>) src(%dma_wait3A_186 : memref<80xi32, #tpu.memory_space<hbm>>) dst(%arg12 : memref<80xi32, #tpu.memory_space<vmem>>)
      %dma_wait3A_187 = arith.constant 0 : i32
      %dma_wait3A_188 = tpu.memref_slice %arg6[%dma_wait3A_187] : memref<322560xi32, #tpu.memory_space<hbm>> -> memref<80xi32, #tpu.memory_space<hbm>>
      %dma_wait3A_189 = arith.constant 0 : i32
      %dma_wait3A_190 = tpu.memref_slice %arg6[%dma_wait3A_189] : memref<322560xi32, #tpu.memory_space<hbm>> -> memref<80xi32, #tpu.memory_space<hbm>>
      tpu.wait_dma2 semaphore(%arg21 : memref<!tpu.dma_semaphore, #tpu.memory_space<semaphore_mem>>) src(%dma_wait3A_190 : memref<80xi32, #tpu.memory_space<hbm>>) dst(%arg14 : memref<80xi32, #tpu.memory_space<vmem>>)
      %dma_start3A_191 = arith.constant 0 : i32
      %dma_start3A_192 = arith.constant 0 : i32
      %dma_start3A_193 = tpu.memref_slice %arg4[%dma_start3A_191, %dma_start3A_192] : memref<10368x128xf32, #tpu.memory_space<hbm>> -> memref<10368x128xf32, #tpu.memory_space<hbm>>
      tpu.enqueue_indirect_dma source(%dma_start3A_193 : memref<10368x128xf32, #tpu.memory_space<hbm>>) target(%arg16 : memref<80x128xf32, #tpu.memory_space<vmem>>) offsets(%arg12 : memref<80xi32, #tpu.memory_space<vmem>>) semaphore(%arg23 : memref<!tpu.dma_semaphore, #tpu.memory_space<semaphore_mem>>)
      "tpu.region"() ({
        %run_scoped3A = tpu.sem_alloc : memref<!tpu.dma_semaphore, #tpu.memory_space<semaphore_mem>>
        %dma_start3A_233 = arith.constant 0 : i32
        %dma_start3A_234 = arith.constant 0 : i32
        %dma_start3A_235 = tpu.memref_slice %arg19[%dma_start3A_233, %dma_start3A_234] : memref<10240x128xf32, #tpu.memory_space<vmem_shared>> -> memref<10240x128xf32, #tpu.memory_space<vmem_shared>>
        tpu.enqueue_indirect_dma source(%arg15 : memref<80x128xf32, #tpu.memory_space<vmem>>) target(%dma_start3A_235 : memref<10240x128xf32, #tpu.memory_space<vmem_shared>>) offsets(%arg13 : memref<80xi32, #tpu.memory_space<vmem>>) semaphore(%run_scoped3A : memref<!tpu.dma_semaphore, #tpu.memory_space<semaphore_mem>>) {add = true}
        %dma_wait3A_236 = arith.constant 0 : i32
        %dma_wait3A_237 = arith.constant 0 : i32
        %dma_wait3A_238 = tpu.memref_slice %arg19[%dma_wait3A_236, %dma_wait3A_237] : memref<10240x128xf32, #tpu.memory_space<vmem_shared>> -> memref<10240x128xf32, #tpu.memory_space<vmem_shared>>
        tpu.wait_indirect_dma semaphore(%run_scoped3A : memref<!tpu.dma_semaphore, #tpu.memory_space<semaphore_mem>>) src(%arg15 : memref<80x128xf32, #tpu.memory_space<vmem>>) dst(%dma_wait3A_238 : memref<10240x128xf32, #tpu.memory_space<vmem_shared>>)
        tpu.yield
      }) : () -> ()
      %mul3A_194 = arith.constant 126 : i32
      %mul3A_195 = arith.muli %add3A, %mul3A_194 : i32
      %add3A_196 = arith.addi %mul3A_195, %min3A_179 : i32
      %mul3A_197 = arith.constant 80 : i32
      %mul3A_198 = arith.muli %add3A_196, %mul3A_197 : i32
      %dma_start3A_199 = tpu.memref_slice %arg5[%mul3A_198] : memref<322560xi32, #tpu.memory_space<hbm>> -> memref<80xi32, #tpu.memory_space<hbm>>
      %dma_start3A_200 = tpu.memref_slice %arg5[%mul3A_198] : memref<322560xi32, #tpu.memory_space<hbm>> -> memref<80xi32, #tpu.memory_space<hbm>>
      tpu.enqueue_dma source(%dma_start3A_200 : memref<80xi32, #tpu.memory_space<hbm>>) target(%arg11 : memref<80xi32, #tpu.memory_space<vmem>>) target_semaphore(%arg20 : memref<!tpu.dma_semaphore, #tpu.memory_space<semaphore_mem>>)
      %dma_start3A_201 = tpu.memref_slice %arg6[%mul3A_198] : memref<322560xi32, #tpu.memory_space<hbm>> -> memref<80xi32, #tpu.memory_space<hbm>>
      %dma_start3A_202 = tpu.memref_slice %arg6[%mul3A_198] : memref<322560xi32, #tpu.memory_space<hbm>> -> memref<80xi32, #tpu.memory_space<hbm>>
      tpu.enqueue_dma source(%dma_start3A_202 : memref<80xi32, #tpu.memory_space<hbm>>) target(%arg13 : memref<80xi32, #tpu.memory_space<vmem>>) target_semaphore(%arg20 : memref<!tpu.dma_semaphore, #tpu.memory_space<semaphore_mem>>)
      %mul3A_203 = arith.constant 2 : i32
      %mul3A_204 = arith.muli %mul3A_203, %scan3A_173 : i32
      %add3A_205 = arith.constant 3 : i32
      %add3A_206 = arith.addi %mul3A_204, %add3A_205 : i32
      %min3A_207 = arith.constant 125 : i32
      %min3A_208 = arith.minsi %add3A_206, %min3A_207 : i32
      %dma_wait3A_209 = arith.constant 0 : i32
      %dma_wait3A_210 = arith.constant 0 : i32
      %dma_wait3A_211 = tpu.memref_slice %arg4[%dma_wait3A_209, %dma_wait3A_210] : memref<10368x128xf32, #tpu.memory_space<hbm>> -> memref<10368x128xf32, #tpu.memory_space<hbm>>
      tpu.wait_indirect_dma semaphore(%arg23 : memref<!tpu.dma_semaphore, #tpu.memory_space<semaphore_mem>>) src(%dma_wait3A_211 : memref<10368x128xf32, #tpu.memory_space<hbm>>) dst(%arg16 : memref<80x128xf32, #tpu.memory_space<vmem>>)
      %dma_wait3A_212 = arith.constant 0 : i32
      %dma_wait3A_213 = tpu.memref_slice %arg5[%dma_wait3A_212] : memref<322560xi32, #tpu.memory_space<hbm>> -> memref<80xi32, #tpu.memory_space<hbm>>
      %dma_wait3A_214 = arith.constant 0 : i32
      %dma_wait3A_215 = tpu.memref_slice %arg5[%dma_wait3A_214] : memref<322560xi32, #tpu.memory_space<hbm>> -> memref<80xi32, #tpu.memory_space<hbm>>
      tpu.wait_dma2 semaphore(%arg20 : memref<!tpu.dma_semaphore, #tpu.memory_space<semaphore_mem>>) src(%dma_wait3A_215 : memref<80xi32, #tpu.memory_space<hbm>>) dst(%arg11 : memref<80xi32, #tpu.memory_space<vmem>>)
      %dma_wait3A_216 = arith.constant 0 : i32
      %dma_wait3A_217 = tpu.memref_slice %arg6[%dma_wait3A_216] : memref<322560xi32, #tpu.memory_space<hbm>> -> memref<80xi32, #tpu.memory_space<hbm>>
      %dma_wait3A_218 = arith.constant 0 : i32
      %dma_wait3A_219 = tpu.memref_slice %arg6[%dma_wait3A_218] : memref<322560xi32, #tpu.memory_space<hbm>> -> memref<80xi32, #tpu.memory_space<hbm>>
      tpu.wait_dma2 semaphore(%arg20 : memref<!tpu.dma_semaphore, #tpu.memory_space<semaphore_mem>>) src(%dma_wait3A_219 : memref<80xi32, #tpu.memory_space<hbm>>) dst(%arg13 : memref<80xi32, #tpu.memory_space<vmem>>)
      %dma_start3A_220 = arith.constant 0 : i32
      %dma_start3A_221 = arith.constant 0 : i32
      %dma_start3A_222 = tpu.memref_slice %arg4[%dma_start3A_220, %dma_start3A_221] : memref<10368x128xf32, #tpu.memory_space<hbm>> -> memref<10368x128xf32, #tpu.memory_space<hbm>>
      tpu.enqueue_indirect_dma source(%dma_start3A_222 : memref<10368x128xf32, #tpu.memory_space<hbm>>) target(%arg15 : memref<80x128xf32, #tpu.memory_space<vmem>>) offsets(%arg11 : memref<80xi32, #tpu.memory_space<vmem>>) semaphore(%arg22 : memref<!tpu.dma_semaphore, #tpu.memory_space<semaphore_mem>>)
      "tpu.region"() ({
        %run_scoped3A = tpu.sem_alloc : memref<!tpu.dma_semaphore, #tpu.memory_space<semaphore_mem>>
        %dma_start3A_233 = arith.constant 0 : i32
        %dma_start3A_234 = arith.constant 0 : i32
        %dma_start3A_235 = tpu.memref_slice %arg19[%dma_start3A_233, %dma_start3A_234] : memref<10240x128xf32, #tpu.memory_space<vmem_shared>> -> memref<10240x128xf32, #tpu.memory_space<vmem_shared>>
        tpu.enqueue_indirect_dma source(%arg16 : memref<80x128xf32, #tpu.memory_space<vmem>>) target(%dma_start3A_235 : memref<10240x128xf32, #tpu.memory_space<vmem_shared>>) offsets(%arg14 : memref<80xi32, #tpu.memory_space<vmem>>) semaphore(%run_scoped3A : memref<!tpu.dma_semaphore, #tpu.memory_space<semaphore_mem>>) {add = true}
        %dma_wait3A_236 = arith.constant 0 : i32
        %dma_wait3A_237 = arith.constant 0 : i32
        %dma_wait3A_238 = tpu.memref_slice %arg19[%dma_wait3A_236, %dma_wait3A_237] : memref<10240x128xf32, #tpu.memory_space<vmem_shared>> -> memref<10240x128xf32, #tpu.memory_space<vmem_shared>>
        tpu.wait_indirect_dma semaphore(%run_scoped3A : memref<!tpu.dma_semaphore, #tpu.memory_space<semaphore_mem>>) src(%arg16 : memref<80x128xf32, #tpu.memory_space<vmem>>) dst(%dma_wait3A_238 : memref<10240x128xf32, #tpu.memory_space<vmem_shared>>)
        tpu.yield
      }) : () -> ()
      %mul3A_223 = arith.constant 126 : i32
      %mul3A_224 = arith.muli %add3A, %mul3A_223 : i32
      %add3A_225 = arith.addi %mul3A_224, %min3A_208 : i32
      %mul3A_226 = arith.constant 80 : i32
      %mul3A_227 = arith.muli %add3A_225, %mul3A_226 : i32
      %dma_start3A_228 = tpu.memref_slice %arg5[%mul3A_227] : memref<322560xi32, #tpu.memory_space<hbm>> -> memref<80xi32, #tpu.memory_space<hbm>>
      %dma_start3A_229 = tpu.memref_slice %arg5[%mul3A_227] : memref<322560xi32, #tpu.memory_space<hbm>> -> memref<80xi32, #tpu.memory_space<hbm>>
      tpu.enqueue_dma source(%dma_start3A_229 : memref<80xi32, #tpu.memory_space<hbm>>) target(%arg12 : memref<80xi32, #tpu.memory_space<vmem>>) target_semaphore(%arg21 : memref<!tpu.dma_semaphore, #tpu.memory_space<semaphore_mem>>)
      %dma_start3A_230 = tpu.memref_slice %arg6[%mul3A_227] : memref<322560xi32, #tpu.memory_space<hbm>> -> memref<80xi32, #tpu.memory_space<hbm>>
      %dma_start3A_231 = tpu.memref_slice %arg6[%mul3A_227] : memref<322560xi32, #tpu.memory_space<hbm>> -> memref<80xi32, #tpu.memory_space<hbm>>
      tpu.enqueue_dma source(%dma_start3A_231 : memref<80xi32, #tpu.memory_space<hbm>>) target(%arg14 : memref<80xi32, #tpu.memory_space<vmem>>) target_semaphore(%arg21 : memref<!tpu.dma_semaphore, #tpu.memory_space<semaphore_mem>>)
      %scan3A_232 = arith.constant 0 : i32
      scf.yield %scan3A_232 : i32
    }
    %scan3A_106 = arith.constant 63 : i32
    %dma_wait3A_107 = arith.constant 0 : i32
    %dma_wait3A_108 = arith.constant 0 : i32
    %dma_wait3A_109 = tpu.memref_slice %arg4[%dma_wait3A_107, %dma_wait3A_108] : memref<10368x128xf32, #tpu.memory_space<hbm>> -> memref<10368x128xf32, #tpu.memory_space<hbm>>
    tpu.wait_indirect_dma semaphore(%arg22 : memref<!tpu.dma_semaphore, #tpu.memory_space<semaphore_mem>>) src(%dma_wait3A_109 : memref<10368x128xf32, #tpu.memory_space<hbm>>) dst(%arg15 : memref<80x128xf32, #tpu.memory_space<vmem>>)
    %dma_wait3A_110 = arith.constant 0 : i32
    %dma_wait3A_111 = tpu.memref_slice %arg5[%dma_wait3A_110] : memref<322560xi32, #tpu.memory_space<hbm>> -> memref<80xi32, #tpu.memory_space<hbm>>
    %dma_wait3A_112 = arith.constant 0 : i32
    %dma_wait3A_113 = tpu.memref_slice %arg5[%dma_wait3A_112] : memref<322560xi32, #tpu.memory_space<hbm>> -> memref<80xi32, #tpu.memory_space<hbm>>
    tpu.wait_dma2 semaphore(%arg21 : memref<!tpu.dma_semaphore, #tpu.memory_space<semaphore_mem>>) src(%dma_wait3A_113 : memref<80xi32, #tpu.memory_space<hbm>>) dst(%arg12 : memref<80xi32, #tpu.memory_space<vmem>>)
    %dma_wait3A_114 = arith.constant 0 : i32
    %dma_wait3A_115 = tpu.memref_slice %arg6[%dma_wait3A_114] : memref<322560xi32, #tpu.memory_space<hbm>> -> memref<80xi32, #tpu.memory_space<hbm>>
    %dma_wait3A_116 = arith.constant 0 : i32
    %dma_wait3A_117 = tpu.memref_slice %arg6[%dma_wait3A_116] : memref<322560xi32, #tpu.memory_space<hbm>> -> memref<80xi32, #tpu.memory_space<hbm>>
    tpu.wait_dma2 semaphore(%arg21 : memref<!tpu.dma_semaphore, #tpu.memory_space<semaphore_mem>>) src(%dma_wait3A_117 : memref<80xi32, #tpu.memory_space<hbm>>) dst(%arg14 : memref<80xi32, #tpu.memory_space<vmem>>)
    %barrier3A_118 = arith.constant 0 : index
    tpu.barrier barrier_id(%barrier3A_118)
    %scan3A_119 = arith.constant 0 : i32
    %scan3A_120 = arith.constant 0 : i32
    %scan3A_121 = arith.constant 8 : i32
    %scan3A_122 = arith.addi %scan3A_120, %scan3A_121 : i32
    %scan3A_123 = arith.constant 1 : i32
    %scan3A_124 = scf.for %scan3A_173 = %scan3A_120 to %scan3A_122 step %scan3A_123 iter_args(%scan3A_174 = %scan3A_119) -> (i32)  : i32 {
      %mul3A_175 = arith.constant 16 : i32
      %mul3A_176 = arith.muli %mul3A_175, %scan3A_173 : i32
      %add3A_177 = arith.addi %arg1, %mul3A_176 : i32
      %mul3A_178 = arith.constant 80 : i32
      %mul3A_179 = arith.muli %add3A_177, %mul3A_178 : i32
      %mul3A_180 = arith.constant 10240 : i32
      %mul3A_181 = arith.muli %arg0, %mul3A_180 : i32
      %add3A_182 = arith.addi %mul3A_181, %mul3A_179 : i32
      "tpu.region"() ({
        %run_scoped3A = tpu.sem_alloc : memref<!tpu.dma_semaphore, #tpu.memory_space<semaphore_mem>>
        %dma_start3A_184 = arith.constant 0 : i32
        %dma_start3A_185 = tpu.memref_slice %arg9[%add3A_182, %dma_start3A_184] : memref<20480x128xf32, #tpu.memory_space<hbm>> -> memref<80x128xf32, #tpu.memory_space<hbm>>
        %dma_start3A_186 = arith.constant 0 : i32
        %dma_start3A_187 = tpu.memref_slice %arg19[%mul3A_179, %dma_start3A_186] : memref<10240x128xf32, #tpu.memory_space<vmem_shared>> -> memref<80x128xf32, #tpu.memory_space<vmem_shared>>
        tpu.enqueue_dma source(%dma_start3A_187 : memref<80x128xf32, #tpu.memory_space<vmem_shared>>) target(%dma_start3A_185 : memref<80x128xf32, #tpu.memory_space<hbm>>) target_semaphore(%run_scoped3A : memref<!tpu.dma_semaphore, #tpu.memory_space<semaphore_mem>>)
        %dma_wait3A_188 = arith.constant 0 : i32
        %dma_wait3A_189 = tpu.memref_slice %arg9[%add3A_182, %dma_wait3A_188] : memref<20480x128xf32, #tpu.memory_space<hbm>> -> memref<80x128xf32, #tpu.memory_space<hbm>>
        %dma_wait3A_190 = arith.constant 0 : i32
        %dma_wait3A_191 = tpu.memref_slice %arg19[%mul3A_179, %dma_wait3A_190] : memref<10240x128xf32, #tpu.memory_space<vmem_shared>> -> memref<80x128xf32, #tpu.memory_space<vmem_shared>>
        tpu.wait_dma2 semaphore(%run_scoped3A : memref<!tpu.dma_semaphore, #tpu.memory_space<semaphore_mem>>) src(%dma_wait3A_191 : memref<80x128xf32, #tpu.memory_space<vmem_shared>>) dst(%dma_wait3A_189 : memref<80x128xf32, #tpu.memory_space<hbm>>)
        tpu.yield
      }) : () -> ()
      "tpu.region"() ({
        %run_scoped3A = tpu.sem_alloc : memref<!tpu.dma_semaphore, #tpu.memory_space<semaphore_mem>>
        %dma_start3A_184 = arith.constant 0 : i32
        %dma_start3A_185 = tpu.memref_slice %arg19[%mul3A_179, %dma_start3A_184] : memref<10240x128xf32, #tpu.memory_space<vmem_shared>> -> memref<80x128xf32, #tpu.memory_space<vmem_shared>>
        %dma_start3A_186 = arith.constant 0 : i32
        %dma_start3A_187 = tpu.memref_slice %arg7[%mul3A_179, %dma_start3A_186] : memref<10240x128xf32, #tpu.memory_space<hbm>> -> memref<80x128xf32, #tpu.memory_space<hbm>>
        tpu.enqueue_dma source(%dma_start3A_187 : memref<80x128xf32, #tpu.memory_space<hbm>>) target(%dma_start3A_185 : memref<80x128xf32, #tpu.memory_space<vmem_shared>>) target_semaphore(%run_scoped3A : memref<!tpu.dma_semaphore, #tpu.memory_space<semaphore_mem>>)
        %dma_wait3A_188 = arith.constant 0 : i32
        %dma_wait3A_189 = tpu.memref_slice %arg19[%mul3A_179, %dma_wait3A_188] : memref<10240x128xf32, #tpu.memory_space<vmem_shared>> -> memref<80x128xf32, #tpu.memory_space<vmem_shared>>
        %dma_wait3A_190 = arith.constant 0 : i32
        %dma_wait3A_191 = tpu.memref_slice %arg7[%mul3A_179, %dma_wait3A_190] : memref<10240x128xf32, #tpu.memory_space<hbm>> -> memref<80x128xf32, #tpu.memory_space<hbm>>
        tpu.wait_dma2 semaphore(%run_scoped3A : memref<!tpu.dma_semaphore, #tpu.memory_space<semaphore_mem>>) src(%dma_wait3A_191 : memref<80x128xf32, #tpu.memory_space<hbm>>) dst(%dma_wait3A_189 : memref<80x128xf32, #tpu.memory_space<vmem_shared>>)
        tpu.yield
      }) : () -> ()
      %scan3A_183 = arith.constant 0 : i32
      scf.yield %scan3A_183 : i32
    }
    %scan3A_125 = arith.constant 8 : i32
    %scan3A_126 = arith.constant 0 : i32
    %scan3A_127 = arith.constant 0 : i32
    %scan3A_128 = arith.constant 80 : i32
    %scan3A_129 = arith.addi %scan3A_127, %scan3A_128 : i32
    %scan3A_130 = arith.constant 1 : i32
    %scan3A_131 = scf.for %scan3A_173 = %scan3A_127 to %scan3A_129 step %scan3A_130 iter_args(%scan3A_174 = %scan3A_126) -> (i32)  : i32 {
      %broadcast_in_dim3A = arith.constant 1.000000e+00 : f32
      %broadcast_in_dim3A_175 = vector.broadcast %broadcast_in_dim3A : f32 to vector<16xf32>
      %swap3A = arith.index_cast %scan3A_173 : i32 to index
      %swap3A_176 = arith.constant 0 : index
      %swap3A_177 = tpu.vector_load %arg15[%swap3A, %swap3A_176] {strides = array<i32>} : memref<80x128xf32, #tpu.memory_space<vmem>>, vector<1x16xf32>,
      %swap3A_178 = vector.shape_cast %swap3A_177 : vector<1x16xf32> to vector<16xf32>
      %swap3A_179 = vector.shape_cast %broadcast_in_dim3A_175 : vector<16xf32> to vector<1x16xf32>
      tpu.vector_store %arg15[%swap3A, %swap3A_176], %swap3A_179 {strides = array<i32>} : memref<80x128xf32, #tpu.memory_space<vmem>>, vector<1x16xf32>,
      %broadcast_in_dim3A_180 = arith.constant 1.000000e+00 : f32
      %broadcast_in_dim3A_181 = vector.broadcast %broadcast_in_dim3A_180 : f32 to vector<16xf32>
      %swap3A_182 = arith.index_cast %scan3A_173 : i32 to index
      %swap3A_183 = arith.constant 16 : index
      %swap3A_184 = tpu.vector_load %arg15[%swap3A_182, %swap3A_183] {strides = array<i32>} : memref<80x128xf32, #tpu.memory_space<vmem>>, vector<1x16xf32>,
      %swap3A_185 = vector.shape_cast %swap3A_184 : vector<1x16xf32> to vector<16xf32>
      %swap3A_186 = vector.shape_cast %broadcast_in_dim3A_181 : vector<16xf32> to vector<1x16xf32>
      tpu.vector_store %arg15[%swap3A_182, %swap3A_183], %swap3A_186 {strides = array<i32>} : memref<80x128xf32, #tpu.memory_space<vmem>>, vector<1x16xf32>,
      %broadcast_in_dim3A_187 = arith.constant 1.000000e+00 : f32
      %broadcast_in_dim3A_188 = vector.broadcast %broadcast_in_dim3A_187 : f32 to vector<16xf32>
      %swap3A_189 = arith.index_cast %scan3A_173 : i32 to index
      %swap3A_190 = arith.constant 32 : index
      %swap3A_191 = tpu.vector_load %arg15[%swap3A_189, %swap3A_190] {strides = array<i32>} : memref<80x128xf32, #tpu.memory_space<vmem>>, vector<1x16xf32>,
      %swap3A_192 = vector.shape_cast %swap3A_191 : vector<1x16xf32> to vector<16xf32>
      %swap3A_193 = vector.shape_cast %broadcast_in_dim3A_188 : vector<16xf32> to vector<1x16xf32>
      tpu.vector_store %arg15[%swap3A_189, %swap3A_190], %swap3A_193 {strides = array<i32>} : memref<80x128xf32, #tpu.memory_space<vmem>>, vector<1x16xf32>,
      %broadcast_in_dim3A_194 = arith.constant 1.000000e+00 : f32
      %broadcast_in_dim3A_195 = vector.broadcast %broadcast_in_dim3A_194 : f32 to vector<16xf32>
      %swap3A_196 = arith.index_cast %scan3A_173 : i32 to index
      %swap3A_197 = arith.constant 48 : index
      %swap3A_198 = tpu.vector_load %arg15[%swap3A_196, %swap3A_197] {strides = array<i32>} : memref<80x128xf32, #tpu.memory_space<vmem>>, vector<1x16xf32>,
      %swap3A_199 = vector.shape_cast %swap3A_198 : vector<1x16xf32> to vector<16xf32>
      %swap3A_200 = vector.shape_cast %broadcast_in_dim3A_195 : vector<16xf32> to vector<1x16xf32>
      tpu.vector_store %arg15[%swap3A_196, %swap3A_197], %swap3A_200 {strides = array<i32>} : memref<80x128xf32, #tpu.memory_space<vmem>>, vector<1x16xf32>,
      %broadcast_in_dim3A_201 = arith.constant 1.000000e+00 : f32
      %broadcast_in_dim3A_202 = vector.broadcast %broadcast_in_dim3A_201 : f32 to vector<16xf32>
      %swap3A_203 = arith.index_cast %scan3A_173 : i32 to index
      %swap3A_204 = arith.constant 64 : index
      %swap3A_205 = tpu.vector_load %arg15[%swap3A_203, %swap3A_204] {strides = array<i32>} : memref<80x128xf32, #tpu.memory_space<vmem>>, vector<1x16xf32>,
      %swap3A_206 = vector.shape_cast %swap3A_205 : vector<1x16xf32> to vector<16xf32>
      %swap3A_207 = vector.shape_cast %broadcast_in_dim3A_202 : vector<16xf32> to vector<1x16xf32>
      tpu.vector_store %arg15[%swap3A_203, %swap3A_204], %swap3A_207 {strides = array<i32>} : memref<80x128xf32, #tpu.memory_space<vmem>>, vector<1x16xf32>,
      %broadcast_in_dim3A_208 = arith.constant 1.000000e+00 : f32
      %broadcast_in_dim3A_209 = vector.broadcast %broadcast_in_dim3A_208 : f32 to vector<16xf32>
      %swap3A_210 = arith.index_cast %scan3A_173 : i32 to index
      %swap3A_211 = arith.constant 80 : index
      %swap3A_212 = tpu.vector_load %arg15[%swap3A_210, %swap3A_211] {strides = array<i32>} : memref<80x128xf32, #tpu.memory_space<vmem>>, vector<1x16xf32>,
      %swap3A_213 = vector.shape_cast %swap3A_212 : vector<1x16xf32> to vector<16xf32>
      %swap3A_214 = vector.shape_cast %broadcast_in_dim3A_209 : vector<16xf32> to vector<1x16xf32>
      tpu.vector_store %arg15[%swap3A_210, %swap3A_211], %swap3A_214 {strides = array<i32>} : memref<80x128xf32, #tpu.memory_space<vmem>>, vector<1x16xf32>,
      %broadcast_in_dim3A_215 = arith.constant 1.000000e+00 : f32
      %broadcast_in_dim3A_216 = vector.broadcast %broadcast_in_dim3A_215 : f32 to vector<16xf32>
      %swap3A_217 = arith.index_cast %scan3A_173 : i32 to index
      %swap3A_218 = arith.constant 96 : index
      %swap3A_219 = tpu.vector_load %arg15[%swap3A_217, %swap3A_218] {strides = array<i32>} : memref<80x128xf32, #tpu.memory_space<vmem>>, vector<1x16xf32>,
      %swap3A_220 = vector.shape_cast %swap3A_219 : vector<1x16xf32> to vector<16xf32>
      %swap3A_221 = vector.shape_cast %broadcast_in_dim3A_216 : vector<16xf32> to vector<1x16xf32>
      tpu.vector_store %arg15[%swap3A_217, %swap3A_218], %swap3A_221 {strides = array<i32>} : memref<80x128xf32, #tpu.memory_space<vmem>>, vector<1x16xf32>,
      %broadcast_in_dim3A_222 = arith.constant 1.000000e+00 : f32
      %broadcast_in_dim3A_223 = vector.broadcast %broadcast_in_dim3A_222 : f32 to vector<16xf32>
      %swap3A_224 = arith.index_cast %scan3A_173 : i32 to index
      %swap3A_225 = arith.constant 112 : index
      %swap3A_226 = tpu.vector_load %arg15[%swap3A_224, %swap3A_225] {strides = array<i32>} : memref<80x128xf32, #tpu.memory_space<vmem>>, vector<1x16xf32>,
      %swap3A_227 = vector.shape_cast %swap3A_226 : vector<1x16xf32> to vector<16xf32>
      %swap3A_228 = vector.shape_cast %broadcast_in_dim3A_223 : vector<16xf32> to vector<1x16xf32>
      tpu.vector_store %arg15[%swap3A_224, %swap3A_225], %swap3A_228 {strides = array<i32>} : memref<80x128xf32, #tpu.memory_space<vmem>>, vector<1x16xf32>,
      %scan3A_229 = arith.constant 0 : i32
      scf.yield %scan3A_229 : i32
    }
    %scan3A_132 = arith.constant 80 : i32
    %barrier3A_133 = arith.constant 0 : index
    tpu.barrier barrier_id(%barrier3A_133)
    %mul3A_134 = arith.constant 126 : i32
    %mul3A_135 = arith.muli %add3A, %mul3A_134 : i32
    %add3A_136 = arith.constant 0 : i32
    %add3A_137 = arith.addi %mul3A_135, %add3A_136 : i32
    %mul3A_138 = arith.constant 80 : i32
    %mul3A_139 = arith.muli %add3A_137, %mul3A_138 : i32
    %dma_start3A_140 = tpu.memref_slice %arg6[%mul3A_139] : memref<322560xi32, #tpu.memory_space<hbm>> -> memref<80xi32, #tpu.memory_space<hbm>>
    %dma_start3A_141 = tpu.memref_slice %arg6[%mul3A_139] : memref<322560xi32, #tpu.memory_space<hbm>> -> memref<80xi32, #tpu.memory_space<hbm>>
    tpu.enqueue_dma source(%dma_start3A_141 : memref<80xi32, #tpu.memory_space<hbm>>) target(%arg13 : memref<80xi32, #tpu.memory_space<vmem>>) target_semaphore(%arg20 : memref<!tpu.dma_semaphore, #tpu.memory_space<semaphore_mem>>)
    %dma_wait3A_142 = arith.constant 0 : i32
    %dma_wait3A_143 = tpu.memref_slice %arg6[%dma_wait3A_142] : memref<322560xi32, #tpu.memory_space<hbm>> -> memref<80xi32, #tpu.memory_space<hbm>>
    %dma_wait3A_144 = arith.constant 0 : i32
    %dma_wait3A_145 = tpu.memref_slice %arg6[%dma_wait3A_144] : memref<322560xi32, #tpu.memory_space<hbm>> -> memref<80xi32, #tpu.memory_space<hbm>>
    tpu.wait_dma2 semaphore(%arg20 : memref<!tpu.dma_semaphore, #tpu.memory_space<semaphore_mem>>) src(%dma_wait3A_145 : memref<80xi32, #tpu.memory_space<hbm>>) dst(%arg13 : memref<80xi32, #tpu.memory_space<vmem>>)
    %mul3A_146 = arith.constant 126 : i32
    %mul3A_147 = arith.muli %add3A, %mul3A_146 : i32
    %add3A_148 = arith.constant 1 : i32
    %add3A_149 = arith.addi %mul3A_147, %add3A_148 : i32
    %mul3A_150 = arith.constant 80 : i32
    %mul3A_151 = arith.muli %add3A_149, %mul3A_150 : i32
    %dma_start3A_152 = tpu.memref_slice %arg6[%mul3A_151] : memref<322560xi32, #tpu.memory_space<hbm>> -> memref<80xi32, #tpu.memory_space<hbm>>
    %dma_start3A_153 = tpu.memref_slice %arg6[%mul3A_151] : memref<322560xi32, #tpu.memory_space<hbm>> -> memref<80xi32, #tpu.memory_space<hbm>>
    tpu.enqueue_dma source(%dma_start3A_153 : memref<80xi32, #tpu.memory_space<hbm>>) target(%arg14 : memref<80xi32, #tpu.memory_space<vmem>>) target_semaphore(%arg21 : memref<!tpu.dma_semaphore, #tpu.memory_space<semaphore_mem>>)
    %scan3A_154 = arith.constant 0 : i32
    %scan3A_155 = arith.constant 0 : i32
    %scan3A_156 = arith.constant 63 : i32
    %scan3A_157 = arith.addi %scan3A_155, %scan3A_156 : i32
    %scan3A_158 = arith.constant 1 : i32
    %scan3A_159 = scf.for %scan3A_173 = %scan3A_155 to %scan3A_157 step %scan3A_158 iter_args(%scan3A_174 = %scan3A_154) -> (i32)  : i32 {
      %mul3A_175 = arith.constant 2 : i32
      %mul3A_176 = arith.muli %mul3A_175, %scan3A_173 : i32
      %add3A_177 = arith.constant 2 : i32
      %add3A_178 = arith.addi %mul3A_176, %add3A_177 : i32
      %min3A = arith.constant 125 : i32
      %min3A_179 = arith.minsi %add3A_178, %min3A : i32
      %dma_wait3A_180 = arith.constant 0 : i32
      %dma_wait3A_181 = tpu.memref_slice %arg6[%dma_wait3A_180] : memref<322560xi32, #tpu.memory_space<hbm>> -> memref<80xi32, #tpu.memory_space<hbm>>
      %dma_wait3A_182 = arith.constant 0 : i32
      %dma_wait3A_183 = tpu.memref_slice %arg6[%dma_wait3A_182] : memref<322560xi32, #tpu.memory_space<hbm>> -> memref<80xi32, #tpu.memory_space<hbm>>
      tpu.wait_dma2 semaphore(%arg21 : memref<!tpu.dma_semaphore, #tpu.memory_space<semaphore_mem>>) src(%dma_wait3A_183 : memref<80xi32, #tpu.memory_space<hbm>>) dst(%arg14 : memref<80xi32, #tpu.memory_space<vmem>>)
      "tpu.region"() ({
        %run_scoped3A = tpu.sem_alloc : memref<!tpu.dma_semaphore, #tpu.memory_space<semaphore_mem>>
        %dma_start3A_209 = arith.constant 0 : i32
        %dma_start3A_210 = arith.constant 0 : i32
        %dma_start3A_211 = tpu.memref_slice %arg19[%dma_start3A_209, %dma_start3A_210] : memref<10240x128xf32, #tpu.memory_space<vmem_shared>> -> memref<10240x128xf32, #tpu.memory_space<vmem_shared>>
        tpu.enqueue_indirect_dma source(%arg15 : memref<80x128xf32, #tpu.memory_space<vmem>>) target(%dma_start3A_211 : memref<10240x128xf32, #tpu.memory_space<vmem_shared>>) offsets(%arg13 : memref<80xi32, #tpu.memory_space<vmem>>) semaphore(%run_scoped3A : memref<!tpu.dma_semaphore, #tpu.memory_space<semaphore_mem>>) {add = true}
        %dma_wait3A_212 = arith.constant 0 : i32
        %dma_wait3A_213 = arith.constant 0 : i32
        %dma_wait3A_214 = tpu.memref_slice %arg19[%dma_wait3A_212, %dma_wait3A_213] : memref<10240x128xf32, #tpu.memory_space<vmem_shared>> -> memref<10240x128xf32, #tpu.memory_space<vmem_shared>>
        tpu.wait_indirect_dma semaphore(%run_scoped3A : memref<!tpu.dma_semaphore, #tpu.memory_space<semaphore_mem>>) src(%arg15 : memref<80x128xf32, #tpu.memory_space<vmem>>) dst(%dma_wait3A_214 : memref<10240x128xf32, #tpu.memory_space<vmem_shared>>)
        tpu.yield
      }) : () -> ()
      %mul3A_184 = arith.constant 126 : i32
      %mul3A_185 = arith.muli %add3A, %mul3A_184 : i32
      %add3A_186 = arith.addi %mul3A_185, %min3A_179 : i32
      %mul3A_187 = arith.constant 80 : i32
      %mul3A_188 = arith.muli %add3A_186, %mul3A_187 : i32
      %dma_start3A_189 = tpu.memref_slice %arg6[%mul3A_188] : memref<322560xi32, #tpu.memory_space<hbm>> -> memref<80xi32, #tpu.memory_space<hbm>>
      %dma_start3A_190 = tpu.memref_slice %arg6[%mul3A_188] : memref<322560xi32, #tpu.memory_space<hbm>> -> memref<80xi32, #tpu.memory_space<hbm>>
      tpu.enqueue_dma source(%dma_start3A_190 : memref<80xi32, #tpu.memory_space<hbm>>) target(%arg13 : memref<80xi32, #tpu.memory_space<vmem>>) target_semaphore(%arg20 : memref<!tpu.dma_semaphore, #tpu.memory_space<semaphore_mem>>)
      %mul3A_191 = arith.constant 2 : i32
      %mul3A_192 = arith.muli %mul3A_191, %scan3A_173 : i32
      %add3A_193 = arith.constant 3 : i32
      %add3A_194 = arith.addi %mul3A_192, %add3A_193 : i32
      %min3A_195 = arith.constant 125 : i32
      %min3A_196 = arith.minsi %add3A_194, %min3A_195 : i32
      %dma_wait3A_197 = arith.constant 0 : i32
      %dma_wait3A_198 = tpu.memref_slice %arg6[%dma_wait3A_197] : memref<322560xi32, #tpu.memory_space<hbm>> -> memref<80xi32, #tpu.memory_space<hbm>>
      %dma_wait3A_199 = arith.constant 0 : i32
      %dma_wait3A_200 = tpu.memref_slice %arg6[%dma_wait3A_199] : memref<322560xi32, #tpu.memory_space<hbm>> -> memref<80xi32, #tpu.memory_space<hbm>>
      tpu.wait_dma2 semaphore(%arg20 : memref<!tpu.dma_semaphore, #tpu.memory_space<semaphore_mem>>) src(%dma_wait3A_200 : memref<80xi32, #tpu.memory_space<hbm>>) dst(%arg13 : memref<80xi32, #tpu.memory_space<vmem>>)
      "tpu.region"() ({
        %run_scoped3A = tpu.sem_alloc : memref<!tpu.dma_semaphore, #tpu.memory_space<semaphore_mem>>
        %dma_start3A_209 = arith.constant 0 : i32
        %dma_start3A_210 = arith.constant 0 : i32
        %dma_start3A_211 = tpu.memref_slice %arg19[%dma_start3A_209, %dma_start3A_210] : memref<10240x128xf32, #tpu.memory_space<vmem_shared>> -> memref<10240x128xf32, #tpu.memory_space<vmem_shared>>
        tpu.enqueue_indirect_dma source(%arg15 : memref<80x128xf32, #tpu.memory_space<vmem>>) target(%dma_start3A_211 : memref<10240x128xf32, #tpu.memory_space<vmem_shared>>) offsets(%arg14 : memref<80xi32, #tpu.memory_space<vmem>>) semaphore(%run_scoped3A : memref<!tpu.dma_semaphore, #tpu.memory_space<semaphore_mem>>) {add = true}
        %dma_wait3A_212 = arith.constant 0 : i32
        %dma_wait3A_213 = arith.constant 0 : i32
        %dma_wait3A_214 = tpu.memref_slice %arg19[%dma_wait3A_212, %dma_wait3A_213] : memref<10240x128xf32, #tpu.memory_space<vmem_shared>> -> memref<10240x128xf32, #tpu.memory_space<vmem_shared>>
        tpu.wait_indirect_dma semaphore(%run_scoped3A : memref<!tpu.dma_semaphore, #tpu.memory_space<semaphore_mem>>) src(%arg15 : memref<80x128xf32, #tpu.memory_space<vmem>>) dst(%dma_wait3A_214 : memref<10240x128xf32, #tpu.memory_space<vmem_shared>>)
        tpu.yield
      }) : () -> ()
      %mul3A_201 = arith.constant 126 : i32
      %mul3A_202 = arith.muli %add3A, %mul3A_201 : i32
      %add3A_203 = arith.addi %mul3A_202, %min3A_196 : i32
      %mul3A_204 = arith.constant 80 : i32
      %mul3A_205 = arith.muli %add3A_203, %mul3A_204 : i32
      %dma_start3A_206 = tpu.memref_slice %arg6[%mul3A_205] : memref<322560xi32, #tpu.memory_space<hbm>> -> memref<80xi32, #tpu.memory_space<hbm>>
      %dma_start3A_207 = tpu.memref_slice %arg6[%mul3A_205] : memref<322560xi32, #tpu.memory_space<hbm>> -> memref<80xi32, #tpu.memory_space<hbm>>
      tpu.enqueue_dma source(%dma_start3A_207 : memref<80xi32, #tpu.memory_space<hbm>>) target(%arg14 : memref<80xi32, #tpu.memory_space<vmem>>) target_semaphore(%arg21 : memref<!tpu.dma_semaphore, #tpu.memory_space<semaphore_mem>>)
      %scan3A_208 = arith.constant 0 : i32
      scf.yield %scan3A_208 : i32
    }
    %scan3A_160 = arith.constant 63 : i32
    %dma_wait3A_161 = arith.constant 0 : i32
    %dma_wait3A_162 = tpu.memref_slice %arg6[%dma_wait3A_161] : memref<322560xi32, #tpu.memory_space<hbm>> -> memref<80xi32, #tpu.memory_space<hbm>>
    %dma_wait3A_163 = arith.constant 0 : i32
    %dma_wait3A_164 = tpu.memref_slice %arg6[%dma_wait3A_163] : memref<322560xi32, #tpu.memory_space<hbm>> -> memref<80xi32, #tpu.memory_space<hbm>>
    tpu.wait_dma2 semaphore(%arg21 : memref<!tpu.dma_semaphore, #tpu.memory_space<semaphore_mem>>) src(%dma_wait3A_164 : memref<80xi32, #tpu.memory_space<hbm>>) dst(%arg14 : memref<80xi32, #tpu.memory_space<vmem>>)
    %barrier3A_165 = arith.constant 0 : index
    tpu.barrier barrier_id(%barrier3A_165)
    %scan3A_166 = arith.constant 0 : i32
    %scan3A_167 = arith.constant 0 : i32
    %scan3A_168 = arith.constant 8 : i32
    %scan3A_169 = arith.addi %scan3A_167, %scan3A_168 : i32
    %scan3A_170 = arith.constant 1 : i32
    %scan3A_171 = scf.for %scan3A_173 = %scan3A_167 to %scan3A_169 step %scan3A_170 iter_args(%scan3A_174 = %scan3A_166) -> (i32)  : i32 {
      %mul3A_175 = arith.constant 16 : i32
      %mul3A_176 = arith.muli %mul3A_175, %scan3A_173 : i32
      %add3A_177 = arith.addi %arg1, %mul3A_176 : i32
      %mul3A_178 = arith.constant 80 : i32
      %mul3A_179 = arith.muli %add3A_177, %mul3A_178 : i32
      %mul3A_180 = arith.constant 10240 : i32
      %mul3A_181 = arith.muli %arg0, %mul3A_180 : i32
      %add3A_182 = arith.addi %mul3A_181, %mul3A_179 : i32
      "tpu.region"() ({
        %run_scoped3A = tpu.sem_alloc : memref<!tpu.dma_semaphore, #tpu.memory_space<semaphore_mem>>
        %dma_start3A_184 = arith.constant 0 : i32
        %dma_start3A_185 = tpu.memref_slice %arg10[%add3A_182, %dma_start3A_184] : memref<20480x128xf32, #tpu.memory_space<hbm>> -> memref<80x128xf32, #tpu.memory_space<hbm>>
        %dma_start3A_186 = arith.constant 0 : i32
        %dma_start3A_187 = tpu.memref_slice %arg19[%mul3A_179, %dma_start3A_186] : memref<10240x128xf32, #tpu.memory_space<vmem_shared>> -> memref<80x128xf32, #tpu.memory_space<vmem_shared>>
        tpu.enqueue_dma source(%dma_start3A_187 : memref<80x128xf32, #tpu.memory_space<vmem_shared>>) target(%dma_start3A_185 : memref<80x128xf32, #tpu.memory_space<hbm>>) target_semaphore(%run_scoped3A : memref<!tpu.dma_semaphore, #tpu.memory_space<semaphore_mem>>)
        %dma_wait3A_188 = arith.constant 0 : i32
        %dma_wait3A_189 = tpu.memref_slice %arg10[%add3A_182, %dma_wait3A_188] : memref<20480x128xf32, #tpu.memory_space<hbm>> -> memref<80x128xf32, #tpu.memory_space<hbm>>
        %dma_wait3A_190 = arith.constant 0 : i32
        %dma_wait3A_191 = tpu.memref_slice %arg19[%mul3A_179, %dma_wait3A_190] : memref<10240x128xf32, #tpu.memory_space<vmem_shared>> -> memref<80x128xf32, #tpu.memory_space<vmem_shared>>
        tpu.wait_dma2 semaphore(%run_scoped3A : memref<!tpu.dma_semaphore, #tpu.memory_space<semaphore_mem>>) src(%dma_wait3A_191 : memref<80x128xf32, #tpu.memory_space<vmem_shared>>) dst(%dma_wait3A_189 : memref<80x128xf32, #tpu.memory_space<hbm>>)
        tpu.yield
      }) : () -> ()
      %scan3A_183 = arith.constant 0 : i32
      scf.yield %scan3A_183 : i32
    }
    %scan3A_172 = arith.constant 8 : i32
    return
  }
}

module attributes {stable_mosaic.version = 14 : i64} {
  func.func @_pre_body(%arg0: i32, %arg1: memref<384x128xf32, #tpu.memory_space<vmem>>, %arg2: memref<128x384xf32, #tpu.memory_space<vmem>>, %arg3: memref<384x128xf32, #tpu.memory_space<vmem>>, %arg4: memref<384x128xf32, #tpu.memory_space<vmem>>) attributes {dimension_semantics = [#tpu.dimension_semantics<arbitrary>], iteration_bounds = array<i64: 27>, scalar_prefetch = 0 : i64, scratch_operands = 0 : i64, tpu.core_type = #tpu.core_type<tc>, window_params = [{transform_indices = @transform_0, window_bounds = array<i64: 384, 128>}, {pipeline_mode = #tpu.pipeline_mode<synchronous>, transform_indices = @transform_1, window_bounds = array<i64: 128, 384>}, {transform_indices = @transform_2, window_bounds = array<i64: 384, 128>}, {transform_indices = @transform_3, window_bounds = array<i64: 384, 128>}]} {
    %get3A = arith.constant 0 : index
    %get3A_0 = arith.constant 0 : index
    %get3A_1 = vector.load %arg2[%get3A, %get3A_0] : memref<128x384xf32, #tpu.memory_space<vmem>>, vector<128x128xf32>
    %get3A_2 = arith.constant 0 : index
    %get3A_3 = arith.constant 128 : index
    %get3A_4 = vector.load %arg2[%get3A_2, %get3A_3] : memref<128x384xf32, #tpu.memory_space<vmem>>, vector<128x128xf32>
    %get3A_5 = arith.constant 0 : index
    %get3A_6 = arith.constant 256 : index
    %get3A_7 = vector.load %arg2[%get3A_5, %get3A_6] : memref<128x384xf32, #tpu.memory_space<vmem>>, vector<128x128xf32>
    %get3A_8 = arith.constant 0 : index
    %get3A_9 = arith.constant 0 : index
    %get3A_10 = vector.load %arg1[%get3A_8, %get3A_9] : memref<384x128xf32, #tpu.memory_space<vmem>>, vector<384x128xf32>
    %add3A = arith.addf %get3A_1, %get3A_7 : vector<128x128xf32>
    %dot_general3A = arith.constant dense<0.000000e+00> : vector<384x128xf32>
    %dot_general3A_11 = tpu.matmul %get3A_10, %add3A, %dot_general3A {dimension_numbers = #tpu.dot_dimension_numbers<[1], [1], [0], [0], [0, 0, 1, 0], [], []>, transpose_lhs_hint = false} : vector<384x128xf32>, vector<128x128xf32>, vector<384x128xf32> -> vector<384x128xf32>
    %swap3A = arith.constant 0 : index
    %swap3A_12 = arith.constant 0 : index
    %swap3A_13 = vector.load %arg3[%swap3A, %swap3A_12] : memref<384x128xf32, #tpu.memory_space<vmem>>, vector<384x128xf32>
    tpu.vector_store %arg3[%swap3A, %swap3A_12], %dot_general3A_11 {strides = array<i32>} : memref<384x128xf32, #tpu.memory_space<vmem>>, vector<384x128xf32>,
    %sub3A = arith.subf %get3A_4, %get3A_7 : vector<128x128xf32>
    %dot_general3A_14 = arith.constant dense<0.000000e+00> : vector<384x128xf32>
    %dot_general3A_15 = tpu.matmul %get3A_10, %sub3A, %dot_general3A_14 {dimension_numbers = #tpu.dot_dimension_numbers<[1], [1], [0], [0], [0, 0, 1, 0], [], []>, transpose_lhs_hint = false} : vector<384x128xf32>, vector<128x128xf32>, vector<384x128xf32> -> vector<384x128xf32>
    %swap3A_16 = arith.constant 0 : index
    %swap3A_17 = arith.constant 0 : index
    %swap3A_18 = vector.load %arg4[%swap3A_16, %swap3A_17] : memref<384x128xf32, #tpu.memory_space<vmem>>, vector<384x128xf32>
    tpu.vector_store %arg4[%swap3A_16, %swap3A_17], %dot_general3A_15 {strides = array<i32>} : memref<384x128xf32, #tpu.memory_space<vmem>>, vector<384x128xf32>,
    return
  }
  func.func @transform_0(%arg0: i32) -> (i32, i32) {
    %c0_i32 = arith.constant 0 : i32
    %c0_i32_0 = arith.constant 0 : i32
    return %arg0, %c0_i32 : i32, i32
  }
  func.func @transform_1(%arg0: i32) -> (i32, i32) {
    %c0_i32 = arith.constant 0 : i32
    %c0_i32_0 = arith.constant 0 : i32
    %c0_i32_1 = arith.constant 0 : i32
    return %c0_i32, %c0_i32_0 : i32, i32
  }
  func.func @transform_2(%arg0: i32) -> (i32, i32) {
    %c0_i32 = arith.constant 0 : i32
    %c0_i32_0 = arith.constant 0 : i32
    return %arg0, %c0_i32 : i32, i32
  }
  func.func @transform_3(%arg0: i32) -> (i32, i32) {
    %c0_i32 = arith.constant 0 : i32
    %c0_i32_0 = arith.constant 0 : i32
    return %arg0, %c0_i32 : i32, i32
  }
}

module attributes {stable_mosaic.version = 14 : i64} {
  func.func @_post_body(%arg0: i32, %arg1: memref<384x128xf32, #tpu.memory_space<vmem>>, %arg2: memref<384x128xf32, #tpu.memory_space<vmem>>, %arg3: memref<384x128xf32, #tpu.memory_space<vmem>>, %arg4: memref<384x128xf32, #tpu.memory_space<vmem>>, %arg5: memref<384x128xf32, #tpu.memory_space<vmem>>, %arg6: memref<384x128xf32, #tpu.memory_space<vmem>>, %arg7: memref<384x128xf32, #tpu.memory_space<vmem>>, %arg8: memref<128x128xf32, #tpu.memory_space<vmem>>, %arg9: memref<128x256xf32, #tpu.memory_space<vmem>>, %arg10: memref<128x128xf32, #tpu.memory_space<vmem>>, %arg11: memref<384x128xf32, #tpu.memory_space<vmem>>) attributes {dimension_semantics = [#tpu.dimension_semantics<arbitrary>], iteration_bounds = array<i64: 27>, scalar_prefetch = 0 : i64, scratch_operands = 0 : i64, tpu.core_type = #tpu.core_type<tc>, window_params = [{transform_indices = @transform_0, window_bounds = array<i64: 384, 128>}, {transform_indices = @transform_1, window_bounds = array<i64: 384, 128>}, {transform_indices = @transform_2, window_bounds = array<i64: 384, 128>}, {transform_indices = @transform_3, window_bounds = array<i64: 384, 128>}, {transform_indices = @transform_4, window_bounds = array<i64: 384, 128>}, {transform_indices = @transform_5, window_bounds = array<i64: 384, 128>}, {transform_indices = @transform_6, window_bounds = array<i64: 384, 128>}, {pipeline_mode = #tpu.pipeline_mode<synchronous>, transform_indices = @transform_7, window_bounds = array<i64: 128, 128>}, {pipeline_mode = #tpu.pipeline_mode<synchronous>, transform_indices = @transform_8, window_bounds = array<i64: 128, 256>}, {pipeline_mode = #tpu.pipeline_mode<synchronous>, transform_indices = @transform_9, window_bounds = array<i64: 128, 128>}, {transform_indices = @transform_10, window_bounds = array<i64: 384, 128>}]} {
    %get3A = arith.constant 0 : index
    %get3A_0 = arith.constant 0 : index
    %get3A_1 = vector.load %arg1[%get3A, %get3A_0] : memref<384x128xf32, #tpu.memory_space<vmem>>, vector<384x128xf32>
    %get3A_2 = arith.constant 0 : index
    %get3A_3 = arith.constant 0 : index
    %get3A_4 = vector.load %arg2[%get3A_2, %get3A_3] : memref<384x128xf32, #tpu.memory_space<vmem>>, vector<384x128xf32>
    %get3A_5 = arith.constant 0 : index
    %get3A_6 = arith.constant 0 : index
    %get3A_7 = vector.load %arg3[%get3A_5, %get3A_6] : memref<384x128xf32, #tpu.memory_space<vmem>>, vector<384x128xf32>
    %add3A = arith.addf %get3A_4, %get3A_7 : vector<384x128xf32>
    %get3A_8 = arith.constant 0 : index
    %get3A_9 = arith.constant 0 : index
    %get3A_10 = vector.load %arg4[%get3A_8, %get3A_9] : memref<384x128xf32, #tpu.memory_space<vmem>>, vector<384x128xf32>
    %get3A_11 = arith.constant 0 : index
    %get3A_12 = arith.constant 0 : index
    %get3A_13 = vector.load %arg5[%get3A_11, %get3A_12] : memref<384x128xf32, #tpu.memory_space<vmem>>, vector<384x128xf32>
    %add3A_14 = arith.addf %get3A_10, %get3A_13 : vector<384x128xf32>
    %get3A_15 = arith.constant 0 : index
    %get3A_16 = arith.constant 0 : index
    %get3A_17 = vector.load %arg6[%get3A_15, %get3A_16] : memref<384x128xf32, #tpu.memory_space<vmem>>, vector<384x128xf32>
    %get3A_18 = arith.constant 0 : index
    %get3A_19 = arith.constant 0 : index
    %get3A_20 = vector.load %arg7[%get3A_18, %get3A_19] : memref<384x128xf32, #tpu.memory_space<vmem>>, vector<384x128xf32>
    %add3A_21 = arith.addf %get3A_17, %get3A_20 : vector<384x128xf32>
    %slice3A = vector.extract_strided_slice %add3A_21 {offsets = [0, 0], sizes = [384, 1], strides = [1, 1]} : vector<384x128xf32> to vector<384x1xf32>
    %mul3A = vector.broadcast %slice3A : vector<384x1xf32> to vector<384x128xf32>
    %mul3A_22 = arith.mulf %mul3A, %get3A_1 : vector<384x128xf32>
    %sub3A = arith.subf %add3A_14, %mul3A_22 : vector<384x128xf32>
    %get3A_23 = arith.constant 0 : index
    %get3A_24 = arith.constant 0 : index
    %get3A_25 = vector.load %arg8[%get3A_23, %get3A_24] : memref<128x128xf32, #tpu.memory_space<vmem>>, vector<128x128xf32>
    %dot_general3A = arith.constant dense<0.000000e+00> : vector<384x128xf32>
    %dot_general3A_26 = tpu.matmul %add3A, %get3A_25, %dot_general3A {dimension_numbers = #tpu.dot_dimension_numbers<[1], [1], [0], [0], [0, 0, 1, 0], [], []>, transpose_lhs_hint = false} : vector<384x128xf32>, vector<128x128xf32>, vector<384x128xf32> -> vector<384x128xf32>
    %add3A_27 = arith.addf %sub3A, %dot_general3A_26 : vector<384x128xf32>
    %max3A = arith.constant 1.000000e+00 : f32
    %max3A_28 = vector.broadcast %max3A : f32 to vector<384x1xf32>
    %max3A_29 = arith.maximumf %slice3A, %max3A_28 : vector<384x1xf32>
    %div3A = vector.broadcast %max3A_29 : vector<384x1xf32> to vector<384x128xf32>
    %div3A_30 = arith.divf %add3A_27, %div3A : vector<384x128xf32>
    %get3A_31 = arith.constant 0 : index
    %get3A_32 = arith.constant 0 : index
    %get3A_33 = vector.load %arg9[%get3A_31, %get3A_32] : memref<128x256xf32, #tpu.memory_space<vmem>>, vector<128x128xf32>
    %get3A_34 = arith.constant 0 : index
    %get3A_35 = arith.constant 128 : index
    %get3A_36 = vector.load %arg9[%get3A_34, %get3A_35] : memref<128x256xf32, #tpu.memory_space<vmem>>, vector<128x128xf32>
    %dot_general3A_37 = arith.constant dense<0.000000e+00> : vector<384x128xf32>
    %dot_general3A_38 = tpu.matmul %get3A_1, %get3A_33, %dot_general3A_37 {dimension_numbers = #tpu.dot_dimension_numbers<[1], [1], [0], [0], [0, 0, 1, 0], [], []>, transpose_lhs_hint = false} : vector<384x128xf32>, vector<128x128xf32>, vector<384x128xf32> -> vector<384x128xf32>
    %dot_general3A_39 = arith.constant dense<0.000000e+00> : vector<384x128xf32>
    %dot_general3A_40 = tpu.matmul %div3A_30, %get3A_36, %dot_general3A_39 {dimension_numbers = #tpu.dot_dimension_numbers<[1], [1], [0], [0], [0, 0, 1, 0], [], []>, transpose_lhs_hint = false} : vector<384x128xf32>, vector<128x128xf32>, vector<384x128xf32> -> vector<384x128xf32>
    %add3A_41 = arith.addf %dot_general3A_38, %dot_general3A_40 : vector<384x128xf32>
    %gt3A = arith.constant 0.000000e+00 : f32
    %gt3A_42 = vector.broadcast %gt3A : f32 to vector<384x128xf32>
    %gt3A_43 = arith.cmpf ogt, %add3A_41, %gt3A_42 : vector<384x128xf32>
    %exp3A = math.exp %add3A_41 : vector<384x128xf32>
    %sub3A_44 = arith.constant 1.000000e+00 : f32
    %sub3A_45 = vector.broadcast %sub3A_44 : f32 to vector<384x128xf32>
    %sub3A_46 = arith.subf %exp3A, %sub3A_45 : vector<384x128xf32>
    %select_n3A = arith.select %gt3A_43, %add3A_41, %sub3A_46 : vector<384x128xi1>, vector<384x128xf32>
    %get3A_47 = arith.constant 0 : index
    %get3A_48 = arith.constant 0 : index
    %get3A_49 = vector.load %arg10[%get3A_47, %get3A_48] : memref<128x128xf32, #tpu.memory_space<vmem>>, vector<128x128xf32>
    %dot_general3A_50 = arith.constant dense<0.000000e+00> : vector<384x128xf32>
    %dot_general3A_51 = tpu.matmul %select_n3A, %get3A_49, %dot_general3A_50 {dimension_numbers = #tpu.dot_dimension_numbers<[1], [1], [0], [0], [0, 0, 1, 0], [], []>, transpose_lhs_hint = false} : vector<384x128xf32>, vector<128x128xf32>, vector<384x128xf32> -> vector<384x128xf32>
    %add3A_52 = arith.addf %get3A_1, %dot_general3A_51 : vector<384x128xf32>
    %swap3A = arith.constant 0 : index
    %swap3A_53 = arith.constant 0 : index
    %swap3A_54 = vector.load %arg11[%swap3A, %swap3A_53] : memref<384x128xf32, #tpu.memory_space<vmem>>, vector<384x128xf32>
    tpu.vector_store %arg11[%swap3A, %swap3A_53], %add3A_52 {strides = array<i32>} : memref<384x128xf32, #tpu.memory_space<vmem>>, vector<384x128xf32>,
    return
  }
  func.func @transform_0(%arg0: i32) -> (i32, i32) {
    %c0_i32 = arith.constant 0 : i32
    %c0_i32_0 = arith.constant 0 : i32
    return %arg0, %c0_i32 : i32, i32
  }
  func.func @transform_1(%arg0: i32) -> (i32, i32) {
    %c0_i32 = arith.constant 0 : i32
    %c0_i32_0 = arith.constant 0 : i32
    return %arg0, %c0_i32 : i32, i32
  }
  func.func @transform_2(%arg0: i32) -> (i32, i32) {
    %c0_i32 = arith.constant 0 : i32
    %c0_i32_0 = arith.constant 0 : i32
    return %arg0, %c0_i32 : i32, i32
  }
  func.func @transform_3(%arg0: i32) -> (i32, i32) {
    %c0_i32 = arith.constant 0 : i32
    %c0_i32_0 = arith.constant 0 : i32
    return %arg0, %c0_i32 : i32, i32
  }
  func.func @transform_4(%arg0: i32) -> (i32, i32) {
    %c0_i32 = arith.constant 0 : i32
    %c0_i32_0 = arith.constant 0 : i32
    return %arg0, %c0_i32 : i32, i32
  }
  func.func @transform_5(%arg0: i32) -> (i32, i32) {
    %c0_i32 = arith.constant 0 : i32
    %c0_i32_0 = arith.constant 0 : i32
    return %arg0, %c0_i32 : i32, i32
  }
  func.func @transform_6(%arg0: i32) -> (i32, i32) {
    %c0_i32 = arith.constant 0 : i32
    %c0_i32_0 = arith.constant 0 : i32
    return %arg0, %c0_i32 : i32, i32
  }
  func.func @transform_7(%arg0: i32) -> (i32, i32) {
    %c0_i32 = arith.constant 0 : i32
    %c0_i32_0 = arith.constant 0 : i32
    %c0_i32_1 = arith.constant 0 : i32
    return %c0_i32, %c0_i32_0 : i32, i32
  }
  func.func @transform_8(%arg0: i32) -> (i32, i32) {
    %c0_i32 = arith.constant 0 : i32
    %c0_i32_0 = arith.constant 0 : i32
    %c0_i32_1 = arith.constant 0 : i32
    return %c0_i32, %c0_i32_0 : i32, i32
  }
  func.func @transform_9(%arg0: i32) -> (i32, i32) {
    %c0_i32 = arith.constant 0 : i32
    %c0_i32_0 = arith.constant 0 : i32
    %c0_i32_1 = arith.constant 0 : i32
    return %c0_i32, %c0_i32_0 : i32, i32
  }
  func.func @transform_10(%arg0: i32) -> (i32, i32) {
    %c0_i32 = arith.constant 0 : i32
    %c0_i32_0 = arith.constant 0 : i32
    return %arg0, %c0_i32 : i32, i32
  }
}

</mosaic_0001>

<sc_bundles>
// kernel: kernel.5.cloned.1.call-start
scs
__scs_entry_jumppad:
0x0: {  	(pc) =	sbr.rel $0x88, $3  }
0x1: {  	(tag) =	ssettag $0x0;
	lr =	simm.s32 $0x1  }
0x2: {  	[smem:$0x3F9B] =	sst lr;
	_ =	strace $0xD0000000  }
0x3: {  	_ = 	snop  }
0x4: {  	_ = 	snop  }
0x5: {  	_ = 	snop  }
0x6: {  	_ = 	snop  }
0x7: {  	_ = 	snop  }
__scs_overlays_trampoline_lowered:
0x8: {  	[smem:$0x3FAA] =	sst s0  }
0x9: {  	[smem:$0x3FAB] =	sst s1  }
0xa: {  	[smem:$0x3FAC] =	sst s2  }
0xb: {  	[smem:$0x3FAD] =	sst s3  }
0xc: {  	[smem:$0x3FAE] =	sst s4  }
0xd: {  	[smem:$0x3FAF] =	sst s5  }
0xe: {  	[smem:$0x3FB0] =	sst s6  }
0xf: {  	[smem:$0x3FB1] =	sst s7  }
0x10: {  	[smem:$0x3FB2] =	sst s8  }
0x11: {  	[smem:$0x3FB3] =	sst s9;
	s0 =	simm.s32 @!p0 $0x0  }
0x12: {  	s1 =	sld [smem:$0x3F99];
	s0 =	simm.s32 @p0 $0x1  }
0x13: {  	[smem:$0x3FB4] =	sst s0;
	s0 =	simm.s32 @!p1 $0x0  }
0x14: {  	s2 =	sld [smem:$0x3F98];
	s0 =	simm.s32 @p1 $0x1  }
0x15: {  	[smem:$0x3FB5] =	sst s0;
	s0 =	simm.s32 @!p2 $0x0  }
0x16: {  	s3 =	sld [smem:$0x3FDB];
	s0 =	simm.s32 @p2 $0x1  }
0x17: {  	s4 =	simm.s32 $0x1BF5;
	[smem:$0x3FB7] =	sst s0  }
0x18: {  	s0 =	sld [smem:$0x3F9A];
	_ =	swait.ge [sflag:s4], $0x0  }
0x19: {  	s7 =	sld [smem:$0x3F9B]  }
0x1a: {  	s8 =	sadd.s32 $0xFFFFE003, lr  }
0x1b: {  	s9 =	sadd.s32 $0xFFFFFEF7, lr;
	s5 =	simm.s32 $0xFFFFFFFF;
	p2 =	slt.u32 s8, $0xFFFFF086  }
0x1c: {  	p1 =	slt.u32 s9, $0xF7A;
	s5 =	simm.s32 @!p2 $0x0  }
0x1d: {  	s5 =	simm.s32 @p1 $0x1;
	p0 =	seq.s32 s7, s2  }
0x1e: {  	s7 =	smul.u32 @!p0 $0xF7A, s2;
	p2 =	seq.s32 @!p0 s5, $0x0  }
0x1f: {  	s9 =	smul.u32 $0xF7A, s1;
	s8 =	simm.s32 @!p0 $0x1BF5;
	p2 =	por !p2, p0  }
0x20: {  	[sflag:s8] =	ssyncset.s32 @!p0 $0xFFFFF086;
	s6 =	sadd.s32 @!p0 s3, s7;
	s7 =	simm.s32 @!p0 $0x108  }
0x21: {  	s3 =	sadd.s32 s3, s9;
	s6 =	sadd.s32 @!p0 $0x88, s6;
	s7 =	simm.s32 @p2 $0x1082  }
0x22: {  	[simem:s7], [sflag:s8] =	dma.local @!p0 [hbm:s6], $0xF7A  }
0x23: {  	s9 =	sor.u32 $0xD0000000, s2;
	s6 =	simm.s32 $0x108;
	_ =	swait.ge @!p0 [sflag:s8], $0x0  }
0x24: {  	s3 =	sadd.s32 $0x88, s3;
	s6 =	simm.s32 @!p1 $0x1082;
	[sflag:s4] =	ssyncset.s32 $0xFFFFF086  }
0x25: {  	[simem:s6], [sflag:s4] =	dma.local [hbm:s3], $0xF7A  }
0x26: {  	[smem:$0x3F9B] =	sst s1;
	(tag) =	ssettag s2;
	_ =	strace s9  }
0x27: {  	s1 =	sld [smem:$0x3FAB]  }
0x28: {  	s2 =	sld [smem:$0x3FAC]  }
0x29: {  	s4 =	sld [smem:$0x3FAE]  }
0x2a: {  	p0 =	seq.s32 s5, $0x0;
	s5 =	sld [smem:$0x3FAF]  }
0x2b: {  	s6 =	sld [smem:$0x3FB0]  }
0x2c: {  	s7 =	sld [smem:$0x3FB1]  }
0x2d: {  	s3 =	simm.s32 $0x108;
	s8 =	sld [smem:$0x3FB2]  }
0x2e: {  	s3 =	simm.s32 @!p0 $0x1082;
	s9 =	sld [smem:$0x3FB3]  }
0x2f: {  	lr =	sadd.s32 s0, s3;
	s0 =	sld [smem:$0x3FAA]  }
0x30: {  	s3 =	sld [smem:$0x3FAD]  }
0x31: {  	[smem:$0x3FB6] =	sst s10  }
0x32: {  	s10 =	sld [smem:$0x3FB4];
	_ =	sdelay $0x3  }
0x33: {  	p0 =	seq.s32 s10, $0x1;
	s10 =	sld [smem:$0x3FB6];
	_ =	sdelay $0x3  }
0x34: {  	[smem:$0x3FB6] =	sst s10  }
0x35: {  	s10 =	sld [smem:$0x3FB5];
	_ =	sdelay $0x3  }
0x36: {  	p1 =	seq.s32 s10, $0x1;
	s10 =	sld [smem:$0x3FB6];
	_ =	sdelay $0x3  }
0x37: {  	[smem:$0x3FB6] =	sst s10  }
0x38: {  	s10 =	sld [smem:$0x3FB7]  }
0x39: {  	_ = 	snop;
	(pc) =	sbr.ind lr, $3  }
0x3a: {  	_ = 	snop  }
0x3b: {  	_ = 	snop  }
0x3c: {  	p2 =	seq.s32 s10, $0x1;
	s10 =	sld [smem:$0x3FB6]  }
0x3d: {  	_ =	shalt  }
0x3e: {  	_ =	shalt  }
0x3f: {  	_ =	shalt  }
0x40: {  	_ =	shalt  }
0x41: {  	_ =	shalt  }
0x42: {  	_ =	shalt  }
0x43: {  	_ =	shalt  }
0x44: {  	_ =	shalt  }
0x45: {  	_ =	shalt  }
0x46: {  	_ =	shalt  }
0x47: {  	_ =	shalt  }
0x48: {  	_ =	shalt  }
0x49: {  	_ =	shalt  }
0x4a: {  	_ =	shalt  }
0x4b: {  	_ =	shalt  }
0x4c: {  	_ =	shalt  }
0x4d: {  	_ =	shalt  }
0x4e: {  	_ =	shalt  }
0x4f: {  	_ =	shalt  }
0x50: {  	_ =	shalt  }
0x51: {  	_ =	shalt  }
0x52: {  	_ =	shalt  }
0x53: {  	_ =	shalt  }
0x54: {  	_ =	shalt  }
0x55: {  	_ =	shalt  }
0x56: {  	_ =	shalt  }
0x57: {  	_ =	shalt  }
0x58: {  	_ =	shalt  }
0x59: {  	_ =	shalt  }
0x5a: {  	_ =	shalt  }
0x5b: {  	_ =	shalt  }
0x5c: {  	_ =	shalt  }
0x5d: {  	_ =	shalt  }
0x5e: {  	_ =	shalt  }
0x5f: {  	_ =	shalt  }
0x60: {  	_ =	shalt  }
0x61: {  	_ =	shalt  }
0x62: {  	_ =	shalt  }
0x63: {  	_ =	shalt  }
0x64: {  	_ =	shalt  }
0x65: {  	_ =	shalt  }
0x66: {  	_ =	shalt  }
0x67: {  	_ =	shalt  }
0x68: {  	_ =	shalt  }
0x69: {  	_ =	shalt  }
0x6a: {  	_ =	shalt  }
0x6b: {  	_ =	shalt  }
0x6c: {  	_ =	shalt  }
0x6d: {  	_ =	shalt  }
0x6e: {  	_ =	shalt  }
0x6f: {  	_ =	shalt  }
0x70: {  	_ =	shalt  }
0x71: {  	_ =	shalt  }
0x72: {  	_ =	shalt  }
0x73: {  	_ =	shalt  }
0x74: {  	_ =	shalt  }
0x75: {  	_ =	shalt  }
0x76: {  	_ =	shalt  }
0x77: {  	_ =	shalt  }
0x78: {  	_ =	shalt  }
0x79: {  	_ =	shalt  }
0x7a: {  	_ =	shalt  }
0x7b: {  	_ =	shalt  }
0x7c: {  	_ =	shalt  }
0x7d: {  	_ =	shalt  }
0x7e: {  	_ =	shalt  }
0x7f: {  	_ =	shalt  }
0x80: {  	_ =	shalt  }
0x81: {  	_ =	shalt  }
0x82: {  	_ =	shalt  }
0x83: {  	_ =	shalt  }
0x84: {  	_ =	shalt  }
0x85: {  	_ =	shalt  }
0x86: {  	_ =	shalt  }
0x87: {  	_ =	shalt  }
.Lfunc_end0:
.L_simem_size_0:
called_computation_lowered:
.L_overlay_start_0:
0x88: {  	s2 =	sld [smem:$0x3FD9]  }
0x89: {  	s3 =	sld [smem:$0x3FFE];
	_ =	sdelay $0x1  }
0x8a: {  	s1 =	srdreg.scid  }
0x8b: {  	s0 =	sand.u32 $0x1, s1  }
0x8c: {  	s17 =	sshll.u32 s0, $0xA;
	s2 =	sadd.s32 s3, s2  }
0x8d: {  	s2 =	sadd.s32 s2, s17  }
0x8e: {  	[smem:$0x3FC2] =	sst s2  }
0x8f: {  	_ = 	snop  }
0x90: {  	s2 =	sld [smem:$0x3FD0];
	(tm) =	ssettm $0x1  }
0x91: {  	s18 =	sld [smem:$0x3FFB];
	_ =	sdelay $0x3  }
0x92: {  	_ =	strace s18  }
0x93: {  	s3 =	sld [smem:$0x3FFC];
	_ =	sdelay $0x3  }
0x94: {  	_ =	strace s3  }
0x95: {  	s3 =	sld [smem:$0x3FFD];
	_ =	sdelay $0x3  }
0x96: {  	_ =	strace s3  }
0x97: {  	_ =	strace $0x8FFFFFFF  }
0x98: {  	s19 =	sld [smem:$0x3FDB];
	_ =	sdelay $0x1  }
0x99: {  	s4 =	simm.s32 $_scs_section_size  }
0x9a: {  	s5 =	simm.s32 $_size__tile_overlayer_lowered;
	s6 =	simm.s32 $_tile_overlayer_lowered  }
0x9b: {  	s22 =	simm.s32 $0x1BFF;
	s21 =	sshll.u32 s6, $0x1;
	s3 =	sadd.s32 s4, s19  }
0x9c: {  	s7 =	simm.s32 $0x0;
	s20 =	sshll.u32 s5, $0x1;
	s5 =	sadd.s32 s21, s3  }
0x9d: {  	[timem:s7], [sflag:s22] =	dma.local [hbm:s5], s20  }
0x9e: {  	_ =	swait.ge [sflag:s22], s20  }
0x9f: {  	s4 =	ssub.s32 $0x0, s20;
	[sflag:s22] =	ssyncset.done $0x0  }
0xa0: {  	[sflag:s22] =	ssyncadd.s32 s4;
	_ =	sdelay $0x1  }
0xa1: {  	s23 =	simm.s32 $0x1B8B  }
0xa2: {  	_ =	swait.ge [sflag:s23], $0x1  }
0xa3: {  	[sflag:s23] =	ssyncset.done $0x0  }
0xa4: {  	s25 =	simm.s32 $0x1B8E;
	s24 =	sld [smem:$0x3FFE];
	[sflag:s23] =	ssyncadd.s32 $0xFFFFFFFF  }
0xa5: {  	s26 =	simm.s32 $execute0_lowered;
	[smem:$0x3FD2] =	sst s25  }
0xa6: {  	s5 =	sshll.u32 s26, $0x1;
	_ =	strace $0x80000046;
	[dreg:$0x1] =	wrdreg $0xFFFFFFFF  }
0xa7: {  	s28 =	simm.s32 $_size_execute0_lowered;
	s3 =	sadd.s32 s3, s5;
	[dreg:$0x0] =	wrdreg $0x0  }
0xa8: {  	s5 =	sshll.u32 s28, $0x1;
	[dreg:$0x2] =	wrdreg s3  }
0xa9: {  	[dreg:$0x3] =	wrdreg s5  }
0xaa: {  	[dreg:$0x4] =	wrdreg $0xC0  }
0xab: {  	_ =	task [dreg:s7], $0x5FFFF  }
0xac: {  	[dreg:$0x1] =	wrdreg $0xFFFFFFFF  }
0xad: {  	[dreg:$0x0] =	wrdreg $0x60  }
0xae: {  	[dreg:$0x2] =	wrdreg s24  }
0xaf: {  	[dreg:$0x3] =	wrdreg s2  }
0xb0: {  	[dreg:$0x4] =	wrdreg $0xA2000  }
0xb1: {  	[dreg:$0x5] =	wrdreg $0x9  }
0xb2: {  	_ =	task.clear_ibuf [dreg:s7], $0x6FFFF;
	_ =	strace $0x90000046  }
0xb3: {  	s29 =	simm.s32 $0x9;
	_ =	strace $0x80000048  }
0xb4: {  	_ =	swait.ge [sflag:s29], $0x1  }
0xb5: {  	[sflag:s29] =	ssyncadd.s32 $0xFFFFFFFF  }
0xb6: {  	_ =	strace $0x90000048  }
0xb7: {  	_ =	sfence  }
0xb8: {  	s30 =	sld [smem:$0x0];
	_ =	sdelay $0x2  }
0xb9: {  	s31 =	sshll.u32 s1, $0xD;
	s1 =	sshrl.u32 s1, $0x2  }
0xba: {  	s3 =	sand.u32 $0x4000, s31;
	s1 =	sadd.s32 s1, s30  }
0xbb: {  	s0 =	sor.u32 s3, s0;
	s1 =	sshll.u32 s1, $0x11  }
0xbc: {  	s0 =	sor.u32 s1, s0  }
0xbd: {  	s0 =	sadd.s32 $0x8F2B, s0  }
0xbe: {  	[sflag:s0] =	ssyncadd.remote.s32 $0x1  }
0xbf: {  	_ =	sfence.sel $0xFFFF  }
0xc0: {  	[dreg:$0x0] =	wrdreg $0xFFFFFFFF;
	(pc) =	sbr.abs _section_cstart, $3  }
0xc1: {  	[dreg:$0x1] =	wrdreg $0xFFFFFFFF  }
0xc2: {  	_ =	task.clear_ibuf [dreg:s7], $0x2FFFF;
	_ =	strace $0x9FFFFFFF  }
0xc3: {  	(tm) =	ssettm $0x7FFFFFFF  }
tec
execute0_lowered:
.L_overlay_start_1:
0x0: {  	(tag) =	ssettag $0x1  }
0x1: {  	s23 =	stileid.u32  }
0x2: {  	s0 =	srdreg.scid;
	s11 =	smul.u32 $0x50, s23  }
0x3: {  	s9 =	sand.u32 $0x1, s0;
	s12 =	smul.u32 $0x500, s23  }
0x4: {  	s6 =	sor.u32 $0x10, s23;
	s10 =	smul.u32 $0x2800, s9  }
0x5: {  	s4 =	sor.u32 $0x20, s23;
	s13 =	smul.u32 $0x500, s6  }
0x6: {  	s5 =	sor.u32 $0x30, s23;
	s14 =	smul.u32 $0x500, s4  }
0x7: {  	s3 =	sor.u32 $0x40, s23;
	s15 =	smul.u32 $0x500, s5  }
0x8: {  	s0 =	sor.u32 $0x50, s23;
	s16 =	smul.u32 $0x500, s3  }
0x9: {  	s8 =	rddreg [dreg:$0x0];
	s1 =	sor.u32 $0x60, s23;
	s17 =	smul.u32 $0x500, s0  }
0xa: {  	s2 =	sor.u32 $0x70, s23;
	s7 =	ssub.s32 $0x2, s9;
	s18 =	smul.u32 $0x500, s1  }
0xb: {  	s19 =	sadd.s32 $0x85600, s8;
	s21 =	smul.u32 $0x500, s2;
	s20 =	sshrl.u32 s7, $0x1  }
0xc: {  	s24 =	sadd.s32 s19, s12;
	s12 =	smul.u32 $0x50, s4;
	s7 =	ssub.s32 s7, s20  }
0xd: {  	s11 =	sor.u32 s10, s11;
	s20 =	smul.u32 $0x50, s6;
	s26 =	sadd.s32 s19, s13  }
0xe: {  	s28 =	sadd.s32 s19, s14;
	s22 =	sadd.s32 s19, s15;
	s13 =	smul.u32 $0x50, s5  }
0xf: {  	s25 =	sadd.s32 s19, s17;
	s14 =	smul.u32 $0x50, s3;
	s18 =	sadd.s32 s19, s18  }
0x10: {  	s21 =	sadd.s32 s19, s21;
	s17 =	smul.u32 $0x50, s0;
	[dreg:$0xa] =	wrdreg s18  }
0x11: {  	s15 =	sadd.s32 s19, s16;
	s19 =	smul.u32 $0x50, s2;
	[dreg:$0xb] =	wrdreg s21  }
0x12: {  	s21 =	smov.u32 s15;
	s12 =	sadd.s32 s10, s12;
	s18 =	smul.u32 $0x50, s1  }
0x13: {  	s11 =	sshll.u32 s11, $0x4;
	s16 =	sadd.s32 s10, s20;
	s13 =	sadd.s32 s10, s13  }
0x14: {  	s14 =	sadd.s32 s10, s14;
	s15 =	sadd.s32 s10, s17;
	s20 =	sshll.u32 s23, $0x1  }
0x15: {  	s17 =	sadd.s32 s10, s18;
	s10 =	sadd.s32 s10, s19;
	s19 =	sadd.s32 $0xFD600, s8  }
0x16: {  	s18 =	sor.u32 s9, s20;
	s16 =	sshll.u32 s16, $0x4;
	s20 =	sadd.s32 s19, s11  }
0x17: {  	s12 =	sshll.u32 s12, $0x4;
	[dreg:$0xc] =	wrdreg s20;
	s20 =	sadd.s32 s19, s16  }
0x18: {  	s13 =	sshll.u32 s13, $0x4;
	[dreg:$0xd] =	wrdreg s20;
	s20 =	sadd.s32 s19, s12  }
0x19: {  	s14 =	sshll.u32 s14, $0x4;
	[dreg:$0xe] =	wrdreg s20;
	s20 =	sadd.s32 s19, s13  }
0x1a: {  	s15 =	sshll.u32 s15, $0x4;
	[dreg:$0xf] =	wrdreg s20;
	s20 =	sadd.s32 s19, s14  }
0x1b: {  	s17 =	sshll.u32 s17, $0x4;
	[dreg:$0x10] =	wrdreg s20;
	s20 =	sadd.s32 s19, s15  }
0x1c: {  	s10 =	sshll.u32 s10, $0x4;
	[dreg:$0x11] =	wrdreg s20;
	s20 =	sadd.s32 s19, s17  }
0x1d: {  	s19 =	sadd.s32 s19, s10;
	[dreg:$0x12] =	wrdreg s20;
	s20 =	sadd.s32 $0xAD600, s8  }
0x1e: {  	[dreg:$0x13] =	wrdreg s19;
	s19 =	sadd.s32 $0x14D600, s8;
	s29 =	sadd.s32 s20, s11  }
0x1f: {  	s11 =	sadd.s32 s19, s11;
	[dreg:$0x14] =	wrdreg s29  }
0x20: {  	[dreg:$0x15] =	wrdreg s11  }
0x21: {  	s11 =	sadd.s32 s19, s16;
	s29 =	rddreg [dreg:$0x1]  }
0x22: {  	[dreg:$0x16] =	wrdreg s11;
	s11 =	sadd.s32 s19, s12  }
0x23: {  	s12 =	sadd.s32 s20, s12;
	[dreg:$0x17] =	wrdreg s11  }
0x24: {  	s11 =	sadd.s32 s19, s13;
	[dreg:$0x1e] =	wrdreg s12  }
0x25: {  	s13 =	sadd.s32 s20, s13;
	[dreg:$0x18] =	wrdreg s11  }
0x26: {  	s11 =	sadd.s32 s19, s14;
	[dreg:$0x1f] =	wrdreg s13  }
0x27: {  	s14 =	sadd.s32 s20, s14;
	[dreg:$0x19] =	wrdreg s11  }
0x28: {  	[smem:$0x7E7] =	sst s14  }
0x29: {  	s11 =	sadd.s32 s19, s15;
	s14 =	rddreg [dreg:$0x2]  }
0x2a: {  	[dreg:$0x1a] =	wrdreg s11;
	s11 =	sadd.s32 s19, s17  }
0x2b: {  	s19 =	sadd.s32 s19, s10;
	[dreg:$0x1b] =	wrdreg s11  }
0x2c: {  	s4 =	smul.u32 $0xA000, s4;
	s10 =	sadd.s32 s20, s10;
	[dreg:$0x1c] =	wrdreg s19  }
0x2d: {  	s6 =	smul.u32 $0xA000, s6;
	s19 =	sadd.s32 s20, s16;
	[smem:$0x7EA] =	sst s10  }
0x2e: {  	s3 =	smul.u32 $0xA000, s3;
	s16 =	sadd.s32 s20, s15;
	[dreg:$0x1d] =	wrdreg s19  }
0x2f: {  	s0 =	smul.u32 $0xA000, s0;
	s15 =	sadd.s32 s20, s17;
	[smem:$0x7E8] =	sst s16  }
0x30: {  	s7 =	smax.u32 s7, $0x1;
	s11 =	simm.s32 $0x0;
	[smem:$0x7E9] =	sst s15  }
0x31: {  	s4 =	sshrl.u32 s4, $0x2;
	s6 =	sshrl.u32 s6, $0x2;
	[smem:$0x7FF] =	sst s11  }
0x32: {  	s6 =	sadd.s32 s6, s14;
	_ =	strace $0x80000047;
	[smem:$0x7F0] =	sst s7  }
0x33: {  	s3 =	sshrl.u32 s3, $0x2;
	s4 =	sadd.s32 s4, s14;
	[smem:$0x7F1] =	sst s6  }
0x34: {  	s0 =	sshrl.u32 s0, $0x2;
	s3 =	sadd.s32 s3, s14;
	[smem:$0x7F2] =	sst s4  }
0x35: {  	s0 =	sadd.s32 s0, s14;
	[smem:$0x7F4] =	sst s3  }
0x36: {  	s5 =	smul.u32 $0xA000, s5;
	[smem:$0x7F5] =	sst s0  }
0x37: {  	s31 =	simm.s32 $0x5;
	s2 =	smul.u32 $0xA000, s2;
	[dreg:$0x4] =	wrdreg s24  }
0x38: {  	s30 =	simm.s32 $0x80;
	s1 =	smul.u32 $0xA000, s1;
	[dreg:$0x5] =	wrdreg s26  }
0x39: {  	s20 =	smov.u32 s22;
	s19 =	smul.u32 $0x9D8, s23;
	[dreg:$0x6] =	wrdreg s28  }
0x3a: {  	s9 =	smul.u32 $0x4EC, s9;
	s13 =	sadd.s32 $0x2000, s8;
	[dreg:$0x7] =	wrdreg s20  }
0x3b: {  	s16 =	sadd.s32 s19, s29;
	s17 =	sadd.s32 s19, s13;
	s19 =	smul.u32 $0x2760, s18  }
0x3c: {  	s10 =	smul.u32 $0x7E, s18;
	[dreg:$0x8] =	wrdreg s21;
	s12 =	sadd.s32 s9, s16  }
0x3d: {  	s15 =	sadd.s32 s9, s17;
	s9 =	smul.u32 $0x4EC, s18;
	s16 =	sshrl.u32 s19, $0x3  }
0x3e: {  	s17 =	sadd.s32 $0x5CE00, s8;
	s18 =	sadd.s32 $0xBE00, s8;
	s19 =	sadd.s32 $0xA, s16  }
0x3f: {  	s16 =	sadd.s32 $0x34600, s8;
	s8 =	smul.u32 $0xA000, s23;
	s3 =	sadd.s32 s29, s9  }
0x40: {  	s6 =	sadd.s32 $0x4D8, s9;
	s22 =	sadd.s32 s29, s19;
	[smem:$0x7F8] =	sst s3  }
0x41: {  	s19 =	sadd.s32 s13, s19;
	s3 =	simm.s32 $0x2;
	[smem:$0x7EB] =	sst s22  }
0x42: {  	[smem:$0x7EC] =	sst s19;
	s22 =	sadd.s32 $0x2, s10;
	s10 =	sadd.s32 $0x3, s10  }
0x43: {  	s8 =	sshrl.u32 s8, $0x2;
	s19 =	sshrl.u32 s1, $0x2;
	[smem:$0x7ED] =	sst s22  }
0x44: {  	s1 =	simm.s32 $0x180;
	[smem:$0x7EE] =	sst s10;
	s8 =	sadd.s32 s8, s14  }
0x45: {  	s22 =	sshll.u32 s23, $0x6;
	s23 =	smov.u32 s25;
	s10 =	sshrl.u32 s5, $0x2  }
0x46: {  	s0 =	sadd.s32 s19, s14;
	s5 =	sadd.s32 $0x4E2, s9;
	[smem:$0x7EF] =	sst s8  }
0x47: {  	s19 =	sadd.s32 s13, s6;
	s25 =	sor.u32 $0x1C05, s22;
	[smem:$0x7F6] =	sst s0  }
0x48: {  	s4 =	sadd.s32 s10, s14;
	s22 =	sshrl.u32 s2, $0x2;
	[smem:$0x7FC] =	sst s19  }
0x49: {  	s7 =	sadd.s32 s29, s5;
	s8 =	sadd.s32 s13, s5;
	[dreg:$0x9] =	wrdreg s23  }
0x4a: {  	s10 =	sadd.s32 s29, s6;
	s0 =	simm.s32 $0x100;
	[smem:$0x7F3] =	sst s4  }
0x4b: {  	s19 =	simm.s32 $0x200;
	s6 =	simm.s32 $0x4;
	[smem:$0x7FA] =	sst s7  }
0x4c: {  	s2 =	sadd.s32 s22, s14;
	s4 =	sadd.s32 s13, s9;
	[smem:$0x7FB] =	sst s10  }
0x4d: {  	s22 =	smov.u32 s29;
	s10 =	simm.s32 $0x1;
	[smem:$0x7FD] =	sst s8  }
0x4e: {  	s29 =	simm.s32 $0x50;
	s7 =	simm.s32 $0x0;
	[smem:$0x7F7] =	sst s2  }
0x4f: {  	[smem:$0x7F9] =	sst s4;
	s2 =	simm.s32 $0x3;
	s4 =	simm.s32 $0x2A00  }
.LBB2_1:
0x50: {  	s5 =	sld [smem:$0x7EF];
	_ =	sdelay $0x2  }
0x51: {  	[smem:$0x7DE] =	sst s7;
	s5 =	sshrl.u32 s5, $0x3  }
0x52: {  	[smem:$0x7DF] =	sst s5  }
0x53: {  	[spmem:s5], [sflag:s25] =	dma.local [hbm:s24], $0x500  }
0x54: {  	_ =	swait.ge [sflag:s31], $0x500  }
0x55: {  	s7 =	sld [smem:$0x7F1];
	_ =	sdelay $0x2  }
0x56: {  	[sflag:s31] =	ssyncset.done $0x0;
	s5 =	sshrl.u32 s7, $0x3  }
0x57: {  	[sflag:s31] =	ssyncadd.s32 $0xFFFFFB00;
	[smem:$0x7E0] =	sst s5  }
0x58: {  	[spmem:s5], [sflag:s25] =	dma.local [hbm:s26], $0x500  }
0x59: {  	_ =	swait.ge [sflag:s31], $0x500  }
0x5a: {  	s8 =	sld [smem:$0x7F2];
	_ =	sdelay $0x2  }
0x5b: {  	[sflag:s31] =	ssyncset.done $0x0;
	s5 =	sshrl.u32 s8, $0x3  }
0x5c: {  	[sflag:s31] =	ssyncadd.s32 $0xFFFFFB00;
	[smem:$0x7E1] =	sst s5  }
0x5d: {  	[spmem:s5], [sflag:s25] =	dma.local [hbm:s28], $0x500  }
0x5e: {  	_ =	swait.ge [sflag:s31], $0x500  }
0x5f: {  	s9 =	sld [smem:$0x7F3];
	_ =	sdelay $0x2  }
0x60: {  	[sflag:s31] =	ssyncset.done $0x0;
	s5 =	sshrl.u32 s9, $0x3  }
0x61: {  	[sflag:s31] =	ssyncadd.s32 $0xFFFFFB00;
	[smem:$0x7E2] =	sst s5  }
0x62: {  	[spmem:s5], [sflag:s25] =	dma.local [hbm:s20], $0x500  }
0x63: {  	_ =	swait.ge [sflag:s31], $0x500  }
0x64: {  	s20 =	sld [smem:$0x7F4];
	_ =	sdelay $0x2  }
0x65: {  	[sflag:s31] =	ssyncset.done $0x0;
	s5 =	sshrl.u32 s20, $0x3  }
0x66: {  	[sflag:s31] =	ssyncadd.s32 $0xFFFFFB00;
	[smem:$0x7E3] =	sst s5  }
0x67: {  	[spmem:s5], [sflag:s25] =	dma.local [hbm:s21], $0x500  }
0x68: {  	_ =	swait.ge [sflag:s31], $0x500  }
0x69: {  	s21 =	sld [smem:$0x7F5];
	_ =	sdelay $0x2  }
0x6a: {  	[sflag:s31] =	ssyncset.done $0x0;
	s5 =	sshrl.u32 s21, $0x3  }
0x6b: {  	[sflag:s31] =	ssyncadd.s32 $0xFFFFFB00;
	[smem:$0x7E4] =	sst s5  }
0x6c: {  	[spmem:s5], [sflag:s25] =	dma.local [hbm:s23], $0x500  }
0x6d: {  	_ =	swait.ge [sflag:s31], $0x500  }
0x6e: {  	s24 =	sld [smem:$0x7F6];
	_ =	sdelay $0x2  }
0x6f: {  	[sflag:s31] =	ssyncset.done $0x0;
	s28 =	rddreg [dreg:$0xa];
	s26 =	sshrl.u32 s24, $0x3  }
0x70: {  	[sflag:s31] =	ssyncadd.s32 $0xFFFFFB00;
	[smem:$0x7E5] =	sst s26  }
0x71: {  	[spmem:s26], [sflag:s25] =	dma.local [hbm:s28], $0x500  }
0x72: {  	_ =	swait.ge [sflag:s31], $0x500  }
0x73: {  	s8 =	sld [smem:$0x7F7];
	_ =	sdelay $0x2  }
0x74: {  	[sflag:s31] =	ssyncset.done $0x0;
	s20 =	rddreg [dreg:$0xb];
	s9 =	sshrl.u32 s8, $0x3  }
0x75: {  	[sflag:s31] =	ssyncadd.s32 $0xFFFFFB00;
	[smem:$0x7E6] =	sst s9  }
0x76: {  	[spmem:s9], [sflag:s25] =	dma.local [hbm:s20], $0x500  }
0x77: {  	_ =	swait.ge [sflag:s31], $0x500  }
0x78: {  	[sflag:s31] =	ssyncset.done $0x0  }
0x79: {  	[sflag:s31] =	ssyncadd.s32 $0xFFFFFB00  }
0x7a: {  	[bflag:$0x0] =	sbarrier.arrive $0xFFFF  }
0x7b: {  	s21 =	sld [smem:$0x7F8];
	_ =	sdelay $0x1  }
0x7c: {  	s23 =	sld [smem:$0x7F9]  }
0x7d: {  	[tilespmem:s11], [sflag:$0x1] =	stream.linear.gather [hbm4b:s21+s11], $0x50, $0x38;
	[tilespmem:$0x1E200] =	vst v63  }
0x7e: {  	_ = 	snop  }
0x7f: {  	[tilespmem:s0], [sflag:$0x1] =	stream.linear.gather [hbm4b:s23+s11], $0x50, $0x38;
	[tilespmem:$0x1E200] =	vst v63  }
0x80: {  	_ =	swait.ge [sflag:s10], $0x50  }
0x81: {  	[sflag:s10] =	ssyncset.done $0x0  }
0x82: {  	[sflag:s10] =	ssyncadd.s32 $0xFFFFFFB0  }
0x83: {  	_ =	swait.ge [sflag:s10], $0x50  }
0x84: {  	[sflag:s10] =	ssyncset.done $0x0  }
0x85: {  	[sflag:s10] =	ssyncadd.s32 $0xFFFFFFB0  }
0x86: {  	[tilespmem:s19], [sflag:$0x3] =	stream.indirect.gather [hbm4b:s16+s29], $0x80, s11, s29, $0xb8;
	[tilespmem:$0x1E200] =	vst v63  }
0x87: {  	s24 =	simm.s32 $0x5200;
	s26 =	sld [smem:$0x7EB]  }
0x88: {  	[tilespmem:s24], [sflag:$0x3] =	stream.indirect.gather [hbm4b:s17+s29], $0x80, s0, s29, $0xb8;
	[tilespmem:$0x1E200] =	vst v63  }
0x89: {  	s28 =	sld [smem:$0x7EC]  }
0x8a: {  	[tilespmem:s30], [sflag:$0x2] =	stream.linear.gather [hbm4b:s26+s11], $0x50, $0x38;
	[tilespmem:$0x1E200] =	vst v63  }
0x8b: {  	s24 =	simm.s32 $0x0  }
0x8c: {  	[tilespmem:s1], [sflag:$0x2] =	stream.linear.gather [hbm4b:s28+s11], $0x50, $0x38;
	[tilespmem:$0x1E200] =	vst v63  }
.LBB2_2:
0x8d: {  	_ =	swait.ge [sflag:s2], $0x2800  }
0x8e: {  	[sflag:s2] =	ssyncset.done $0x0  }
0x8f: {  	[sflag:s2] =	ssyncadd.s32 $0xFFFFD800  }
0x90: {  	_ =	swait.ge [sflag:s2], $0x2800  }
0x91: {  	[sflag:s2] =	ssyncset.done $0x0  }
0x92: {  	[sflag:s2] =	ssyncadd.s32 $0xFFFFD800  }
0x93: {  	_ =	swait.ge [sflag:s3], $0x50  }
0x94: {  	[sflag:s3] =	ssyncset.done $0x0  }
0x95: {  	[sflag:s3] =	ssyncadd.s32 $0xFFFFFFB0  }
0x96: {  	_ =	swait.ge [sflag:s3], $0x50  }
0x97: {  	[sflag:s3] =	ssyncset.done $0x0  }
0x98: {  	[sflag:s3] =	ssyncadd.s32 $0xFFFFFFB0  }
0x99: {  	[tilespmem:s4], [sflag:$0x4] =	stream.indirect.gather [hbm4b:s16+s29], $0x80, s30, s29, $0xb8;
	[tilespmem:$0x1E200] =	vst v63  }
0x9a: {  	s5 =	simm.s32 $0x7A00;
	s26 =	simm.s32 $0x400  }
0x9b: {  	[tilespmem:s5], [sflag:$0x4] =	stream.indirect.gather [hbm4b:s17+s29], $0x80, s1, s29, $0xb8;
	[tilespmem:$0x1E200] =	vst v63  }
0x9c: {  	s20 =	simm.s32 $0x5400;
	v1 =	vld [tilespmem:s26+$0x180]  }
0x9d: {  	v2 =	vld [tilespmem:s20+$0x180];
	_ =	sdelay $0x4  }
0x9e: {  	v1 =	vadd.f32 v2, v1  }
0x9f: {  	v3 =	vld [tilespmem:s26+$0xFFFFFE80]  }
0xa0: {  	v4 =	vld [tilespmem:s20+$0xFFFFFE80];
	v2 =	vmul.f32 $1.442695020e+00, v1;
	_ =	sdelay $0x1  }
0xa1: {  	v5 =	vld [tilespmem:s20+$0xFFFFFF00];
	(erf) = vpow2.f32 v2  }
0xa2: {  	v2 =	vld [tilespmem:s26+$0xFFFFFF00]  }
0xa3: {  	v6 =	vld [tilespmem:s26+$0xFFFFFF80]  }
0xa4: {  	v7 =	vld [tilespmem:s20+$0xFFFFFF80];
	v3 =	vadd.f32 v4, v3;
	_ =	sdelay $0x1  }
0xa5: {  	v8 =	vld [tilespmem:s26+$0x0];
	v9 =	vmul.f32 $1.442695020e+00, v3  }
0xa6: {  	v11 =	vld [tilespmem:s26+$0x80];
	v2 =	vadd.f32 v5, v2  }
0xa7: {  	v5 =	vld [tilespmem:s20+$0x0]  }
0xa8: {  	v6 =	vadd.f32 v7, v6;
	v7 =	vld [tilespmem:s20+$0x80];
	v10 =	vmul.f32 $1.442695020e+00, v2  }
0xa9: {  	v12 =	vld [tilespmem:s26+$0x100];
	(erf) = vpow2.f32 v9;
	v9 =	vpop (erf)  }
0xaa: {  	v13 =	vld [tilespmem:s20+$0x100];
	(erf) = vpow2.f32 v10;
	v10 =	vmul.f32 $1.442695020e+00, v6;
	v9 =	vadd.f32 $-1.000000000e+00, v9  }
0xab: {  	v4 =	vld [tilespmem:s20+$0xFFFFFE00];
	vm0 =	vgt.f32 v1, $0.0e+00  }
0xac: {  	v5 =	vadd.f32 v5, v8;
	(erf) = vpow2.f32 v10;
	v1 =	vsel vm0, v1, v9;
	v9 =	vld [tilespmem:s26+$0xFFFFFE00]  }
0xad: {  	v7 =	vadd.f32 v7, v11;
	[tilespmem:s26+$0x180] =	vst v1;
	v1 =	vld [tilespmem:s26+$0x190]  }
0xae: {  	v10 =	vmul.f32 $1.442695020e+00, v5;
	v8 =	vld [tilespmem:s20+$0x190]  }
0xaf: {  	v11 =	vadd.f32 v13, v12;
	v12 =	vmul.f32 $1.442695020e+00, v7  }
0xb0: {  	(erf) = vpow2.f32 v10  }
0xb1: {  	(erf) = vpow2.f32 v12  }
0xb2: {  	v10 =	vmul.f32 $1.442695020e+00, v11;
	v4 =	vadd.f32 v4, v9;
	v9 =	vpop (erf)  }
0xb3: {  	v9 =	vadd.f32 $-1.000000000e+00, v9;
	v1 =	vadd.f32 v8, v1  }
0xb4: {  	vm0 =	vgt.f32 v3, $0.0e+00;
	(erf) = vpow2.f32 v10;
	v13 =	vpop (erf);
	v12 =	vmul.f32 $1.442695020e+00, v4  }
0xb5: {  	v10 =	vld [tilespmem:s26+$0xFFFFFE90];
	v8 =	vadd.f32 $-1.000000000e+00, v13;
	v3 =	vsel vm0, v3, v9;
	v13 =	vpop (erf);
	v9 =	vmul.f32 $1.442695020e+00, v1  }
0xb6: {  	vm0 =	vgt.f32 v2, $0.0e+00;
	(erf) = vpow2.f32 v12;
	v12 =	vld [tilespmem:s26+$0xFFFFFF10];
	[tilespmem:s26+$0xFFFFFE80] =	vst v3;
	v3 =	vadd.f32 $-1.000000000e+00, v13  }
0xb7: {  	v2 =	vsel vm0, v2, v8;
	vm0 =	vgt.f32 v6, $0.0e+00;
	v8 =	vld [tilespmem:s20+$0xFFFFFE90];
	(erf) = vpow2.f32 v9  }
0xb8: {  	[tilespmem:s26+$0xFFFFFF00] =	vst v2;
	v9 =	vld [tilespmem:s26+$0xFFFFFF90];
	v3 =	vsel vm0, v6, v3  }
0xb9: {  	v2 =	vld [tilespmem:s20+$0xFFFFFF10];
	v6 =	vpop (erf);
	[tilespmem:s26+$0xFFFFFF80] =	vst v3  }
0xba: {  	v6 =	vadd.f32 $-1.000000000e+00, v6;
	v14 =	vpop (erf);
	v3 =	vld [tilespmem:s20+$0xFFFFFF90]  }
0xbb: {  	vm0 =	vgt.f32 v5, $0.0e+00;
	v14 =	vadd.f32 $-1.000000000e+00, v14  }
0xbc: {  	vm2 =	vgt.f32 v7, $0.0e+00;
	v5 =	vsel vm0, v5, v6  }
0xbd: {  	v15 =	vpop (erf);
	v8 =	vadd.f32 v8, v10;
	[tilespmem:s26+$0x0] =	vst v5;
	v5 =	vsel vm2, v7, v14  }
0xbe: {  	vm3 =	vgt.f32 v11, $0.0e+00;
	v10 =	vld [tilespmem:s26+$0x10];
	v7 =	vadd.f32 $-1.000000000e+00, v15  }
0xbf: {  	v2 =	vadd.f32 v2, v12;
	v6 =	vmul.f32 $1.442695020e+00, v8;
	v12 =	vpop (erf);
	v3 =	vadd.f32 v3, v9;
	v9 =	vld [tilespmem:s20+$0x10]  }
0xc0: {  	v16 =	vld [tilespmem:s26+$0x90];
	vm1 =	vgt.f32 v4, $0.0e+00;
	[tilespmem:s26+$0x80] =	vst v5;
	v7 =	vsel vm3, v11, v7;
	v12 =	vadd.f32 $-1.000000000e+00, v12;
	v5 =	vpop (erf)  }
0xc1: {  	v17 =	vld [tilespmem:s26+$0x110];
	v14 =	vmul.f32 $1.442695020e+00, v2;
	(erf) = vpow2.f32 v6;
	v5 =	vadd.f32 $-1.000000000e+00, v5  }
0xc2: {  	vm0 =	vgt.f32 v1, $0.0e+00;
	[tilespmem:s26+$0x100] =	vst v7;
	v6 =	vld [tilespmem:s20+$0x90];
	v4 =	vsel vm1, v4, v12  }
0xc3: {  	(erf) = vpow2.f32 v14;
	v12 =	vmul.f32 $1.442695020e+00, v3;
	[tilespmem:s26+$0xFFFFFE00] =	vst v4;
	v4 =	vld [tilespmem:s20+$0x110];
	v1 =	vsel vm0, v1, v5  }
0xc4: {  	v13 =	vld [tilespmem:s26+$0xFFFFFE10];
	[tilespmem:s26+$0x190] =	vst v1;
	v1 =	vadd.f32 v9, v10  }
0xc5: {  	v5 =	vld [tilespmem:s20+$0xFFFFFE10];
	(erf) = vpow2.f32 v12  }
0xc6: {  	v7 =	vld [tilespmem:s26+$0x1A0];
	v10 =	vmul.f32 $1.442695020e+00, v1  }
0xc7: {  	v6 =	vadd.f32 v6, v16;
	v9 =	vld [tilespmem:s20+$0x1A0]  }
0xc8: {  	v4 =	vadd.f32 v4, v17  }
0xc9: {  	v14 =	vmul.f32 $1.442695020e+00, v6  }
0xca: {  	v5 =	vadd.f32 v5, v13;
	(erf) = vpow2.f32 v10;
	v16 =	vmul.f32 $1.442695020e+00, v4;
	v10 =	vpop (erf)  }
0xcb: {  	(erf) = vpow2.f32 v14;
	v10 =	vadd.f32 $-1.000000000e+00, v10  }
0xcc: {  	vm0 =	vgt.f32 v8, $0.0e+00;
	v17 =	vmul.f32 $1.442695020e+00, v5;
	v7 =	vadd.f32 v9, v7;
	v18 =	vpop (erf)  }
0xcd: {  	(erf) = vpow2.f32 v16;
	v18 =	vadd.f32 $-1.000000000e+00, v18;
	v8 =	vsel vm0, v8, v10  }
0xce: {  	v12 =	vld [tilespmem:s26+$0xFFFFFEA0];
	(erf) = vpow2.f32 v17;
	vm0 =	vgt.f32 v2, $0.0e+00;
	v16 =	vpop (erf);
	[tilespmem:s26+$0xFFFFFE90] =	vst v8  }
0xcf: {  	v8 =	vmul.f32 $1.442695020e+00, v7;
	v2 =	vsel vm0, v2, v18;
	v16 =	vadd.f32 $-1.000000000e+00, v16;
	v17 =	vld [tilespmem:s20+$0xFFFFFEA0]  }
0xd0: {  	v15 =	vld [tilespmem:s26+$0xFFFFFF20];
	vm0 =	vgt.f32 v3, $0.0e+00;
	[tilespmem:s26+$0xFFFFFF10] =	vst v2  }
0xd1: {  	(erf) = vpow2.f32 v8;
	v8 =	vld [tilespmem:s20+$0xFFFFFF20];
	v2 =	vsel vm0, v3, v16  }
0xd2: {  	v13 =	vld [tilespmem:s26+$0xFFFFFFA0];
	[tilespmem:s26+$0xFFFFFF90] =	vst v2  }
0xd3: {  	v19 =	vpop (erf);
	v16 =	vld [tilespmem:s20+$0xFFFFFFA0]  }
0xd4: {  	v21 =	vpop (erf);
	v12 =	vadd.f32 v17, v12;
	v17 =	vadd.f32 $-1.000000000e+00, v19  }
0xd5: {  	vm1 =	vgt.f32 v6, $0.0e+00;
	vm0 =	vgt.f32 v1, $0.0e+00;
	v19 =	vadd.f32 $-1.000000000e+00, v21  }
0xd6: {  	v8 =	vadd.f32 v8, v15;
	v15 =	vpop (erf);
	v22 =	vmul.f32 $1.442695020e+00, v12;
	v1 =	vsel vm0, v1, v17  }
0xd7: {  	v14 =	vld [tilespmem:s26+$0x20];
	vm2 =	vgt.f32 v4, $0.0e+00;
	v6 =	vsel vm1, v6, v19;
	v15 =	vadd.f32 $-1.000000000e+00, v15;
	[tilespmem:s26+$0x10] =	vst v1  }
0xd8: {  	v17 =	vmul.f32 $1.442695020e+00, v8;
	v13 =	vadd.f32 v16, v13;
	(erf) = vpow2.f32 v22;
	v22 =	vld [tilespmem:s20+$0x20]  }
0xd9: {  	v3 =	vld [tilespmem:s26+$0xA0];
	[tilespmem:s26+$0x90] =	vst v6;
	v4 =	vsel vm2, v4, v15;
	v1 =	vpop (erf)  }
0xda: {  	v6 =	vld [tilespmem:s20+$0xA0];
	v15 =	vmul.f32 $1.442695020e+00, v13;
	(erf) = vpow2.f32 v17;
	v16 =	vadd.f32 $-1.000000000e+00, v1  }
0xdb: {  	v20 =	vld [tilespmem:s26+$0x120];
	vm0 =	vgt.f32 v5, $0.0e+00;
	[tilespmem:s26+$0x110] =	vst v4;
	v1 =	vpop (erf)  }
0xdc: {  	v4 =	vld [tilespmem:s20+$0x120];
	v17 =	vadd.f32 $-1.000000000e+00, v1;
	(erf) = vpow2.f32 v15;
	v5 =	vsel vm0, v5, v16  }
0xdd: {  	v11 =	vld [tilespmem:s26+$0xFFFFFE20];
	vm0 =	vgt.f32 v7, $0.0e+00;
	[tilespmem:s26+$0xFFFFFE10] =	vst v5;
	v14 =	vadd.f32 v22, v14  }
0xde: {  	v5 =	vsel vm0, v7, v17;
	v7 =	vld [tilespmem:s20+$0xFFFFFE20]  }
0xdf: {  	v6 =	vadd.f32 v6, v3;
	[tilespmem:s26+$0x1A0] =	vst v5;
	v5 =	vld [tilespmem:s26+$0x1B0];
	v15 =	vmul.f32 $1.442695020e+00, v14  }
0xe0: {  	v3 =	vld [tilespmem:s20+$0x1B0]  }
0xe1: {  	v16 =	vmul.f32 $1.442695020e+00, v6;
	v20 =	vadd.f32 v4, v20;
	v4 =	vpop (erf)  }
0xe2: {  	(erf) = vpow2.f32 v15;
	v4 =	vadd.f32 $-1.000000000e+00, v4  }
0xe3: {  	vm0 =	vgt.f32 v12, $0.0e+00;
	(erf) = vpow2.f32 v16;
	v15 =	vpop (erf)  }
0xe4: {  	v7 =	vadd.f32 v7, v11;
	v15 =	vadd.f32 $-1.000000000e+00, v15;
	v4 =	vsel vm0, v12, v4  }
0xe5: {  	v9 =	vld [tilespmem:s26+$0xFFFFFEB0];
	v11 =	vmul.f32 $1.442695020e+00, v20;
	v12 =	vadd.f32 v3, v5;
	vm0 =	vgt.f32 v8, $0.0e+00;
	v5 =	vpop (erf);
	[tilespmem:s26+$0xFFFFFEA0] =	vst v4  }
0xe6: {  	v3 =	vmul.f32 $1.442695020e+00, v7;
	v5 =	vadd.f32 $-1.000000000e+00, v5;
	v4 =	vsel vm0, v8, v15;
	v8 =	vld [tilespmem:s20+$0xFFFFFEB0]  }
0xe7: {  	v10 =	vld [tilespmem:s26+$0xFFFFFF30];
	(erf) = vpow2.f32 v11;
	vm0 =	vgt.f32 v13, $0.0e+00  }
0xe8: {  	v18 =	vld [tilespmem:s26+$0xFFFFFFB0];
	v11 =	vmul.f32 $1.442695020e+00, v12;
	(erf) = vpow2.f32 v3;
	[tilespmem:s26+$0xFFFFFF20] =	vst v4;
	v3 =	vsel vm0, v13, v5  }
0xe9: {  	v15 =	vld [tilespmem:s20+$0xFFFFFF30];
	[tilespmem:s26+$0xFFFFFFA0] =	vst v3  }
0xea: {  	(erf) = vpow2.f32 v11;
	v11 =	vld [tilespmem:s20+$0xFFFFFFB0]  }
0xeb: {  	v8 =	vadd.f32 v8, v9;
	v9 =	vpop (erf)  }
0xec: {  	v23 =	vld [tilespmem:s26+$0xB0];
	v13 =	vpop (erf)  }
0xed: {  	v24 =	vld [tilespmem:s26+$0xFFFFFF40];
	v13 =	vadd.f32 $-1.000000000e+00, v13  }
0xee: {  	v25 =	vld [tilespmem:s26+$0xFFFFFFC0];
	v9 =	vadd.f32 $-1.000000000e+00, v9;
	v10 =	vadd.f32 v15, v10;
	v16 =	vmul.f32 $1.442695020e+00, v8  }
0xef: {  	v0 =	vld [tilespmem:s26+$0xFFFFFE70];
	vm1 =	vgt.f32 v6, $0.0e+00;
	vm0 =	vgt.f32 v14, $0.0e+00;
	v28 =	vadd.f32 v11, v18  }
0xf0: {  	v2 =	vld [tilespmem:s26+$0xFFFFFE30];
	v26 =	vpop (erf);
	v9 =	vsel vm0, v14, v9;
	v27 =	vmul.f32 $1.442695020e+00, v10;
	(erf) = vpow2.f32 v16  }
0xf1: {  	v21 =	vld [tilespmem:s26+$0x30];
	vm2 =	vgt.f32 v20, $0.0e+00;
	v6 =	vsel vm1, v6, v13;
	v11 =	vadd.f32 $-1.000000000e+00, v26;
	[tilespmem:s26+$0x20] =	vst v9;
	v13 =	vpop (erf)  }
0xf2: {  	v26 =	vld [tilespmem:s20+$0x30];
	(erf) = vpow2.f32 v27;
	v9 =	vadd.f32 $-1.000000000e+00, v13;
	v13 =	vmul.f32 $1.442695020e+00, v28  }
0xf3: {  	v19 =	vld [tilespmem:s26+$0x130];
	vm0 =	vgt.f32 v7, $0.0e+00;
	[tilespmem:s26+$0xA0] =	vst v6;
	v6 =	vsel vm2, v20, v11;
	v14 =	vpop (erf)  }
0xf4: {  	[tilespmem:s26+$0x120] =	vst v6;
	v11 =	vadd.f32 $-1.000000000e+00, v14;
	v14 =	vld [tilespmem:s20+$0xB0];
	v7 =	vsel vm0, v7, v9;
	(erf) = vpow2.f32 v13  }
0xf5: {  	v6 =	vld [tilespmem:s20+$0x130];
	[tilespmem:s26+$0xFFFFFE20] =	vst v7  }
0xf6: {  	v9 =	vld [tilespmem:s20+$0xFFFFFE30]  }
0xf7: {  	v1 =	vld [tilespmem:s26+$0xFFFFFE40];
	vm0 =	vgt.f32 v12, $0.0e+00;
	v13 =	vadd.f32 v26, v21  }
0xf8: {  	v22 =	vld [tilespmem:s26+$0xFFFFFEC0];
	v7 =	vsel vm0, v12, v11  }
0xf9: {  	[tilespmem:s26+$0x1B0] =	vst v7;
	v7 =	vld [tilespmem:s26+$0x1C0];
	v20 =	vmul.f32 $1.442695020e+00, v13;
	v21 =	vadd.f32 v14, v23;
	v12 =	vpop (erf)  }
0xfa: {  	vm0 =	vgt.f32 v8, $0.0e+00;
	v11 =	vld [tilespmem:s20+$0x1C0];
	v12 =	vadd.f32 $-1.000000000e+00, v12  }
0xfb: {  	v17 =	vld [tilespmem:s26+$0xFFFFFE50];
	v6 =	vadd.f32 v6, v19;
	v29 =	vmul.f32 $1.442695020e+00, v21;
	v2 =	vadd.f32 v9, v2;
	v9 =	vpop (erf)  }
0xfc: {  	v5 =	vld [tilespmem:s26+$0x40];
	(erf) = vpow2.f32 v20;
	v8 =	vsel vm0, v8, v12;
	v9 =	vadd.f32 $-1.000000000e+00, v9  }
0xfd: {  	v4 =	vld [tilespmem:s26+$0xC0];
	vm1 =	vgt.f32 v10, $0.0e+00;
	v19 =	vmul.f32 $1.442695020e+00, v6;
	(erf) = vpow2.f32 v29;
	[tilespmem:s26+$0xFFFFFEB0] =	vst v8;
	v20 =	vpop (erf)  }
0xfe: {  	v8 =	vmul.f32 $1.442695020e+00, v2;
	v9 =	vsel vm1, v10, v9;
	v10 =	vadd.f32 $-1.000000000e+00, v20;
	v20 =	vld [tilespmem:s20+$0xFFFFFEC0]  }
0xff: {  	v3 =	vld [tilespmem:s26+$0x140];
	v7 =	vadd.f32 v11, v7;
	(erf) = vpow2.f32 v19;
	[tilespmem:s26+$0xFFFFFF30] =	vst v9  }
0x100: {  	vm0 =	vgt.f32 v28, $0.0e+00;
	(erf) = vpow2.f32 v8;
	v8 =	vld [tilespmem:s20+$0xFFFFFF40]  }
0x101: {  	v15 =	vld [tilespmem:s26+$0x50];
	v9 =	vmul.f32 $1.442695020e+00, v7;
	v10 =	vsel vm0, v28, v10  }
0x102: {  	v18 =	vld [tilespmem:s26+$0xD0];
	[tilespmem:s26+$0xFFFFFFB0] =	vst v10  }
0x103: {  	(erf) = vpow2.f32 v9;
	v9 =	vld [tilespmem:s20+$0xFFFFFFC0];
	v19 =	vadd.f32 v20, v22  }
0x104: {  	v16 =	vld [tilespmem:s26+$0x150]  }
0x105: {  	v27 =	vld [tilespmem:s26+$0xFFFFFFD0];
	v10 =	vpop (erf);
	v22 =	vadd.f32 v8, v24;
	v8 =	vmul.f32 $1.442695020e+00, v19  }
0x106: {  	v26 =	vld [tilespmem:s26+$0xFFFFFED0];
	v10 =	vadd.f32 $-1.000000000e+00, v10;
	v24 =	vpop (erf)  }
0x107: {  	v23 =	vld [tilespmem:s26+$0xFFFFFF50];
	vm0 =	vgt.f32 v13, $0.0e+00;
	v24 =	vadd.f32 $-1.000000000e+00, v24;
	(erf) = vpow2.f32 v8  }
0x108: {  	v14 =	vld [tilespmem:s26+$0xFFFFFEE0];
	v10 =	vsel vm0, v13, v10;
	v13 =	vpop (erf);
	v28 =	vmul.f32 $1.442695020e+00, v22;
	v25 =	vadd.f32 v9, v25  }
0x109: {  	v12 =	vld [tilespmem:s26+$0xFFFFFF60];
	vm1 =	vgt.f32 v21, $0.0e+00;
	v13 =	vadd.f32 $-1.000000000e+00, v13  }
0x10a: {  	v11 =	vld [tilespmem:s26+$0xFFFFFFE0];
	[tilespmem:s26+$0x30] =	vst v10;
	v29 =	vpop (erf);
	v21 =	vsel vm1, v21, v24;
	v30 =	vmul.f32 $1.442695020e+00, v25;
	(erf) = vpow2.f32 v28  }
0x10b: {  	vm0 =	vgt.f32 v6, $0.0e+00;
	v24 =	vadd.f32 $-1.000000000e+00, v29;
	v29 =	vld [tilespmem:s20+$0x40];
	[tilespmem:s26+$0xB0] =	vst v21  }
0x10c: {  	vm2 =	vgt.f32 v2, $0.0e+00;
	v6 =	vsel vm0, v6, v13;
	v21 =	vld [tilespmem:s20+$0xC0];
	v28 =	vpop (erf);
	(erf) = vpow2.f32 v30  }
0x10d: {  	v20 =	vld [tilespmem:s26+$0xFFFFFE60];
	[tilespmem:s26+$0x130] =	vst v6;
	v2 =	vsel vm2, v2, v24;
	v13 =	vadd.f32 $-1.000000000e+00, v28  }
0x10e: {  	vm0 =	vgt.f32 v7, $0.0e+00;
	[tilespmem:s26+$0xFFFFFE30] =	vst v2;
	v2 =	vld [tilespmem:s20+$0x140]  }
0x10f: {  	v6 =	vsel vm0, v7, v13;
	v7 =	vld [tilespmem:s20+$0xFFFFFE40]  }
0x110: {  	v24 =	vadd.f32 v29, v5;
	[tilespmem:s26+$0x1C0] =	vst v6;
	v6 =	vld [tilespmem:s26+$0x1D0];
	v5 =	vpop (erf)  }
0x111: {  	v28 =	vadd.f32 v21, v4;
	v13 =	vld [tilespmem:s20+$0x1D0];
	v4 =	vadd.f32 $-1.000000000e+00, v5  }
0x112: {  	v8 =	vld [tilespmem:s26+$0x60];
	vm1 =	vgt.f32 v22, $0.0e+00  }
0x113: {  	v9 =	vld [tilespmem:s26+$0xE0];
	vm0 =	vgt.f32 v19, $0.0e+00;
	v5 =	vmul.f32 $1.442695020e+00, v24;
	v29 =	vadd.f32 v2, v3;
	v2 =	vpop (erf)  }
0x114: {  	v10 =	vld [tilespmem:s26+$0x160];
	[tilespmem:$0x1FF80] =	vst v0;
	v30 =	vmul.f32 $1.442695020e+00, v28;
	v31 =	vadd.f32 $-1.000000000e+00, v2;
	v3 =	vsel vm0, v19, v4  }
0x115: {  	v0 =	vld [tilespmem:s26+$0xFFFFFFF0];
	v21 =	vadd.f32 v7, v1;
	(erf) = vpow2.f32 v5;
	v1 =	vmul.f32 $1.442695020e+00, v29;
	v4 =	vpop (erf)  }
0x116: {  	v7 =	vld [tilespmem:s26+$0xFFFFFF70];
	[tilespmem:s26+$0xFFFFFEC0] =	vst v3;
	v5 =	vsel vm1, v22, v31;
	v19 =	vadd.f32 v13, v6;
	v4 =	vadd.f32 $-1.000000000e+00, v4  }
0x117: {  	vm0 =	vgt.f32 v25, $0.0e+00;
	(erf) = vpow2.f32 v30;
	v6 =	vmul.f32 $1.442695020e+00, v21;
	v13 =	vld [tilespmem:s20+$0xFFFFFED0];
	[tilespmem:s26+$0xFFFFFF40] =	vst v5  }
0x118: {  	s28 =	simm.s32 $0x800;
	(erf) = vpow2.f32 v1;
	v5 =	vld [tilespmem:s20+$0xFFFFFF50];
	v1 =	vsel vm0, v25, v4;
	v4 =	vmul.f32 $1.442695020e+00, v19  }
0x119: {  	v30 =	vld [tilespmem:s28+$0x180];
	(erf) = vpow2.f32 v6;
	[tilespmem:s26+$0xFFFFFFC0] =	vst v1  }
0x11a: {  	s7 =	simm.s32 $0x5800;
	v25 =	vld [tilespmem:s20+$0xFFFFFFD0];
	(erf) = vpow2.f32 v4  }
0x11b: {  	v31 =	vld [tilespmem:s7+$0x180]  }
0x11c: {  	v3 =	vld [tilespmem:s26+$0xFFFFFEF0];
	[tilespmem:$0x1FF90] =	vst v0;
	v22 =	vadd.f32 v13, v26  }
0x11d: {  	v35 =	vld [tilespmem:s28+$0xFFFFFE80];
	v23 =	vadd.f32 v5, v23  }
0x11e: {  	v53 =	vld [tilespmem:s28+$0xFFFFFF00];
	v33 =	vmul.f32 $1.442695020e+00, v22  }
0x11f: {  	v38 =	vld [tilespmem:s7+$0xFFFFFF00];
	v26 =	vpop (erf);
	v13 =	vadd.f32 v25, v27;
	v27 =	vmul.f32 $1.442695020e+00, v23  }
0x120: {  	v30 =	vadd.f32 v31, v30;
	v54 =	vld [tilespmem:s28+$0xFFFFFF80];
	v32 =	vpop (erf);
	(erf) = vpow2.f32 v33  }
0x121: {  	v25 =	vpop (erf);
	v52 =	vmul.f32 $1.442695020e+00, v13;
	(erf) = vpow2.f32 v27;
	v27 =	vld [tilespmem:s7+$0xFFFFFE80]  }
0x122: {  	v55 =	vld [tilespmem:s7+$0xFFFFFF80];
	v37 =	vmul.f32 $1.442695020e+00, v30;
	v31 =	vpop (erf)  }
0x123: {  	v39 =	vld [tilespmem:s28+$0x0];
	v36 =	vpop (erf);
	(erf) = vpow2.f32 v52  }
0x124: {  	v41 =	vld [tilespmem:s7+$0x0];
	v36 =	vadd.f32 $-1.000000000e+00, v36;
	(erf) = vpow2.f32 v37  }
0x125: {  	vm0 =	vgt.f32 v19, $0.0e+00;
	v58 =	vld [tilespmem:s28+$0x80]  }
0x126: {  	v44 =	vld [tilespmem:s7+$0x80];
	v19 =	vsel vm0, v19, v36;
	v27 =	vadd.f32 v27, v35  }
0x127: {  	v33 =	vadd.f32 v38, v53;
	[tilespmem:s26+$0x1D0] =	vst v19;
	v19 =	vld [tilespmem:s26+$0x1E0]  }
0x128: {  	v56 =	vld [tilespmem:s20+$0x1E0];
	v40 =	vmul.f32 $1.442695020e+00, v27  }
0x129: {  	v46 =	vld [tilespmem:s28+$0x100];
	v43 =	vmul.f32 $1.442695020e+00, v33  }
0x12a: {  	v60 =	vld [tilespmem:s7+$0x100];
	v57 =	vpop (erf);
	(erf) = vpow2.f32 v40  }
0x12b: {  	vm2 =	vgt.f32 v28, $0.0e+00;
	v42 =	vpop (erf);
	(erf) = vpow2.f32 v43  }
0x12c: {  	vm1 =	vgt.f32 v24, $0.0e+00;
	v26 =	vadd.f32 $-1.000000000e+00, v26;
	v36 =	vadd.f32 v55, v54;
	v59 =	vpop (erf)  }
0x12d: {  	vm3 =	vgt.f32 v30, $0.0e+00;
	v39 =	vadd.f32 v41, v39;
	v35 =	vadd.f32 v56, v19;
	v19 =	vpop (erf)  }
0x12e: {  	v34 =	vld [tilespmem:s7+$0xFFFFFE00];
	v25 =	vadd.f32 $-1.000000000e+00, v25;
	v45 =	vmul.f32 $1.442695020e+00, v36;
	v19 =	vadd.f32 $-1.000000000e+00, v19  }
0x12f: {  	v47 =	vld [tilespmem:s28+$0xFFFFFE00];
	v37 =	vadd.f32 v44, v58;
	v43 =	vadd.f32 v60, v46;
	v61 =	vmul.f32 $1.442695020e+00, v35  }
0x130: {  	(erf) = vpow2.f32 v45;
	v19 =	vsel vm3, v30, v19;
	v30 =	vadd.f32 $-1.000000000e+00, v32  }
0x131: {  	v4 =	vld [tilespmem:s26+$0x70];
	(erf) = vpow2.f32 v61;
	[tilespmem:s28+$0x180] =	vst v19;
	v19 =	vsel vm1, v24, v26;
	v24 =	vmul.f32 $1.442695020e+00, v39  }
0x132: {  	vm3 =	vgt.f32 v29, $0.0e+00;
	v26 =	vld [tilespmem:s28+$0x190];
	v28 =	vsel vm2, v28, v30;
	v30 =	vmul.f32 $1.442695020e+00, v37  }
0x133: {  	v46 =	vmul.f32 $1.442695020e+00, v43;
	v63 =	vld [tilespmem:s7+$0x190];
	(erf) = vpow2.f32 v24;
	v24 =	vsel vm3, v29, v25;
	v48 =	vpop (erf)  }
0x134: {  	v6 =	vld [tilespmem:s26+$0xF0];
	v29 =	vadd.f32 v34, v47;
	(erf) = vpow2.f32 v30;
	v34 =	vadd.f32 $-1.000000000e+00, v48;
	v49 =	vpop (erf)  }
0x135: {  	v62 =	vld [tilespmem:s28+$0xFFFFFE90];
	vm1 =	vgt.f32 v27, $0.0e+00;
	v47 =	vadd.f32 $-1.000000000e+00, v49  }
0x136: {  	v5 =	vld [tilespmem:s26+$0x170];
	vm2 =	vgt.f32 v33, $0.0e+00;
	(erf) = vpow2.f32 v46;
	v27 =	vsel vm1, v27, v34  }
0x137: {  	v41 =	vld [tilespmem:s28+$0xFFFFFE10];
	v31 =	vadd.f32 $-1.000000000e+00, v31;
	vm0 =	vgt.f32 v21, $0.0e+00;
	[tilespmem:s28+$0xFFFFFE80] =	vst v27;
	v27 =	vsel vm2, v33, v47  }
0x138: {  	v54 =	vadd.f32 $-1.000000000e+00, v42;
	v42 =	vld [tilespmem:s28+$0xFFFFFEA0];
	[tilespmem:s26+$0x40] =	vst v19;
	v19 =	vmul.f32 $1.442695020e+00, v29;
	v26 =	vadd.f32 v63, v26  }
0x139: {  	v21 =	vsel vm0, v21, v31;
	vm0 =	vgt.f32 v36, $0.0e+00;
	v60 =	vld [tilespmem:s28+$0xFFFFFFA0];
	[tilespmem:s26+$0x140] =	vst v24;
	v24 =	vadd.f32 $-1.000000000e+00, v57;
	v50 =	vpop (erf)  }
0x13a: {  	v45 =	vld [tilespmem:s28+$0xFFFFFF10];
	v51 =	vadd.f32 $-1.000000000e+00, v50;
	(erf) = vpow2.f32 v19;
	[tilespmem:s28+$0xFFFFFF00] =	vst v27;
	v52 =	vmul.f32 $1.442695020e+00, v26;
	v27 =	vpop (erf)  }
0x13b: {  	[tilespmem:s26+$0xFFFFFE40] =	vst v21;
	v25 =	vld [tilespmem:s28+$0xFFFFFF90];
	vm1 =	vgt.f32 v22, $0.0e+00;
	vm2 =	vgt.f32 v23, $0.0e+00;
	v27 =	vadd.f32 $-1.000000000e+00, v27  }
0x13c: {  	[tilespmem:s26+$0xC0] =	vst v28;
	v31 =	vld [tilespmem:s7+$0xFFFFFE90];
	v33 =	vsel vm0, v36, v51;
	vm0 =	vgt.f32 v35, $0.0e+00;
	(erf) = vpow2.f32 v52;
	v55 =	vpop (erf)  }
0x13d: {  	v28 =	vld [tilespmem:s28+$0x110];
	v22 =	vsel vm1, v22, v24;
	[tilespmem:s28+$0xFFFFFF80] =	vst v33;
	v27 =	vsel vm0, v35, v27;
	v24 =	vadd.f32 $-1.000000000e+00, v55;
	v56 =	vpop (erf)  }
0x13e: {  	v30 =	vld [tilespmem:s28+$0x10];
	v23 =	vsel vm2, v23, v54;
	vm0 =	vgt.f32 v39, $0.0e+00;
	[tilespmem:s26+$0x1E0] =	vst v27;
	v27 =	vadd.f32 $-1.000000000e+00, v56  }
0x13f: {  	v57 =	vadd.f32 $-1.000000000e+00, v59;
	vm1 =	vgt.f32 v37, $0.0e+00;
	v53 =	vld [tilespmem:s7+$0xFFFFFF10];
	[tilespmem:s26+$0xFFFFFF50] =	vst v23;
	v58 =	vpop (erf);
	v23 =	vsel vm0, v39, v24  }
0x140: {  	v21 =	vld [tilespmem:s7+$0xFFFFFF90];
	vm0 =	vgt.f32 v13, $0.0e+00;
	[tilespmem:s28+$0x0] =	vst v23;
	v23 =	vsel vm1, v37, v27;
	v27 =	vadd.f32 $-1.000000000e+00, v58  }
0x141: {  	[tilespmem:s26+$0xFFFFFED0] =	vst v22;
	v22 =	vadd.f32 v31, v62;
	v31 =	vld [tilespmem:s26+$0x1F0];
	v13 =	vsel vm0, v13, v57;
	vm0 =	vgt.f32 v43, $0.0e+00  }
0x142: {  	v24 =	vld [tilespmem:s20+$0x1F0];
	v27 =	vsel vm0, v43, v27  }
0x143: {  	v61 =	vpop (erf);
	v62 =	vld [tilespmem:s7+$0x10];
	[tilespmem:s28+$0x80] =	vst v23  }
0x144: {  	v48 =	vld [tilespmem:s28+$0x90];
	v59 =	vmul.f32 $1.442695020e+00, v22;
	[tilespmem:s26+$0xFFFFFFD0] =	vst v13;
	v13 =	vadd.f32 $-1.000000000e+00, v61  }
0x145: {  	v45 =	vadd.f32 v53, v45;
	v25 =	vadd.f32 v21, v25;
	vm1 =	vgt.f32 v29, $0.0e+00;
	v23 =	vld [tilespmem:s7+$0x90];
	[tilespmem:s28+$0x100] =	vst v27;
	v27 =	vpop (erf)  }
0x146: {  	(erf) = vpow2.f32 v59;
	v13 =	vsel vm1, v29, v13;
	v21 =	vld [tilespmem:s7+$0x110];
	v27 =	vadd.f32 $-1.000000000e+00, v27  }
0x147: {  	v19 =	vld [tilespmem:s28+$0xFFFFFE20];
	vm0 =	vgt.f32 v26, $0.0e+00;
	v29 =	vmul.f32 $1.442695020e+00, v45;
	[tilespmem:s28+$0xFFFFFE00] =	vst v13;
	v1 =	vadd.f32 v24, v31  }
0x148: {  	v47 =	vmul.f32 $1.442695020e+00, v25;
	v46 =	vld [tilespmem:s7+$0xFFFFFE10];
	v30 =	vadd.f32 v62, v30;
	v24 =	vsel vm0, v26, v27  }
0x149: {  	v63 =	vld [tilespmem:s28+$0x20];
	(erf) = vpow2.f32 v29;
	[tilespmem:s28+$0x190] =	vst v24;
	v24 =	vmul.f32 $1.442695020e+00, v1  }
0x14a: {  	(erf) = vpow2.f32 v47;
	v31 =	vadd.f32 v23, v48;
	v26 =	vld [tilespmem:s28+$0x1A0];
	v23 =	vmul.f32 $1.442695020e+00, v30  }
0x14b: {  	v28 =	vadd.f32 v21, v28;
	v21 =	vld [tilespmem:s7+$0x1A0];
	(erf) = vpow2.f32 v24  }
0x14c: {  	v35 =	vld [tilespmem:s28+$0xFFFFFF20];
	(erf) = vpow2.f32 v23  }
0x14d: {  	v48 =	vadd.f32 v46, v41;
	v24 =	vmul.f32 $1.442695020e+00, v31;
	v49 =	vld [tilespmem:s28+$0xA0]  }
0x14e: {  	v23 =	vmul.f32 $1.442695020e+00, v28;
	v50 =	vld [tilespmem:s28+$0x120]  }
0x14f: {  	(erf) = vpow2.f32 v24;
	v24 =	vmul.f32 $1.442695020e+00, v48;
	v34 =	vld [tilespmem:s28+$0xFFFFFEB0]  }
0x150: {  	v27 =	vld [tilespmem:s28+$0xFFFFFF30];
	(erf) = vpow2.f32 v23;
	v51 =	vadd.f32 v21, v26;
	v21 =	vpop (erf)  }
0x151: {  	v29 =	vld [tilespmem:s28+$0xFFFFFFB0];
	(erf) = vpow2.f32 v24;
	v21 =	vadd.f32 $-1.000000000e+00, v21  }
0x152: {  	vm0 =	vgt.f32 v22, $0.0e+00;
	v39 =	vld [tilespmem:s28+$0x130]  }
0x153: {  	v61 =	vld [tilespmem:s20+$0xFFFFFE50];
	v24 =	vpop (erf);
	v21 =	vsel vm0, v22, v21  }
0x154: {  	v62 =	vld [tilespmem:s20+$0x50];
	v26 =	vmul.f32 $1.442695020e+00, v51;
	v52 =	vadd.f32 $-1.000000000e+00, v24;
	v53 =	vpop (erf)  }
0x155: {  	vm1 =	vgt.f32 v45, $0.0e+00;
	v32 =	vld [tilespmem:s28+$0x140];
	v22 =	vadd.f32 $-1.000000000e+00, v53  }
0x156: {  	v0 =	vld [tilespmem:s28+$0xFFFFFE50];
	vm0 =	vgt.f32 v25, $0.0e+00;
	(erf) = vpow2.f32 v26;
	[tilespmem:s28+$0xFFFFFE90] =	vst v21;
	v37 =	vsel vm1, v45, v52;
	v21 =	vpop (erf)  }
0x157: {  	v54 =	vld [tilespmem:s7+$0xFFFFFEA0];
	[tilespmem:s28+$0xFFFFFF10] =	vst v37;
	v22 =	vsel vm0, v25, v22;
	v25 =	vpop (erf)  }
0x158: {  	v37 =	vld [tilespmem:s7+$0xFFFFFF20];
	[tilespmem:s28+$0xFFFFFF90] =	vst v22;
	v22 =	vadd.f32 $-1.000000000e+00, v25;
	v25 =	vpop (erf)  }
0x159: {  	vm0 =	vgt.f32 v30, $0.0e+00;
	v55 =	vld [tilespmem:s7+$0xFFFFFFA0];
	v25 =	vadd.f32 $-1.000000000e+00, v25;
	v56 =	vpop (erf)  }
0x15a: {  	v23 =	vld [tilespmem:s28+$0xFFFFFE30];
	vm1 =	vgt.f32 v31, $0.0e+00;
	v30 =	vsel vm0, v30, v22;
	v45 =	vadd.f32 $-1.000000000e+00, v56;
	v57 =	vpop (erf)  }
0x15b: {  	v24 =	vld [tilespmem:s28+$0x30];
	vm0 =	vgt.f32 v28, $0.0e+00;
	[tilespmem:s28+$0x10] =	vst v30;
	v25 =	vsel vm1, v31, v25;
	v30 =	vadd.f32 $-1.000000000e+00, v57  }
0x15c: {  	v42 =	vadd.f32 v54, v42;
	vm1 =	vgt.f32 v48, $0.0e+00;
	v31 =	vld [tilespmem:s7+$0x20];
	[tilespmem:s28+$0x90] =	vst v25;
	v25 =	vsel vm0, v28, v45  }
0x15d: {  	v35 =	vadd.f32 v37, v35;
	v28 =	vld [tilespmem:s7+$0xA0];
	v30 =	vsel vm1, v48, v30;
	[tilespmem:s28+$0x110] =	vst v25  }
0x15e: {  	v25 =	vmul.f32 $1.442695020e+00, v42;
	v37 =	vadd.f32 v55, v60;
	[tilespmem:s28+$0xFFFFFE10] =	vst v30;
	v30 =	vld [tilespmem:s7+$0x120]  }
0x15f: {  	v58 =	vpop (erf);
	v59 =	vmul.f32 $1.442695020e+00, v35;
	v60 =	vld [tilespmem:s7+$0xFFFFFE20]  }
0x160: {  	v26 =	vld [tilespmem:s28+$0xB0];
	v33 =	vadd.f32 $-1.000000000e+00, v58;
	(erf) = vpow2.f32 v25;
	v25 =	vmul.f32 $1.442695020e+00, v37  }
0x161: {  	v22 =	vld [tilespmem:s28+$0xFFFFFE40];
	vm0 =	vgt.f32 v51, $0.0e+00;
	(erf) = vpow2.f32 v59;
	v63 =	vadd.f32 v31, v63  }
0x162: {  	v33 =	vsel vm0, v51, v33;
	v51 =	vld [tilespmem:s28+$0x1B0];
	(erf) = vpow2.f32 v25;
	v45 =	vadd.f32 v28, v49  }
0x163: {  	v25 =	vld [tilespmem:s20+$0xD0];
	[tilespmem:s28+$0x1A0] =	vst v33;
	v31 =	vmul.f32 $1.442695020e+00, v63;
	v40 =	vadd.f32 v30, v50  }
0x164: {  	v30 =	vld [tilespmem:s7+$0x1B0];
	v38 =	vmul.f32 $1.442695020e+00, v45;
	v43 =	vadd.f32 v60, v19  }
0x165: {  	v17 =	vadd.f32 v61, v17;
	v33 =	vld [tilespmem:s28+$0xFFFFFF40];
	(erf) = vpow2.f32 v31;
	v19 =	vmul.f32 $1.442695020e+00, v40  }
0x166: {  	v28 =	vld [tilespmem:s28+$0xFFFFFEC0];
	(erf) = vpow2.f32 v38;
	v52 =	vmul.f32 $1.442695020e+00, v43;
	v38 =	vadd.f32 v62, v15  }
0x167: {  	v31 =	vld [tilespmem:s28+$0xFFFFFFC0];
	v15 =	vmul.f32 $1.442695020e+00, v17;
	(erf) = vpow2.f32 v19  }
0x168: {  	v36 =	vadd.f32 v25, v18;
	v25 =	vld [tilespmem:s28+$0x40];
	(erf) = vpow2.f32 v52;
	v19 =	vmul.f32 $1.442695020e+00, v38  }
0x169: {  	v18 =	vpop (erf);
	v44 =	vadd.f32 v30, v51;
	v30 =	vld [tilespmem:s28+$0xC0];
	(erf) = vpow2.f32 v15  }
0x16a: {  	v18 =	vadd.f32 $-1.000000000e+00, v18;
	v53 =	vpop (erf);
	(erf) = vpow2.f32 v19;
	v19 =	vld [tilespmem:s20+$0x150];
	[tilespmem:$0x1FFA0] =	vst v0  }
0x16b: {  	vm1 =	vgt.f32 v42, $0.0e+00;
	v46 =	vadd.f32 $-1.000000000e+00, v53;
	v15 =	vpop (erf);
	v0 =	vld [tilespmem:s28+$0x50]  }
0x16c: {  	vm0 =	vgt.f32 v35, $0.0e+00;
	v18 =	vsel vm1, v42, v18;
	v56 =	vadd.f32 $-1.000000000e+00, v15  }
0x16d: {  	vm1 =	vgt.f32 v37, $0.0e+00;
	[tilespmem:s28+$0xFFFFFEA0] =	vst v18;
	v18 =	vsel vm0, v35, v46  }
0x16e: {  	v57 =	vld [tilespmem:s7+$0xFFFFFEB0];
	[tilespmem:s28+$0xFFFFFF20] =	vst v18;
	v18 =	vsel vm1, v37, v56  }
0x16f: {  	v58 =	vld [tilespmem:s7+$0xFFFFFF30];
	[tilespmem:s28+$0xFFFFFFA0] =	vst v18  }
0x170: {  	v42 =	vld [tilespmem:s7+$0xFFFFFFB0];
	[tilespmem:$0x1FFB0] =	vst v0  }
0x171: {  	v0 =	vld [tilespmem:s28+$0xD0];
	_ =	sdelay $0x2  }
0x172: {  	v54 =	vmul.f32 $1.442695020e+00, v36  }
0x173: {  	v55 =	vmul.f32 $1.442695020e+00, v44  }
0x174: {  	(erf) = vpow2.f32 v54;
	[tilespmem:$0x1FFC0] =	vst v0  }
0x175: {  	(erf) = vpow2.f32 v55;
	v18 =	vpop (erf);
	v0 =	vld [tilespmem:s28+$0x150]  }
0x176: {  	v59 =	vadd.f32 $-1.000000000e+00, v18  }
0x177: {  	vm0 =	vgt.f32 v63, $0.0e+00;
	v60 =	vpop (erf)  }
0x178: {  	v49 =	vadd.f32 v19, v16;
	v47 =	vadd.f32 $-1.000000000e+00, v60;
	v61 =	vpop (erf);
	v16 =	vsel vm0, v63, v59  }
0x179: {  	vm1 =	vgt.f32 v45, $0.0e+00;
	v62 =	vadd.f32 $-1.000000000e+00, v61;
	[tilespmem:s28+$0x20] =	vst v16  }
0x17a: {  	vm2 =	vgt.f32 v40, $0.0e+00;
	v63 =	vpop (erf);
	v51 =	vsel vm1, v45, v47;
	[tilespmem:$0x1FFD0] =	vst v0  }
0x17b: {  	v48 =	vadd.f32 v57, v34;
	v52 =	vadd.f32 $-1.000000000e+00, v63;
	v45 =	vpop (erf);
	v55 =	vsel vm2, v40, v62;
	v54 =	vld [tilespmem:s7+$0x30];
	[tilespmem:s28+$0xA0] =	vst v51  }
0x17c: {  	v53 =	vmul.f32 $1.442695020e+00, v49;
	vm0 =	vgt.f32 v43, $0.0e+00;
	v27 =	vadd.f32 v58, v27;
	v56 =	vpop (erf);
	[tilespmem:s28+$0x120] =	vst v55;
	v58 =	vld [tilespmem:s7+$0xB0]  }
0x17d: {  	v57 =	vmul.f32 $1.442695020e+00, v48;
	v42 =	vadd.f32 v42, v29;
	v35 =	vsel vm0, v43, v52;
	v59 =	vpop (erf);
	v29 =	vld [tilespmem:s7+$0x130]  }
0x17e: {  	(erf) = vpow2.f32 v53;
	v60 =	vpop (erf);
	[tilespmem:s28+$0xFFFFFE20] =	vst v35;
	v34 =	vld [tilespmem:s28+$0xFFFFFED0]  }
0x17f: {  	v61 =	vmul.f32 $1.442695020e+00, v27;
	(erf) = vpow2.f32 v57;
	v62 =	vadd.f32 $-1.000000000e+00, v60;
	v50 =	vld [tilespmem:s7+$0xFFFFFE30]  }
0x180: {  	vm0 =	vgt.f32 v44, $0.0e+00;
	v51 =	vmul.f32 $1.442695020e+00, v42;
	v35 =	vld [tilespmem:s28+$0xFFFFFF50];
	v46 =	vadd.f32 v54, v24  }
0x181: {  	(erf) = vpow2.f32 v61;
	v37 =	vld [tilespmem:s28+$0xFFFFFFD0];
	v24 =	vsel vm0, v44, v62;
	v41 =	vadd.f32 v58, v26  }
0x182: {  	v0 =	vld [tilespmem:s28+$0xFFFFFE60];
	(erf) = vpow2.f32 v51;
	[tilespmem:s28+$0x1B0] =	vst v24;
	v39 =	vadd.f32 v29, v39;
	v24 =	vmul.f32 $1.442695020e+00, v46  }
0x183: {  	v26 =	vld [tilespmem:s28+$0x1C0];
	v29 =	vmul.f32 $1.442695020e+00, v41  }
0x184: {  	v44 =	vadd.f32 v50, v23;
	v23 =	vld [tilespmem:s7+$0x1C0];
	(erf) = vpow2.f32 v24;
	v24 =	vmul.f32 $1.442695020e+00, v39  }
0x185: {  	vm6 =	vgt.f32 v49, $0.0e+00;
	v63 =	vld [tilespmem:s20+$0xFFFFFEE0]  }
0x186: {  	v45 =	vadd.f32 $-1.000000000e+00, v45;
	v51 =	vld [tilespmem:s20+$0xFFFFFFE0];
	(erf) = vpow2.f32 v29;
	v29 =	vmul.f32 $1.442695020e+00, v44  }
0x187: {  	vm1 =	vgt.f32 v17, $0.0e+00;
	vm3 =	vgt.f32 v48, $0.0e+00;
	v52 =	vpop (erf);
	v50 =	vld [tilespmem:s20+$0xFFFFFF60];
	[tilespmem:$0x1FFE0] =	vst v0;
	(erf) = vpow2.f32 v24  }
0x188: {  	vm4 =	vgt.f32 v27, $0.0e+00;
	v45 =	vsel vm1, v17, v45;
	v0 =	vld [tilespmem:s28+$0x60];
	(erf) = vpow2.f32 v29;
	v24 =	vpop (erf)  }
0x189: {  	vm2 =	vgt.f32 v36, $0.0e+00;
	[tilespmem:s26+$0xFFFFFE50] =	vst v45;
	v2 =	vld [tilespmem:s28+$0xFFFFFF60];
	v53 =	vadd.f32 v23, v26;
	v29 =	vadd.f32 $-1.000000000e+00, v24  }
0x18a: {  	vm5 =	vgt.f32 v42, $0.0e+00;
	v43 =	vadd.f32 $-1.000000000e+00, v59;
	v52 =	vadd.f32 $-1.000000000e+00, v52;
	v45 =	vld [tilespmem:s20+$0xFFFFFE60];
	v23 =	vpop (erf)  }
0x18b: {  	v24 =	vld [tilespmem:s28+$0xFFFFFEE0];
	v55 =	vmul.f32 $1.442695020e+00, v53;
	v26 =	vadd.f32 $-1.000000000e+00, v23;
	v54 =	vpop (erf);
	v48 =	vsel vm3, v48, v29  }
0x18c: {  	v40 =	vadd.f32 $-1.000000000e+00, v56;
	v36 =	vsel vm2, v36, v43;
	v29 =	vld [tilespmem:s28+$0xFFFFFFE0];
	v57 =	vadd.f32 $-1.000000000e+00, v54;
	[tilespmem:s28+$0xFFFFFEB0] =	vst v48  }
0x18d: {  	v43 =	vsel vm6, v49, v52;
	(erf) = vpow2.f32 v55;
	v27 =	vsel vm4, v27, v26;
	v58 =	vld [tilespmem:s7+$0xFFFFFEC0];
	[tilespmem:$0x1FFF0] =	vst v0  }
0x18e: {  	vm0 =	vgt.f32 v38, $0.0e+00;
	v19 =	vadd.f32 v63, v14;
	v59 =	vpop (erf);
	[tilespmem:s28+$0xFFFFFF30] =	vst v27;
	v27 =	vsel vm5, v42, v57  }
0x18f: {  	v40 =	vsel vm0, v38, v40;
	v38 =	vadd.f32 v45, v20;
	v60 =	vpop (erf);
	v20 =	vld [tilespmem:s7+$0xFFFFFF40];
	[tilespmem:s28+$0xFFFFFFB0] =	vst v27;
	v27 =	vadd.f32 $-1.000000000e+00, v59  }
0x190: {  	vm7 =	vgt.f32 v41, $0.0e+00;
	vm3 =	vgt.f32 v46, $0.0e+00;
	v42 =	vadd.f32 $-1.000000000e+00, v60;
	v62 =	vpop (erf)  }
0x191: {  	vm4 =	vgt.f32 v39, $0.0e+00;
	v61 =	vld [tilespmem:s7+$0xFFFFFFC0];
	v63 =	vadd.f32 $-1.000000000e+00, v62;
	v52 =	vpop (erf);
	v46 =	vsel vm3, v46, v27  }
0x192: {  	v41 =	vsel vm7, v41, v42;
	v54 =	vadd.f32 $-1.000000000e+00, v52;
	v49 =	vadd.f32 v58, v28;
	[tilespmem:s28+$0x30] =	vst v46  }
0x193: {  	vm1 =	vgt.f32 v44, $0.0e+00;
	v55 =	vmul.f32 $1.442695020e+00, v38;
	[tilespmem:s28+$0xB0] =	vst v41;
	v39 =	vsel vm4, v39, v63;
	v56 =	vld [tilespmem:s7+$0x40]  }
0x194: {  	v57 =	vld [tilespmem:s7+$0xC0];
	v42 =	vsel vm1, v44, v54;
	[tilespmem:s28+$0x130] =	vst v39;
	v41 =	vadd.f32 v20, v33;
	v20 =	vmul.f32 $1.442695020e+00, v49  }
0x195: {  	v18 =	vadd.f32 v50, v12;
	vm0 =	vgt.f32 v53, $0.0e+00;
	(erf) = vpow2.f32 v55;
	[tilespmem:s28+$0xFFFFFE30] =	vst v42;
	v59 =	vld [tilespmem:s7+$0x140]  }
0x196: {  	v58 =	vmul.f32 $1.442695020e+00, v19;
	v60 =	vpop (erf);
	v45 =	vadd.f32 v61, v31;
	(erf) = vpow2.f32 v20;
	v20 =	vld [tilespmem:s7+$0xFFFFFE40]  }
0x197: {  	[tilespmem:s26+$0x50] =	vst v40;
	v31 =	vadd.f32 v51, v11;
	v63 =	vadd.f32 $-1.000000000e+00, v60;
	v11 =	vmul.f32 $1.442695020e+00, v41  }
0x198: {  	[tilespmem:s26+$0xD0] =	vst v36;
	v52 =	vld [tilespmem:s20+$0x60];
	v61 =	vmul.f32 $1.442695020e+00, v18;
	v62 =	vmul.f32 $1.442695020e+00, v45;
	v44 =	vadd.f32 v56, v25  }
0x199: {  	[tilespmem:s26+$0x150] =	vst v43;
	(erf) = vpow2.f32 v11;
	v25 =	vld [tilespmem:s20+$0xE0];
	v43 =	vadd.f32 v57, v30;
	v11 =	vsel vm0, v53, v63  }
0x19a: {  	v53 =	vld [tilespmem:s20+$0x160];
	(erf) = vpow2.f32 v62;
	v42 =	vadd.f32 v59, v32;
	[tilespmem:s28+$0x1C0] =	vst v11;
	v54 =	vmul.f32 $1.442695020e+00, v44  }
0x19b: {  	(erf) = vpow2.f32 v58;
	v55 =	vmul.f32 $1.442695020e+00, v43;
	v56 =	vld [tilespmem:s7+$0x1D0];
	v17 =	vadd.f32 v20, v22  }
0x19c: {  	v22 =	vld [tilespmem:s28+$0x1D0];
	v20 =	vmul.f32 $1.442695020e+00, v42;
	(erf) = vpow2.f32 v54  }
0x19d: {  	v36 =	vadd.f32 v52, v8;
	(erf) = vpow2.f32 v55;
	v8 =	vmul.f32 $1.442695020e+00, v17  }
0x19e: {  	vm1 =	vgt.f32 v41, $0.0e+00;
	v30 =	vmul.f32 $1.442695020e+00, v31;
	(erf) = vpow2.f32 v20  }
0x19f: {  	vm0 =	vgt.f32 v49, $0.0e+00;
	v32 =	vadd.f32 v25, v9;
	(erf) = vpow2.f32 v8  }
0x1a0: {  	v33 =	vpop (erf);
	v9 =	vmul.f32 $1.442695020e+00, v36;
	v20 =	vadd.f32 v53, v10;
	(erf) = vpow2.f32 v61  }
0x1a1: {  	v10 =	vpop (erf);
	v8 =	vmul.f32 $1.442695020e+00, v32;
	v47 =	vadd.f32 v56, v22;
	(erf) = vpow2.f32 v30  }
0x1a2: {  	v10 =	vadd.f32 $-1.000000000e+00, v10;
	v25 =	vmul.f32 $1.442695020e+00, v20;
	v57 =	vpop (erf);
	(erf) = vpow2.f32 v9  }
0x1a3: {  	v22 =	vadd.f32 $-1.000000000e+00, v57;
	v30 =	vpop (erf);
	(erf) = vpow2.f32 v8;
	v8 =	vmul.f32 $1.442695020e+00, v47  }
0x1a4: {  	s5 =	simm.s32 $0x5C00;
	v10 =	vsel vm0, v49, v10;
	v9 =	vadd.f32 $-1.000000000e+00, v30;
	v23 =	vpop (erf);
	(erf) = vpow2.f32 v25  }
0x1a5: {  	v59 =	vld [tilespmem:s5+$0x180];
	vm0 =	vgt.f32 v45, $0.0e+00;
	[tilespmem:s28+$0xFFFFFEC0] =	vst v10;
	v22 =	vsel vm1, v41, v22;
	v51 =	vpop (erf);
	(erf) = vpow2.f32 v8  }
0x1a6: {  	v25 =	vld [tilespmem:s7+$0xFFFFFED0];
	[tilespmem:s28+$0xFFFFFF40] =	vst v22;
	v9 =	vsel vm0, v45, v9;
	v50 =	vpop (erf)  }
0x1a7: {  	v8 =	vld [tilespmem:s7+$0xFFFFFF50];
	[tilespmem:s28+$0xFFFFFFC0] =	vst v9;
	v49 =	vpop (erf)  }
0x1a8: {  	s8 =	simm.s32 $0xC00;
	v9 =	vld [tilespmem:s7+$0xFFFFFFD0];
	v48 =	vpop (erf)  }
0x1a9: {  	v58 =	vld [tilespmem:s8+$0x180];
	v45 =	vpop (erf)  }
0x1aa: {  	v46 =	vpop (erf)  }
0x1ab: {  	v62 =	vld [tilespmem:s5+$0xFFFFFF00];
	v22 =	vadd.f32 v25, v34;
	v41 =	vpop (erf)  }
0x1ac: {  	v25 =	vadd.f32 v8, v35;
	v8 =	vld [tilespmem:s8+$0xFFFFFE80];
	v40 =	vpop (erf)  }
0x1ad: {  	v34 =	vmul.f32 $1.442695020e+00, v22;
	v30 =	vadd.f32 v9, v37;
	v9 =	vld [tilespmem:s5+$0xFFFFFE80];
	v39 =	vpop (erf)  }
0x1ae: {  	v52 =	vadd.f32 v59, v58;
	v37 =	vld [tilespmem:s8+$0xFFFFFF00];
	v35 =	vmul.f32 $1.442695020e+00, v25;
	v60 =	vpop (erf)  }
0x1af: {  	(erf) = vpow2.f32 v34;
	v61 =	vmul.f32 $1.442695020e+00, v30;
	v53 =	vadd.f32 $-1.000000000e+00, v60  }
0x1b0: {  	v56 =	vld [tilespmem:s8+$0xFFFFFF80];
	v63 =	vmul.f32 $1.442695020e+00, v52;
	vm0 =	vgt.f32 v47, $0.0e+00;
	(erf) = vpow2.f32 v35  }
0x1b1: {  	v60 =	vld [tilespmem:s5+$0xFFFFFF80];
	(erf) = vpow2.f32 v61;
	v59 =	vsel vm0, v47, v53  }
0x1b2: {  	(erf) = vpow2.f32 v63;
	v9 =	vadd.f32 v9, v8;
	v8 =	vld [tilespmem:s28+$0x1E0];
	[tilespmem:s28+$0x1D0] =	vst v59  }
0x1b3: {  	v53 =	vadd.f32 v62, v37;
	v61 =	vld [tilespmem:s7+$0x1E0]  }
0x1b4: {  	v54 =	vld [tilespmem:s8+$0x0]  }
0x1b5: {  	v58 =	vld [tilespmem:s8+$0x80];
	v62 =	vmul.f32 $1.442695020e+00, v9;
	v37 =	vmul.f32 $1.442695020e+00, v53  }
0x1b6: {  	v57 =	vld [tilespmem:s5+$0x0]  }
0x1b7: {  	v47 =	vadd.f32 v60, v56;
	v56 =	vld [tilespmem:s5+$0x80];
	(erf) = vpow2.f32 v62  }
0x1b8: {  	v34 =	vpop (erf);
	(erf) = vpow2.f32 v37;
	v60 =	vadd.f32 v61, v8  }
0x1b9: {  	v59 =	vld [tilespmem:s8+$0x100];
	v37 =	vpop (erf);
	v8 =	vmul.f32 $1.442695020e+00, v47  }
0x1ba: {  	v61 =	vld [tilespmem:s5+$0x100];
	v35 =	vpop (erf);
	v63 =	vmul.f32 $1.442695020e+00, v60  }
0x1bb: {  	v55 =	vld [tilespmem:s5+$0xFFFFFE00];
	v54 =	vadd.f32 v57, v54;
	v0 =	vpop (erf);
	(erf) = vpow2.f32 v8  }
0x1bc: {  	v62 =	vld [tilespmem:s8+$0xFFFFFE00];
	v56 =	vadd.f32 v56, v58;
	v0 =	vadd.f32 $-1.000000000e+00, v0;
	(erf) = vpow2.f32 v63  }
0x1bd: {  	v57 =	vmul.f32 $1.442695020e+00, v54;
	vm0 =	vgt.f32 v52, $0.0e+00  }
0x1be: {  	v0 =	vsel vm0, v52, v0;
	v52 =	vmul.f32 $1.442695020e+00, v56  }
0x1bf: {  	v58 =	vadd.f32 v61, v59;
	(erf) = vpow2.f32 v57;
	v57 =	vld [tilespmem:s8+$0x190];
	[tilespmem:s8+$0x180] =	vst v0  }
0x1c0: {  	v63 =	vpop (erf);
	(erf) = vpow2.f32 v52;
	v52 =	vld [tilespmem:s5+$0x190]  }
0x1c1: {  	v11 =	vadd.f32 v55, v62;
	v55 =	vadd.f32 $-1.000000000e+00, v63;
	v59 =	vmul.f32 $1.442695020e+00, v58;
	v61 =	vpop (erf)  }
0x1c2: {  	vm0 =	vgt.f32 v9, $0.0e+00;
	v61 =	vadd.f32 $-1.000000000e+00, v61  }
0x1c3: {  	vm1 =	vgt.f32 v53, $0.0e+00;
	(erf) = vpow2.f32 v59;
	v59 =	vld [tilespmem:s8+$0xFFFFFE90];
	v9 =	vsel vm0, v9, v55  }
0x1c4: {  	v55 =	vld [tilespmem:s8+$0xFFFFFF10];
	[tilespmem:s8+$0xFFFFFE80] =	vst v9;
	v9 =	vsel vm1, v53, v61;
	v53 =	vpop (erf)  }
0x1c5: {  	v63 =	vmul.f32 $1.442695020e+00, v11;
	v61 =	vld [tilespmem:s5+$0xFFFFFE90];
	[tilespmem:s8+$0xFFFFFF00] =	vst v9;
	v9 =	vadd.f32 $-1.000000000e+00, v53;
	v52 =	vadd.f32 v52, v57;
	v57 =	vpop (erf)  }
0x1c6: {  	vm0 =	vgt.f32 v47, $0.0e+00;
	v53 =	vld [tilespmem:s5+$0xFFFFFF10];
	v57 =	vadd.f32 $-1.000000000e+00, v57  }
0x1c7: {  	(erf) = vpow2.f32 v63;
	v9 =	vsel vm0, v47, v9;
	vm0 =	vgt.f32 v60, $0.0e+00  }
0x1c8: {  	[tilespmem:s8+$0xFFFFFF80] =	vst v9;
	v9 =	vsel vm0, v60, v57  }
0x1c9: {  	v12 =	vld [tilespmem:s8+$0x10];
	v47 =	vmul.f32 $1.442695020e+00, v52;
	v60 =	vpop (erf)  }
0x1ca: {  	v63 =	vld [tilespmem:s8+$0xFFFFFF90];
	v59 =	vadd.f32 v61, v59;
	v60 =	vadd.f32 $-1.000000000e+00, v60  }
0x1cb: {  	(erf) = vpow2.f32 v47;
	v47 =	vld [tilespmem:s5+$0xFFFFFF90];
	vm0 =	vgt.f32 v54, $0.0e+00;
	[tilespmem:s28+$0x1E0] =	vst v9;
	v55 =	vadd.f32 v53, v55;
	v9 =	vpop (erf)  }
0x1cc: {  	v61 =	vld [tilespmem:s28+$0x1F0];
	v10 =	vmul.f32 $1.442695020e+00, v59;
	v53 =	vsel vm0, v54, v60;
	v9 =	vadd.f32 $-1.000000000e+00, v9  }
0x1cd: {  	vm1 =	vgt.f32 v56, $0.0e+00;
	v60 =	vld [tilespmem:s7+$0x1F0];
	[tilespmem:s8+$0x0] =	vst v53  }
0x1ce: {  	v0 =	vmul.f32 $1.442695020e+00, v55;
	v54 =	vpop (erf);
	(erf) = vpow2.f32 v10;
	v10 =	vld [tilespmem:s5+$0x10];
	v9 =	vsel vm1, v56, v9  }
0x1cf: {  	v57 =	vld [tilespmem:s8+$0x90];
	v53 =	vadd.f32 $-1.000000000e+00, v54;
	[tilespmem:s8+$0x80] =	vst v9  }
0x1d0: {  	vm0 =	vgt.f32 v58, $0.0e+00;
	(erf) = vpow2.f32 v0;
	v56 =	vpop (erf);
	v0 =	vld [tilespmem:s5+$0x90]  }
0x1d1: {  	v9 =	vadd.f32 $-1.000000000e+00, v56;
	v56 =	vsel vm0, v58, v53  }
0x1d2: {  	v54 =	vld [tilespmem:s8+$0x110];
	v63 =	vadd.f32 v47, v63;
	vm0 =	vgt.f32 v11, $0.0e+00;
	[tilespmem:s8+$0x100] =	vst v56  }
0x1d3: {  	v47 =	vadd.f32 v60, v61;
	v9 =	vsel vm0, v11, v9;
	v11 =	vld [tilespmem:s5+$0x110];
	v15 =	vadd.f32 v10, v12  }
0x1d4: {  	v62 =	vld [tilespmem:s8+$0xFFFFFE10];
	v60 =	vmul.f32 $1.442695020e+00, v63;
	[tilespmem:s8+$0xFFFFFE00] =	vst v9  }
0x1d5: {  	v12 =	vmul.f32 $1.442695020e+00, v47;
	v58 =	vld [tilespmem:s5+$0xFFFFFE10];
	v13 =	vadd.f32 v0, v57;
	v57 =	vmul.f32 $1.442695020e+00, v15  }
0x1d6: {  	v61 =	vpop (erf);
	(erf) = vpow2.f32 v60  }
0x1d7: {  	(erf) = vpow2.f32 v12;
	v12 =	vadd.f32 $-1.000000000e+00, v61  }
0x1d8: {  	vm0 =	vgt.f32 v52, $0.0e+00;
	v11 =	vadd.f32 v11, v54  }
0x1d9: {  	v12 =	vsel vm0, v52, v12;
	v54 =	vmul.f32 $1.442695020e+00, v13;
	(erf) = vpow2.f32 v57;
	v57 =	vpop (erf)  }
0x1da: {  	vm0 =	vgt.f32 v59, $0.0e+00;
	[tilespmem:s8+$0x190] =	vst v12;
	v62 =	vadd.f32 v58, v62;
	v12 =	vadd.f32 $-1.000000000e+00, v57;
	v58 =	vpop (erf)  }
0x1db: {  	v52 =	vmul.f32 $1.442695020e+00, v11;
	(erf) = vpow2.f32 v54;
	v54 =	vadd.f32 $-1.000000000e+00, v58  }
0x1dc: {  	v12 =	vsel vm0, v59, v12;
	vm0 =	vgt.f32 v55, $0.0e+00  }
0x1dd: {  	v21 =	vadd.f32 $-1.000000000e+00, v21;
	v0 =	vld [tilespmem:s8+$0x1A0];
	(erf) = vpow2.f32 v52;
	[tilespmem:s8+$0xFFFFFE90] =	vst v12;
	v12 =	vsel vm0, v55, v54  }
0x1de: {  	v52 =	vld [tilespmem:s5+$0x1A0];
	v58 =	vmul.f32 $1.442695020e+00, v62;
	vm0 =	vgt.f32 v1, $0.0e+00;
	[tilespmem:s8+$0xFFFFFF10] =	vst v12;
	v12 =	vadd.f32 $-1.000000000e+00, v33  }
0x1df: {  	v56 =	vld [tilespmem:s8+$0xFFFFFEA0];
	v33 =	vsel vm0, v1, v21;
	vm0 =	vgt.f32 v38, $0.0e+00  }
0x1e0: {  	v60 =	vld [tilespmem:s8+$0xFFFFFF20];
	(erf) = vpow2.f32 v58;
	v38 =	vsel vm0, v38, v12;
	v12 =	vadd.f32 $-1.000000000e+00, v50  }
0x1e1: {  	v51 =	vadd.f32 $-1.000000000e+00, v51;
	v54 =	vld [tilespmem:s5+$0xFFFFFEA0];
	vm0 =	vgt.f32 v43, $0.0e+00  }
0x1e2: {  	vm1 =	vgt.f32 v44, $0.0e+00;
	v21 =	vpop (erf);
	v55 =	vld [tilespmem:s5+$0xFFFFFF20];
	v43 =	vsel vm0, v43, v12;
	v12 =	vadd.f32 $-1.000000000e+00, v49  }
0x1e3: {  	v51 =	vsel vm1, v44, v51;
	v14 =	vadd.f32 v52, v0;
	v44 =	vadd.f32 $-1.000000000e+00, v21;
	v52 =	vpop (erf)  }
0x1e4: {  	v0 =	vpop (erf);
	vm0 =	vgt.f32 v63, $0.0e+00  }
0x1e5: {  	v16 =	vld [tilespmem:s8+$0x20];
	v0 =	vadd.f32 $-1.000000000e+00, v0;
	v44 =	vsel vm0, v63, v44;
	vm0 =	vgt.f32 v42, $0.0e+00  }
0x1e6: {  	v26 =	vld [tilespmem:s8+$0xFFFFFE40];
	v49 =	vmul.f32 $1.442695020e+00, v14;
	v42 =	vsel vm0, v42, v12;
	[tilespmem:s8+$0xFFFFFF90] =	vst v44;
	v44 =	vadd.f32 v54, v56;
	v12 =	vpop (erf)  }
0x1e7: {  	v27 =	vld [tilespmem:s28+$0xE0];
	vm1 =	vgt.f32 v13, $0.0e+00;
	v60 =	vadd.f32 v55, v60;
	v12 =	vadd.f32 $-1.000000000e+00, v12;
	v55 =	vpop (erf)  }
0x1e8: {  	v61 =	vld [tilespmem:s8+$0xFFFFFFA0];
	(erf) = vpow2.f32 v49;
	vm0 =	vgt.f32 v15, $0.0e+00;
	v10 =	vadd.f32 $-1.000000000e+00, v55  }
0x1e9: {  	v50 =	vld [tilespmem:s8+$0xA0];
	v0 =	vsel vm0, v15, v0;
	vm0 =	vgt.f32 v11, $0.0e+00;
	v12 =	vsel vm1, v13, v12;
	v13 =	vpop (erf)  }
0x1ea: {  	v49 =	vld [tilespmem:s5+$0xFFFFFFA0];
	[tilespmem:s8+$0x10] =	vst v0;
	v10 =	vsel vm0, v11, v10;
	v11 =	vadd.f32 $-1.000000000e+00, v48;
	v13 =	vadd.f32 $-1.000000000e+00, v13  }
0x1eb: {  	v15 =	vld [tilespmem:s5+$0x20];
	vm1 =	vgt.f32 v62, $0.0e+00;
	[tilespmem:s8+$0x90] =	vst v12;
	vm0 =	vgt.f32 v17, $0.0e+00;
	v12 =	vmul.f32 $1.442695020e+00, v44  }
0x1ec: {  	v17 =	vsel vm0, v17, v11;
	v11 =	vsel vm1, v62, v13;
	v13 =	vld [tilespmem:s5+$0xA0]  }
0x1ed: {  	v28 =	vld [tilespmem:s28+$0x160];
	[tilespmem:s8+$0x110] =	vst v10;
	v10 =	vadd.f32 $-1.000000000e+00, v23;
	(erf) = vpow2.f32 v12  }
0x1ee: {  	v8 =	vld [tilespmem:s28+$0xFFFFFE70];
	vm0 =	vgt.f32 v19, $0.0e+00;
	v12 =	vadd.f32 $-1.000000000e+00, v45  }
0x1ef: {  	v53 =	vld [tilespmem:s8+$0xFFFFFE20];
	v48 =	vadd.f32 v49, v61;
	v45 =	vsel vm0, v19, v10;
	vm0 =	vgt.f32 v18, $0.0e+00  }
0x1f0: {  	v9 =	vld [tilespmem:s28+$0xFFFFFEF0];
	[tilespmem:s8+$0xFFFFFE10] =	vst v11;
	v11 =	vmul.f32 $1.442695020e+00, v60;
	v61 =	vsel vm0, v18, v12;
	v18 =	vadd.f32 $-1.000000000e+00, v46  }
0x1f1: {  	[tilespmem:s28+$0x40] =	vst v51;
	v57 =	vld [tilespmem:s8+$0xFFFFFEB0];
	v15 =	vadd.f32 v15, v16;
	vm0 =	vgt.f32 v31, $0.0e+00;
	v16 =	vadd.f32 v13, v50;
	v13 =	vpop (erf)  }
0x1f2: {  	v59 =	vld [tilespmem:s8+$0x120];
	[tilespmem:s28+$0xC0] =	vst v43;
	(erf) = vpow2.f32 v11;
	v46 =	vsel vm0, v31, v18;
	v18 =	vadd.f32 $-1.000000000e+00, v13  }
0x1f3: {  	v58 =	vld [tilespmem:s8+$0xFFFFFF30];
	[tilespmem:s28+$0x140] =	vst v42;
	vm0 =	vgt.f32 v14, $0.0e+00  }
0x1f4: {  	v49 =	vmul.f32 $1.442695020e+00, v48;
	[tilespmem:s28+$0xFFFFFE40] =	vst v17;
	v62 =	vld [tilespmem:s5+$0xFFFFFE20];
	v14 =	vsel vm0, v14, v18  }
0x1f5: {  	v31 =	vadd.f32 $-1.000000000e+00, v41;
	v18 =	vld [tilespmem:s7+$0xFFFFFE50];
	[tilespmem:s8+$0x1A0] =	vst v14  }
0x1f6: {  	v40 =	vadd.f32 $-1.000000000e+00, v40;
	(erf) = vpow2.f32 v49;
	vm0 =	vgt.f32 v36, $0.0e+00;
	v51 =	vpop (erf);
	v0 =	vld [tilespmem:$0x1FFA0]  }
0x1f7: {  	v21 =	vld [tilespmem:s8+$0xFFFFFE30];
	v36 =	vsel vm0, v36, v31;
	vm0 =	vgt.f32 v32, $0.0e+00;
	v43 =	vadd.f32 $-1.000000000e+00, v51  }
0x1f8: {  	v23 =	vld [tilespmem:s5+$0x120];
	v19 =	vmul.f32 $1.442695020e+00, v15;
	v41 =	vsel vm0, v32, v40;
	vm0 =	vgt.f32 v44, $0.0e+00  }
0x1f9: {  	v63 =	vld [tilespmem:s8+$0xFFFFFFB0];
	v40 =	vsel vm0, v44, v43  }
0x1fa: {  	(erf) = vpow2.f32 v19;
	v19 =	vld [tilespmem:s7+$0x50];
	[tilespmem:s8+$0xFFFFFEA0] =	vst v40  }
0x1fb: {  	v17 =	vadd.f32 v62, v53;
	v62 =	vpop (erf);
	v42 =	vadd.f32 v18, v0;
	v0 =	vld [tilespmem:$0x1FFB0]  }
0x1fc: {  	v54 =	vld [tilespmem:s8+$0x30];
	v32 =	vadd.f32 $-1.000000000e+00, v62  }
0x1fd: {  	v56 =	vld [tilespmem:s8+$0xB0];
	vm1 =	vgt.f32 v60, $0.0e+00;
	v23 =	vadd.f32 v23, v59;
	v50 =	vmul.f32 $1.442695020e+00, v16  }
0x1fe: {  	v49 =	vld [tilespmem:s8+$0x1B0];
	v32 =	vsel vm1, v60, v32  }
0x1ff: {  	v31 =	vld [tilespmem:s7+$0xD0];
	v14 =	vmul.f32 $1.442695020e+00, v23;
	(erf) = vpow2.f32 v50;
	[tilespmem:s8+$0xFFFFFF20] =	vst v32  }
0x200: {  	v62 =	vpop (erf);
	v43 =	vadd.f32 v19, v0;
	v0 =	vld [tilespmem:$0x1FFC0]  }
0x201: {  	(erf) = vpow2.f32 v14;
	v14 =	vld [tilespmem:s5+$0x1B0];
	v50 =	vadd.f32 $-1.000000000e+00, v62  }
0x202: {  	v39 =	vadd.f32 $-1.000000000e+00, v39;
	v53 =	vmul.f32 $1.442695020e+00, v17;
	vm1 =	vgt.f32 v48, $0.0e+00;
	v44 =	vld [tilespmem:s5+$0xFFFFFF30]  }
0x203: {  	vm2 =	vgt.f32 v30, $0.0e+00;
	v34 =	vadd.f32 $-1.000000000e+00, v34;
	v40 =	vsel vm1, v48, v50;
	v19 =	vld [tilespmem:s5+$0xFFFFFEB0]  }
0x204: {  	v37 =	vadd.f32 $-1.000000000e+00, v37;
	(erf) = vpow2.f32 v53;
	v18 =	vld [tilespmem:s7+$0x150];
	v32 =	vmul.f32 $1.442695020e+00, v42;
	[tilespmem:s8+$0xFFFFFFA0] =	vst v40  }
0x205: {  	v35 =	vadd.f32 $-1.000000000e+00, v35;
	v48 =	vmul.f32 $1.442695020e+00, v43;
	v31 =	vadd.f32 v31, v0;
	v0 =	vld [tilespmem:$0x1FFD0]  }
0x206: {  	vm0 =	vgt.f32 v20, $0.0e+00;
	v60 =	vadd.f32 v14, v49;
	(erf) = vpow2.f32 v32;
	v62 =	vld [tilespmem:s5+$0xFFFFFFB0]  }
0x207: {  	v55 =	vld [tilespmem:s8+$0x130];
	v49 =	vpop (erf);
	vm1 =	vgt.f32 v16, $0.0e+00;
	v44 =	vadd.f32 v44, v58;
	(erf) = vpow2.f32 v48  }
0x208: {  	v10 =	vld [tilespmem:s28+$0x70];
	v48 =	vsel vm0, v20, v39;
	v20 =	vadd.f32 $-1.000000000e+00, v49;
	v39 =	vadd.f32 v19, v57;
	v19 =	vpop (erf)  }
0x209: {  	v12 =	vld [tilespmem:s28+$0xF0];
	vm0 =	vgt.f32 v15, $0.0e+00;
	v19 =	vadd.f32 $-1.000000000e+00, v19;
	v40 =	vmul.f32 $1.442695020e+00, v31  }
0x20a: {  	v11 =	vld [tilespmem:s28+$0xFFFFFF70];
	v20 =	vsel vm0, v15, v20;
	v57 =	vpop (erf);
	v32 =	vadd.f32 v18, v0;
	v18 =	vmul.f32 $1.442695020e+00, v60  }
0x20b: {  	v59 =	vld [tilespmem:s8+$0xFFFFFEC0];
	v58 =	vadd.f32 v62, v63;
	v57 =	vadd.f32 $-1.000000000e+00, v57;
	(erf) = vpow2.f32 v40  }
0x20c: {  	v13 =	vld [tilespmem:s28+$0x170];
	vm0 =	vgt.f32 v23, $0.0e+00;
	(erf) = vpow2.f32 v18;
	v18 =	vmul.f32 $1.442695020e+00, v32  }
0x20d: {  	v51 =	vld [tilespmem:s8+$0xFFFFFFC0];
	v63 =	vmul.f32 $1.442695020e+00, v39;
	[tilespmem:s8+$0x20] =	vst v20;
	v16 =	vsel vm1, v16, v19;
	v23 =	vsel vm0, v23, v57;
	v19 =	vpop (erf)  }
0x20e: {  	[tilespmem:s8+$0xA0] =	vst v16;
	v16 =	vmul.f32 $1.442695020e+00, v44;
	v57 =	vld [tilespmem:s5+$0x30];
	v62 =	vadd.f32 $-1.000000000e+00, v19;
	(erf) = vpow2.f32 v18  }
0x20f: {  	vm1 =	vgt.f32 v17, $0.0e+00;
	vm0 =	vgt.f32 v22, $0.0e+00;
	[tilespmem:s8+$0x120] =	vst v23;
	v23 =	vld [tilespmem:s5+$0xB0];
	(erf) = vpow2.f32 v63  }
0x210: {  	v17 =	vsel vm1, v17, v62;
	vm1 =	vgt.f32 v25, $0.0e+00;
	(erf) = vpow2.f32 v16;
	v16 =	vld [tilespmem:s5+$0x130]  }
0x211: {  	v53 =	vld [tilespmem:s8+$0xFFFFFF40];
	v22 =	vsel vm0, v22, v34;
	v25 =	vsel vm1, v25, v37;
	v37 =	vmul.f32 $1.442695020e+00, v58;
	[tilespmem:s8+$0xFFFFFE20] =	vst v17  }
0x212: {  	vm0 =	vgt.f32 v47, $0.0e+00;
	v17 =	vsel vm2, v30, v35;
	v30 =	vadd.f32 $-1.000000000e+00, v52;
	v35 =	vpop (erf);
	v62 =	vld [tilespmem:s5+$0xFFFFFE30]  }
0x213: {  	v14 =	vld [tilespmem:s28+$0xFFFFFFF0];
	v35 =	vadd.f32 $-1.000000000e+00, v35;
	(erf) = vpow2.f32 v37;
	v37 =	vadd.f32 v57, v54;
	v54 =	vpop (erf)  }
0x214: {  	v50 =	vld [tilespmem:s8+$0x40];
	[tilespmem:s28+$0xFFFFFED0] =	vst v22;
	v56 =	vadd.f32 v23, v56;
	v47 =	vsel vm0, v47, v30;
	vm0 =	vgt.f32 v42, $0.0e+00;
	v57 =	vpop (erf)  }
0x215: {  	v49 =	vld [tilespmem:s8+$0x140];
	[tilespmem:s28+$0xFFFFFF50] =	vst v25;
	v25 =	vsel vm0, v42, v35;
	v35 =	vmul.f32 $1.442695020e+00, v37;
	v22 =	vpop (erf);
	v42 =	vadd.f32 v16, v55  }
0x216: {  	v15 =	vld [tilespmem:s8+$0xFFFFFE50];
	v16 =	vadd.f32 $-1.000000000e+00, v22;
	v22 =	vmul.f32 $1.442695020e+00, v56  }
0x217: {  	v20 =	vld [tilespmem:s8+$0x150];
	v62 =	vadd.f32 v62, v21;
	(erf) = vpow2.f32 v35;
	v21 =	vmul.f32 $1.442695020e+00, v42  }
0x218: {  	v40 =	vld [tilespmem:s8+$0xC0];
	[tilespmem:s28+$0xFFFFFFD0] =	vst v17;
	vm0 =	vgt.f32 v60, $0.0e+00;
	v63 =	vpop (erf);
	(erf) = vpow2.f32 v22  }
0x219: {  	v34 =	vld [tilespmem:s8+$0xFFFFFED0];
	[tilespmem:s28+$0xFFFFFE50] =	vst v25;
	v16 =	vsel vm0, v60, v16;
	(erf) = vpow2.f32 v21;
	v21 =	vmul.f32 $1.442695020e+00, v62  }
0x21a: {  	v17 =	vld [tilespmem:s7+$0xFFFFFE60];
	[tilespmem:s8+$0x1B0] =	vst v16  }
0x21b: {  	v25 =	vpop (erf);
	(erf) = vpow2.f32 v21;
	v21 =	vld [tilespmem:$0x1FFE0]  }
0x21c: {  	v19 =	vld [tilespmem:s8+$0xD0]  }
0x21d: {  	v18 =	vld [tilespmem:s8+$0x50]  }
0x21e: {  	v52 =	vld [tilespmem:s8+$0xFFFFFF50];
	v22 =	vadd.f32 $-1.000000000e+00, v25  }
0x21f: {  	vm0 =	vgt.f32 v39, $0.0e+00;
	v60 =	vld [tilespmem:s8+$0x1C0];
	v25 =	vpop (erf)  }
0x220: {  	v0 =	vld [tilespmem:s5+$0x1C0];
	v39 =	vsel vm0, v39, v22;
	v22 =	vadd.f32 $-1.000000000e+00, v54;
	v54 =	vadd.f32 v17, v21;
	v17 =	vpop (erf)  }
0x221: {  	v23 =	vld [tilespmem:s7+$0xFFFFFEE0];
	v25 =	vadd.f32 $-1.000000000e+00, v25;
	vm0 =	vgt.f32 v43, $0.0e+00;
	v17 =	vadd.f32 $-1.000000000e+00, v17  }
0x222: {  	vm1 =	vgt.f32 v44, $0.0e+00;
	v30 =	vld [tilespmem:s8+$0xFFFFFFD0];
	v43 =	vsel vm0, v43, v22;
	vm0 =	vgt.f32 v58, $0.0e+00  }
0x223: {  	v55 =	vld [tilespmem:s7+$0xFFFFFF60];
	v44 =	vsel vm1, v44, v25;
	[tilespmem:s8+$0xFFFFFEB0] =	vst v39;
	v39 =	vadd.f32 $-1.000000000e+00, v57;
	v57 =	vsel vm0, v58, v17  }
0x224: {  	v35 =	vld [tilespmem:s7+$0xFFFFFFE0];
	[tilespmem:s8+$0xFFFFFF30] =	vst v44;
	v44 =	vadd.f32 $-1.000000000e+00, v63  }
0x225: {  	vm4 =	vgt.f32 v31, $0.0e+00;
	vm5 =	vgt.f32 v32, $0.0e+00;
	v16 =	vld [tilespmem:s8+$0xFFFFFE60];
	v0 =	vadd.f32 v0, v60  }
0x226: {  	v39 =	vsel vm4, v31, v39;
	v44 =	vsel vm5, v32, v44;
	v58 =	vld [tilespmem:s5+$0xFFFFFEC0];
	[tilespmem:s8+$0xFFFFFFB0] =	vst v57;
	v57 =	vpop (erf)  }
0x227: {  	v60 =	vld [tilespmem:s5+$0xFFFFFF40];
	v32 =	vadd.f32 v23, v24;
	[tilespmem:s28+$0xD0] =	vst v39;
	v23 =	vmul.f32 $1.442695020e+00, v0;
	v39 =	vadd.f32 $-1.000000000e+00, v57  }
0x228: {  	v25 =	vld [tilespmem:s8+$0xFFFFFFE0]  }
0x229: {  	vm2 =	vgt.f32 v56, $0.0e+00;
	v22 =	vld [tilespmem:s8+$0xFFFFFEE0];
	[tilespmem:s28+$0x50] =	vst v43;
	(erf) = vpow2.f32 v23  }
0x22a: {  	vm3 =	vgt.f32 v37, $0.0e+00;
	v29 =	vadd.f32 v35, v29;
	v35 =	vld [tilespmem:s7+$0x60];
	v24 =	vmul.f32 $1.442695020e+00, v54;
	v63 =	vpop (erf)  }
0x22b: {  	[tilespmem:s26+$0xFFFFFE60] =	vst v38;
	v43 =	vld [tilespmem:s5+$0xFFFFFFC0];
	v58 =	vadd.f32 v58, v59;
	v57 =	vadd.f32 $-1.000000000e+00, v63;
	v37 =	vsel vm3, v37, v39;
	v39 =	vpop (erf)  }
0x22c: {  	v21 =	vld [tilespmem:s8+$0xFFFFFF60];
	[tilespmem:s28+$0x150] =	vst v44;
	vm0 =	vgt.f32 v42, $0.0e+00;
	v53 =	vadd.f32 v60, v53;
	v39 =	vadd.f32 $-1.000000000e+00, v39;
	v63 =	vpop (erf)  }
0x22d: {  	v44 =	vld [tilespmem:s7+$0xE0];
	v60 =	vmul.f32 $1.442695020e+00, v58;
	[tilespmem:s8+$0x30] =	vst v37;
	v37 =	vsel vm2, v56, v57;
	v56 =	vadd.f32 $-1.000000000e+00, v63  }
0x22e: {  	vm1 =	vgt.f32 v62, $0.0e+00;
	v17 =	vld [tilespmem:s8+$0x60];
	(erf) = vpow2.f32 v24;
	[tilespmem:s8+$0xB0] =	vst v37;
	v42 =	vsel vm0, v42, v39  }
0x22f: {  	v59 =	vld [tilespmem:s7+$0x160];
	(erf) = vpow2.f32 v60;
	[tilespmem:s8+$0x130] =	vst v42;
	v37 =	vsel vm1, v62, v56  }
0x230: {  	v57 =	vadd.f32 v43, v51;
	v51 =	vld [tilespmem:s5+$0x40];
	[tilespmem:s8+$0xFFFFFE30] =	vst v37  }
0x231: {  	v1 =	vld [tilespmem:$0x1FFF0]  }
0x232: {  	v23 =	vld [tilespmem:s8+$0xE0];
	v39 =	vadd.f32 v44, v27;
	v27 =	vpop (erf)  }
0x233: {  	v43 =	vmul.f32 $1.442695020e+00, v53;
	v42 =	vld [tilespmem:s5+$0xC0];
	v27 =	vadd.f32 $-1.000000000e+00, v27  }
0x234: {  	v31 =	vadd.f32 v55, v2;
	v55 =	vmul.f32 $1.442695020e+00, v32;
	vm3 =	vgt.f32 v0, $0.0e+00;
	v56 =	vld [tilespmem:s5+$0x140];
	[tilespmem:s26+$0xFFFFFEE0] =	vst v45  }
0x235: {  	v24 =	vld [tilespmem:s8+$0x160];
	(erf) = vpow2.f32 v43;
	v37 =	vadd.f32 v59, v28;
	[tilespmem:s26+$0xFFFFFF60] =	vst v61;
	v0 =	vsel vm3, v0, v27  }
0x236: {  	v62 =	vmul.f32 $1.442695020e+00, v57;
	v28 =	vadd.f32 v51, v50;
	[tilespmem:s26+$0x60] =	vst v36;
	v38 =	vadd.f32 v35, v1;
	v35 =	vld [tilespmem:s5+$0xFFFFFE40]  }
0x237: {  	vm8 =	vgt.f32 v54, $0.0e+00;
	vm2 =	vgt.f32 v53, $0.0e+00;
	v60 =	vmul.f32 $1.442695020e+00, v31;
	v43 =	vld [tilespmem:s20+$0xFFFFFE70];
	v50 =	vpop (erf);
	[tilespmem:s26+$0x1F0] =	vst v33  }
0x238: {  	(erf) = vpow2.f32 v62;
	v33 =	vld [tilespmem:s8+$0x70];
	v36 =	vmul.f32 $1.442695020e+00, v28;
	[tilespmem:s8+$0x1C0] =	vst v0;
	v61 =	vadd.f32 v42, v40;
	v0 =	vpop (erf)  }
0x239: {  	(erf) = vpow2.f32 v55;
	v45 =	vld [tilespmem:s20+$0xFFFFFEF0];
	v49 =	vadd.f32 v56, v49;
	v0 =	vadd.f32 $-1.000000000e+00, v0  }
0x23a: {  	vm0 =	vgt.f32 v58, $0.0e+00;
	[tilespmem:s26+$0xFFFFFFE0] =	vst v46;
	v46 =	vld [tilespmem:s20+$0xFFFFFF70];
	(erf) = vpow2.f32 v36;
	v62 =	vmul.f32 $1.442695020e+00, v61  }
0x23b: {  	[tilespmem:s26+$0xE0] =	vst v41;
	v41 =	vld [tilespmem:s20+$0x70];
	v0 =	vsel vm0, v58, v0;
	v51 =	vadd.f32 v35, v26;
	v26 =	vmul.f32 $1.442695020e+00, v49  }
0x23c: {  	v63 =	vmul.f32 $1.442695020e+00, v29;
	vm1 =	vgt.f32 v57, $0.0e+00;
	vm5 =	vgt.f32 v39, $0.0e+00;
	v36 =	vld [tilespmem:s5+$0x1D0];
	[tilespmem:s8+$0xFFFFFEC0] =	vst v0  }
0x23d: {  	[tilespmem:s26+$0x160] =	vst v48;
	v55 =	vmul.f32 $1.442695020e+00, v39;
	vm10 =	vgt.f32 v28, $0.0e+00;
	(erf) = vpow2.f32 v62;
	v48 =	vld [tilespmem:s5+$0xFFFFFED0]  }
0x23e: {  	vm3 =	vgt.f32 v37, $0.0e+00;
	v35 =	vld [tilespmem:s8+$0x1D0];
	v27 =	vmul.f32 $1.442695020e+00, v51;
	(erf) = vpow2.f32 v26  }
0x23f: {  	v44 =	vld [tilespmem:s20+$0x170];
	v56 =	vmul.f32 $1.442695020e+00, v37;
	vm9 =	vgt.f32 v61, $0.0e+00;
	vm7 =	vgt.f32 v49, $0.0e+00;
	v26 =	vpop (erf)  }
0x240: {  	v40 =	vld [tilespmem:s20+$0xFFFFFFF0];
	v59 =	vmul.f32 $1.442695020e+00, v38;
	(erf) = vpow2.f32 v27;
	v26 =	vadd.f32 $-1.000000000e+00, v26  }
0x241: {  	v42 =	vld [tilespmem:s20+$0xF0];
	v58 =	vadd.f32 $-1.000000000e+00, v50;
	vm0 =	vgt.f32 v32, $0.0e+00;
	v0 =	vpop (erf);
	(erf) = vpow2.f32 v60  }
0x242: {  	v27 =	vld [tilespmem:s8+$0xFFFFFE70];
	v0 =	vadd.f32 $-1.000000000e+00, v0;
	(erf) = vpow2.f32 v63;
	v53 =	vsel vm2, v53, v26  }
0x243: {  	v48 =	vadd.f32 v48, v34;
	v34 =	vld [tilespmem:s8+$0xF0];
	v62 =	vpop (erf);
	(erf) = vpow2.f32 v59;
	[tilespmem:s8+$0xFFFFFF40] =	vst v53;
	v53 =	vadd.f32 v36, v35  }
0x244: {  	vm4 =	vgt.f32 v38, $0.0e+00;
	v63 =	vpop (erf);
	v0 =	vsel vm1, v57, v0;
	(erf) = vpow2.f32 v55;
	v60 =	vld [tilespmem:s5+$0xFFFFFF50]  }
0x245: {  	v26 =	vld [tilespmem:s8+$0xFFFFFEF0];
	[tilespmem:s8+$0xFFFFFFC0] =	vst v0;
	(erf) = vpow2.f32 v56;
	v56 =	vadd.f32 $-1.000000000e+00, v63;
	v0 =	vmul.f32 $1.442695020e+00, v53  }
0x246: {  	vm6 =	vgt.f32 v51, $0.0e+00;
	v50 =	vadd.f32 $-1.000000000e+00, v62;
	vm2 =	vgt.f32 v31, $0.0e+00;
	v36 =	vld [tilespmem:s8+$0xFFFFFF70];
	v62 =	vpop (erf)  }
0x247: {  	v35 =	vld [tilespmem:s8+$0xFFFFFFF0];
	v63 =	vadd.f32 $-1.000000000e+00, v62;
	(erf) = vpow2.f32 v0;
	v0 =	vsel vm10, v28, v56;
	v28 =	vpop (erf)  }
0x248: {  	[tilespmem:s28+$0x1F0] =	vst v47;
	vm1 =	vgt.f32 v29, $0.0e+00;
	v57 =	vmul.f32 $1.442695020e+00, v48;
	v55 =	vld [tilespmem:s5+$0xFFFFFFD0];
	v56 =	vadd.f32 $-1.000000000e+00, v28  }
0x249: {  	s23 =	simm.s32 $0x10;
	s9 =	simm.s32 $0x1000;
	s20 =	simm.s32 $0x5C00;
	[tilespmem:s8+$0x40] =	vst v0;
	v28 =	vld [tilespmem:s8+$0x170];
	v47 =	vadd.f32 v60, v52;
	v52 =	vsel vm8, v54, v58;
	v54 =	vsel vm9, v61, v63;
	v58 =	vpop (erf)  }
.LBB2_3:
0x24a: {  	v0 =	vld [tilespmem:s9+$0x180];
	[tilespmem:s8+$0xC0] =	vst v54;
	s5 =	sadd.s32 $0x400, s5  }
0x24b: {  	v58 =	vadd.f32 $-1.000000000e+00, v58;
	[tilespmem:s28+$0xFFFFFE60] =	vst v52;
	v54 =	vld [tilespmem:s5+$0x180]  }
0x24c: {  	v1 =	vsel vm7, v49, v56;
	v49 =	vld [tilespmem:s5+$0xFFFFFE00]  }
0x24d: {  	v59 =	vmul.f32 $1.442695020e+00, v47;
	v2 =	vsel vm6, v51, v58;
	v58 =	vld [tilespmem:s9+$0xFFFFFE80];
	v55 =	vadd.f32 v55, v30  }
0x24e: {  	[tilespmem:s8+$0x140] =	vst v1;
	v1 =	vld [tilespmem:$0x1FF80];
	v30 =	vpop (erf);
	(erf) = vpow2.f32 v57  }
0x24f: {  	v32 =	vsel vm0, v32, v50;
	v52 =	vpop (erf);
	(erf) = vpow2.f32 v59;
	v59 =	vld [tilespmem:s5+$0xFFFFFE80];
	v60 =	vmul.f32 $1.442695020e+00, v55  }
0x250: {  	[tilespmem:s28+$0xFFFFFEE0] =	vst v32;
	v32 =	vld [tilespmem:s9+$0xFFFFFF80];
	v63 =	vpop (erf);
	v52 =	vadd.f32 $-1.000000000e+00, v52  }
0x251: {  	v30 =	vadd.f32 $-1.000000000e+00, v30;
	v51 =	vpop (erf);
	(erf) = vpow2.f32 v60;
	v60 =	vld [tilespmem:s9+$0xFFFFFF00]  }
0x252: {  	v0 =	vadd.f32 v54, v0;
	v56 =	vadd.f32 $-1.000000000e+00, v63;
	v57 =	vpop (erf);
	v29 =	vsel vm1, v29, v52;
	v52 =	vld [tilespmem:s9+$0x0]  }
0x253: {  	v30 =	vsel vm2, v31, v30;
	v61 =	vadd.f32 $-1.000000000e+00, v51;
	v51 =	vadd.f32 $-1.000000000e+00, v57;
	v57 =	vld [tilespmem:s5+$0xFFFFFF00];
	v62 =	vpop (erf)  }
0x254: {  	vm0 =	vgt.f32 v53, $0.0e+00;
	[tilespmem:s28+$0xFFFFFF60] =	vst v30;
	v30 =	vsel vm4, v38, v56;
	v56 =	vld [tilespmem:s9+$0x80];
	v31 =	vadd.f32 $-1.000000000e+00, v62  }
0x255: {  	v63 =	vsel vm5, v39, v61;
	v61 =	vld [tilespmem:s5+$0xFFFFFF80];
	v62 =	vmul.f32 $1.442695020e+00, v0;
	[tilespmem:s28+$0xFFFFFFE0] =	vst v29;
	v29 =	vadd.f32 v43, v1  }
0x256: {  	[tilespmem:s28+$0x60] =	vst v30;
	v43 =	vld [tilespmem:s8+$0x1E0];
	v37 =	vsel vm3, v37, v51;
	v51 =	vadd.f32 v59, v58;
	v31 =	vsel vm0, v53, v31  }
0x257: {  	vm8 =	vgt.f32 v48, $0.0e+00;
	v30 =	vadd.f32 v46, v7;
	v38 =	vld [tilespmem:s5+$0x0];
	(erf) = vpow2.f32 v62;
	[tilespmem:s8+$0x1D0] =	vst v31  }
0x258: {  	[tilespmem:s8+$0xFFFFFE40] =	vst v2;
	v31 =	vadd.f32 v45, v3;
	v58 =	vmul.f32 $1.442695020e+00, v51;
	v45 =	vadd.f32 v57, v60;
	v46 =	vld [tilespmem:s20+$0x1E0]  }
0x259: {  	vm6 =	vgt.f32 v47, $0.0e+00;
	vm7 =	vgt.f32 v55, $0.0e+00;
	v1 =	vmov v8;
	[tilespmem:s28+$0xE0] =	vst v63;
	v59 =	vld [tilespmem:s9+$0xFFFFFE00];
	v2 =	vpop (erf)  }
0x25a: {  	[tilespmem:$0x1FF80] =	vst v1;
	v62 =	vld [tilespmem:s9+$0x100];
	v7 =	vpop (erf);
	v63 =	vadd.f32 $-1.000000000e+00, v2;
	(erf) = vpow2.f32 v58;
	v1 =	vmul.f32 $1.442695020e+00, v45  }
0x25b: {  	vm4 =	vgt.f32 v0, $0.0e+00;
	v8 =	vmovc v27;
	v39 =	vadd.f32 v42, v6;
	v57 =	vld [tilespmem:s5+$0x80];
	v32 =	vadd.f32 v61, v32  }
0x25c: {  	[tilespmem:s28+$0x160] =	vst v37;
	v60 =	vadd.f32 $-1.000000000e+00, v7;
	v27 =	vsel vm8, v48, v63;
	v3 =	vpop (erf);
	(erf) = vpow2.f32 v1;
	v1 =	vld [tilespmem:$0x1FF90]  }
0x25d: {  	v63 =	vld [tilespmem:s5+$0x100];
	v61 =	vadd.f32 $-1.000000000e+00, v3;
	v3 =	vmovc v9;
	v9 =	vmovc v26;
	v26 =	vmul.f32 $1.442695020e+00, v32;
	v43 =	vadd.f32 v46, v43  }
0x25e: {  	v54 =	vmul.f32 $1.442695020e+00, v29;
	[tilespmem:s8+$0xFFFFFED0] =	vst v27;
	v27 =	vsel vm6, v47, v60;
	v47 =	vadd.f32 v38, v52  }
0x25f: {  	v6 =	vmovc v12;
	v12 =	vmovc v34;
	v38 =	vadd.f32 v41, v4;
	(erf) = vpow2.f32 v26;
	v26 =	vmul.f32 $1.442695020e+00, v43  }
0x260: {  	v60 =	vmul.f32 $1.442695020e+00, v47;
	v41 =	vadd.f32 v57, v56;
	v58 =	vsel vm7, v55, v61;
	v4 =	vpop (erf)  }
0x261: {  	v50 =	vld [tilespmem:s9+$0x90];
	v7 =	vmovc v11;
	v61 =	vadd.f32 $-1.000000000e+00, v4;
	v37 =	vadd.f32 v40, v1;
	v1 =	vmovc v14;
	(erf) = vpow2.f32 v26  }
0x262: {  	v42 =	vld [tilespmem:s9+$0xFFFFFF10];
	v11 =	vmovc v36;
	v34 =	vadd.f32 v49, v59;
	v36 =	vadd.f32 v63, v62;
	[tilespmem:$0x1FF90] =	vst v1;
	v1 =	vmul.f32 $1.442695020e+00, v41  }
0x263: {  	v53 =	vld [tilespmem:s9+$0x110];
	v4 =	vmov v10;
	v0 =	vsel vm4, v0, v61;
	v62 =	vpop (erf);
	(erf) = vpow2.f32 v60  }
0x264: {  	v10 =	vmovc v33;
	v26 =	vadd.f32 v44, v5;
	v2 =	vmul.f32 $1.442695020e+00, v36;
	v5 =	vmovc v13;
	[tilespmem:s9+$0x180] =	vst v0;
	v0 =	vld [tilespmem:s9+$0x190];
	(erf) = vpow2.f32 v1  }
0x265: {  	v13 =	vmov v28;
	v28 =	vmul.f32 $1.442695020e+00, v34;
	v33 =	vadd.f32 $-1.000000000e+00, v62;
	v63 =	vld [tilespmem:s5+$0x190];
	v59 =	vpop (erf)  }
0x266: {  	vm0 =	vgt.f32 v51, $0.0e+00;
	[tilespmem:s8+$0xFFFFFF50] =	vst v27;
	v27 =	vld [tilespmem:s9+$0xFFFFFE10];
	(erf) = vpow2.f32 v2;
	v49 =	vadd.f32 $-1.000000000e+00, v59  }
0x267: {  	vm3 =	vgt.f32 v45, $0.0e+00;
	v46 =	vld [tilespmem:s9+$0x10];
	v33 =	vsel vm0, v51, v33;
	(erf) = vpow2.f32 v28  }
0x268: {  	vm10 =	vgt.f32 v39, $0.0e+00;
	vm2 =	vgt.f32 v32, $0.0e+00;
	v40 =	vld [tilespmem:s9+$0xFFFFFE90];
	[tilespmem:s9+$0xFFFFFE80] =	vst v33;
	v60 =	vpop (erf);
	v61 =	vsel vm3, v45, v49  }
0x269: {  	vm1 =	vgt.f32 v47, $0.0e+00;
	vm6 =	vgt.f32 v41, $0.0e+00;
	v1 =	vadd.f32 $-1.000000000e+00, v60;
	v49 =	vld [tilespmem:s5+$0xFFFFFE90];
	[tilespmem:s9+$0xFFFFFF00] =	vst v61  }
0x26a: {  	v52 =	vmul.f32 $1.442695020e+00, v37;
	v51 =	vmul.f32 $1.442695020e+00, v31;
	v0 =	vadd.f32 v63, v0;
	v56 =	vld [tilespmem:s5+$0xFFFFFF10];
	v62 =	vpop (erf)  }
0x26b: {  	[tilespmem:s8+$0xFFFFFFD0] =	vst v58;
	v14 =	vmovc v35;
	v44 =	vld [tilespmem:s9+$0xFFFFFF90];
	v45 =	vmul.f32 $1.442695020e+00, v30;
	v32 =	vsel vm2, v32, v1;
	v63 =	vadd.f32 $-1.000000000e+00, v62  }
0x26c: {  	v35 =	vld [tilespmem:s9+$0xFFFFFF20];
	(erf) = vpow2.f32 v54;
	vm2 =	vgt.f32 v43, $0.0e+00;
	[tilespmem:s9+$0xFFFFFF80] =	vst v32;
	v58 =	vmul.f32 $1.442695020e+00, v0;
	v60 =	vpop (erf)  }
0x26d: {  	(erf) = vpow2.f32 v51;
	v54 =	vld [tilespmem:s5+$0xFFFFFF90];
	v61 =	vadd.f32 $-1.000000000e+00, v60;
	v62 =	vpop (erf);
	v32 =	vsel vm2, v43, v63  }
0x26e: {  	v28 =	vld [tilespmem:s9+$0xFFFFFE20];
	(erf) = vpow2.f32 v45;
	v43 =	vadd.f32 v49, v40;
	v63 =	vadd.f32 $-1.000000000e+00, v62  }
0x26f: {  	(erf) = vpow2.f32 v58;
	[tilespmem:s8+$0x1E0] =	vst v32;
	v32 =	vld [tilespmem:s8+$0x1F0];
	v1 =	vsel vm1, v47, v61;
	v42 =	vadd.f32 v56, v42;
	v56 =	vpop (erf)  }
0x270: {  	vm5 =	vgt.f32 v36, $0.0e+00;
	v51 =	vld [tilespmem:s20+$0x1F0];
	v58 =	vmul.f32 $1.442695020e+00, v43;
	[tilespmem:s9+$0x0] =	vst v1;
	v41 =	vsel vm6, v41, v63;
	v60 =	vpop (erf)  }
0x271: {  	(erf) = vpow2.f32 v52;
	v59 =	vadd.f32 $-1.000000000e+00, v56;
	v62 =	vld [tilespmem:s5+$0x10];
	v47 =	vadd.f32 $-1.000000000e+00, v60;
	[tilespmem:s9+$0x80] =	vst v41  }
0x272: {  	v61 =	vmul.f32 $1.442695020e+00, v42;
	v54 =	vadd.f32 v54, v44;
	(erf) = vpow2.f32 v58;
	v41 =	vld [tilespmem:s5+$0x90]  }
0x273: {  	v48 =	vmul.f32 $1.442695020e+00, v39;
	vm4 =	vgt.f32 v34, $0.0e+00;
	v33 =	vld [tilespmem:s9+$0xFFFFFEA0];
	v36 =	vsel vm5, v36, v59  }
0x274: {  	v40 =	vld [tilespmem:s9+$0xFFFFFFA0];
	v63 =	vsel vm4, v34, v47;
	v52 =	vmul.f32 $1.442695020e+00, v54;
	[tilespmem:s9+$0x100] =	vst v36;
	(erf) = vpow2.f32 v61  }
0x275: {  	v55 =	vmul.f32 $1.442695020e+00, v38;
	v57 =	vmul.f32 $1.442695020e+00, v26;
	[tilespmem:s9+$0xFFFFFE00] =	vst v63;
	v36 =	vld [tilespmem:s5+$0x110];
	v56 =	vadd.f32 v51, v32;
	v59 =	vpop (erf)  }
0x276: {  	v45 =	vld [tilespmem:s5+$0xFFFFFE10];
	(erf) = vpow2.f32 v52;
	v52 =	vadd.f32 $-1.000000000e+00, v59;
	v60 =	vpop (erf);
	v58 =	vadd.f32 v62, v46  }
0x277: {  	v49 =	vld [tilespmem:s9+$0x120];
	v61 =	vmul.f32 $1.442695020e+00, v56;
	v59 =	vpop (erf);
	(erf) = vpow2.f32 v55;
	v50 =	vadd.f32 v41, v50  }
0x278: {  	vm9 =	vgt.f32 v38, $0.0e+00;
	v34 =	vld [tilespmem:s9+$0x20];
	v62 =	vpop (erf);
	(erf) = vpow2.f32 v48;
	v48 =	vmul.f32 $1.442695020e+00, v58  }
0x279: {  	v47 =	vld [tilespmem:s9+$0xFFFFFF30];
	v55 =	vadd.f32 $-1.000000000e+00, v60;
	(erf) = vpow2.f32 v61;
	v1 =	vmul.f32 $1.442695020e+00, v50  }
0x27a: {  	v51 =	vld [tilespmem:s9+$0xA0];
	v41 =	vadd.f32 $-1.000000000e+00, v62;
	v60 =	vpop (erf);
	v53 =	vadd.f32 v36, v53;
	(erf) = vpow2.f32 v48  }
0x27b: {  	vm3 =	vgt.f32 v0, $0.0e+00;
	v32 =	vld [tilespmem:s9+$0xFFFFFE30];
	v61 =	vadd.f32 v45, v27;
	v63 =	vpop (erf);
	(erf) = vpow2.f32 v1  }
0x27c: {  	vm8 =	vgt.f32 v37, $0.0e+00;
	v46 =	vld [tilespmem:s9+$0xFFFFFEB0];
	v0 =	vsel vm3, v0, v41;
	v27 =	vmul.f32 $1.442695020e+00, v53  }
0x27d: {  	vm0 =	vgt.f32 v29, $0.0e+00;
	[tilespmem:s9+$0x190] =	vst v0;
	v0 =	vld [tilespmem:s9+$0x1A0];
	v1 =	vadd.f32 $-1.000000000e+00, v63;
	v2 =	vmul.f32 $1.442695020e+00, v61;
	v36 =	vpop (erf)  }
0x27e: {  	vm6 =	vgt.f32 v43, $0.0e+00;
	v45 =	vld [tilespmem:s5+$0x1A0];
	v44 =	vadd.f32 $-1.000000000e+00, v36;
	(erf) = vpow2.f32 v27  }
0x27f: {  	vm4 =	vgt.f32 v42, $0.0e+00;
	v48 =	vld [tilespmem:s9+$0xFFFFFFB0];
	v62 =	vsel vm6, v43, v1;
	(erf) = vpow2.f32 v2;
	v41 =	vpop (erf)  }
0x280: {  	vm2 =	vgt.f32 v31, $0.0e+00;
	v43 =	vld [tilespmem:s9+$0x30];
	[tilespmem:s9+$0xFFFFFE90] =	vst v62;
	v1 =	vsel vm4, v42, v44;
	v36 =	vadd.f32 $-1.000000000e+00, v41;
	v41 =	vpop (erf)  }
0x281: {  	vm1 =	vgt.f32 v54, $0.0e+00;
	vm5 =	vgt.f32 v58, $0.0e+00;
	(erf) = vpow2.f32 v57;
	v42 =	vld [tilespmem:s5+$0xFFFFFEA0];
	v27 =	vpop (erf)  }
0x282: {  	v44 =	vld [tilespmem:s9+$0xB0];
	v57 =	vadd.f32 $-1.000000000e+00, v59;
	v59 =	vadd.f32 $-1.000000000e+00, v60;
	[tilespmem:s9+$0xFFFFFF10] =	vst v1;
	v36 =	vsel vm1, v54, v36;
	v54 =	vpop (erf)  }
0x283: {  	vm7 =	vgt.f32 v50, $0.0e+00;
	v62 =	vadd.f32 $-1.000000000e+00, v41;
	v60 =	vld [tilespmem:s5+$0xFFFFFF20];
	v0 =	vadd.f32 v45, v0;
	[tilespmem:s9+$0xFFFFFF90] =	vst v36;
	v1 =	vpop (erf)  }
0x284: {  	vm1 =	vgt.f32 v56, $0.0e+00;
	v36 =	vadd.f32 $-1.000000000e+00, v54;
	v63 =	vld [tilespmem:s5+$0xFFFFFFA0];
	v1 =	vadd.f32 $-1.000000000e+00, v1;
	v2 =	vpop (erf)  }
0x285: {  	v45 =	vld [tilespmem:s9+$0x130];
	v54 =	vadd.f32 $-1.000000000e+00, v27;
	v41 =	vmul.f32 $1.442695020e+00, v0;
	v2 =	vadd.f32 $-1.000000000e+00, v2  }
0x286: {  	v27 =	vld [tilespmem:s9+$0xFFFFFE40];
	v36 =	vsel vm1, v56, v36;
	v56 =	vadd.f32 v42, v33;
	v1 =	vsel vm5, v58, v1  }
0x287: {  	v29 =	vsel vm0, v29, v52;
	v42 =	vld [tilespmem:s9+$0xFFFFFEC0];
	(erf) = vpow2.f32 v41;
	v58 =	vpop (erf);
	[tilespmem:s9+$0x10] =	vst v1;
	v1 =	vsel vm7, v50, v2  }
0x288: {  	v41 =	vld [tilespmem:s9+$0xFFFFFF40];
	v60 =	vadd.f32 v60, v35;
	v35 =	vmul.f32 $1.442695020e+00, v56;
	v2 =	vadd.f32 $-1.000000000e+00, v58;
	v58 =	vpop (erf)  }
0x289: {  	v31 =	vsel vm2, v31, v55;
	[tilespmem:s8+$0x1F0] =	vst v36;
	v33 =	vadd.f32 $-1.000000000e+00, v58;
	v58 =	vadd.f32 v63, v40;
	v40 =	vld [tilespmem:s5+$0x20]  }
0x28a: {  	vm6 =	vgt.f32 v53, $0.0e+00;
	v36 =	vld [tilespmem:s9+$0xFFFFFFC0];
	v50 =	vmul.f32 $1.442695020e+00, v60;
	[tilespmem:s9+$0x90] =	vst v1;
	v1 =	vpop (erf);
	(erf) = vpow2.f32 v35  }
0x28b: {  	vm3 =	vgt.f32 v61, $0.0e+00;
	vm4 =	vgt.f32 v30, $0.0e+00;
	[tilespmem:s26+$0xFFFFFEF0] =	vst v31;
	v63 =	vld [tilespmem:s5+$0xA0];
	v2 =	vsel vm6, v53, v2  }
0x28c: {  	v35 =	vsel vm3, v61, v33;
	v61 =	vmul.f32 $1.442695020e+00, v58;
	v33 =	vld [tilespmem:s9+$0x40];
	[tilespmem:s9+$0x110] =	vst v2;
	(erf) = vpow2.f32 v50  }
0x28d: {  	vm0 =	vgt.f32 v0, $0.0e+00;
	vm1 =	vgt.f32 v26, $0.0e+00;
	v31 =	vsel vm9, v38, v62;
	[tilespmem:s9+$0xFFFFFE10] =	vst v35;
	v2 =	vld [tilespmem:s5+$0x120]  }
0x28e: {  	v50 =	vadd.f32 $-1.000000000e+00, v1;
	v1 =	vld [tilespmem:s5+$0xFFFFFE20];
	(erf) = vpow2.f32 v61;
	v52 =	vadd.f32 v40, v34  }
0x28f: {  	vm7 =	vgt.f32 v56, $0.0e+00;
	vm3 =	vgt.f32 v60, $0.0e+00;
	v35 =	vld [tilespmem:s9+$0x140];
	[tilespmem:s26+$0xFFFFFE70] =	vst v29;
	v29 =	vsel vm4, v30, v57  }
0x290: {  	v38 =	vld [tilespmem:s20+$0x150];
	v30 =	vsel vm8, v37, v59;
	v51 =	vadd.f32 v63, v51;
	v57 =	vpop (erf);
	v59 =	vmul.f32 $1.442695020e+00, v52  }
0x291: {  	vm5 =	vgt.f32 v58, $0.0e+00;
	v37 =	vsel vm10, v39, v54;
	v61 =	vld [tilespmem:s20+$0x50];
	[tilespmem:s26+$0x70] =	vst v31;
	v34 =	vadd.f32 $-1.000000000e+00, v57  }
0x292: {  	v39 =	vld [tilespmem:s20+$0xFFFFFE50];
	[tilespmem:s26+$0xFFFFFF70] =	vst v29;
	v29 =	vmul.f32 $1.442695020e+00, v51;
	v2 =	vadd.f32 v2, v49;
	(erf) = vpow2.f32 v59  }
0x293: {  	[tilespmem:s26+$0xFFFFFFF0] =	vst v30;
	v30 =	vld [tilespmem:s20+$0xD0];
	v26 =	vsel vm1, v26, v50;
	v1 =	vadd.f32 v1, v28;
	v0 =	vsel vm0, v0, v34;
	v31 =	vpop (erf)  }
0x294: {  	v28 =	vmul.f32 $1.442695020e+00, v2;
	[tilespmem:s9+$0x1A0] =	vst v0;
	v0 =	vld [tilespmem:s9+$0x1B0];
	(erf) = vpow2.f32 v29;
	v31 =	vadd.f32 $-1.000000000e+00, v31  }
0x295: {  	vm2 =	vgt.f32 v52, $0.0e+00;
	vm6 =	vgt.f32 v51, $0.0e+00;
	v62 =	vmul.f32 $1.442695020e+00, v1;
	v63 =	vld [tilespmem:s5+$0x1B0];
	v57 =	vpop (erf)  }
0x296: {  	v40 =	vld [tilespmem:s9+$0xC0];
	[tilespmem:s26+$0xF0] =	vst v37;
	(erf) = vpow2.f32 v28;
	v59 =	vadd.f32 $-1.000000000e+00, v57;
	v28 =	vsel vm7, v56, v31  }
0x297: {  	v37 =	vadd.f32 v38, v20;
	v34 =	vld [tilespmem:s9+$0xFFFFFF50];
	v39 =	vadd.f32 v39, v15;
	(erf) = vpow2.f32 v62;
	v29 =	vpop (erf);
	[tilespmem:s9+$0xFFFFFEA0] =	vst v28  }
0x298: {  	v31 =	vsel vm3, v60, v59;
	v60 =	vadd.f32 $-1.000000000e+00, v29;
	v29 =	vadd.f32 v61, v18;
	v18 =	vld [tilespmem:s5+$0xFFFFFEB0]  }
0x299: {  	vm8 =	vgt.f32 v2, $0.0e+00;
	v15 =	vld [tilespmem:s9+$0xFFFFFE50];
	v61 =	vmul.f32 $1.442695020e+00, v39;
	[tilespmem:s9+$0xFFFFFF20] =	vst v31;
	v31 =	vadd.f32 v30, v19  }
0x29a: {  	v0 =	vadd.f32 v63, v0;
	v19 =	vld [tilespmem:s5+$0xFFFFFF30];
	v30 =	vsel vm5, v58, v60;
	v62 =	vmul.f32 $1.442695020e+00, v29  }
0x29b: {  	vm13 =	vgt.f32 v37, $0.0e+00;
	v28 =	vld [tilespmem:s9+$0xFFFFFED0];
	(erf) = vpow2.f32 v61;
	[tilespmem:s9+$0xFFFFFFA0] =	vst v30;
	v63 =	vmul.f32 $1.442695020e+00, v31;
	v59 =	vpop (erf)  }
0x29c: {  	v20 =	vmul.f32 $1.442695020e+00, v0;
	v38 =	vld [tilespmem:s5+$0xFFFFFFB0];
	(erf) = vpow2.f32 v62;
	v60 =	vadd.f32 $-1.000000000e+00, v59  }
0x29d: {  	v30 =	vld [tilespmem:s9+$0xFFFFFFD0];
	v62 =	vmul.f32 $1.442695020e+00, v37;
	v61 =	vpop (erf);
	(erf) = vpow2.f32 v63;
	v46 =	vadd.f32 v18, v46  }
0x29e: {  	v18 =	vld [tilespmem:s9+$0x50];
	v63 =	vadd.f32 $-1.000000000e+00, v61;
	(erf) = vpow2.f32 v20;
	v20 =	vsel vm2, v52, v60  }
0x29f: {  	vm4 =	vgt.f32 v1, $0.0e+00;
	v56 =	vpop (erf);
	v47 =	vadd.f32 v19, v47;
	v19 =	vld [tilespmem:s9+$0xD0];
	(erf) = vpow2.f32 v62;
	[tilespmem:s9+$0x20] =	vst v20  }
0x2a0: {  	v49 =	vadd.f32 $-1.000000000e+00, v56;
	v58 =	vpop (erf);
	v57 =	vmul.f32 $1.442695020e+00, v46;
	v51 =	vsel vm6, v51, v63;
	v60 =	vld [tilespmem:s5+$0x30]  }
0x2a1: {  	v20 =	vld [tilespmem:s9+$0x150];
	v53 =	vadd.f32 $-1.000000000e+00, v58;
	v59 =	vmul.f32 $1.442695020e+00, v47;
	v38 =	vadd.f32 v38, v48;
	[tilespmem:s9+$0xA0] =	vst v51  }
0x2a2: {  	vm3 =	vgt.f32 v39, $0.0e+00;
	v2 =	vsel vm8, v2, v49;
	v51 =	vld [tilespmem:s5+$0xB0];
	(erf) = vpow2.f32 v57  }
0x2a3: {  	v56 =	vld [tilespmem:s9+$0xFFFFFEE0];
	v1 =	vsel vm4, v1, v53;
	[tilespmem:s9+$0x120] =	vst v2;
	v61 =	vmul.f32 $1.442695020e+00, v38;
	(erf) = vpow2.f32 v59  }
0x2a4: {  	vm0 =	vgt.f32 v29, $0.0e+00;
	vm7 =	vgt.f32 v31, $0.0e+00;
	vm1 =	vgt.f32 v0, $0.0e+00;
	[tilespmem:s9+$0xFFFFFE20] =	vst v1;
	v1 =	vld [tilespmem:s5+$0x130];
	v62 =	vpop (erf)  }
0x2a5: {  	vm6 =	vgt.f32 v46, $0.0e+00;
	v53 =	vld [tilespmem:s5+$0xFFFFFE30];
	(erf) = vpow2.f32 v61;
	v57 =	vpop (erf);
	v43 =	vadd.f32 v60, v43  }
0x2a6: {  	vm8 =	vgt.f32 v47, $0.0e+00;
	v48 =	vld [tilespmem:s20+$0xFFFFFF60];
	vm4 =	vgt.f32 v38, $0.0e+00;
	v63 =	vadd.f32 $-1.000000000e+00, v62;
	v58 =	vpop (erf)  }
0x2a7: {  	v49 =	vld [tilespmem:s20+$0xFFFFFFE0];
	v52 =	vadd.f32 $-1.000000000e+00, v57;
	v44 =	vadd.f32 v51, v44;
	v59 =	vpop (erf);
	v61 =	vmul.f32 $1.442695020e+00, v43  }
0x2a8: {  	v2 =	vld [tilespmem:s20+$0xFFFFFEE0];
	[tilespmem:s26+$0x170] =	vst v26;
	s26 =	smov.u32 s28;
	s28 =	smov.u32 s8;
	v60 =	vsel vm3, v39, v63;
	v51 =	vadd.f32 $-1.000000000e+00, v58;
	v62 =	vadd.f32 $-1.000000000e+00, v59  }
0x2a9: {  	v26 =	vld [tilespmem:s9+$0xFFFFFE60];
	vm2 =	vgt.f32 v43, $0.0e+00;
	[tilespmem:s28+$0xFFFFFE50] =	vst v60;
	v1 =	vadd.f32 v1, v45;
	v63 =	vmul.f32 $1.442695020e+00, v44  }
0x2aa: {  	v39 =	vpop (erf);
	v45 =	vld [tilespmem:s20+$0xFFFFFE60];
	v53 =	vadd.f32 v53, v32;
	(erf) = vpow2.f32 v61;
	v0 =	vsel vm1, v0, v62  }
0x2ab: {  	v29 =	vsel vm0, v29, v52;
	v60 =	vmul.f32 $1.442695020e+00, v1;
	[tilespmem:s9+$0x1B0] =	vst v0;
	v0 =	vld [tilespmem:s9+$0x1C0];
	v61 =	vpop (erf);
	(erf) = vpow2.f32 v63  }
0x2ac: {  	v59 =	vsel vm7, v31, v51;
	v62 =	vmul.f32 $1.442695020e+00, v53;
	v63 =	vadd.f32 $-1.000000000e+00, v61;
	v55 =	vld [tilespmem:s5+$0x1C0];
	v50 =	vpop (erf)  }
0x2ad: {  	v58 =	vld [tilespmem:s9+$0xFFFFFF60];
	vm3 =	vgt.f32 v44, $0.0e+00;
	[tilespmem:s28+$0xD0] =	vst v59;
	(erf) = vpow2.f32 v60;
	v57 =	vadd.f32 $-1.000000000e+00, v50  }
0x2ae: {  	v39 =	vadd.f32 $-1.000000000e+00, v39;
	(erf) = vpow2.f32 v62;
	v50 =	vld [tilespmem:s9+$0x60];
	[tilespmem:s28+$0x50] =	vst v29;
	v60 =	vsel vm6, v46, v63;
	v61 =	vpop (erf)  }
0x2af: {  	v29 =	vadd.f32 v49, v25;
	v49 =	vld [tilespmem:s20+$0xE0];
	[tilespmem:s9+$0xFFFFFEB0] =	vst v60;
	v62 =	vsel vm8, v47, v57;
	v63 =	vadd.f32 $-1.000000000e+00, v61  }
0x2b0: {  	v32 =	vadd.f32 v2, v22;
	v31 =	vadd.f32 v48, v21;
	v37 =	vsel vm13, v37, v39;
	v57 =	vld [tilespmem:s5+$0xFFFFFEC0];
	[tilespmem:s9+$0xFFFFFF30] =	vst v62  }
0x2b1: {  	[tilespmem:s28+$0x150] =	vst v37;
	v52 =	vadd.f32 v45, v16;
	v60 =	vld [tilespmem:s5+$0xFFFFFF40];
	v47 =	vsel vm4, v38, v63;
	v0 =	vadd.f32 v55, v0  }
0x2b2: {  	vm5 =	vgt.f32 v1, $0.0e+00;
	vm1 =	vgt.f32 v53, $0.0e+00;
	v16 =	vmovc v26;
	v26 =	vmul.f32 $1.442695020e+00, v32;
	v59 =	vld [tilespmem:s9+$0x160];
	[tilespmem:s9+$0xFFFFFFB0] =	vst v47  }
0x2b3: {  	v2 =	vmul.f32 $1.442695020e+00, v52;
	vm8 =	vgt.f32 v52, $0.0e+00;
	v22 =	vpop (erf);
	v25 =	vld [tilespmem:s5+$0xFFFFFFC0];
	v61 =	vmul.f32 $1.442695020e+00, v0  }
0x2b4: {  	v46 =	vld [tilespmem:s9+$0xFFFFFFE0];
	v48 =	vmul.f32 $1.442695020e+00, v29;
	v47 =	vmul.f32 $1.442695020e+00, v31;
	v62 =	vadd.f32 $-1.000000000e+00, v22;
	v22 =	vpop (erf)  }
0x2b5: {  	v21 =	vmovc v58;
	v38 =	vld [tilespmem:s20+$0x60];
	v54 =	vadd.f32 v57, v42;
	v63 =	vadd.f32 $-1.000000000e+00, v22;
	(erf) = vpow2.f32 v61;
	v22 =	vmovc v56  }
0x2b6: {  	v42 =	vld [tilespmem:s20+$0x160];
	v51 =	vsel vm2, v43, v62;
	v57 =	vpop (erf);
	v55 =	vadd.f32 v60, v41;
	(erf) = vpow2.f32 v2  }
0x2b7: {  	v56 =	vld [tilespmem:s9+$0xE0];
	[tilespmem:s9+$0x30] =	vst v51;
	v58 =	vadd.f32 $-1.000000000e+00, v57;
	v60 =	vpop (erf);
	v2 =	vmul.f32 $1.442695020e+00, v54;
	v37 =	vsel vm3, v44, v63  }
0x2b8: {  	v43 =	vadd.f32 $-1.000000000e+00, v60;
	v62 =	vld [tilespmem:s5+$0x40];
	v61 =	vmul.f32 $1.442695020e+00, v55;
	v36 =	vadd.f32 v25, v36;
	[tilespmem:s9+$0xB0] =	vst v37  }
0x2b9: {  	v39 =	vadd.f32 v49, v23;
	v1 =	vsel vm5, v1, v58;
	v63 =	vld [tilespmem:s5+$0xC0];
	(erf) = vpow2.f32 v2  }
0x2ba: {  	v2 =	vsel vm1, v53, v43;
	[tilespmem:s9+$0x130] =	vst v1;
	v43 =	vld [tilespmem:s7+$0xFFFFFE70];
	v60 =	vmul.f32 $1.442695020e+00, v36;
	(erf) = vpow2.f32 v61  }
0x2bb: {  	v38 =	vadd.f32 v38, v17;
	v57 =	vmul.f32 $1.442695020e+00, v39;
	vm0 =	vgt.f32 v54, $0.0e+00;
	[tilespmem:s9+$0xFFFFFE30] =	vst v2;
	v1 =	vld [tilespmem:s5+$0x140]  }
0x2bc: {  	vm3 =	vgt.f32 v0, $0.0e+00;
	vm2 =	vgt.f32 v55, $0.0e+00;
	v2 =	vld [tilespmem:s5+$0xFFFFFE40];
	(erf) = vpow2.f32 v60  }
0x2bd: {  	v45 =	vld [tilespmem:s7+$0xFFFFFEF0];
	vm4 =	vgt.f32 v38, $0.0e+00;
	vm5 =	vgt.f32 v39, $0.0e+00;
	v23 =	vmovc v56;
	v56 =	vadd.f32 v62, v33  }
0x2be: {  	v41 =	vld [tilespmem:s7+$0x70];
	v25 =	vmovc v46;
	vm1 =	vgt.f32 v36, $0.0e+00;
	v33 =	vmul.f32 $1.442695020e+00, v38;
	v58 =	vadd.f32 v63, v40  }
0x2bf: {  	v46 =	vld [tilespmem:s7+$0xFFFFFF70];
	v37 =	vadd.f32 v42, v24;
	(erf) = vpow2.f32 v26;
	v26 =	vpop (erf);
	v61 =	vmul.f32 $1.442695020e+00, v56  }
0x2c0: {  	v17 =	vmovc v50;
	v24 =	vmovc v59;
	v42 =	vld [tilespmem:s7+$0xF0];
	v26 =	vadd.f32 $-1.000000000e+00, v26;
	v49 =	vadd.f32 v1, v35;
	v62 =	vmul.f32 $1.442695020e+00, v58  }
0x2c1: {  	v44 =	vld [tilespmem:s7+$0x170];
	v59 =	vmul.f32 $1.442695020e+00, v37;
	v50 =	vpop (erf);
	v51 =	vadd.f32 v2, v27;
	(erf) = vpow2.f32 v61  }
0x2c2: {  	v40 =	vld [tilespmem:s7+$0xFFFFFFF0];
	v0 =	vsel vm3, v0, v26;
	v1 =	vmul.f32 $1.442695020e+00, v49;
	v2 =	vpop (erf);
	(erf) = vpow2.f32 v62  }
0x2c3: {  	vm14 =	vgt.f32 v56, $0.0e+00;
	[tilespmem:s9+$0x1C0] =	vst v0;
	v0 =	vld [tilespmem:s9+$0x1D0];
	v26 =	vmul.f32 $1.442695020e+00, v51;
	v60 =	vadd.f32 $-1.000000000e+00, v2;
	v27 =	vpop (erf)  }
0x2c4: {  	vm15 =	vgt.f32 v58, $0.0e+00;
	v35 =	vld [tilespmem:s5+$0x1D0];
	(erf) = vpow2.f32 v1;
	v63 =	vadd.f32 $-1.000000000e+00, v27  }
0x2c5: {  	vm7 =	vgt.f32 v49, $0.0e+00;
	v27 =	vld [tilespmem:s9+$0xFFFFFE70];
	(erf) = vpow2.f32 v26;
	v1 =	vsel vm0, v54, v60;
	v2 =	vpop (erf)  }
0x2c6: {  	v26 =	vld [tilespmem:s9+$0xFFFFFEF0];
	v54 =	vadd.f32 $-1.000000000e+00, v50;
	[tilespmem:s9+$0xFFFFFEC0] =	vst v1;
	v1 =	vsel vm2, v55, v63;
	v2 =	vadd.f32 $-1.000000000e+00, v2  }
0x2c7: {  	vm3 =	vgt.f32 v37, $0.0e+00;
	vm6 =	vgt.f32 v51, $0.0e+00;
	vm0 =	vgt.f32 v32, $0.0e+00;
	v61 =	vld [tilespmem:s5+$0xFFFFFED0];
	[tilespmem:s9+$0xFFFFFF40] =	vst v1  }
0x2c8: {  	s23 =	sadd.s32 $0x8, s23;
	vm2 =	vgt.f32 v31, $0.0e+00;
	v60 =	vpop (erf);
	(erf) = vpow2.f32 v47;
	v52 =	vsel vm8, v52, v54;
	v1 =	vld [tilespmem:s5+$0xFFFFFF50]  }
0x2c9: {  	p0 =	slt.u32 s23, $0x48;
	(erf) = vpow2.f32 v48;
	v62 =	vsel vm1, v36, v2;
	v53 =	vadd.f32 v35, v0;
	v36 =	vld [tilespmem:s9+$0xFFFFFF70]  }
.Ltmp0:
0x2ca: {  	v50 =	vadd.f32 $-1.000000000e+00, v60;
	vm1 =	vgt.f32 v29, $0.0e+00;
	v35 =	vld [tilespmem:s9+$0xFFFFFFF0];
	(erf) = vpow2.f32 v33;
	v2 =	vpop (erf);
	(pc) =	sbr.rel @p0 .LBB2_3-.Ltmp0, $4  }
0x2cb: {  	[tilespmem:s9+$0xFFFFFFC0] =	vst v62;
	v33 =	vld [tilespmem:s9+$0x70];
	(erf) = vpow2.f32 v57;
	v0 =	vmul.f32 $1.442695020e+00, v53;
	v2 =	vadd.f32 $-1.000000000e+00, v2;
	v63 =	vpop (erf)  }
0x2cc: {  	v55 =	vld [tilespmem:s5+$0xFFFFFFD0];
	(erf) = vpow2.f32 v59;
	v48 =	vadd.f32 v61, v28;
	v28 =	vadd.f32 $-1.000000000e+00, v63  }
0x2cd: {  	s8 =	smov.u32 s9;
	(erf) = vpow2.f32 v0;
	v47 =	vadd.f32 v1, v34;
	v0 =	vsel vm14, v56, v2;
	v34 =	vld [tilespmem:s9+$0xF0];
	v1 =	vpop (erf)  }
0x2ce: {  	s7 =	smov.u32 s20;
	s20 =	smov.u32 s5;
	s9 =	sadd.s32 $0x400, s9;
	v57 =	vmul.f32 $1.442695020e+00, v48;
	[tilespmem:s8+$0x40] =	vst v0;
	v54 =	vsel vm15, v58, v28;
	v56 =	vadd.f32 $-1.000000000e+00, v1;
	v28 =	vld [tilespmem:s8+$0x170];
	v58 =	vpop (erf)  }
0x2cf: {  	_ =	sdelay $0x1  }
0x2d0: {  	v0 =	vpop (erf)  }
0x2d1: {  	v59 =	vpop (erf)  }
0x2d2: {  	v60 =	vpop (erf)  }
0x2d3: {  	v61 =	vpop (erf)  }
0x2d4: {  	v62 =	vpop (erf)  }
0x2d5: {  	v1 =	vpop (erf)  }
0x2d6: {  	v1 =	vadd.f32 $-1.000000000e+00, v1  }
0x2d7: {  	vm8 =	vgt.f32 v53, $0.0e+00  }
0x2d8: {  	v1 =	vsel vm8, v53, v1  }
0x2d9: {  	[tilespmem:s8+$0x1D0] =	vst v1;
	v1 =	vld [tilespmem:s8+$0x1E0]  }
0x2da: {  	v2 =	vld [tilespmem:s20+$0x1E0];
	_ =	sdelay $0x3  }
0x2db: {  	v30 =	vadd.f32 v55, v30  }
0x2dc: {  	v63 =	vmul.f32 $1.442695020e+00, v47;
	v1 =	vadd.f32 v2, v1  }
0x2dd: {  	(erf) = vpow2.f32 v57;
	v2 =	vmul.f32 $1.442695020e+00, v30  }
0x2de: {  	(erf) = vpow2.f32 v63;
	v57 =	vmul.f32 $1.442695020e+00, v1  }
0x2df: {  	(erf) = vpow2.f32 v2  }
0x2e0: {  	(erf) = vpow2.f32 v57;
	_ =	sdelay $0x5  }
0x2e1: {  	v53 =	vpop (erf)  }
0x2e2: {  	v55 =	vpop (erf)  }
0x2e3: {  	v57 =	vpop (erf)  }
0x2e4: {  	v2 =	vpop (erf)  }
0x2e5: {  	v2 =	vadd.f32 $-1.000000000e+00, v2  }
0x2e6: {  	vm8 =	vgt.f32 v1, $0.0e+00  }
0x2e7: {  	v1 =	vsel vm8, v1, v2  }
0x2e8: {  	[tilespmem:s8+$0x1E0] =	vst v1  }
0x2e9: {  	v1 =	vld [tilespmem:$0x1FF80];
	_ =	sdelay $0x2  }
0x2ea: {  	v58 =	vadd.f32 $-1.000000000e+00, v58;
	_ =	sdelay $0x1  }
0x2eb: {  	v2 =	vadd.f32 v43, v1;
	v1 =	vsel vm6, v51, v58  }
0x2ec: {  	[tilespmem:s8+$0xFFFFFE40] =	vst v1  }
0x2ed: {  	v1 =	vld [tilespmem:$0x1FF90];
	_ =	sdelay $0x1  }
0x2ee: {  	v3 =	vadd.f32 v45, v3;
	v45 =	vld [tilespmem:s20+$0x1F0]  }
0x2ef: {  	v43 =	vld [tilespmem:s8+$0x1F0]  }
0x2f0: {  	v7 =	vadd.f32 v46, v7;
	v58 =	vmul.f32 $1.442695020e+00, v2  }
0x2f1: {  	v4 =	vadd.f32 v41, v4;
	v63 =	vmul.f32 $1.442695020e+00, v3;
	v51 =	vld [tilespmem:s20+$0xFFFFFE50];
	v1 =	vadd.f32 v40, v1  }
0x2f2: {  	v49 =	vsel vm7, v49, v56;
	v56 =	vmul.f32 $1.442695020e+00, v7;
	(erf) = vpow2.f32 v58  }
0x2f3: {  	v6 =	vadd.f32 v42, v6;
	(erf) = vpow2.f32 v63;
	v58 =	vmul.f32 $1.442695020e+00, v1  }
0x2f4: {  	v63 =	vmul.f32 $1.442695020e+00, v4;
	v41 =	vadd.f32 v45, v43;
	(erf) = vpow2.f32 v56  }
0x2f5: {  	v5 =	vadd.f32 v44, v5;
	[tilespmem:s8+$0xC0] =	vst v54;
	v54 =	vld [tilespmem:s20+$0x50];
	v43 =	vmul.f32 $1.442695020e+00, v6;
	(erf) = vpow2.f32 v58  }
0x2f6: {  	v56 =	vmul.f32 $1.442695020e+00, v41;
	v15 =	vadd.f32 v51, v15;
	(erf) = vpow2.f32 v63  }
0x2f7: {  	v63 =	vmul.f32 $1.442695020e+00, v5;
	(erf) = vpow2.f32 v43  }
0x2f8: {  	[tilespmem:s8+$0x140] =	vst v49;
	v51 =	vmul.f32 $1.442695020e+00, v15;
	(erf) = vpow2.f32 v56  }
0x2f9: {  	v49 =	vld [tilespmem:s20+$0x150];
	(erf) = vpow2.f32 v63  }
0x2fa: {  	v18 =	vadd.f32 v54, v18;
	v58 =	vld [tilespmem:s20+$0xD0];
	(erf) = vpow2.f32 v51  }
0x2fb: {  	v42 =	vpop (erf)  }
0x2fc: {  	v54 =	vmul.f32 $1.442695020e+00, v18;
	v40 =	vpop (erf)  }
0x2fd: {  	v43 =	vpop (erf)  }
0x2fe: {  	(erf) = vpow2.f32 v54;
	v46 =	vpop (erf)  }
0x2ff: {  	v20 =	vadd.f32 v49, v20;
	v19 =	vadd.f32 v58, v19;
	v49 =	vpop (erf)  }
0x300: {  	v0 =	vadd.f32 $-1.000000000e+00, v0;
	v45 =	vpop (erf)  }
0x301: {  	v32 =	vsel vm0, v32, v50;
	v56 =	vmul.f32 $1.442695020e+00, v19;
	v44 =	vpop (erf)  }
0x302: {  	vm7 =	vgt.f32 v47, $0.0e+00;
	v0 =	vsel vm2, v31, v0;
	v58 =	vmul.f32 $1.442695020e+00, v20;
	v54 =	vpop (erf)  }
0x303: {  	v50 =	vadd.f32 $-1.000000000e+00, v61;
	v63 =	vadd.f32 $-1.000000000e+00, v60;
	(erf) = vpow2.f32 v56;
	v60 =	vpop (erf)  }
0x304: {  	v61 =	vadd.f32 $-1.000000000e+00, v62;
	(erf) = vpow2.f32 v58;
	v31 =	vadd.f32 $-1.000000000e+00, v60  }
0x305: {  	v62 =	vadd.f32 $-1.000000000e+00, v53;
	vm6 =	vgt.f32 v48, $0.0e+00;
	vm0 =	vgt.f32 v15, $0.0e+00  }
0x306: {  	v38 =	vsel vm4, v38, v63;
	v63 =	vadd.f32 $-1.000000000e+00, v55;
	v15 =	vsel vm0, v15, v31  }
0x307: {  	vm8 =	vgt.f32 v30, $0.0e+00;
	v56 =	vsel vm6, v48, v62;
	v58 =	vadd.f32 $-1.000000000e+00, v57;
	v60 =	vpop (erf);
	[tilespmem:s8+$0xFFFFFE50] =	vst v15  }
0x308: {  	[tilespmem:s8+$0xFFFFFED0] =	vst v56;
	v62 =	vadd.f32 $-1.000000000e+00, v60;
	v15 =	vsel vm3, v37, v61;
	v61 =	vsel vm7, v47, v63;
	v53 =	vld [tilespmem:s20+$0xFFFFFE60]  }
0x309: {  	v55 =	vld [tilespmem:s20+$0xFFFFFEE0];
	v30 =	vsel vm8, v30, v58;
	vm0 =	vgt.f32 v18, $0.0e+00;
	[tilespmem:s8+$0xFFFFFF50] =	vst v61  }
0x30a: {  	v51 =	vadd.f32 $-1.000000000e+00, v59;
	[tilespmem:s8+$0xFFFFFFD0] =	vst v30;
	v18 =	vsel vm0, v18, v62;
	v30 =	vld [tilespmem:s20+$0xFFFFFF60]  }
0x30b: {  	vm2 =	vgt.f32 v20, $0.0e+00;
	v40 =	vadd.f32 $-1.000000000e+00, v40;
	vm4 =	vgt.f32 v41, $0.0e+00;
	v57 =	vld [tilespmem:s20+$0xFFFFFFE0];
	[tilespmem:s8+$0x50] =	vst v18  }
0x30c: {  	[tilespmem:s28+$0xFFFFFE60] =	vst v52;
	v29 =	vsel vm1, v29, v51;
	vm1 =	vgt.f32 v19, $0.0e+00;
	v52 =	vadd.f32 $-1.000000000e+00, v45;
	v63 =	vpop (erf);
	v58 =	vld [tilespmem:s20+$0x60]  }
0x30d: {  	vm6 =	vgt.f32 v5, $0.0e+00;
	v47 =	vadd.f32 $-1.000000000e+00, v63;
	v56 =	vpop (erf);
	v16 =	vadd.f32 v53, v16  }
0x30e: {  	v22 =	vadd.f32 v55, v22;
	v31 =	vsel vm5, v39, v50;
	v48 =	vadd.f32 $-1.000000000e+00, v56  }
0x30f: {  	v19 =	vsel vm1, v19, v47;
	v21 =	vadd.f32 v30, v21;
	v62 =	vmul.f32 $1.442695020e+00, v16  }
0x310: {  	v63 =	vmul.f32 $1.442695020e+00, v22;
	v25 =	vadd.f32 v57, v25;
	[tilespmem:s8+$0xD0] =	vst v19;
	v20 =	vsel vm2, v20, v48  }
0x311: {  	[tilespmem:s28+$0x60] =	vst v38;
	v59 =	vld [tilespmem:s20+$0xE0];
	v17 =	vadd.f32 v58, v17;
	v48 =	vmul.f32 $1.442695020e+00, v21;
	(erf) = vpow2.f32 v62  }
0x312: {  	[tilespmem:s28+$0xE0] =	vst v31;
	v61 =	vadd.f32 $-1.000000000e+00, v49;
	v49 =	vmul.f32 $1.442695020e+00, v25;
	(erf) = vpow2.f32 v63  }
0x313: {  	vm5 =	vgt.f32 v4, $0.0e+00;
	v31 =	vld [tilespmem:s7+$0x70];
	[tilespmem:s8+$0x150] =	vst v20;
	v50 =	vmul.f32 $1.442695020e+00, v17;
	(erf) = vpow2.f32 v48  }
0x314: {  	vm0 =	vgt.f32 v2, $0.0e+00;
	v18 =	vadd.f32 $-1.000000000e+00, v42;
	v60 =	vld [tilespmem:s20+$0x160];
	(erf) = vpow2.f32 v49  }
0x315: {  	vm3 =	vgt.f32 v1, $0.0e+00;
	vm1 =	vgt.f32 v3, $0.0e+00;
	v53 =	vld [tilespmem:s7+$0xFFFFFE70];
	(erf) = vpow2.f32 v50  }
0x316: {  	v56 =	vadd.f32 $-1.000000000e+00, v54;
	v2 =	vsel vm0, v2, v18;
	v23 =	vadd.f32 v59, v23  }
0x317: {  	[tilespmem:s28+$0x160] =	vst v15;
	v15 =	vld [tilespmem:s7+$0xF0];
	v4 =	vsel vm5, v4, v61;
	v19 =	vadd.f32 $-1.000000000e+00, v43;
	v3 =	vsel vm1, v3, v40  }
0x318: {  	vm2 =	vgt.f32 v7, $0.0e+00;
	v10 =	vadd.f32 v31, v10;
	v51 =	vmul.f32 $1.442695020e+00, v23  }
0x319: {  	[tilespmem:s28+$0xFFFFFF60] =	vst v0;
	v0 =	vsel vm6, v5, v56;
	v20 =	vadd.f32 $-1.000000000e+00, v46;
	v24 =	vadd.f32 v60, v24  }
0x31a: {  	[tilespmem:s28+$0xFFFFFEE0] =	vst v32;
	v7 =	vsel vm2, v7, v19;
	v8 =	vadd.f32 v53, v8;
	(erf) = vpow2.f32 v51;
	v18 =	vpop (erf)  }
0x31b: {  	v5 =	vld [tilespmem:s7+$0xFFFFFEF0];
	vm2 =	vgt.f32 v22, $0.0e+00;
	v30 =	vadd.f32 $-1.000000000e+00, v44;
	v55 =	vmul.f32 $1.442695020e+00, v24;
	v19 =	vpop (erf)  }
0x31c: {  	[tilespmem:s28+$0xFFFFFFE0] =	vst v29;
	v12 =	vadd.f32 v15, v12;
	v1 =	vsel vm3, v1, v20;
	v20 =	vld [tilespmem:s7+$0xFFFFFF70];
	v57 =	vmul.f32 $1.442695020e+00, v8;
	v29 =	vpop (erf)  }
0x31d: {  	v58 =	vld [tilespmem:s7+$0xFFFFFFF0];
	vm1 =	vgt.f32 v16, $0.0e+00;
	v30 =	vsel vm4, v41, v30;
	(erf) = vpow2.f32 v55;
	v59 =	vpop (erf)  }
0x31e: {  	vm4 =	vgt.f32 v6, $0.0e+00;
	vm3 =	vgt.f32 v21, $0.0e+00;
	v60 =	vpop (erf);
	(erf) = vpow2.f32 v57  }
0x31f: {  	vm5 =	vgt.f32 v17, $0.0e+00;
	v6 =	vsel vm4, v6, v52;
	v18 =	vadd.f32 $-1.000000000e+00, v18  }
0x320: {  	vm4 =	vgt.f32 v25, $0.0e+00;
	v62 =	vld [tilespmem:s7+$0x170];
	v5 =	vadd.f32 v5, v9;
	v19 =	vadd.f32 $-1.000000000e+00, v19  }
0x321: {  	v11 =	vadd.f32 v20, v11;
	v16 =	vsel vm1, v16, v18;
	v18 =	vadd.f32 $-1.000000000e+00, v29  }
0x322: {  	v14 =	vadd.f32 v58, v14;
	v61 =	vadd.f32 $-1.000000000e+00, v59;
	v19 =	vsel vm2, v22, v19;
	[tilespmem:s8+$0xFFFFFE60] =	vst v16  }
0x323: {  	v15 =	vmul.f32 $1.442695020e+00, v11;
	v29 =	vpop (erf);
	v39 =	vadd.f32 $-1.000000000e+00, v60;
	v18 =	vsel vm3, v21, v18;
	[tilespmem:s8+$0xFFFFFEE0] =	vst v19  }
0x324: {  	v19 =	vmul.f32 $1.442695020e+00, v5;
	v20 =	vld [tilespmem:s20+$0xFFFFFE70];
	v22 =	vadd.f32 $-1.000000000e+00, v29;
	v9 =	vsel vm4, v25, v61;
	[tilespmem:s8+$0xFFFFFF60] =	vst v18  }
0x325: {  	vm6 =	vgt.f32 v23, $0.0e+00;
	v18 =	vld [tilespmem:s20+$0xFFFFFEF0];
	v16 =	vsel vm5, v17, v39;
	[tilespmem:s8+$0xFFFFFFE0] =	vst v9;
	v9 =	vadd.f32 v62, v13  }
0x326: {  	v63 =	vpop (erf);
	v13 =	vmul.f32 $1.442695020e+00, v14;
	(erf) = vpow2.f32 v19;
	v19 =	vld [tilespmem:s20+$0xFFFFFF70];
	v17 =	vsel vm6, v23, v22  }
0x327: {  	vm0 =	vgt.f32 v24, $0.0e+00;
	v29 =	vadd.f32 $-1.000000000e+00, v63;
	v23 =	vld [tilespmem:s20+$0xFFFFFFF0];
	(erf) = vpow2.f32 v15;
	[tilespmem:s8+$0xE0] =	vst v17;
	v15 =	vpop (erf)  }
0x328: {  	[tilespmem:s8+$0x60] =	vst v16;
	v16 =	vmul.f32 $1.442695020e+00, v10;
	(erf) = vpow2.f32 v13;
	v13 =	vadd.f32 $-1.000000000e+00, v15;
	v15 =	vld [tilespmem:s20+$0xF0]  }
0x329: {  	v22 =	vmul.f32 $1.442695020e+00, v12;
	v21 =	vsel vm0, v24, v29;
	v24 =	vld [tilespmem:s20+$0x70];
	v20 =	vadd.f32 v20, v27  }
0x32a: {  	v17 =	vmul.f32 $1.442695020e+00, v9;
	(erf) = vpow2.f32 v16;
	v18 =	vadd.f32 v18, v26  }
0x32b: {  	[tilespmem:s8+$0x160] =	vst v21;
	(erf) = vpow2.f32 v22;
	v21 =	vmul.f32 $1.442695020e+00, v20  }
0x32c: {  	[tilespmem:s26+$0xFFFFFE70] =	vst v2;
	v19 =	vadd.f32 v19, v36;
	(erf) = vpow2.f32 v17;
	v17 =	vmul.f32 $1.442695020e+00, v18  }
0x32d: {  	[tilespmem:s26+$0xFFFFFF70] =	vst v7;
	v16 =	vld [tilespmem:s20+$0x170];
	v2 =	vadd.f32 v23, v35;
	(erf) = vpow2.f32 v21;
	v7 =	vadd.f32 v15, v34  }
0x32e: {  	[tilespmem:s26+$0xFFFFFEF0] =	vst v3;
	v3 =	vadd.f32 v24, v33;
	v22 =	vmul.f32 $1.442695020e+00, v19;
	(erf) = vpow2.f32 v17  }
0x32f: {  	[tilespmem:s26+$0x70] =	vst v4;
	v15 =	vmul.f32 $1.442695020e+00, v2;
	v4 =	vmul.f32 $1.442695020e+00, v7  }
0x330: {  	[tilespmem:s26+$0xFFFFFFF0] =	vst v1;
	v1 =	vpop (erf);
	v17 =	vmul.f32 $1.442695020e+00, v3;
	(erf) = vpow2.f32 v22  }
0x331: {  	[tilespmem:s26+$0xF0] =	vst v6;
	vm1 =	vgt.f32 v5, $0.0e+00;
	vm0 =	vgt.f32 v8, $0.0e+00;
	v6 =	vpop (erf);
	(erf) = vpow2.f32 v15  }
0x332: {  	[tilespmem:s26+$0x170] =	vst v0;
	v16 =	vadd.f32 v16, v28;
	v8 =	vsel vm0, v8, v13;
	v0 =	vpop (erf);
	(erf) = vpow2.f32 v17  }
0x333: {  	v1 =	vadd.f32 $-1.000000000e+00, v1;
	v0 =	vadd.f32 $-1.000000000e+00, v0;
	(erf) = vpow2.f32 v4;
	v4 =	vpop (erf)  }
0x334: {  	vm0 =	vgt.f32 v14, $0.0e+00;
	v15 =	vmul.f32 $1.442695020e+00, v16;
	v4 =	vadd.f32 $-1.000000000e+00, v4  }
0x335: {  	[tilespmem:s8+$0x1F0] =	vst v30;
	v1 =	vsel vm1, v5, v1;
	vm1 =	vgt.f32 v10, $0.0e+00;
	v0 =	vsel vm0, v14, v0;
	v5 =	vpop (erf)  }
0x336: {  	[tilespmem:s28+$0xFFFFFEF0] =	vst v1;
	(erf) = vpow2.f32 v15;
	v1 =	vadd.f32 $-1.000000000e+00, v5;
	v5 =	vpop (erf);
	v4 =	vsel vm1, v10, v4  }
0x337: {  	vm0 =	vgt.f32 v12, $0.0e+00;
	[tilespmem:s28+$0xFFFFFFF0] =	vst v0;
	v5 =	vadd.f32 $-1.000000000e+00, v5  }
0x338: {  	v6 =	vadd.f32 $-1.000000000e+00, v6;
	v0 =	vpop (erf);
	vm1 =	vgt.f32 v9, $0.0e+00;
	v1 =	vsel vm0, v12, v1;
	[tilespmem:s28+$0x70] =	vst v4  }
0x339: {  	vm2 =	vgt.f32 v11, $0.0e+00;
	v0 =	vadd.f32 $-1.000000000e+00, v0;
	[tilespmem:s28+$0xF0] =	vst v1;
	v1 =	vsel vm1, v9, v5;
	v4 =	vpop (erf)  }
0x33a: {  	[tilespmem:s28+$0xFFFFFE70] =	vst v8;
	v6 =	vsel vm2, v11, v6;
	vm0 =	vgt.f32 v20, $0.0e+00;
	v4 =	vadd.f32 $-1.000000000e+00, v4  }
0x33b: {  	[tilespmem:s28+$0xFFFFFF70] =	vst v6;
	vm1 =	vgt.f32 v18, $0.0e+00;
	v0 =	vsel vm0, v20, v0;
	v5 =	vpop (erf)  }
0x33c: {  	[tilespmem:s28+$0x170] =	vst v1;
	v1 =	vpop (erf);
	v5 =	vadd.f32 $-1.000000000e+00, v5;
	v4 =	vsel vm1, v18, v4  }
0x33d: {  	vm0 =	vgt.f32 v19, $0.0e+00;
	[tilespmem:s8+$0xFFFFFE70] =	vst v0;
	v6 =	vpop (erf);
	v1 =	vadd.f32 $-1.000000000e+00, v1  }
0x33e: {  	vm1 =	vgt.f32 v2, $0.0e+00;
	v0 =	vpop (erf);
	v6 =	vadd.f32 $-1.000000000e+00, v6;
	v5 =	vsel vm0, v19, v5;
	[tilespmem:s8+$0xFFFFFEF0] =	vst v4  }
0x33f: {  	vm0 =	vgt.f32 v3, $0.0e+00;
	v0 =	vadd.f32 $-1.000000000e+00, v0;
	v1 =	vsel vm1, v2, v1;
	[tilespmem:s8+$0xFFFFFF70] =	vst v5;
	v4 =	vpop (erf)  }
0x340: {  	vm1 =	vgt.f32 v7, $0.0e+00;
	v3 =	vsel vm0, v3, v6;
	[tilespmem:s8+$0xFFFFFFF0] =	vst v1;
	v2 =	vadd.f32 $-1.000000000e+00, v4  }
0x341: {  	vm0 =	vgt.f32 v16, $0.0e+00;
	v0 =	vsel vm1, v7, v0;
	[tilespmem:s8+$0x70] =	vst v3  }
0x342: {  	[tilespmem:s8+$0xF0] =	vst v0;
	v0 =	vsel vm0, v16, v2  }
0x343: {  	[tilespmem:s8+$0x170] =	vst v0  }
0x344: {  	s26 =	sshll.u32 s24, $0x1;
	s8 =	sld [smem:$0x7ED]  }
0x345: {  	s5 =	smin.u32 s26, $0x7B  }
0x346: {  	[spmem:s14] =	stream.indirect.scatter.add.f32 [tilespmem:s19], [sflag:$0x5], $0x80, s0, s29, $0xb8;
	[tilespmem:$0x1E200] =	vst v63  }
0x347: {  	s5 =	sadd.s32 s5, s8  }
0x348: {  	_ =	swait.ge [sflag:s31], $0x2800;
	s5 =	smul.u32 $0xA, s5  }
0x349: {  	[sflag:s31] =	ssyncset.done $0x0  }
0x34a: {  	[sflag:s31] =	ssyncadd.s32 $0xFFFFD800;
	s9 =	sadd.s32 s22, s5  }
0x34b: {  	[tilespmem:s11], [sflag:$0x1] =	stream.linear.gather [hbm4b:s9+s11], $0x50, $0x38;
	[tilespmem:$0x1E200] =	vst v63  }
0x34c: {  	s5 =	sadd.s32 s13, s5  }
0x34d: {  	[tilespmem:s0], [sflag:$0x1] =	stream.linear.gather [hbm4b:s5+s11], $0x50, $0x38;
	[tilespmem:$0x1E200] =	vst v63  }
0x34e: {  	_ =	swait.ge [sflag:s6], $0x2800  }
0x34f: {  	[sflag:s6] =	ssyncset.done $0x0  }
0x350: {  	[sflag:s6] =	ssyncadd.s32 $0xFFFFD800  }
0x351: {  	_ =	swait.ge [sflag:s6], $0x2800  }
0x352: {  	[sflag:s6] =	ssyncset.done $0x0  }
0x353: {  	[sflag:s6] =	ssyncadd.s32 $0xFFFFD800  }
0x354: {  	_ =	swait.ge [sflag:s10], $0x50  }
0x355: {  	[sflag:s10] =	ssyncset.done $0x0  }
0x356: {  	[sflag:s10] =	ssyncadd.s32 $0xFFFFFFB0  }
0x357: {  	_ =	swait.ge [sflag:s10], $0x50  }
0x358: {  	[sflag:s10] =	ssyncset.done $0x0  }
0x359: {  	[sflag:s10] =	ssyncadd.s32 $0xFFFFFFB0  }
0x35a: {  	[tilespmem:s19], [sflag:$0x3] =	stream.indirect.gather [hbm4b:s16+s29], $0x80, s11, s29, $0xb8;
	[tilespmem:$0x1E200] =	vst v63  }
0x35b: {  	s20 =	simm.s32 $0x5200;
	s28 =	simm.s32 $0x2C00  }
0x35c: {  	[tilespmem:s20], [sflag:$0x3] =	stream.indirect.gather [hbm4b:s17+s29], $0x80, s0, s29, $0xb8;
	[tilespmem:$0x1E200] =	vst v63  }
0x35d: {  	s21 =	simm.s32 $0x7C00;
	v0 =	vld [tilespmem:s28+$0x180]  }
0x35e: {  	v1 =	vld [tilespmem:s21+$0x180];
	_ =	sdelay $0x4  }
0x35f: {  	v0 =	vadd.f32 v1, v0  }
0x360: {  	v2 =	vld [tilespmem:s28+$0xFFFFFE80]  }
0x361: {  	v3 =	vld [tilespmem:s21+$0xFFFFFE80];
	v1 =	vmul.f32 $1.442695020e+00, v0;
	_ =	sdelay $0x1  }
0x362: {  	v4 =	vld [tilespmem:s21+$0xFFFFFF00];
	(erf) = vpow2.f32 v1  }
0x363: {  	v1 =	vld [tilespmem:s28+$0xFFFFFF00]  }
0x364: {  	v5 =	vld [tilespmem:s28+$0xFFFFFF80]  }
0x365: {  	v6 =	vld [tilespmem:s21+$0xFFFFFF80];
	v2 =	vadd.f32 v3, v2;
	_ =	sdelay $0x1  }
0x366: {  	v7 =	vld [tilespmem:s28+$0x0];
	v8 =	vmul.f32 $1.442695020e+00, v2  }
0x367: {  	v10 =	vld [tilespmem:s28+$0x80];
	v1 =	vadd.f32 v4, v1  }
0x368: {  	v4 =	vld [tilespmem:s21+$0x0]  }
0x369: {  	v5 =	vadd.f32 v6, v5;
	v6 =	vld [tilespmem:s21+$0x80];
	v9 =	vmul.f32 $1.442695020e+00, v1  }
0x36a: {  	v11 =	vld [tilespmem:s28+$0x100];
	(erf) = vpow2.f32 v8;
	v8 =	vpop (erf)  }
0x36b: {  	v12 =	vld [tilespmem:s21+$0x100];
	(erf) = vpow2.f32 v9;
	v9 =	vmul.f32 $1.442695020e+00, v5;
	v8 =	vadd.f32 $-1.000000000e+00, v8  }
0x36c: {  	v3 =	vld [tilespmem:s21+$0xFFFFFE00];
	vm0 =	vgt.f32 v0, $0.0e+00  }
0x36d: {  	v4 =	vadd.f32 v4, v7;
	(erf) = vpow2.f32 v9;
	v0 =	vsel vm0, v0, v8;
	v8 =	vld [tilespmem:s28+$0xFFFFFE00]  }
0x36e: {  	v6 =	vadd.f32 v6, v10;
	[tilespmem:s28+$0x180] =	vst v0;
	v0 =	vld [tilespmem:s28+$0x190]  }
0x36f: {  	v9 =	vmul.f32 $1.442695020e+00, v4;
	v7 =	vld [tilespmem:s21+$0x190]  }
0x370: {  	v10 =	vadd.f32 v12, v11;
	v11 =	vmul.f32 $1.442695020e+00, v6  }
0x371: {  	(erf) = vpow2.f32 v9  }
0x372: {  	(erf) = vpow2.f32 v11  }
0x373: {  	v9 =	vmul.f32 $1.442695020e+00, v10;
	v3 =	vadd.f32 v3, v8;
	v8 =	vpop (erf)  }
0x374: {  	v8 =	vadd.f32 $-1.000000000e+00, v8;
	v0 =	vadd.f32 v7, v0  }
0x375: {  	vm0 =	vgt.f32 v2, $0.0e+00;
	(erf) = vpow2.f32 v9;
	v12 =	vpop (erf);
	v11 =	vmul.f32 $1.442695020e+00, v3  }
0x376: {  	v9 =	vld [tilespmem:s28+$0xFFFFFE90];
	v7 =	vadd.f32 $-1.000000000e+00, v12;
	v2 =	vsel vm0, v2, v8;
	v12 =	vpop (erf);
	v8 =	vmul.f32 $1.442695020e+00, v0  }
0x377: {  	vm0 =	vgt.f32 v1, $0.0e+00;
	(erf) = vpow2.f32 v11;
	v11 =	vld [tilespmem:s28+$0xFFFFFF10];
	[tilespmem:s28+$0xFFFFFE80] =	vst v2;
	v2 =	vadd.f32 $-1.000000000e+00, v12  }
0x378: {  	v1 =	vsel vm0, v1, v7;
	vm0 =	vgt.f32 v5, $0.0e+00;
	v7 =	vld [tilespmem:s21+$0xFFFFFE90];
	(erf) = vpow2.f32 v8  }
0x379: {  	[tilespmem:s28+$0xFFFFFF00] =	vst v1;
	v8 =	vld [tilespmem:s28+$0xFFFFFF90];
	v2 =	vsel vm0, v5, v2  }
0x37a: {  	v1 =	vld [tilespmem:s21+$0xFFFFFF10];
	v5 =	vpop (erf);
	[tilespmem:s28+$0xFFFFFF80] =	vst v2  }
0x37b: {  	v5 =	vadd.f32 $-1.000000000e+00, v5;
	v13 =	vpop (erf);
	v2 =	vld [tilespmem:s21+$0xFFFFFF90]  }
0x37c: {  	vm0 =	vgt.f32 v4, $0.0e+00;
	v13 =	vadd.f32 $-1.000000000e+00, v13  }
0x37d: {  	vm2 =	vgt.f32 v6, $0.0e+00;
	v4 =	vsel vm0, v4, v5  }
0x37e: {  	v14 =	vpop (erf);
	v7 =	vadd.f32 v7, v9;
	[tilespmem:s28+$0x0] =	vst v4;
	v4 =	vsel vm2, v6, v13  }
0x37f: {  	v9 =	vld [tilespmem:s28+$0x10];
	v6 =	vadd.f32 $-1.000000000e+00, v14  }
0x380: {  	v1 =	vadd.f32 v1, v11;
	v5 =	vmul.f32 $1.442695020e+00, v7;
	v11 =	vpop (erf);
	v2 =	vadd.f32 v2, v8;
	v8 =	vld [tilespmem:s21+$0x10]  }
0x381: {  	vm3 =	vgt.f32 v10, $0.0e+00;
	vm1 =	vgt.f32 v3, $0.0e+00;
	[tilespmem:s28+$0x80] =	vst v4;
	v11 =	vadd.f32 $-1.000000000e+00, v11;
	v4 =	vpop (erf)  }
0x382: {  	v15 =	vld [tilespmem:s28+$0x90];
	v6 =	vsel vm3, v10, v6;
	(erf) = vpow2.f32 v5;
	v4 =	vadd.f32 $-1.000000000e+00, v4  }
0x383: {  	v16 =	vld [tilespmem:s28+$0x110];
	vm0 =	vgt.f32 v0, $0.0e+00;
	v13 =	vmul.f32 $1.442695020e+00, v1;
	[tilespmem:s28+$0x100] =	vst v6;
	v3 =	vsel vm1, v3, v11  }
0x384: {  	v5 =	vld [tilespmem:s21+$0x90];
	[tilespmem:s28+$0xFFFFFE00] =	vst v3;
	v0 =	vsel vm0, v0, v4  }
0x385: {  	(erf) = vpow2.f32 v13;
	v11 =	vmul.f32 $1.442695020e+00, v2;
	v3 =	vld [tilespmem:s21+$0x110];
	[tilespmem:s28+$0x190] =	vst v0;
	v0 =	vadd.f32 v8, v9  }
0x386: {  	v12 =	vld [tilespmem:s28+$0xFFFFFE10]  }
0x387: {  	v4 =	vld [tilespmem:s21+$0xFFFFFE10];
	(erf) = vpow2.f32 v11;
	v9 =	vmul.f32 $1.442695020e+00, v0;
	_ =	sdelay $0x1  }
0x388: {  	v5 =	vadd.f32 v5, v15  }
0x389: {  	v6 =	vld [tilespmem:s28+$0x1A0];
	v3 =	vadd.f32 v3, v16  }
0x38a: {  	v8 =	vld [tilespmem:s21+$0x1A0];
	v13 =	vmul.f32 $1.442695020e+00, v5;
	(erf) = vpow2.f32 v9;
	v9 =	vpop (erf)  }
0x38b: {  	v4 =	vadd.f32 v4, v12;
	v15 =	vmul.f32 $1.442695020e+00, v3;
	v9 =	vadd.f32 $-1.000000000e+00, v9  }
0x38c: {  	vm0 =	vgt.f32 v7, $0.0e+00;
	(erf) = vpow2.f32 v13  }
0x38d: {  	v16 =	vmul.f32 $1.442695020e+00, v4;
	v17 =	vpop (erf);
	v7 =	vsel vm0, v7, v9  }
0x38e: {  	v11 =	vld [tilespmem:s28+$0xFFFFFEA0];
	(erf) = vpow2.f32 v15;
	v17 =	vadd.f32 $-1.000000000e+00, v17;
	[tilespmem:s28+$0xFFFFFE90] =	vst v7  }
0x38f: {  	v6 =	vadd.f32 v8, v6;
	(erf) = vpow2.f32 v16;
	vm0 =	vgt.f32 v1, $0.0e+00;
	v15 =	vpop (erf);
	v16 =	vld [tilespmem:s21+$0xFFFFFEA0]  }
0x390: {  	v1 =	vsel vm0, v1, v17;
	v15 =	vadd.f32 $-1.000000000e+00, v15  }
0x391: {  	v14 =	vld [tilespmem:s28+$0xFFFFFF20];
	v7 =	vmul.f32 $1.442695020e+00, v6;
	vm0 =	vgt.f32 v2, $0.0e+00;
	[tilespmem:s28+$0xFFFFFF10] =	vst v1  }
0x392: {  	v1 =	vld [tilespmem:s21+$0xFFFFFF20];
	v2 =	vsel vm0, v2, v15  }
0x393: {  	v12 =	vld [tilespmem:s28+$0xFFFFFFA0];
	(erf) = vpow2.f32 v7;
	[tilespmem:s28+$0xFFFFFF90] =	vst v2;
	v17 =	vpop (erf)  }
0x394: {  	v15 =	vld [tilespmem:s21+$0xFFFFFFA0];
	v11 =	vadd.f32 v16, v11;
	v16 =	vadd.f32 $-1.000000000e+00, v17  }
0x395: {  	vm0 =	vgt.f32 v0, $0.0e+00;
	v20 =	vpop (erf)  }
0x396: {  	v17 =	vadd.f32 $-1.000000000e+00, v20;
	v0 =	vsel vm0, v0, v16  }
0x397: {  	vm1 =	vgt.f32 v5, $0.0e+00;
	v13 =	vld [tilespmem:s28+$0x20];
	v14 =	vadd.f32 v1, v14;
	v1 =	vpop (erf)  }
0x398: {  	v7 =	vld [tilespmem:s28+$0xA0];
	v21 =	vmul.f32 $1.442695020e+00, v11;
	v5 =	vsel vm1, v5, v17;
	v1 =	vadd.f32 $-1.000000000e+00, v1;
	[tilespmem:s28+$0x10] =	vst v0  }
0x399: {  	vm2 =	vgt.f32 v3, $0.0e+00;
	v12 =	vadd.f32 v15, v12;
	[tilespmem:s28+$0x90] =	vst v5;
	v15 =	vld [tilespmem:s21+$0x20];
	v0 =	vpop (erf)  }
0x39a: {  	v16 =	vmul.f32 $1.442695020e+00, v14;
	(erf) = vpow2.f32 v21;
	v5 =	vld [tilespmem:s21+$0xA0];
	v0 =	vadd.f32 $-1.000000000e+00, v0  }
0x39b: {  	vm0 =	vgt.f32 v4, $0.0e+00;
	v3 =	vsel vm2, v3, v1  }
0x39c: {  	v19 =	vld [tilespmem:s28+$0x120];
	v17 =	vmul.f32 $1.442695020e+00, v12;
	(erf) = vpow2.f32 v16;
	[tilespmem:s28+$0x110] =	vst v3;
	v1 =	vpop (erf);
	v0 =	vsel vm0, v4, v0  }
0x39d: {  	v16 =	vadd.f32 $-1.000000000e+00, v1;
	[tilespmem:s28+$0xFFFFFE10] =	vst v0;
	v0 =	vld [tilespmem:s21+$0x120]  }
0x39e: {  	v10 =	vld [tilespmem:s28+$0xFFFFFE20];
	(erf) = vpow2.f32 v17;
	vm0 =	vgt.f32 v6, $0.0e+00  }
0x39f: {  	v3 =	vsel vm0, v6, v16;
	v6 =	vadd.f32 v15, v13;
	v7 =	vadd.f32 v5, v7;
	v4 =	vld [tilespmem:s21+$0xFFFFFE20];
	_ =	sdelay $0x1  }
0x3a0: {  	[tilespmem:s28+$0x1A0] =	vst v3;
	v3 =	vld [tilespmem:s28+$0x1B0];
	v13 =	vmul.f32 $1.442695020e+00, v6;
	v15 =	vmul.f32 $1.442695020e+00, v7  }
0x3a1: {  	v5 =	vld [tilespmem:s21+$0x1B0];
	v0 =	vadd.f32 v0, v19  }
0x3a2: {  	v16 =	vpop (erf);
	(erf) = vpow2.f32 v13  }
0x3a3: {  	v13 =	vadd.f32 $-1.000000000e+00, v16;
	v10 =	vadd.f32 v4, v10;
	v4 =	vmul.f32 $1.442695020e+00, v0  }
0x3a4: {  	vm0 =	vgt.f32 v11, $0.0e+00;
	(erf) = vpow2.f32 v15;
	v15 =	vpop (erf)  }
0x3a5: {  	v15 =	vadd.f32 $-1.000000000e+00, v15;
	v11 =	vsel vm0, v11, v13  }
0x3a6: {  	v8 =	vld [tilespmem:s28+$0xFFFFFEB0];
	v13 =	vadd.f32 v5, v3;
	vm0 =	vgt.f32 v14, $0.0e+00;
	v3 =	vmul.f32 $1.442695020e+00, v10;
	[tilespmem:s28+$0xFFFFFEA0] =	vst v11  }
0x3a7: {  	(erf) = vpow2.f32 v4;
	v5 =	vsel vm0, v14, v15;
	v11 =	vld [tilespmem:s21+$0xFFFFFEB0];
	v4 =	vpop (erf)  }
0x3a8: {  	v9 =	vld [tilespmem:s28+$0xFFFFFF30];
	v14 =	vmul.f32 $1.442695020e+00, v13;
	(erf) = vpow2.f32 v3;
	[tilespmem:s28+$0xFFFFFF20] =	vst v5;
	v4 =	vadd.f32 $-1.000000000e+00, v4  }
0x3a9: {  	vm0 =	vgt.f32 v12, $0.0e+00;
	v15 =	vld [tilespmem:s21+$0xFFFFFF30]  }
0x3aa: {  	(erf) = vpow2.f32 v14;
	v3 =	vsel vm0, v12, v4  }
0x3ab: {  	v18 =	vld [tilespmem:s28+$0xFFFFFFB0];
	[tilespmem:s28+$0xFFFFFFA0] =	vst v3  }
0x3ac: {  	v8 =	vadd.f32 v11, v8;
	v12 =	vld [tilespmem:s21+$0xFFFFFFB0]  }
0x3ad: {  	v11 =	vpop (erf)  }
0x3ae: {  	vm1 =	vgt.f32 v7, $0.0e+00;
	v14 =	vpop (erf);
	v9 =	vadd.f32 v15, v9;
	v16 =	vmul.f32 $1.442695020e+00, v8  }
0x3af: {  	v22 =	vld [tilespmem:s28+$0xB0];
	vm2 =	vgt.f32 v0, $0.0e+00;
	v11 =	vadd.f32 $-1.000000000e+00, v11;
	v14 =	vadd.f32 $-1.000000000e+00, v14  }
0x3b0: {  	v23 =	vld [tilespmem:s28+$0x130];
	vm0 =	vgt.f32 v6, $0.0e+00;
	v25 =	vpop (erf);
	v26 =	vmul.f32 $1.442695020e+00, v9;
	(erf) = vpow2.f32 v16  }
0x3b1: {  	v2 =	vld [tilespmem:s28+$0xFFFFFE30];
	v6 =	vsel vm0, v6, v11;
	v11 =	vadd.f32 $-1.000000000e+00, v25;
	v27 =	vadd.f32 v12, v18;
	v12 =	vpop (erf)  }
0x3b2: {  	v20 =	vld [tilespmem:s28+$0x30];
	v7 =	vsel vm1, v7, v14;
	[tilespmem:s28+$0x20] =	vst v6;
	(erf) = vpow2.f32 v26;
	v6 =	vadd.f32 $-1.000000000e+00, v12  }
0x3b3: {  	vm0 =	vgt.f32 v10, $0.0e+00;
	v25 =	vld [tilespmem:s21+$0x30];
	[tilespmem:s28+$0xA0] =	vst v7;
	v0 =	vsel vm2, v0, v11;
	v14 =	vpop (erf)  }
0x3b4: {  	v11 =	vld [tilespmem:s21+$0xB0];
	[tilespmem:s28+$0x120] =	vst v0;
	v12 =	vmul.f32 $1.442695020e+00, v27;
	v7 =	vadd.f32 $-1.000000000e+00, v14;
	v6 =	vsel vm0, v10, v6  }
0x3b5: {  	v0 =	vld [tilespmem:s21+$0x130];
	vm0 =	vgt.f32 v13, $0.0e+00;
	[tilespmem:s28+$0xFFFFFE20] =	vst v6  }
0x3b6: {  	(erf) = vpow2.f32 v12;
	v6 =	vsel vm0, v13, v7;
	v7 =	vld [tilespmem:s21+$0xFFFFFE30];
	_ =	sdelay $0x1  }
0x3b7: {  	v10 =	vadd.f32 v25, v20;
	[tilespmem:s28+$0x1B0] =	vst v6;
	v6 =	vld [tilespmem:s28+$0x1C0]  }
0x3b8: {  	v22 =	vadd.f32 v11, v22;
	v13 =	vld [tilespmem:s21+$0x1C0];
	v11 =	vpop (erf)  }
0x3b9: {  	vm1 =	vgt.f32 v9, $0.0e+00;
	v12 =	vmul.f32 $1.442695020e+00, v10;
	v11 =	vadd.f32 $-1.000000000e+00, v11  }
0x3ba: {  	v24 =	vld [tilespmem:s28+$0xFFFFFFC0];
	v20 =	vmul.f32 $1.442695020e+00, v22;
	v0 =	vadd.f32 v0, v23;
	v2 =	vadd.f32 v7, v2;
	v7 =	vpop (erf)  }
0x3bb: {  	v48 =	vld [tilespmem:s28+$0x150];
	vm0 =	vgt.f32 v8, $0.0e+00;
	(erf) = vpow2.f32 v12;
	v7 =	vadd.f32 $-1.000000000e+00, v7  }
0x3bc: {  	v21 =	vld [tilespmem:s28+$0xFFFFFF40];
	v8 =	vsel vm0, v8, v11;
	v11 =	vmul.f32 $1.442695020e+00, v0;
	(erf) = vpow2.f32 v20  }
0x3bd: {  	v19 =	vld [tilespmem:s28+$0xFFFFFEC0];
	[tilespmem:s28+$0xFFFFFEB0] =	vst v8;
	v6 =	vadd.f32 v13, v6;
	v8 =	vmul.f32 $1.442695020e+00, v2;
	v7 =	vsel vm1, v9, v7  }
0x3be: {  	v13 =	vld [tilespmem:s21+$0xFFFFFEC0];
	(erf) = vpow2.f32 v11;
	v20 =	vpop (erf);
	[tilespmem:s28+$0xFFFFFF30] =	vst v7  }
0x3bf: {  	v9 =	vadd.f32 $-1.000000000e+00, v20;
	v7 =	vmul.f32 $1.442695020e+00, v6;
	(erf) = vpow2.f32 v8;
	v8 =	vld [tilespmem:s21+$0xFFFFFF40]  }
0x3c0: {  	v28 =	vld [tilespmem:s28+$0xFFFFFFD0];
	vm0 =	vgt.f32 v27, $0.0e+00  }
0x3c1: {  	v1 =	vld [tilespmem:s28+$0xFFFFFE40];
	v9 =	vsel vm0, v27, v9;
	(erf) = vpow2.f32 v7  }
0x3c2: {  	v17 =	vld [tilespmem:s28+$0xFFFFFE50];
	[tilespmem:s28+$0xFFFFFFB0] =	vst v9  }
0x3c3: {  	v13 =	vadd.f32 v13, v19;
	v7 =	vld [tilespmem:s21+$0xFFFFFFC0]  }
0x3c4: {  	v5 =	vld [tilespmem:s28+$0x40];
	v19 =	vadd.f32 v8, v21  }
0x3c5: {  	v4 =	vld [tilespmem:s28+$0xC0];
	v8 =	vmul.f32 $1.442695020e+00, v13  }
0x3c6: {  	v3 =	vld [tilespmem:s28+$0x140];
	vm2 =	vgt.f32 v2, $0.0e+00;
	v9 =	vpop (erf);
	v23 =	vmul.f32 $1.442695020e+00, v19  }
0x3c7: {  	v15 =	vld [tilespmem:s28+$0x50];
	vm1 =	vgt.f32 v22, $0.0e+00;
	v9 =	vadd.f32 $-1.000000000e+00, v9;
	v21 =	vpop (erf);
	(erf) = vpow2.f32 v8  }
0x3c8: {  	v26 =	vld [tilespmem:s28+$0xFFFFFF50];
	vm0 =	vgt.f32 v10, $0.0e+00;
	v21 =	vadd.f32 $-1.000000000e+00, v21;
	v7 =	vadd.f32 v7, v24;
	v24 =	vpop (erf)  }
0x3c9: {  	v18 =	vld [tilespmem:s28+$0xD0];
	v10 =	vsel vm0, v10, v9;
	v24 =	vadd.f32 $-1.000000000e+00, v24;
	v27 =	vpop (erf);
	(erf) = vpow2.f32 v23  }
0x3ca: {  	v14 =	vld [tilespmem:s28+$0xFFFFFEE0];
	vm0 =	vgt.f32 v0, $0.0e+00;
	[tilespmem:s28+$0x30] =	vst v10;
	v21 =	vsel vm1, v22, v21;
	v22 =	vadd.f32 $-1.000000000e+00, v27;
	v23 =	vpop (erf)  }
0x3cb: {  	[tilespmem:s28+$0xB0] =	vst v21;
	v29 =	vmul.f32 $1.442695020e+00, v7;
	v27 =	vld [tilespmem:s21+$0x40];
	v0 =	vsel vm0, v0, v24;
	v21 =	vadd.f32 $-1.000000000e+00, v23  }
0x3cc: {  	vm0 =	vgt.f32 v6, $0.0e+00;
	v23 =	vld [tilespmem:s21+$0xC0];
	v2 =	vsel vm2, v2, v22;
	[tilespmem:s28+$0x130] =	vst v0  }
0x3cd: {  	(erf) = vpow2.f32 v29;
	[tilespmem:s28+$0xFFFFFE30] =	vst v2;
	v0 =	vld [tilespmem:s21+$0x140];
	v2 =	vsel vm0, v6, v21  }
0x3ce: {  	v25 =	vld [tilespmem:s28+$0xFFFFFED0]  }
0x3cf: {  	v12 =	vld [tilespmem:s28+$0xFFFFFF60]  }
0x3d0: {  	v11 =	vld [tilespmem:s28+$0xFFFFFFE0];
	[tilespmem:s28+$0x1C0] =	vst v2;
	v24 =	vadd.f32 v27, v5;
	v2 =	vpop (erf)  }
0x3d1: {  	v20 =	vld [tilespmem:s28+$0xFFFFFE60];
	vm0 =	vgt.f32 v13, $0.0e+00;
	v2 =	vadd.f32 $-1.000000000e+00, v2  }
0x3d2: {  	v6 =	vld [tilespmem:s21+$0xFFFFFE40];
	v23 =	vadd.f32 v23, v4;
	v4 =	vmul.f32 $1.442695020e+00, v24;
	v0 =	vadd.f32 v0, v3;
	v3 =	vpop (erf)  }
0x3d3: {  	v29 =	vadd.f32 $-1.000000000e+00, v3;
	v3 =	vsel vm0, v13, v2;
	v2 =	vld [tilespmem:s28+$0xFFFFFE70]  }
0x3d4: {  	v22 =	vld [tilespmem:s28+$0x1D0]  }
0x3d5: {  	v5 =	vld [tilespmem:s21+$0x1D0]  }
0x3d6: {  	v8 =	vld [tilespmem:s28+$0x60];
	v27 =	vmul.f32 $1.442695020e+00, v23;
	(erf) = vpow2.f32 v4;
	v4 =	vpop (erf)  }
0x3d7: {  	v9 =	vld [tilespmem:s28+$0xE0];
	v21 =	vadd.f32 v6, v1;
	v1 =	vmul.f32 $1.442695020e+00, v0;
	v4 =	vadd.f32 $-1.000000000e+00, v4  }
0x3d8: {  	v10 =	vld [tilespmem:s28+$0x160];
	vm0 =	vgt.f32 v7, $0.0e+00;
	(erf) = vpow2.f32 v27;
	[tilespmem:$0x1FF00] =	vst v2  }
0x3d9: {  	vm1 =	vgt.f32 v19, $0.0e+00;
	(erf) = vpow2.f32 v1;
	v1 =	vsel vm0, v7, v4;
	[tilespmem:s28+$0xFFFFFEC0] =	vst v3;
	v3 =	vld [tilespmem:s28+$0xFFFFFEF0]  }
0x3da: {  	v6 =	vsel vm1, v19, v29;
	v19 =	vadd.f32 v5, v22;
	[tilespmem:s28+$0xFFFFFFC0] =	vst v1;
	v1 =	vld [tilespmem:s28+$0xFFFFFFF0]  }
0x3db: {  	v5 =	vmul.f32 $1.442695020e+00, v21;
	[tilespmem:s28+$0xFFFFFF40] =	vst v6;
	v13 =	vld [tilespmem:s21+$0xFFFFFED0]  }
0x3dc: {  	s7 =	simm.s32 $0x3000;
	v4 =	vmul.f32 $1.442695020e+00, v19;
	v6 =	vld [tilespmem:s21+$0xFFFFFF50]  }
0x3dd: {  	(erf) = vpow2.f32 v5;
	v29 =	vld [tilespmem:s7+$0x180]  }
0x3de: {  	s8 =	simm.s32 $0x8000;
	(erf) = vpow2.f32 v4;
	v27 =	vld [tilespmem:s21+$0xFFFFFFD0]  }
0x3df: {  	v30 =	vld [tilespmem:s8+$0x180]  }
0x3e0: {  	v7 =	vld [tilespmem:s28+$0xFFFFFF70];
	[tilespmem:$0x1FF10] =	vst v1;
	v22 =	vadd.f32 v13, v25  }
0x3e1: {  	v26 =	vadd.f32 v6, v26;
	v44 =	vld [tilespmem:s7+$0xFFFFFE80]  }
0x3e2: {  	v47 =	vld [tilespmem:s7+$0xFFFFFF00];
	v42 =	vmul.f32 $1.442695020e+00, v22  }
0x3e3: {  	v25 =	vpop (erf);
	v13 =	vadd.f32 v27, v28;
	v49 =	vld [tilespmem:s8+$0xFFFFFF00];
	v28 =	vmul.f32 $1.442695020e+00, v26  }
0x3e4: {  	v29 =	vadd.f32 v30, v29;
	v50 =	vld [tilespmem:s7+$0xFFFFFF80];
	v31 =	vpop (erf);
	(erf) = vpow2.f32 v42  }
0x3e5: {  	v27 =	vpop (erf);
	v43 =	vmul.f32 $1.442695020e+00, v13;
	(erf) = vpow2.f32 v28;
	v28 =	vld [tilespmem:s8+$0xFFFFFE80]  }
0x3e6: {  	v51 =	vld [tilespmem:s8+$0xFFFFFF80];
	v46 =	vmul.f32 $1.442695020e+00, v29;
	v30 =	vpop (erf)  }
0x3e7: {  	v53 =	vld [tilespmem:s7+$0x0];
	v45 =	vpop (erf);
	(erf) = vpow2.f32 v43  }
0x3e8: {  	v55 =	vld [tilespmem:s8+$0x0];
	v35 =	vadd.f32 $-1.000000000e+00, v45;
	(erf) = vpow2.f32 v46  }
0x3e9: {  	vm0 =	vgt.f32 v19, $0.0e+00;
	v57 =	vld [tilespmem:s7+$0x80]  }
0x3ea: {  	v58 =	vld [tilespmem:s8+$0x80];
	v19 =	vsel vm0, v19, v35;
	v28 =	vadd.f32 v28, v44  }
0x3eb: {  	v32 =	vadd.f32 v49, v47;
	[tilespmem:s28+$0x1D0] =	vst v19;
	v19 =	vld [tilespmem:s28+$0x1E0]  }
0x3ec: {  	v52 =	vld [tilespmem:s21+$0x1E0];
	v54 =	vmul.f32 $1.442695020e+00, v28  }
0x3ed: {  	v60 =	vld [tilespmem:s7+$0x100];
	v56 =	vmul.f32 $1.442695020e+00, v32  }
0x3ee: {  	v61 =	vld [tilespmem:s8+$0x100];
	v37 =	vpop (erf);
	(erf) = vpow2.f32 v54  }
0x3ef: {  	vm2 =	vgt.f32 v23, $0.0e+00;
	v41 =	vpop (erf);
	(erf) = vpow2.f32 v56  }
0x3f0: {  	vm1 =	vgt.f32 v24, $0.0e+00;
	v25 =	vadd.f32 $-1.000000000e+00, v25;
	v35 =	vadd.f32 v51, v50;
	v39 =	vpop (erf)  }
0x3f1: {  	vm3 =	vgt.f32 v29, $0.0e+00;
	v27 =	vadd.f32 $-1.000000000e+00, v27;
	v34 =	vadd.f32 v52, v19;
	v19 =	vpop (erf)  }
0x3f2: {  	v33 =	vld [tilespmem:s8+$0xFFFFFE00];
	v38 =	vadd.f32 v55, v53;
	v59 =	vmul.f32 $1.442695020e+00, v35;
	v19 =	vadd.f32 $-1.000000000e+00, v19  }
0x3f3: {  	v62 =	vld [tilespmem:s7+$0xFFFFFE00];
	v36 =	vadd.f32 v58, v57;
	v42 =	vadd.f32 v61, v60;
	v63 =	vmul.f32 $1.442695020e+00, v34  }
0x3f4: {  	(erf) = vpow2.f32 v59;
	v19 =	vsel vm3, v29, v19;
	v29 =	vadd.f32 $-1.000000000e+00, v31  }
0x3f5: {  	v4 =	vld [tilespmem:s28+$0x70];
	(erf) = vpow2.f32 v63;
	[tilespmem:s7+$0x180] =	vst v19;
	v19 =	vsel vm1, v24, v25;
	v24 =	vmul.f32 $1.442695020e+00, v38  }
0x3f6: {  	vm3 =	vgt.f32 v0, $0.0e+00;
	v25 =	vld [tilespmem:s7+$0x190];
	v23 =	vsel vm2, v23, v29;
	v29 =	vmul.f32 $1.442695020e+00, v36  }
0x3f7: {  	v45 =	vmul.f32 $1.442695020e+00, v42;
	v0 =	vsel vm3, v0, v27;
	v49 =	vld [tilespmem:s8+$0x190];
	(erf) = vpow2.f32 v24;
	v51 =	vpop (erf)  }
0x3f8: {  	v6 =	vld [tilespmem:s28+$0xF0];
	v27 =	vadd.f32 v33, v62;
	(erf) = vpow2.f32 v29;
	v33 =	vadd.f32 $-1.000000000e+00, v51;
	v52 =	vpop (erf)  }
0x3f9: {  	v5 =	vld [tilespmem:s28+$0x170];
	v30 =	vadd.f32 $-1.000000000e+00, v30;
	vm1 =	vgt.f32 v28, $0.0e+00;
	[tilespmem:s28+$0x40] =	vst v19;
	v46 =	vadd.f32 $-1.000000000e+00, v52  }
0x3fa: {  	v40 =	vld [tilespmem:s7+$0xFFFFFE10];
	vm2 =	vgt.f32 v32, $0.0e+00;
	[tilespmem:s28+$0xC0] =	vst v23;
	(erf) = vpow2.f32 v45;
	v23 =	vsel vm1, v28, v33  }
0x3fb: {  	v53 =	vld [tilespmem:s7+$0x90];
	vm0 =	vgt.f32 v21, $0.0e+00;
	v19 =	vmul.f32 $1.442695020e+00, v27;
	[tilespmem:s7+$0xFFFFFE80] =	vst v23;
	v23 =	vsel vm2, v32, v46  }
0x3fc: {  	v50 =	vld [tilespmem:s7+$0xFFFFFF10];
	v21 =	vsel vm0, v21, v30;
	vm0 =	vgt.f32 v35, $0.0e+00;
	v25 =	vadd.f32 v49, v25  }
0x3fd: {  	v58 =	vadd.f32 $-1.000000000e+00, v41;
	v31 =	vld [tilespmem:s7+$0xFFFFFE90];
	[tilespmem:s28+$0x140] =	vst v0;
	v0 =	vadd.f32 $-1.000000000e+00, v37;
	v54 =	vpop (erf);
	(erf) = vpow2.f32 v19  }
0x3fe: {  	v55 =	vadd.f32 $-1.000000000e+00, v54;
	vm1 =	vgt.f32 v22, $0.0e+00;
	v30 =	vld [tilespmem:s8+$0xFFFFFE90];
	[tilespmem:s7+$0xFFFFFF00] =	vst v23;
	v56 =	vmul.f32 $1.442695020e+00, v25;
	v23 =	vpop (erf)  }
0x3ff: {  	[tilespmem:s28+$0xFFFFFE40] =	vst v21;
	v41 =	vld [tilespmem:s7+$0xFFFFFEA0];
	vm2 =	vgt.f32 v26, $0.0e+00;
	v0 =	vsel vm1, v22, v0;
	v23 =	vadd.f32 $-1.000000000e+00, v23  }
0x400: {  	v63 =	vld [tilespmem:s7+$0xFFFFFFA0];
	v32 =	vsel vm0, v35, v55;
	vm0 =	vgt.f32 v34, $0.0e+00;
	[tilespmem:s28+$0xFFFFFED0] =	vst v0;
	(erf) = vpow2.f32 v56;
	v59 =	vpop (erf)  }
0x401: {  	v24 =	vld [tilespmem:s7+$0xFFFFFF90];
	v22 =	vsel vm2, v26, v58;
	[tilespmem:s7+$0xFFFFFF80] =	vst v32;
	v26 =	vadd.f32 $-1.000000000e+00, v59;
	v60 =	vpop (erf);
	v23 =	vsel vm0, v34, v23  }
0x402: {  	v29 =	vld [tilespmem:s7+$0x10];
	vm1 =	vgt.f32 v36, $0.0e+00;
	vm0 =	vgt.f32 v38, $0.0e+00;
	[tilespmem:s28+$0x1E0] =	vst v23;
	v23 =	vadd.f32 $-1.000000000e+00, v60  }
0x403: {  	v57 =	vld [tilespmem:s8+$0xFFFFFF10];
	[tilespmem:s28+$0xFFFFFF50] =	vst v22;
	v0 =	vadd.f32 v30, v31;
	v31 =	vadd.f32 $-1.000000000e+00, v39;
	v61 =	vpop (erf);
	v22 =	vsel vm0, v38, v26  }
0x404: {  	v21 =	vld [tilespmem:s8+$0xFFFFFF90];
	vm0 =	vgt.f32 v13, $0.0e+00;
	[tilespmem:s7+$0x0] =	vst v22;
	v22 =	vsel vm1, v36, v23;
	v23 =	vadd.f32 $-1.000000000e+00, v61  }
0x405: {  	v30 =	vld [tilespmem:s28+$0x1F0];
	v13 =	vsel vm0, v13, v31;
	vm0 =	vgt.f32 v42, $0.0e+00  }
0x406: {  	v26 =	vld [tilespmem:s21+$0x1F0];
	v23 =	vsel vm0, v42, v23  }
0x407: {  	v43 =	vld [tilespmem:s8+$0x10];
	[tilespmem:s28+$0xFFFFFFD0] =	vst v13;
	v31 =	vpop (erf)  }
0x408: {  	v19 =	vld [tilespmem:s7+$0xFFFFFE20];
	v45 =	vadd.f32 v57, v50;
	[tilespmem:s7+$0x80] =	vst v22;
	v13 =	vadd.f32 $-1.000000000e+00, v31  }
0x409: {  	v28 =	vld [tilespmem:s7+$0x110];
	v62 =	vmul.f32 $1.442695020e+00, v0;
	v46 =	vadd.f32 v21, v24;
	vm1 =	vgt.f32 v27, $0.0e+00;
	[tilespmem:s7+$0x100] =	vst v23;
	v23 =	vpop (erf)  }
0x40a: {  	v24 =	vmul.f32 $1.442695020e+00, v45;
	v22 =	vld [tilespmem:s8+$0x90];
	v13 =	vsel vm1, v27, v13;
	v23 =	vadd.f32 $-1.000000000e+00, v23  }
0x40b: {  	(erf) = vpow2.f32 v62;
	vm0 =	vgt.f32 v25, $0.0e+00;
	v21 =	vld [tilespmem:s8+$0x110];
	v16 =	vadd.f32 v26, v30;
	[tilespmem:s7+$0xFFFFFE00] =	vst v13  }
0x40c: {  	v49 =	vmul.f32 $1.442695020e+00, v46;
	v27 =	vld [tilespmem:s8+$0xFFFFFE10];
	v23 =	vsel vm0, v25, v23;
	v25 =	vadd.f32 v43, v29  }
0x40d: {  	v33 =	vld [tilespmem:s7+$0xFFFFFF20];
	(erf) = vpow2.f32 v24;
	[tilespmem:s7+$0x190] =	vst v23;
	v23 =	vmul.f32 $1.442695020e+00, v16  }
0x40e: {  	v31 =	vld [tilespmem:s7+$0x20];
	(erf) = vpow2.f32 v49;
	v24 =	vmul.f32 $1.442695020e+00, v25  }
0x40f: {  	v30 =	vadd.f32 v22, v53;
	v22 =	vld [tilespmem:s7+$0x1A0];
	(erf) = vpow2.f32 v23  }
0x410: {  	v28 =	vadd.f32 v21, v28;
	v21 =	vld [tilespmem:s8+$0x1A0];
	(erf) = vpow2.f32 v24  }
0x411: {  	v23 =	vmul.f32 $1.442695020e+00, v30;
	v50 =	vadd.f32 v27, v40;
	v51 =	vld [tilespmem:s7+$0xA0]  }
0x412: {  	v24 =	vmul.f32 $1.442695020e+00, v28;
	v52 =	vld [tilespmem:s7+$0x120]  }
0x413: {  	(erf) = vpow2.f32 v23;
	v26 =	vmul.f32 $1.442695020e+00, v50;
	v23 =	vld [tilespmem:s7+$0xFFFFFE30]  }
0x414: {  	v34 =	vld [tilespmem:s7+$0xFFFFFEB0];
	(erf) = vpow2.f32 v24  }
0x415: {  	v27 =	vld [tilespmem:s7+$0xFFFFFF30];
	(erf) = vpow2.f32 v26;
	v53 =	vadd.f32 v21, v22;
	v21 =	vpop (erf)  }
0x416: {  	v29 =	vld [tilespmem:s7+$0xFFFFFFB0];
	v21 =	vadd.f32 $-1.000000000e+00, v21;
	v22 =	vpop (erf)  }
0x417: {  	vm1 =	vgt.f32 v45, $0.0e+00;
	vm0 =	vgt.f32 v0, $0.0e+00;
	v49 =	vld [tilespmem:s21+$0x50];
	v22 =	vadd.f32 $-1.000000000e+00, v22;
	v54 =	vpop (erf)  }
0x418: {  	v32 =	vld [tilespmem:s7+$0x140];
	v26 =	vmul.f32 $1.442695020e+00, v53;
	v0 =	vsel vm0, v0, v21;
	v39 =	vadd.f32 $-1.000000000e+00, v54  }
0x419: {  	v1 =	vld [tilespmem:s7+$0xFFFFFE50];
	vm0 =	vgt.f32 v46, $0.0e+00;
	[tilespmem:s7+$0xFFFFFE90] =	vst v0;
	v0 =	vsel vm1, v45, v22  }
0x41a: {  	(erf) = vpow2.f32 v26;
	v21 =	vpop (erf);
	v55 =	vld [tilespmem:s8+$0xFFFFFEA0];
	[tilespmem:s7+$0xFFFFFF10] =	vst v0;
	v0 =	vsel vm0, v46, v39  }
0x41b: {  	v22 =	vpop (erf);
	v56 =	vld [tilespmem:s8+$0xFFFFFF20];
	[tilespmem:s7+$0xFFFFFF90] =	vst v0  }
0x41c: {  	v0 =	vadd.f32 $-1.000000000e+00, v22;
	v22 =	vpop (erf);
	v57 =	vld [tilespmem:s8+$0xFFFFFFA0]  }
0x41d: {  	v24 =	vld [tilespmem:s7+$0x30];
	vm1 =	vgt.f32 v30, $0.0e+00;
	vm0 =	vgt.f32 v25, $0.0e+00;
	v58 =	vadd.f32 $-1.000000000e+00, v22;
	v22 =	vpop (erf)  }
0x41e: {  	v26 =	vld [tilespmem:s7+$0xB0];
	v0 =	vsel vm0, v25, v0;
	v25 =	vadd.f32 $-1.000000000e+00, v22;
	v59 =	vpop (erf);
	vm0 =	vgt.f32 v28, $0.0e+00  }
0x41f: {  	v39 =	vld [tilespmem:s7+$0x130];
	[tilespmem:s7+$0x10] =	vst v0;
	v0 =	vsel vm1, v30, v58;
	v30 =	vadd.f32 $-1.000000000e+00, v59;
	v41 =	vadd.f32 v55, v41  }
0x420: {  	vm1 =	vgt.f32 v50, $0.0e+00;
	v60 =	vld [tilespmem:s8+$0x20];
	[tilespmem:s7+$0x90] =	vst v0;
	v0 =	vsel vm0, v28, v25;
	v37 =	vadd.f32 v56, v33  }
0x421: {  	v25 =	vld [tilespmem:s8+$0xA0];
	v28 =	vsel vm1, v50, v30;
	[tilespmem:s7+$0x110] =	vst v0;
	v0 =	vmul.f32 $1.442695020e+00, v41;
	v35 =	vadd.f32 v57, v63  }
0x422: {  	[tilespmem:s7+$0xFFFFFE10] =	vst v28;
	v28 =	vld [tilespmem:s8+$0x120];
	v61 =	vmul.f32 $1.442695020e+00, v37  }
0x423: {  	v30 =	vpop (erf);
	v62 =	vld [tilespmem:s8+$0xFFFFFE20];
	(erf) = vpow2.f32 v0;
	v0 =	vmul.f32 $1.442695020e+00, v35  }
0x424: {  	v63 =	vld [tilespmem:s21+$0xFFFFFE50];
	v30 =	vadd.f32 $-1.000000000e+00, v30;
	(erf) = vpow2.f32 v61  }
0x425: {  	v22 =	vld [tilespmem:s7+$0xFFFFFE40];
	vm0 =	vgt.f32 v53, $0.0e+00;
	(erf) = vpow2.f32 v0;
	v0 =	vadd.f32 v60, v31  }
0x426: {  	v50 =	vld [tilespmem:s21+$0xD0];
	v30 =	vsel vm0, v53, v30;
	v42 =	vadd.f32 v25, v51  }
0x427: {  	[tilespmem:s7+$0x1A0] =	vst v30;
	v30 =	vld [tilespmem:s7+$0x1B0];
	v25 =	vmul.f32 $1.442695020e+00, v0;
	v40 =	vadd.f32 v28, v52  }
0x428: {  	v51 =	vld [tilespmem:s8+$0x1B0];
	v31 =	vmul.f32 $1.442695020e+00, v42;
	v45 =	vadd.f32 v62, v19  }
0x429: {  	v33 =	vld [tilespmem:s7+$0xFFFFFF40];
	v17 =	vadd.f32 v63, v17;
	(erf) = vpow2.f32 v25;
	v19 =	vmul.f32 $1.442695020e+00, v40  }
0x42a: {  	v38 =	vadd.f32 v49, v15;
	v28 =	vld [tilespmem:s7+$0xFFFFFEC0];
	(erf) = vpow2.f32 v31;
	v52 =	vmul.f32 $1.442695020e+00, v45  }
0x42b: {  	v15 =	vmul.f32 $1.442695020e+00, v17;
	v25 =	vld [tilespmem:s7+$0x40];
	(erf) = vpow2.f32 v19  }
0x42c: {  	v31 =	vld [tilespmem:s7+$0xFFFFFFC0];
	v19 =	vmul.f32 $1.442695020e+00, v38;
	(erf) = vpow2.f32 v52  }
0x42d: {  	v36 =	vadd.f32 v50, v18;
	v18 =	vpop (erf);
	v43 =	vadd.f32 v51, v30;
	v30 =	vld [tilespmem:s7+$0xC0];
	(erf) = vpow2.f32 v15  }
0x42e: {  	v18 =	vadd.f32 $-1.000000000e+00, v18;
	v53 =	vpop (erf);
	(erf) = vpow2.f32 v19;
	v19 =	vld [tilespmem:s21+$0x150];
	[tilespmem:$0x1FF20] =	vst v1  }
0x42f: {  	vm1 =	vgt.f32 v41, $0.0e+00;
	v44 =	vadd.f32 $-1.000000000e+00, v53;
	v15 =	vpop (erf);
	v1 =	vld [tilespmem:s7+$0x50]  }
0x430: {  	vm0 =	vgt.f32 v37, $0.0e+00;
	v18 =	vsel vm1, v41, v18;
	v56 =	vadd.f32 $-1.000000000e+00, v15  }
0x431: {  	vm1 =	vgt.f32 v35, $0.0e+00;
	[tilespmem:s7+$0xFFFFFEA0] =	vst v18;
	v18 =	vsel vm0, v37, v44  }
0x432: {  	v57 =	vld [tilespmem:s8+$0xFFFFFEB0];
	[tilespmem:s7+$0xFFFFFF20] =	vst v18;
	v18 =	vsel vm1, v35, v56  }
0x433: {  	v58 =	vld [tilespmem:s8+$0xFFFFFF30];
	[tilespmem:s7+$0xFFFFFFA0] =	vst v18  }
0x434: {  	v59 =	vld [tilespmem:s8+$0xFFFFFFB0];
	[tilespmem:$0x1FF30] =	vst v1  }
0x435: {  	v1 =	vld [tilespmem:s7+$0xD0];
	_ =	sdelay $0x4  }
0x436: {  	v54 =	vmul.f32 $1.442695020e+00, v36;
	[tilespmem:$0x1FF40] =	vst v1  }
0x437: {  	v55 =	vmul.f32 $1.442695020e+00, v43;
	v18 =	vpop (erf);
	v1 =	vld [tilespmem:s7+$0x150]  }
0x438: {  	(erf) = vpow2.f32 v54;
	v60 =	vadd.f32 $-1.000000000e+00, v18;
	v61 =	vpop (erf)  }
0x439: {  	vm0 =	vgt.f32 v0, $0.0e+00;
	(erf) = vpow2.f32 v55;
	v62 =	vpop (erf)  }
0x43a: {  	v46 =	vadd.f32 $-1.000000000e+00, v61;
	v0 =	vsel vm0, v0, v60;
	v52 =	vpop (erf)  }
0x43b: {  	vm1 =	vgt.f32 v42, $0.0e+00;
	v53 =	vadd.f32 $-1.000000000e+00, v52;
	[tilespmem:s7+$0x20] =	vst v0  }
0x43c: {  	v63 =	vadd.f32 $-1.000000000e+00, v62;
	vm0 =	vgt.f32 v45, $0.0e+00;
	v0 =	vsel vm1, v42, v46;
	[tilespmem:$0x1FF50] =	vst v1  }
0x43d: {  	vm2 =	vgt.f32 v40, $0.0e+00;
	v49 =	vadd.f32 v57, v34;
	v34 =	vsel vm0, v45, v53;
	v62 =	vld [tilespmem:s8+$0x30];
	[tilespmem:s7+$0xA0] =	vst v0  }
0x43e: {  	v48 =	vadd.f32 v19, v48;
	v0 =	vsel vm2, v40, v63;
	[tilespmem:s7+$0xFFFFFE20] =	vst v34;
	v34 =	vld [tilespmem:s7+$0xFFFFFED0]  }
0x43f: {  	v54 =	vpop (erf);
	v35 =	vld [tilespmem:s7+$0xFFFFFF50]  }
0x440: {  	v61 =	vmul.f32 $1.442695020e+00, v48;
	v63 =	vpop (erf);
	v56 =	vld [tilespmem:s8+$0xB0];
	[tilespmem:s7+$0x120] =	vst v0  }
0x441: {  	v27 =	vadd.f32 v58, v27;
	v55 =	vmul.f32 $1.442695020e+00, v49;
	v41 =	vadd.f32 v59, v29;
	v29 =	vld [tilespmem:s8+$0x130];
	v0 =	vpop (erf)  }
0x442: {  	(erf) = vpow2.f32 v61;
	v37 =	vld [tilespmem:s7+$0xFFFFFFD0];
	v57 =	vpop (erf)  }
0x443: {  	v58 =	vmul.f32 $1.442695020e+00, v27;
	(erf) = vpow2.f32 v55;
	v59 =	vld [tilespmem:s8+$0xFFFFFE30];
	v60 =	vadd.f32 $-1.000000000e+00, v57  }
0x444: {  	v61 =	vmul.f32 $1.442695020e+00, v41;
	vm0 =	vgt.f32 v43, $0.0e+00;
	v1 =	vld [tilespmem:s7+$0xFFFFFE60];
	v46 =	vadd.f32 v62, v24  }
0x445: {  	(erf) = vpow2.f32 v58;
	v45 =	vld [tilespmem:s21+$0xFFFFFEE0];
	v24 =	vsel vm0, v43, v60;
	v43 =	vadd.f32 v56, v26  }
0x446: {  	(erf) = vpow2.f32 v61;
	v47 =	vld [tilespmem:s21+$0xFFFFFF60];
	v39 =	vadd.f32 v29, v39;
	[tilespmem:s7+$0x1B0] =	vst v24;
	v24 =	vmul.f32 $1.442695020e+00, v46  }
0x447: {  	v26 =	vld [tilespmem:s7+$0x1C0];
	v29 =	vmul.f32 $1.442695020e+00, v43  }
0x448: {  	v44 =	vadd.f32 v59, v23;
	v23 =	vld [tilespmem:s8+$0x1C0];
	(erf) = vpow2.f32 v24;
	v24 =	vmul.f32 $1.442695020e+00, v39  }
0x449: {  	vm6 =	vgt.f32 v48, $0.0e+00;
	v42 =	vadd.f32 $-1.000000000e+00, v54;
	v50 =	vld [tilespmem:s21+$0xFFFFFFE0];
	[tilespmem:$0x1FF60] =	vst v1  }
0x44a: {  	vm1 =	vgt.f32 v17, $0.0e+00;
	v1 =	vld [tilespmem:s7+$0xFFFFFEE0];
	(erf) = vpow2.f32 v29;
	v29 =	vmul.f32 $1.442695020e+00, v44  }
0x44b: {  	vm3 =	vgt.f32 v49, $0.0e+00;
	v42 =	vsel vm1, v17, v42;
	v62 =	vpop (erf);
	(erf) = vpow2.f32 v24  }
0x44c: {  	v40 =	vadd.f32 $-1.000000000e+00, v63;
	v0 =	vadd.f32 $-1.000000000e+00, v0;
	(erf) = vpow2.f32 v29;
	v24 =	vpop (erf)  }
0x44d: {  	vm4 =	vgt.f32 v27, $0.0e+00;
	[tilespmem:s28+$0xFFFFFE50] =	vst v42;
	v52 =	vadd.f32 v23, v26;
	v29 =	vadd.f32 $-1.000000000e+00, v24  }
0x44e: {  	vm5 =	vgt.f32 v41, $0.0e+00;
	v19 =	vadd.f32 v45, v14;
	v18 =	vadd.f32 v47, v12;
	v42 =	vld [tilespmem:s21+$0xFFFFFE60];
	v23 =	vpop (erf)  }
0x44f: {  	[tilespmem:$0x1FF70] =	vst v1;
	v26 =	vadd.f32 $-1.000000000e+00, v23;
	v63 =	vpop (erf);
	v57 =	vmul.f32 $1.442695020e+00, v52;
	v49 =	vsel vm3, v49, v29  }
0x450: {  	vm2 =	vgt.f32 v36, $0.0e+00;
	v51 =	vadd.f32 $-1.000000000e+00, v62;
	v58 =	vadd.f32 $-1.000000000e+00, v63;
	[tilespmem:s7+$0xFFFFFEB0] =	vst v49  }
0x451: {  	v0 =	vsel vm2, v36, v0;
	v27 =	vsel vm4, v27, v26;
	(erf) = vpow2.f32 v57;
	v59 =	vld [tilespmem:s8+$0xFFFFFEC0]  }
0x452: {  	vm0 =	vgt.f32 v38, $0.0e+00;
	vm1 =	vgt.f32 v44, $0.0e+00;
	[tilespmem:s7+$0xFFFFFF30] =	vst v27;
	v27 =	vsel vm5, v41, v58;
	v60 =	vpop (erf)  }
0x453: {  	v40 =	vsel vm0, v38, v40;
	v38 =	vadd.f32 v42, v20;
	v20 =	vld [tilespmem:s8+$0xFFFFFF40];
	[tilespmem:s7+$0xFFFFFFB0] =	vst v27;
	v27 =	vadd.f32 $-1.000000000e+00, v60;
	v61 =	vpop (erf)  }
0x454: {  	vm7 =	vgt.f32 v43, $0.0e+00;
	vm3 =	vgt.f32 v46, $0.0e+00;
	v62 =	vld [tilespmem:s8+$0xFFFFFFC0];
	v41 =	vadd.f32 $-1.000000000e+00, v61;
	v63 =	vpop (erf)  }
0x455: {  	vm4 =	vgt.f32 v39, $0.0e+00;
	v54 =	vsel vm3, v46, v27;
	v55 =	vadd.f32 $-1.000000000e+00, v63;
	v56 =	vpop (erf)  }
0x456: {  	[tilespmem:s7+$0x30] =	vst v54;
	v41 =	vsel vm7, v43, v41;
	v57 =	vadd.f32 $-1.000000000e+00, v56;
	v49 =	vadd.f32 v59, v28  }
0x457: {  	v36 =	vsel vm6, v48, v51;
	v58 =	vmul.f32 $1.442695020e+00, v38;
	v59 =	vld [tilespmem:s8+$0x40];
	[tilespmem:s7+$0xB0] =	vst v41;
	v39 =	vsel vm4, v39, v55  }
0x458: {  	v41 =	vadd.f32 v20, v33;
	v60 =	vld [tilespmem:s8+$0xC0];
	v43 =	vsel vm1, v44, v57;
	[tilespmem:s7+$0x130] =	vst v39;
	v20 =	vmul.f32 $1.442695020e+00, v49  }
0x459: {  	vm0 =	vgt.f32 v52, $0.0e+00;
	(erf) = vpow2.f32 v58;
	v62 =	vadd.f32 v62, v31;
	[tilespmem:s7+$0xFFFFFE30] =	vst v43;
	v63 =	vld [tilespmem:s8+$0x140]  }
0x45a: {  	v31 =	vadd.f32 v50, v11;
	v11 =	vmul.f32 $1.442695020e+00, v41;
	v53 =	vpop (erf);
	(erf) = vpow2.f32 v20;
	v20 =	vld [tilespmem:s8+$0xFFFFFE40]  }
0x45b: {  	[tilespmem:s28+$0x50] =	vst v40;
	v61 =	vmul.f32 $1.442695020e+00, v19;
	v55 =	vmul.f32 $1.442695020e+00, v62;
	v56 =	vadd.f32 $-1.000000000e+00, v53  }
0x45c: {  	[tilespmem:s28+$0xD0] =	vst v0;
	v54 =	vmul.f32 $1.442695020e+00, v18;
	v57 =	vld [tilespmem:s21+$0x60];
	(erf) = vpow2.f32 v11;
	v44 =	vadd.f32 v59, v25  }
0x45d: {  	[tilespmem:s28+$0x150] =	vst v36;
	v0 =	vld [tilespmem:s21+$0xE0];
	(erf) = vpow2.f32 v55;
	v43 =	vadd.f32 v60, v30;
	v11 =	vsel vm0, v52, v56  }
0x45e: {  	v25 =	vmul.f32 $1.442695020e+00, v31;
	v30 =	vld [tilespmem:s21+$0x160];
	v58 =	vmul.f32 $1.442695020e+00, v44;
	v42 =	vadd.f32 v63, v32;
	[tilespmem:s7+$0x1C0] =	vst v11  }
0x45f: {  	(erf) = vpow2.f32 v61;
	v59 =	vmul.f32 $1.442695020e+00, v43;
	v60 =	vld [tilespmem:s8+$0x1D0];
	v17 =	vadd.f32 v20, v22  }
0x460: {  	vm1 =	vgt.f32 v41, $0.0e+00;
	v22 =	vld [tilespmem:s7+$0x1D0];
	(erf) = vpow2.f32 v58;
	v20 =	vmul.f32 $1.442695020e+00, v42  }
0x461: {  	v36 =	vadd.f32 v57, v8;
	(erf) = vpow2.f32 v59;
	v8 =	vmul.f32 $1.442695020e+00, v17  }
0x462: {  	vm0 =	vgt.f32 v49, $0.0e+00;
	v33 =	vpop (erf);
	v32 =	vadd.f32 v0, v9;
	(erf) = vpow2.f32 v20  }
0x463: {  	v0 =	vmul.f32 $1.442695020e+00, v36;
	v20 =	vadd.f32 v30, v10;
	v9 =	vpop (erf);
	(erf) = vpow2.f32 v8  }
0x464: {  	v8 =	vmul.f32 $1.442695020e+00, v32;
	v9 =	vadd.f32 $-1.000000000e+00, v9;
	(erf) = vpow2.f32 v54  }
0x465: {  	v30 =	vmul.f32 $1.442695020e+00, v20;
	v10 =	vpop (erf);
	v61 =	vadd.f32 v60, v22;
	(erf) = vpow2.f32 v25  }
0x466: {  	v10 =	vadd.f32 $-1.000000000e+00, v10;
	v22 =	vpop (erf);
	v9 =	vsel vm0, v49, v9;
	(erf) = vpow2.f32 v0  }
0x467: {  	v0 =	vadd.f32 $-1.000000000e+00, v22;
	(erf) = vpow2.f32 v8;
	v8 =	vmul.f32 $1.442695020e+00, v61  }
0x468: {  	vm0 =	vgt.f32 v62, $0.0e+00;
	v23 =	vpop (erf);
	[tilespmem:s7+$0xFFFFFEC0] =	vst v9;
	v9 =	vsel vm1, v41, v10;
	(erf) = vpow2.f32 v30  }
0x469: {  	v22 =	vld [tilespmem:s8+$0xFFFFFED0];
	[tilespmem:s7+$0xFFFFFF40] =	vst v9;
	v0 =	vsel vm0, v62, v0;
	v51 =	vpop (erf);
	(erf) = vpow2.f32 v8  }
0x46a: {  	v50 =	vpop (erf);
	v8 =	vld [tilespmem:s8+$0xFFFFFF50];
	[tilespmem:s7+$0xFFFFFFC0] =	vst v0  }
0x46b: {  	s20 =	simm.s32 $0x3400;
	v0 =	vld [tilespmem:s8+$0xFFFFFFD0];
	v49 =	vpop (erf)  }
0x46c: {  	s23 =	simm.s32 $0x8400;
	v9 =	vld [tilespmem:s20+$0x180];
	v48 =	vpop (erf)  }
0x46d: {  	v62 =	vld [tilespmem:s23+$0x180];
	v45 =	vpop (erf)  }
0x46e: {  	v46 =	vpop (erf)  }
0x46f: {  	v22 =	vadd.f32 v22, v34;
	v25 =	vadd.f32 v8, v35;
	v8 =	vld [tilespmem:s20+$0xFFFFFE80];
	v41 =	vpop (erf)  }
0x470: {  	v30 =	vadd.f32 v0, v37;
	v0 =	vld [tilespmem:s23+$0xFFFFFE80];
	v40 =	vpop (erf)  }
0x471: {  	v63 =	vld [tilespmem:s20+$0xFFFFFF00];
	v34 =	vmul.f32 $1.442695020e+00, v22;
	v39 =	vpop (erf)  }
0x472: {  	v58 =	vld [tilespmem:s23+$0xFFFFFF00];
	v9 =	vadd.f32 v62, v9;
	v35 =	vmul.f32 $1.442695020e+00, v25;
	v56 =	vpop (erf)  }
0x473: {  	(erf) = vpow2.f32 v34;
	v57 =	vmul.f32 $1.442695020e+00, v30;
	v52 =	vadd.f32 $-1.000000000e+00, v56  }
0x474: {  	v55 =	vld [tilespmem:s20+$0xFFFFFF80];
	vm0 =	vgt.f32 v61, $0.0e+00;
	v59 =	vmul.f32 $1.442695020e+00, v9;
	(erf) = vpow2.f32 v35  }
0x475: {  	(erf) = vpow2.f32 v57;
	v0 =	vadd.f32 v0, v8;
	v8 =	vld [tilespmem:s7+$0x1E0];
	v60 =	vsel vm0, v61, v52  }
0x476: {  	(erf) = vpow2.f32 v59;
	v61 =	vld [tilespmem:s23+$0xFFFFFF80];
	[tilespmem:s7+$0x1D0] =	vst v60  }
0x477: {  	v52 =	vadd.f32 v58, v63;
	v62 =	vld [tilespmem:s8+$0x1E0]  }
0x478: {  	v53 =	vld [tilespmem:s20+$0x0]  }
0x479: {  	v56 =	vld [tilespmem:s23+$0x0];
	v63 =	vmul.f32 $1.442695020e+00, v0;
	v37 =	vmul.f32 $1.442695020e+00, v52  }
0x47a: {  	v57 =	vld [tilespmem:s20+$0x80]  }
0x47b: {  	(erf) = vpow2.f32 v63;
	v47 =	vadd.f32 v61, v55;
	v55 =	vld [tilespmem:s23+$0x80]  }
0x47c: {  	(erf) = vpow2.f32 v37;
	v34 =	vpop (erf);
	v59 =	vadd.f32 v62, v8  }
0x47d: {  	v58 =	vld [tilespmem:s20+$0x100];
	v37 =	vpop (erf);
	v8 =	vmul.f32 $1.442695020e+00, v47  }
0x47e: {  	v60 =	vld [tilespmem:s23+$0x100];
	v35 =	vpop (erf);
	v62 =	vmul.f32 $1.442695020e+00, v59  }
0x47f: {  	v54 =	vld [tilespmem:s23+$0xFFFFFE00];
	v53 =	vadd.f32 v56, v53;
	v63 =	vpop (erf);
	(erf) = vpow2.f32 v8  }
0x480: {  	v61 =	vld [tilespmem:s20+$0xFFFFFE00];
	v8 =	vadd.f32 $-1.000000000e+00, v63;
	v55 =	vadd.f32 v55, v57;
	(erf) = vpow2.f32 v62  }
0x481: {  	vm0 =	vgt.f32 v9, $0.0e+00;
	v56 =	vmul.f32 $1.442695020e+00, v53  }
0x482: {  	v9 =	vsel vm0, v9, v8;
	v57 =	vmul.f32 $1.442695020e+00, v55  }
0x483: {  	v58 =	vadd.f32 v60, v58;
	[tilespmem:s20+$0x180] =	vst v9;
	(erf) = vpow2.f32 v56;
	v56 =	vld [tilespmem:s20+$0x190]  }
0x484: {  	v60 =	vpop (erf);
	(erf) = vpow2.f32 v57;
	v57 =	vld [tilespmem:s23+$0x190]  }
0x485: {  	v11 =	vadd.f32 v54, v61;
	v54 =	vadd.f32 $-1.000000000e+00, v60;
	v60 =	vmul.f32 $1.442695020e+00, v58;
	v61 =	vpop (erf)  }
0x486: {  	vm0 =	vgt.f32 v0, $0.0e+00;
	v61 =	vadd.f32 $-1.000000000e+00, v61  }
0x487: {  	vm1 =	vgt.f32 v52, $0.0e+00;
	(erf) = vpow2.f32 v60;
	v60 =	vld [tilespmem:s20+$0xFFFFFE90];
	v0 =	vsel vm0, v0, v54  }
0x488: {  	v63 =	vmul.f32 $1.442695020e+00, v11;
	v54 =	vld [tilespmem:s20+$0xFFFFFF10];
	[tilespmem:s20+$0xFFFFFE80] =	vst v0;
	v0 =	vsel vm1, v52, v61;
	v52 =	vpop (erf)  }
0x489: {  	v61 =	vld [tilespmem:s23+$0xFFFFFE90];
	[tilespmem:s20+$0xFFFFFF00] =	vst v0;
	v0 =	vadd.f32 $-1.000000000e+00, v52;
	v56 =	vadd.f32 v57, v56;
	v57 =	vpop (erf)  }
0x48a: {  	vm0 =	vgt.f32 v47, $0.0e+00;
	(erf) = vpow2.f32 v63;
	v52 =	vld [tilespmem:s23+$0xFFFFFF10];
	v57 =	vadd.f32 $-1.000000000e+00, v57  }
0x48b: {  	v0 =	vsel vm0, v47, v0;
	vm0 =	vgt.f32 v59, $0.0e+00  }
0x48c: {  	[tilespmem:s20+$0xFFFFFF80] =	vst v0;
	v0 =	vsel vm0, v59, v57  }
0x48d: {  	v12 =	vld [tilespmem:s20+$0x10];
	v47 =	vmul.f32 $1.442695020e+00, v56;
	v59 =	vpop (erf)  }
0x48e: {  	v63 =	vld [tilespmem:s20+$0xFFFFFF90];
	v60 =	vadd.f32 v61, v60;
	v59 =	vadd.f32 $-1.000000000e+00, v59  }
0x48f: {  	(erf) = vpow2.f32 v47;
	v47 =	vld [tilespmem:s23+$0xFFFFFF90];
	vm0 =	vgt.f32 v53, $0.0e+00;
	[tilespmem:s7+$0x1E0] =	vst v0;
	v52 =	vadd.f32 v52, v54;
	v0 =	vpop (erf)  }
0x490: {  	v54 =	vld [tilespmem:s7+$0x1F0];
	v10 =	vmul.f32 $1.442695020e+00, v60;
	v53 =	vsel vm0, v53, v59;
	v9 =	vadd.f32 $-1.000000000e+00, v0  }
0x491: {  	vm1 =	vgt.f32 v55, $0.0e+00;
	v61 =	vld [tilespmem:s8+$0x1F0];
	[tilespmem:s20+$0x0] =	vst v53  }
0x492: {  	(erf) = vpow2.f32 v10;
	v0 =	vmul.f32 $1.442695020e+00, v52;
	v59 =	vpop (erf);
	v10 =	vld [tilespmem:s23+$0x10];
	v9 =	vsel vm1, v55, v9  }
0x493: {  	v57 =	vld [tilespmem:s20+$0x90];
	v53 =	vadd.f32 $-1.000000000e+00, v59;
	v59 =	vpop (erf);
	[tilespmem:s20+$0x80] =	vst v9  }
0x494: {  	vm0 =	vgt.f32 v58, $0.0e+00;
	(erf) = vpow2.f32 v0;
	v9 =	vadd.f32 $-1.000000000e+00, v59;
	v0 =	vld [tilespmem:s23+$0x90]  }
0x495: {  	v62 =	vld [tilespmem:s20+$0xFFFFFE10];
	v58 =	vsel vm0, v58, v53;
	vm0 =	vgt.f32 v11, $0.0e+00  }
0x496: {  	v55 =	vld [tilespmem:s20+$0x110];
	v59 =	vadd.f32 v47, v63;
	v9 =	vsel vm0, v11, v9;
	[tilespmem:s20+$0x100] =	vst v58  }
0x497: {  	v47 =	vadd.f32 v61, v54;
	[tilespmem:s20+$0xFFFFFE00] =	vst v9;
	v11 =	vld [tilespmem:s23+$0x110];
	v14 =	vadd.f32 v10, v12  }
0x498: {  	v61 =	vmul.f32 $1.442695020e+00, v59;
	v58 =	vld [tilespmem:s23+$0xFFFFFE10]  }
0x499: {  	v12 =	vmul.f32 $1.442695020e+00, v47;
	v13 =	vadd.f32 v0, v57;
	v57 =	vmul.f32 $1.442695020e+00, v14  }
0x49a: {  	v63 =	vpop (erf);
	(erf) = vpow2.f32 v61  }
0x49b: {  	(erf) = vpow2.f32 v12;
	v12 =	vadd.f32 $-1.000000000e+00, v63  }
0x49c: {  	vm0 =	vgt.f32 v56, $0.0e+00;
	v11 =	vadd.f32 v11, v55;
	v55 =	vmul.f32 $1.442695020e+00, v13  }
0x49d: {  	v2 =	vld [tilespmem:s7+$0xFFFFFF60];
	v12 =	vsel vm0, v56, v12;
	(erf) = vpow2.f32 v57;
	v62 =	vadd.f32 v58, v62;
	v57 =	vpop (erf)  }
0x49e: {  	v1 =	vld [tilespmem:s7+$0x60];
	[tilespmem:s20+$0x190] =	vst v12;
	(erf) = vpow2.f32 v55;
	v55 =	vmul.f32 $1.442695020e+00, v11;
	v12 =	vadd.f32 $-1.000000000e+00, v57  }
0x49f: {  	v15 =	vld [tilespmem:s20+$0x120];
	vm0 =	vgt.f32 v60, $0.0e+00;
	v58 =	vpop (erf);
	v0 =	vmul.f32 $1.442695020e+00, v62  }
0x4a0: {  	v10 =	vld [tilespmem:s20+$0x1A0];
	v58 =	vadd.f32 $-1.000000000e+00, v58;
	(erf) = vpow2.f32 v55;
	v12 =	vsel vm0, v60, v12  }
0x4a1: {  	vm0 =	vgt.f32 v52, $0.0e+00;
	v60 =	vld [tilespmem:s23+$0x1A0];
	[tilespmem:s20+$0xFFFFFE90] =	vst v12;
	v12 =	vadd.f32 $-1.000000000e+00, v21;
	v21 =	vadd.f32 $-1.000000000e+00, v51  }
0x4a2: {  	v29 =	vld [tilespmem:s7+$0xFFFFFFE0];
	(erf) = vpow2.f32 v0;
	v0 =	vsel vm0, v52, v58  }
0x4a3: {  	v27 =	vld [tilespmem:s7+$0xE0];
	vm0 =	vgt.f32 v16, $0.0e+00;
	[tilespmem:s20+$0xFFFFFF10] =	vst v0;
	v0 =	vadd.f32 $-1.000000000e+00, v33  }
0x4a4: {  	v28 =	vld [tilespmem:s7+$0x160];
	vm1 =	vgt.f32 v44, $0.0e+00;
	v33 =	vsel vm0, v16, v12;
	vm0 =	vgt.f32 v38, $0.0e+00  }
0x4a5: {  	v61 =	vld [tilespmem:s20+$0xFFFFFF20];
	v44 =	vsel vm1, v44, v21;
	v38 =	vsel vm0, v38, v0;
	v0 =	vadd.f32 $-1.000000000e+00, v50;
	v21 =	vpop (erf)  }
0x4a6: {  	v12 =	vld [tilespmem:s23+$0xFFFFFF20];
	vm0 =	vgt.f32 v43, $0.0e+00;
	v55 =	vadd.f32 v60, v10;
	v10 =	vadd.f32 $-1.000000000e+00, v21  }
0x4a7: {  	v54 =	vld [tilespmem:s20+$0xFFFFFEA0];
	v16 =	vsel vm0, v43, v0;
	vm0 =	vgt.f32 v59, $0.0e+00  }
0x4a8: {  	v51 =	vld [tilespmem:s23+$0xFFFFFEA0];
	v10 =	vsel vm0, v59, v10  }
0x4a9: {  	v8 =	vld [tilespmem:s7+$0xFFFFFE70];
	v52 =	vpop (erf)  }
0x4aa: {  	v53 =	vld [tilespmem:s20+$0xFFFFFE20];
	vm1 =	vgt.f32 v13, $0.0e+00;
	v43 =	vadd.f32 $-1.000000000e+00, v49;
	v49 =	vmul.f32 $1.442695020e+00, v55;
	v60 =	vpop (erf)  }
0x4ab: {  	v9 =	vld [tilespmem:s7+$0xFFFFFEF0];
	vm0 =	vgt.f32 v42, $0.0e+00;
	v0 =	vadd.f32 v12, v61;
	v12 =	vadd.f32 $-1.000000000e+00, v60;
	[tilespmem:s20+$0xFFFFFF90] =	vst v10;
	v10 =	vpop (erf)  }
0x4ac: {  	v63 =	vld [tilespmem:s20+$0xFFFFFFA0];
	v43 =	vsel vm0, v42, v43;
	vm0 =	vgt.f32 v14, $0.0e+00;
	v10 =	vadd.f32 $-1.000000000e+00, v10  }
0x4ad: {  	v51 =	vadd.f32 v51, v54;
	(erf) = vpow2.f32 v49;
	v49 =	vld [tilespmem:s23+$0xFFFFFFA0];
	v12 =	vsel vm0, v14, v12;
	v61 =	vpop (erf)  }
0x4ae: {  	v56 =	vld [tilespmem:s20+$0x20];
	vm0 =	vgt.f32 v11, $0.0e+00;
	v42 =	vadd.f32 $-1.000000000e+00, v61;
	v10 =	vsel vm1, v13, v10;
	v13 =	vpop (erf)  }
0x4af: {  	v50 =	vld [tilespmem:s20+$0xA0];
	[tilespmem:s20+$0x10] =	vst v12;
	v12 =	vadd.f32 $-1.000000000e+00, v48;
	vm1 =	vgt.f32 v62, $0.0e+00;
	v13 =	vadd.f32 $-1.000000000e+00, v13  }
0x4b0: {  	v14 =	vld [tilespmem:s23+$0x20];
	v11 =	vsel vm0, v11, v42;
	[tilespmem:s20+$0x90] =	vst v10;
	vm0 =	vgt.f32 v17, $0.0e+00;
	v10 =	vmul.f32 $1.442695020e+00, v51  }
0x4b1: {  	v17 =	vsel vm0, v17, v12;
	v12 =	vsel vm1, v62, v13;
	v13 =	vld [tilespmem:s23+$0xA0]  }
0x4b2: {  	v57 =	vld [tilespmem:s20+$0xFFFFFEB0];
	[tilespmem:s7+$0x40] =	vst v44;
	v48 =	vadd.f32 v49, v63;
	(erf) = vpow2.f32 v10  }
0x4b3: {  	v58 =	vld [tilespmem:s20+$0xFFFFFF30];
	[tilespmem:s20+$0x110] =	vst v11;
	v11 =	vmul.f32 $1.442695020e+00, v0;
	v10 =	vadd.f32 $-1.000000000e+00, v23  }
0x4b4: {  	v44 =	vld [tilespmem:s20+$0x1B0];
	vm0 =	vgt.f32 v19, $0.0e+00;
	v49 =	vmul.f32 $1.442695020e+00, v48;
	[tilespmem:s20+$0xFFFFFE10] =	vst v12;
	v12 =	vadd.f32 $-1.000000000e+00, v45  }
0x4b5: {  	v23 =	vld [tilespmem:s23+$0x120];
	v45 =	vsel vm0, v19, v10;
	vm0 =	vgt.f32 v18, $0.0e+00;
	v19 =	vadd.f32 v14, v56  }
0x4b6: {  	v63 =	vld [tilespmem:s23+$0xFFFFFE20];
	v62 =	vsel vm0, v18, v12;
	v18 =	vadd.f32 $-1.000000000e+00, v46;
	v56 =	vadd.f32 v13, v50;
	v13 =	vpop (erf)  }
0x4b7: {  	v21 =	vld [tilespmem:s20+$0xFFFFFE30];
	[tilespmem:s7+$0xC0] =	vst v16;
	(erf) = vpow2.f32 v11;
	vm0 =	vgt.f32 v31, $0.0e+00;
	v14 =	vadd.f32 $-1.000000000e+00, v13  }
0x4b8: {  	v54 =	vld [tilespmem:s20+$0x30];
	[tilespmem:s7+$0x140] =	vst v43;
	v46 =	vsel vm0, v31, v18;
	vm0 =	vgt.f32 v55, $0.0e+00  }
0x4b9: {  	v16 =	vadd.f32 $-1.000000000e+00, v40;
	v59 =	vld [tilespmem:s20+$0xFFFFFFB0];
	[tilespmem:s7+$0xFFFFFE40] =	vst v17;
	(erf) = vpow2.f32 v49;
	v14 =	vsel vm0, v55, v14  }
0x4ba: {  	v23 =	vadd.f32 v23, v15;
	v15 =	vmul.f32 $1.442695020e+00, v19;
	v18 =	vadd.f32 $-1.000000000e+00, v41;
	v31 =	vld [tilespmem:s8+$0xFFFFFE50];
	[tilespmem:s20+$0x1A0] =	vst v14  }
0x4bb: {  	v17 =	vadd.f32 v63, v53;
	v50 =	vmul.f32 $1.442695020e+00, v56;
	vm0 =	vgt.f32 v36, $0.0e+00;
	v53 =	vpop (erf);
	v24 =	vld [tilespmem:$0x1FF20]  }
0x4bc: {  	v60 =	vld [tilespmem:s20+$0xB0];
	v36 =	vsel vm0, v36, v18;
	vm0 =	vgt.f32 v32, $0.0e+00;
	v40 =	vadd.f32 $-1.000000000e+00, v53  }
0x4bd: {  	v61 =	vld [tilespmem:s20+$0x130];
	(erf) = vpow2.f32 v15;
	v41 =	vsel vm0, v32, v16;
	vm0 =	vgt.f32 v51, $0.0e+00  }
0x4be: {  	v42 =	vld [tilespmem:s20+$0xFFFFFE40];
	(erf) = vpow2.f32 v50;
	v50 =	vsel vm0, v51, v40  }
0x4bf: {  	v15 =	vld [tilespmem:s8+$0x50];
	[tilespmem:s20+$0xFFFFFEA0] =	vst v50  }
0x4c0: {  	v16 =	vpop (erf);
	v43 =	vadd.f32 v31, v24;
	v24 =	vld [tilespmem:$0x1FF30]  }
0x4c1: {  	v11 =	vld [tilespmem:s7+$0xFFFFFF70];
	v14 =	vmul.f32 $1.442695020e+00, v23;
	v16 =	vadd.f32 $-1.000000000e+00, v16  }
0x4c2: {  	vm1 =	vgt.f32 v0, $0.0e+00;
	v10 =	vld [tilespmem:s7+$0x70];
	v55 =	vmul.f32 $1.442695020e+00, v17;
	v31 =	vpop (erf)  }
0x4c3: {  	v12 =	vld [tilespmem:s7+$0xF0];
	(erf) = vpow2.f32 v14;
	v0 =	vsel vm1, v0, v16;
	v16 =	vadd.f32 $-1.000000000e+00, v31  }
0x4c4: {  	v18 =	vld [tilespmem:s8+$0xD0];
	(erf) = vpow2.f32 v55;
	vm1 =	vgt.f32 v48, $0.0e+00;
	[tilespmem:s20+$0xFFFFFF20] =	vst v0  }
0x4c5: {  	v0 =	vmul.f32 $1.442695020e+00, v43;
	v16 =	vsel vm1, v48, v16;
	v55 =	vadd.f32 v15, v24;
	v24 =	vld [tilespmem:$0x1FF40]  }
0x4c6: {  	v40 =	vld [tilespmem:s8+$0x150];
	[tilespmem:s20+$0xFFFFFFA0] =	vst v16  }
0x4c7: {  	(erf) = vpow2.f32 v0;
	v0 =	vld [tilespmem:$0x1FF50]  }
0x4c8: {  	v14 =	vld [tilespmem:s23+$0x1B0]  }
0x4c9: {  	v13 =	vld [tilespmem:s7+$0x170]  }
0x4ca: {  	v63 =	vld [tilespmem:s20+$0xFFFFFEC0];
	v31 =	vadd.f32 v18, v24  }
0x4cb: {  	v15 =	vld [tilespmem:s23+$0xFFFFFEB0];
	v48 =	vmul.f32 $1.442695020e+00, v55  }
0x4cc: {  	v39 =	vadd.f32 $-1.000000000e+00, v39;
	v18 =	vld [tilespmem:s23+$0xFFFFFF30];
	v32 =	vadd.f32 v40, v0;
	v16 =	vmul.f32 $1.442695020e+00, v31  }
0x4cd: {  	v37 =	vadd.f32 $-1.000000000e+00, v37;
	v53 =	vld [tilespmem:s20+$0xFFFFFF40];
	v44 =	vadd.f32 v14, v44;
	(erf) = vpow2.f32 v48  }
0x4ce: {  	vm0 =	vgt.f32 v20, $0.0e+00;
	v51 =	vld [tilespmem:s20+$0xFFFFFFC0];
	(erf) = vpow2.f32 v16;
	v16 =	vmul.f32 $1.442695020e+00, v32  }
0x4cf: {  	v35 =	vadd.f32 $-1.000000000e+00, v35;
	v49 =	vmul.f32 $1.442695020e+00, v44;
	v48 =	vsel vm0, v20, v39;
	v0 =	vld [tilespmem:s23+$0xFFFFFFB0];
	v40 =	vpop (erf)  }
0x4d0: {  	v50 =	vld [tilespmem:s20+$0x40];
	vm0 =	vgt.f32 v19, $0.0e+00;
	v39 =	vadd.f32 v15, v57;
	v20 =	vadd.f32 $-1.000000000e+00, v40;
	v15 =	vpop (erf)  }
0x4d1: {  	v14 =	vld [tilespmem:s7+$0xFFFFFFF0];
	(erf) = vpow2.f32 v49;
	v57 =	vadd.f32 v18, v58;
	v18 =	vadd.f32 $-1.000000000e+00, v15  }
0x4d2: {  	vm1 =	vgt.f32 v56, $0.0e+00;
	v40 =	vld [tilespmem:s20+$0xC0];
	v20 =	vsel vm0, v19, v20;
	(erf) = vpow2.f32 v16;
	v16 =	vpop (erf)  }
0x4d3: {  	vm0 =	vgt.f32 v23, $0.0e+00;
	v49 =	vld [tilespmem:s20+$0x140];
	[tilespmem:s20+$0x20] =	vst v20;
	v56 =	vsel vm1, v56, v18;
	v16 =	vadd.f32 $-1.000000000e+00, v16;
	v19 =	vpop (erf)  }
0x4d4: {  	v24 =	vadd.f32 v0, v59;
	v59 =	vmul.f32 $1.442695020e+00, v39;
	[tilespmem:s20+$0xA0] =	vst v56;
	v56 =	vld [tilespmem:s23+$0x30];
	v58 =	vadd.f32 $-1.000000000e+00, v19  }
0x4d5: {  	v15 =	vld [tilespmem:s20+$0xFFFFFE50];
	vm1 =	vgt.f32 v17, $0.0e+00;
	v16 =	vsel vm0, v23, v16;
	v23 =	vmul.f32 $1.442695020e+00, v57  }
0x4d6: {  	v20 =	vld [tilespmem:s20+$0x150];
	(erf) = vpow2.f32 v59;
	v17 =	vsel vm1, v17, v58;
	vm1 =	vgt.f32 v25, $0.0e+00  }
0x4d7: {  	[tilespmem:s20+$0x120] =	vst v16;
	v16 =	vld [tilespmem:s23+$0xB0];
	(erf) = vpow2.f32 v23;
	v25 =	vsel vm1, v25, v37;
	v37 =	vmul.f32 $1.442695020e+00, v24  }
0x4d8: {  	vm2 =	vgt.f32 v30, $0.0e+00;
	v34 =	vadd.f32 $-1.000000000e+00, v34;
	vm0 =	vgt.f32 v22, $0.0e+00;
	v23 =	vld [tilespmem:s23+$0x130];
	[tilespmem:s20+$0xFFFFFE20] =	vst v17  }
0x4d9: {  	v17 =	vsel vm2, v30, v35;
	v35 =	vpop (erf);
	v58 =	vld [tilespmem:s23+$0xFFFFFE30];
	(erf) = vpow2.f32 v37;
	v37 =	vadd.f32 v56, v54  }
0x4da: {  	v18 =	vld [tilespmem:s20+$0x50];
	v22 =	vsel vm0, v22, v34;
	v30 =	vadd.f32 $-1.000000000e+00, v52;
	v54 =	vpop (erf)  }
0x4db: {  	v19 =	vld [tilespmem:s20+$0xD0];
	vm0 =	vgt.f32 v47, $0.0e+00;
	v35 =	vadd.f32 $-1.000000000e+00, v35;
	[tilespmem:s7+$0xFFFFFF50] =	vst v25;
	v56 =	vpop (erf);
	v25 =	vmul.f32 $1.442695020e+00, v37  }
0x4dc: {  	v34 =	vld [tilespmem:s20+$0xFFFFFED0];
	v47 =	vsel vm0, v47, v30;
	vm0 =	vgt.f32 v43, $0.0e+00;
	v59 =	vadd.f32 v16, v60;
	v16 =	vpop (erf)  }
0x4dd: {  	v52 =	vld [tilespmem:s20+$0xFFFFFF50];
	[tilespmem:s7+$0xFFFFFED0] =	vst v22;
	v22 =	vsel vm0, v43, v35;
	v35 =	vadd.f32 v23, v61;
	v16 =	vadd.f32 $-1.000000000e+00, v16  }
0x4de: {  	v30 =	vld [tilespmem:s20+$0xFFFFFFD0];
	vm0 =	vgt.f32 v44, $0.0e+00;
	[tilespmem:s7+$0xFFFFFE50] =	vst v22;
	v43 =	vpop (erf);
	v22 =	vmul.f32 $1.442695020e+00, v59;
	v58 =	vadd.f32 v58, v21  }
0x4df: {  	v60 =	vld [tilespmem:s8+$0xFFFFFEE0];
	(erf) = vpow2.f32 v25;
	v21 =	vmul.f32 $1.442695020e+00, v35;
	v16 =	vsel vm0, v44, v16;
	v25 =	vpop (erf)  }
0x4e0: {  	v23 =	vld [tilespmem:s8+$0xFFFFFF60];
	vm0 =	vgt.f32 v39, $0.0e+00;
	(erf) = vpow2.f32 v22;
	v22 =	vadd.f32 $-1.000000000e+00, v25;
	v25 =	vpop (erf)  }
0x4e1: {  	[tilespmem:s7+$0xFFFFFFD0] =	vst v17;
	v17 =	vld [tilespmem:s8+$0xFFFFFE60];
	(erf) = vpow2.f32 v21;
	v21 =	vmul.f32 $1.442695020e+00, v58;
	v25 =	vadd.f32 $-1.000000000e+00, v25  }
0x4e2: {  	vm1 =	vgt.f32 v57, $0.0e+00;
	v61 =	vld [tilespmem:s20+$0x1C0];
	[tilespmem:s20+$0x1B0] =	vst v16;
	v39 =	vsel vm0, v39, v22  }
0x4e3: {  	(erf) = vpow2.f32 v21;
	v21 =	vld [tilespmem:$0x1FF60];
	v0 =	vsel vm1, v57, v25;
	[tilespmem:s20+$0xFFFFFEB0] =	vst v39  }
0x4e4: {  	v22 =	vadd.f32 $-1.000000000e+00, v54;
	v54 =	vld [tilespmem:s23+$0x1C0];
	[tilespmem:s20+$0xFFFFFF30] =	vst v0  }
0x4e5: {  	v26 =	vld [tilespmem:$0x1FF70]  }
0x4e6: {  	vm4 =	vgt.f32 v31, $0.0e+00;
	v44 =	vld [tilespmem:s8+$0xFFFFFFE0]  }
0x4e7: {  	vm5 =	vgt.f32 v32, $0.0e+00;
	v16 =	vld [tilespmem:s20+$0xFFFFFE60];
	vm0 =	vgt.f32 v55, $0.0e+00;
	v39 =	vadd.f32 $-1.000000000e+00, v56  }
0x4e8: {  	v25 =	vld [tilespmem:s20+$0xFFFFFFE0];
	v55 =	vsel vm0, v55, v22;
	v0 =	vadd.f32 $-1.000000000e+00, v43;
	v57 =	vadd.f32 v17, v21;
	v17 =	vpop (erf)  }
0x4e9: {  	v22 =	vld [tilespmem:s20+$0xFFFFFEE0];
	vm0 =	vgt.f32 v24, $0.0e+00;
	v39 =	vsel vm4, v31, v39;
	[tilespmem:s7+$0x50] =	vst v55;
	v17 =	vadd.f32 $-1.000000000e+00, v17  }
0x4ea: {  	v43 =	vld [tilespmem:s23+$0xFFFFFEC0];
	[tilespmem:s28+$0x1F0] =	vst v33;
	v0 =	vsel vm5, v32, v0;
	v54 =	vadd.f32 v54, v61;
	v32 =	vadd.f32 v60, v26;
	v60 =	vpop (erf)  }
0x4eb: {  	v56 =	vld [tilespmem:s23+$0xFFFFFF40];
	[tilespmem:s7+$0xD0] =	vst v39;
	v24 =	vsel vm0, v24, v17;
	v39 =	vadd.f32 $-1.000000000e+00, v60  }
0x4ec: {  	v31 =	vadd.f32 v23, v2;
	v33 =	vld [tilespmem:s20+$0x70];
	v23 =	vmul.f32 $1.442695020e+00, v54;
	[tilespmem:s20+$0xFFFFFFB0] =	vst v24  }
0x4ed: {  	vm3 =	vgt.f32 v37, $0.0e+00;
	[tilespmem:s28+$0xFFFFFE60] =	vst v38;
	v55 =	vld [tilespmem:s23+$0xFFFFFFC0]  }
0x4ee: {  	vm2 =	vgt.f32 v59, $0.0e+00;
	v29 =	vadd.f32 v44, v29;
	[tilespmem:s28+$0xFFFFFEE0] =	vst v45;
	v44 =	vld [tilespmem:s8+$0x60];
	v61 =	vpop (erf);
	(erf) = vpow2.f32 v23  }
0x4ef: {  	vm1 =	vgt.f32 v58, $0.0e+00;
	[tilespmem:s28+$0xFFFFFF60] =	vst v62;
	v45 =	vld [tilespmem:s21+$0xFFFFFEF0];
	vm4 =	vgt.f32 v31, $0.0e+00;
	v37 =	vsel vm3, v37, v39;
	v39 =	vpop (erf)  }
0x4f0: {  	[tilespmem:s7+$0x150] =	vst v0;
	v63 =	vadd.f32 v43, v63;
	vm0 =	vgt.f32 v35, $0.0e+00;
	v26 =	vld [tilespmem:s8+$0xE0];
	v39 =	vadd.f32 $-1.000000000e+00, v39  }
0x4f1: {  	v53 =	vadd.f32 v56, v53;
	v24 =	vmul.f32 $1.442695020e+00, v57;
	v43 =	vadd.f32 $-1.000000000e+00, v61;
	v61 =	vld [tilespmem:s8+$0x160];
	[tilespmem:s20+$0x30] =	vst v37;
	v0 =	vpop (erf)  }
0x4f2: {  	[tilespmem:s28+$0xFFFFFFE0] =	vst v46;
	v0 =	vadd.f32 $-1.000000000e+00, v0;
	v55 =	vadd.f32 v55, v51;
	v51 =	vld [tilespmem:s23+$0x40];
	v35 =	vsel vm0, v35, v39  }
0x4f3: {  	v46 =	vld [tilespmem:s21+$0xFFFFFF70];
	vm8 =	vgt.f32 v57, $0.0e+00;
	v56 =	vmul.f32 $1.442695020e+00, v63;
	v59 =	vsel vm2, v59, v43;
	[tilespmem:s20+$0x130] =	vst v35  }
0x4f4: {  	(erf) = vpow2.f32 v24;
	v43 =	vmul.f32 $1.442695020e+00, v53;
	[tilespmem:s20+$0xB0] =	vst v59;
	v0 =	vsel vm1, v58, v0;
	v58 =	vld [tilespmem:s23+$0x140]  }
0x4f5: {  	v38 =	vadd.f32 v44, v1;
	(erf) = vpow2.f32 v56;
	v35 =	vld [tilespmem:s23+$0xC0];
	v37 =	vmul.f32 $1.442695020e+00, v55;
	[tilespmem:s20+$0xFFFFFE30] =	vst v0  }
0x4f6: {  	[tilespmem:s28+$0x60] =	vst v36;
	v60 =	vmul.f32 $1.442695020e+00, v32;
	(erf) = vpow2.f32 v43;
	v39 =	vadd.f32 v26, v27;
	v0 =	vld [tilespmem:s23+$0xFFFFFE40]  }
0x4f7: {  	[tilespmem:s28+$0xE0] =	vst v41;
	v41 =	vld [tilespmem:s21+$0x70];
	v26 =	vpop (erf);
	(erf) = vpow2.f32 v37;
	v37 =	vadd.f32 v61, v28;
	v28 =	vadd.f32 v51, v50  }
0x4f8: {  	v21 =	vld [tilespmem:s20+$0xFFFFFF60];
	vm3 =	vgt.f32 v54, $0.0e+00;
	v56 =	vmul.f32 $1.442695020e+00, v31;
	v26 =	vadd.f32 $-1.000000000e+00, v26  }
0x4f9: {  	v17 =	vld [tilespmem:s20+$0x60];
	vm2 =	vgt.f32 v53, $0.0e+00;
	v27 =	vmul.f32 $1.442695020e+00, v28;
	v49 =	vadd.f32 v58, v49  }
0x4fa: {  	[tilespmem:s28+$0x160] =	vst v48;
	v23 =	vld [tilespmem:s20+$0xE0];
	(erf) = vpow2.f32 v60;
	v26 =	vsel vm3, v54, v26;
	v60 =	vadd.f32 v35, v40  }
0x4fb: {  	v44 =	vld [tilespmem:s21+$0x170];
	v51 =	vadd.f32 v0, v42;
	(erf) = vpow2.f32 v27;
	v0 =	vmul.f32 $1.442695020e+00, v49  }
0x4fc: {  	v24 =	vld [tilespmem:s20+$0x160];
	v59 =	vmul.f32 $1.442695020e+00, v29;
	vm0 =	vgt.f32 v63, $0.0e+00;
	v62 =	vmul.f32 $1.442695020e+00, v60  }
0x4fd: {  	v43 =	vld [tilespmem:s21+$0xFFFFFE70];
	vm1 =	vgt.f32 v55, $0.0e+00;
	vm5 =	vgt.f32 v39, $0.0e+00;
	v61 =	vmul.f32 $1.442695020e+00, v38;
	v36 =	vpop (erf)  }
0x4fe: {  	v54 =	vld [tilespmem:s20+$0x1D0];
	vm3 =	vgt.f32 v38, $0.0e+00;
	v35 =	vmul.f32 $1.442695020e+00, v39;
	[tilespmem:s20+$0x1C0] =	vst v26;
	v26 =	vpop (erf);
	(erf) = vpow2.f32 v62  }
0x4ff: {  	v40 =	vld [tilespmem:s21+$0xFFFFFFF0];
	v26 =	vadd.f32 $-1.000000000e+00, v26;
	v27 =	vmul.f32 $1.442695020e+00, v51;
	(erf) = vpow2.f32 v0;
	v0 =	vpop (erf)  }
0x500: {  	vm10 =	vgt.f32 v28, $0.0e+00;
	v58 =	vmul.f32 $1.442695020e+00, v37;
	v48 =	vld [tilespmem:s23+$0x1D0];
	v0 =	vadd.f32 $-1.000000000e+00, v0  }
0x501: {  	v42 =	vld [tilespmem:s21+$0xF0];
	vm9 =	vgt.f32 v60, $0.0e+00;
	v26 =	vsel vm0, v63, v26;
	(erf) = vpow2.f32 v27  }
0x502: {  	v62 =	vadd.f32 $-1.000000000e+00, v36;
	v36 =	vld [tilespmem:s20+$0xFFFFFF70];
	[tilespmem:s20+$0xFFFFFEC0] =	vst v26;
	v50 =	vpop (erf);
	(erf) = vpow2.f32 v56;
	v0 =	vsel vm2, v53, v0  }
0x503: {  	vm7 =	vgt.f32 v49, $0.0e+00;
	v56 =	vpop (erf);
	(erf) = vpow2.f32 v59;
	v53 =	vadd.f32 $-1.000000000e+00, v50;
	[tilespmem:s20+$0xFFFFFF40] =	vst v0;
	v0 =	vld [tilespmem:s23+$0xFFFFFED0]  }
0x504: {  	vm6 =	vgt.f32 v51, $0.0e+00;
	v50 =	vadd.f32 $-1.000000000e+00, v56;
	(erf) = vpow2.f32 v61;
	v61 =	vpop (erf);
	v56 =	vld [tilespmem:s23+$0xFFFFFF50]  }
0x505: {  	v26 =	vld [tilespmem:s20+$0xFFFFFEF0];
	v55 =	vsel vm1, v55, v53;
	v53 =	vadd.f32 v48, v54;
	v63 =	vadd.f32 $-1.000000000e+00, v61  }
0x506: {  	vm0 =	vgt.f32 v32, $0.0e+00;
	v27 =	vld [tilespmem:s20+$0xFFFFFE70];
	vm2 =	vgt.f32 v37, $0.0e+00;
	(erf) = vpow2.f32 v35  }
0x507: {  	v35 =	vld [tilespmem:s20+$0xFFFFFFF0];
	vm1 =	vgt.f32 v29, $0.0e+00;
	(erf) = vpow2.f32 v58;
	[tilespmem:s20+$0xFFFFFFC0] =	vst v55;
	v61 =	vpop (erf);
	v54 =	vmul.f32 $1.442695020e+00, v53  }
0x508: {  	[tilespmem:s7+$0x1F0] =	vst v47;
	v55 =	vld [tilespmem:s23+$0xFFFFFFD0];
	v28 =	vsel vm10, v28, v63;
	v48 =	vadd.f32 v0, v34;
	v0 =	vadd.f32 $-1.000000000e+00, v61  }
0x509: {  	[tilespmem:s20+$0x40] =	vst v28;
	v28 =	vld [tilespmem:s20+$0x170];
	(erf) = vpow2.f32 v54;
	v63 =	vpop (erf);
	v47 =	vadd.f32 v56, v52;
	v52 =	vsel vm8, v57, v62  }
0x50a: {  	s9 =	simm.s32 $0x10;
	s5 =	simm.s32 $0x8400;
	s21 =	simm.s32 $0x3800;
	v34 =	vld [tilespmem:s20+$0xF0];
	v56 =	vadd.f32 $-1.000000000e+00, v63;
	v58 =	vpop (erf);
	v57 =	vmul.f32 $1.442695020e+00, v48;
	v54 =	vsel vm9, v60, v0  }
.LBB2_5:
0x50b: {  	v0 =	vld [tilespmem:s21+$0x180];
	[tilespmem:s20+$0xC0] =	vst v54;
	s23 =	sadd.s32 $0x400, s23  }
0x50c: {  	v58 =	vadd.f32 $-1.000000000e+00, v58;
	[tilespmem:s7+$0xFFFFFE60] =	vst v52;
	v54 =	vld [tilespmem:s23+$0x180]  }
0x50d: {  	v1 =	vsel vm7, v49, v56;
	v49 =	vld [tilespmem:s23+$0xFFFFFE00]  }
0x50e: {  	v59 =	vmul.f32 $1.442695020e+00, v47;
	v2 =	vsel vm6, v51, v58;
	v58 =	vld [tilespmem:s21+$0xFFFFFE80];
	v55 =	vadd.f32 v55, v30  }
0x50f: {  	[tilespmem:s20+$0x140] =	vst v1;
	v1 =	vld [tilespmem:$0x1FF00];
	v30 =	vpop (erf);
	(erf) = vpow2.f32 v57  }
0x510: {  	v32 =	vsel vm0, v32, v50;
	v52 =	vpop (erf);
	(erf) = vpow2.f32 v59;
	v59 =	vld [tilespmem:s23+$0xFFFFFE80];
	v60 =	vmul.f32 $1.442695020e+00, v55  }
0x511: {  	[tilespmem:s7+$0xFFFFFEE0] =	vst v32;
	v32 =	vld [tilespmem:s21+$0xFFFFFF80];
	v63 =	vpop (erf);
	v52 =	vadd.f32 $-1.000000000e+00, v52  }
0x512: {  	v30 =	vadd.f32 $-1.000000000e+00, v30;
	v51 =	vpop (erf);
	(erf) = vpow2.f32 v60;
	v60 =	vld [tilespmem:s21+$0xFFFFFF00]  }
0x513: {  	v0 =	vadd.f32 v54, v0;
	v56 =	vadd.f32 $-1.000000000e+00, v63;
	v57 =	vpop (erf);
	v29 =	vsel vm1, v29, v52;
	v52 =	vld [tilespmem:s21+$0x0]  }
0x514: {  	v30 =	vsel vm4, v31, v30;
	v61 =	vadd.f32 $-1.000000000e+00, v51;
	v51 =	vadd.f32 $-1.000000000e+00, v57;
	v57 =	vld [tilespmem:s23+$0xFFFFFF00];
	v62 =	vpop (erf)  }
0x515: {  	vm0 =	vgt.f32 v53, $0.0e+00;
	[tilespmem:s7+$0xFFFFFF60] =	vst v30;
	v30 =	vsel vm3, v38, v56;
	v56 =	vld [tilespmem:s21+$0x80];
	v31 =	vadd.f32 $-1.000000000e+00, v62  }
0x516: {  	v63 =	vsel vm5, v39, v61;
	v61 =	vld [tilespmem:s23+$0xFFFFFF80];
	v62 =	vmul.f32 $1.442695020e+00, v0;
	[tilespmem:s7+$0xFFFFFFE0] =	vst v29;
	v29 =	vadd.f32 v43, v1  }
0x517: {  	[tilespmem:s7+$0x60] =	vst v30;
	v43 =	vld [tilespmem:s20+$0x1E0];
	v37 =	vsel vm2, v37, v51;
	v51 =	vadd.f32 v59, v58;
	v31 =	vsel vm0, v53, v31  }
0x518: {  	vm8 =	vgt.f32 v48, $0.0e+00;
	v30 =	vadd.f32 v46, v7;
	v38 =	vld [tilespmem:s23+$0x0];
	(erf) = vpow2.f32 v62;
	[tilespmem:s20+$0x1D0] =	vst v31  }
0x519: {  	[tilespmem:s20+$0xFFFFFE40] =	vst v2;
	v31 =	vadd.f32 v45, v3;
	v58 =	vmul.f32 $1.442695020e+00, v51;
	v45 =	vadd.f32 v57, v60;
	v46 =	vld [tilespmem:s5+$0x1E0]  }
0x51a: {  	vm6 =	vgt.f32 v47, $0.0e+00;
	vm7 =	vgt.f32 v55, $0.0e+00;
	v1 =	vmov v8;
	[tilespmem:s7+$0xE0] =	vst v63;
	v59 =	vld [tilespmem:s21+$0xFFFFFE00];
	v2 =	vpop (erf)  }
0x51b: {  	[tilespmem:$0x1FF00] =	vst v1;
	v62 =	vld [tilespmem:s21+$0x100];
	v7 =	vpop (erf);
	v63 =	vadd.f32 $-1.000000000e+00, v2;
	(erf) = vpow2.f32 v58;
	v1 =	vmul.f32 $1.442695020e+00, v45  }
0x51c: {  	vm4 =	vgt.f32 v0, $0.0e+00;
	v8 =	vmovc v27;
	v39 =	vadd.f32 v42, v6;
	v57 =	vld [tilespmem:s23+$0x80];
	v32 =	vadd.f32 v61, v32  }
0x51d: {  	[tilespmem:s7+$0x160] =	vst v37;
	v60 =	vadd.f32 $-1.000000000e+00, v7;
	v27 =	vsel vm8, v48, v63;
	v3 =	vpop (erf);
	(erf) = vpow2.f32 v1;
	v1 =	vld [tilespmem:$0x1FF10]  }
0x51e: {  	v63 =	vld [tilespmem:s23+$0x100];
	v61 =	vadd.f32 $-1.000000000e+00, v3;
	v3 =	vmovc v9;
	v9 =	vmovc v26;
	v26 =	vmul.f32 $1.442695020e+00, v32;
	v43 =	vadd.f32 v46, v43  }
0x51f: {  	v54 =	vmul.f32 $1.442695020e+00, v29;
	[tilespmem:s20+$0xFFFFFED0] =	vst v27;
	v27 =	vsel vm6, v47, v60;
	v47 =	vadd.f32 v38, v52  }
0x520: {  	v6 =	vmovc v12;
	v12 =	vmovc v34;
	v38 =	vadd.f32 v41, v4;
	(erf) = vpow2.f32 v26;
	v26 =	vmul.f32 $1.442695020e+00, v43  }
0x521: {  	v60 =	vmul.f32 $1.442695020e+00, v47;
	v41 =	vadd.f32 v57, v56;
	v58 =	vsel vm7, v55, v61;
	v4 =	vpop (erf)  }
0x522: {  	v50 =	vld [tilespmem:s21+$0x90];
	v7 =	vmovc v11;
	v61 =	vadd.f32 $-1.000000000e+00, v4;
	v37 =	vadd.f32 v40, v1;
	v1 =	vmovc v14;
	(erf) = vpow2.f32 v26  }
0x523: {  	v42 =	vld [tilespmem:s21+$0xFFFFFF10];
	v11 =	vmovc v36;
	v34 =	vadd.f32 v49, v59;
	v36 =	vadd.f32 v63, v62;
	[tilespmem:$0x1FF10] =	vst v1;
	v1 =	vmul.f32 $1.442695020e+00, v41  }
0x524: {  	v53 =	vld [tilespmem:s21+$0x110];
	v4 =	vmov v10;
	v0 =	vsel vm4, v0, v61;
	v62 =	vpop (erf);
	(erf) = vpow2.f32 v60  }
0x525: {  	v10 =	vmovc v33;
	v26 =	vadd.f32 v44, v5;
	v2 =	vmul.f32 $1.442695020e+00, v36;
	v5 =	vmovc v13;
	[tilespmem:s21+$0x180] =	vst v0;
	v0 =	vld [tilespmem:s21+$0x190];
	(erf) = vpow2.f32 v1  }
0x526: {  	v13 =	vmov v28;
	v28 =	vmul.f32 $1.442695020e+00, v34;
	v33 =	vadd.f32 $-1.000000000e+00, v62;
	v63 =	vld [tilespmem:s23+$0x190];
	v59 =	vpop (erf)  }
0x527: {  	vm0 =	vgt.f32 v51, $0.0e+00;
	[tilespmem:s20+$0xFFFFFF50] =	vst v27;
	v27 =	vld [tilespmem:s21+$0xFFFFFE10];
	(erf) = vpow2.f32 v2;
	v49 =	vadd.f32 $-1.000000000e+00, v59  }
0x528: {  	vm3 =	vgt.f32 v45, $0.0e+00;
	v46 =	vld [tilespmem:s21+$0x10];
	v33 =	vsel vm0, v51, v33;
	(erf) = vpow2.f32 v28  }
0x529: {  	vm10 =	vgt.f32 v39, $0.0e+00;
	vm2 =	vgt.f32 v32, $0.0e+00;
	v40 =	vld [tilespmem:s21+$0xFFFFFE90];
	[tilespmem:s21+$0xFFFFFE80] =	vst v33;
	v60 =	vpop (erf);
	v61 =	vsel vm3, v45, v49  }
0x52a: {  	vm1 =	vgt.f32 v47, $0.0e+00;
	vm6 =	vgt.f32 v41, $0.0e+00;
	v1 =	vadd.f32 $-1.000000000e+00, v60;
	v49 =	vld [tilespmem:s23+$0xFFFFFE90];
	[tilespmem:s21+$0xFFFFFF00] =	vst v61  }
0x52b: {  	v52 =	vmul.f32 $1.442695020e+00, v37;
	v51 =	vmul.f32 $1.442695020e+00, v31;
	v0 =	vadd.f32 v63, v0;
	v56 =	vld [tilespmem:s23+$0xFFFFFF10];
	v62 =	vpop (erf)  }
0x52c: {  	[tilespmem:s20+$0xFFFFFFD0] =	vst v58;
	v14 =	vmovc v35;
	v44 =	vld [tilespmem:s21+$0xFFFFFF90];
	v45 =	vmul.f32 $1.442695020e+00, v30;
	v32 =	vsel vm2, v32, v1;
	v63 =	vadd.f32 $-1.000000000e+00, v62  }
0x52d: {  	v35 =	vld [tilespmem:s21+$0xFFFFFF20];
	(erf) = vpow2.f32 v54;
	vm2 =	vgt.f32 v43, $0.0e+00;
	[tilespmem:s21+$0xFFFFFF80] =	vst v32;
	v58 =	vmul.f32 $1.442695020e+00, v0;
	v60 =	vpop (erf)  }
0x52e: {  	(erf) = vpow2.f32 v51;
	v54 =	vld [tilespmem:s23+$0xFFFFFF90];
	v61 =	vadd.f32 $-1.000000000e+00, v60;
	v62 =	vpop (erf);
	v32 =	vsel vm2, v43, v63  }
0x52f: {  	v28 =	vld [tilespmem:s21+$0xFFFFFE20];
	(erf) = vpow2.f32 v45;
	v43 =	vadd.f32 v49, v40;
	v63 =	vadd.f32 $-1.000000000e+00, v62  }
0x530: {  	(erf) = vpow2.f32 v58;
	[tilespmem:s20+$0x1E0] =	vst v32;
	v32 =	vld [tilespmem:s20+$0x1F0];
	v1 =	vsel vm1, v47, v61;
	v42 =	vadd.f32 v56, v42;
	v56 =	vpop (erf)  }
0x531: {  	vm5 =	vgt.f32 v36, $0.0e+00;
	v51 =	vld [tilespmem:s5+$0x1F0];
	v58 =	vmul.f32 $1.442695020e+00, v43;
	[tilespmem:s21+$0x0] =	vst v1;
	v41 =	vsel vm6, v41, v63;
	v60 =	vpop (erf)  }
0x532: {  	(erf) = vpow2.f32 v52;
	v59 =	vadd.f32 $-1.000000000e+00, v56;
	v62 =	vld [tilespmem:s23+$0x10];
	v47 =	vadd.f32 $-1.000000000e+00, v60;
	[tilespmem:s21+$0x80] =	vst v41  }
0x533: {  	v61 =	vmul.f32 $1.442695020e+00, v42;
	v54 =	vadd.f32 v54, v44;
	(erf) = vpow2.f32 v58;
	v41 =	vld [tilespmem:s23+$0x90]  }
0x534: {  	v48 =	vmul.f32 $1.442695020e+00, v39;
	vm4 =	vgt.f32 v34, $0.0e+00;
	v33 =	vld [tilespmem:s21+$0xFFFFFEA0];
	v36 =	vsel vm5, v36, v59  }
0x535: {  	v40 =	vld [tilespmem:s21+$0xFFFFFFA0];
	v63 =	vsel vm4, v34, v47;
	v52 =	vmul.f32 $1.442695020e+00, v54;
	[tilespmem:s21+$0x100] =	vst v36;
	(erf) = vpow2.f32 v61  }
0x536: {  	v55 =	vmul.f32 $1.442695020e+00, v38;
	v57 =	vmul.f32 $1.442695020e+00, v26;
	[tilespmem:s21+$0xFFFFFE00] =	vst v63;
	v36 =	vld [tilespmem:s23+$0x110];
	v56 =	vadd.f32 v51, v32;
	v59 =	vpop (erf)  }
0x537: {  	v45 =	vld [tilespmem:s23+$0xFFFFFE10];
	(erf) = vpow2.f32 v52;
	v52 =	vadd.f32 $-1.000000000e+00, v59;
	v60 =	vpop (erf);
	v58 =	vadd.f32 v62, v46  }
0x538: {  	v49 =	vld [tilespmem:s21+$0x120];
	v61 =	vmul.f32 $1.442695020e+00, v56;
	v59 =	vpop (erf);
	(erf) = vpow2.f32 v55;
	v50 =	vadd.f32 v41, v50  }
0x539: {  	vm9 =	vgt.f32 v38, $0.0e+00;
	v34 =	vld [tilespmem:s21+$0x20];
	v62 =	vpop (erf);
	(erf) = vpow2.f32 v48;
	v48 =	vmul.f32 $1.442695020e+00, v58  }
0x53a: {  	v47 =	vld [tilespmem:s21+$0xFFFFFF30];
	v55 =	vadd.f32 $-1.000000000e+00, v60;
	(erf) = vpow2.f32 v61;
	v1 =	vmul.f32 $1.442695020e+00, v50  }
0x53b: {  	v51 =	vld [tilespmem:s21+$0xA0];
	v41 =	vadd.f32 $-1.000000000e+00, v62;
	v60 =	vpop (erf);
	v53 =	vadd.f32 v36, v53;
	(erf) = vpow2.f32 v48  }
0x53c: {  	vm3 =	vgt.f32 v0, $0.0e+00;
	v32 =	vld [tilespmem:s21+$0xFFFFFE30];
	v61 =	vadd.f32 v45, v27;
	v63 =	vpop (erf);
	(erf) = vpow2.f32 v1  }
0x53d: {  	vm8 =	vgt.f32 v37, $0.0e+00;
	v46 =	vld [tilespmem:s21+$0xFFFFFEB0];
	v0 =	vsel vm3, v0, v41;
	v27 =	vmul.f32 $1.442695020e+00, v53  }
0x53e: {  	vm0 =	vgt.f32 v29, $0.0e+00;
	[tilespmem:s21+$0x190] =	vst v0;
	v0 =	vld [tilespmem:s21+$0x1A0];
	v1 =	vadd.f32 $-1.000000000e+00, v63;
	v2 =	vmul.f32 $1.442695020e+00, v61;
	v36 =	vpop (erf)  }
0x53f: {  	vm6 =	vgt.f32 v43, $0.0e+00;
	v45 =	vld [tilespmem:s23+$0x1A0];
	v44 =	vadd.f32 $-1.000000000e+00, v36;
	(erf) = vpow2.f32 v27  }
0x540: {  	vm4 =	vgt.f32 v42, $0.0e+00;
	v48 =	vld [tilespmem:s21+$0xFFFFFFB0];
	v62 =	vsel vm6, v43, v1;
	(erf) = vpow2.f32 v2;
	v41 =	vpop (erf)  }
0x541: {  	vm2 =	vgt.f32 v31, $0.0e+00;
	v43 =	vld [tilespmem:s21+$0x30];
	[tilespmem:s21+$0xFFFFFE90] =	vst v62;
	v1 =	vsel vm4, v42, v44;
	v36 =	vadd.f32 $-1.000000000e+00, v41;
	v41 =	vpop (erf)  }
0x542: {  	vm1 =	vgt.f32 v54, $0.0e+00;
	vm5 =	vgt.f32 v58, $0.0e+00;
	(erf) = vpow2.f32 v57;
	v42 =	vld [tilespmem:s23+$0xFFFFFEA0];
	v27 =	vpop (erf)  }
0x543: {  	v44 =	vld [tilespmem:s21+$0xB0];
	v57 =	vadd.f32 $-1.000000000e+00, v59;
	v59 =	vadd.f32 $-1.000000000e+00, v60;
	[tilespmem:s21+$0xFFFFFF10] =	vst v1;
	v36 =	vsel vm1, v54, v36;
	v54 =	vpop (erf)  }
0x544: {  	vm7 =	vgt.f32 v50, $0.0e+00;
	v62 =	vadd.f32 $-1.000000000e+00, v41;
	v60 =	vld [tilespmem:s23+$0xFFFFFF20];
	v0 =	vadd.f32 v45, v0;
	[tilespmem:s21+$0xFFFFFF90] =	vst v36;
	v1 =	vpop (erf)  }
0x545: {  	vm1 =	vgt.f32 v56, $0.0e+00;
	v36 =	vadd.f32 $-1.000000000e+00, v54;
	v63 =	vld [tilespmem:s23+$0xFFFFFFA0];
	v1 =	vadd.f32 $-1.000000000e+00, v1;
	v2 =	vpop (erf)  }
0x546: {  	v45 =	vld [tilespmem:s21+$0x130];
	v54 =	vadd.f32 $-1.000000000e+00, v27;
	v41 =	vmul.f32 $1.442695020e+00, v0;
	v2 =	vadd.f32 $-1.000000000e+00, v2  }
0x547: {  	v27 =	vld [tilespmem:s21+$0xFFFFFE40];
	v36 =	vsel vm1, v56, v36;
	v56 =	vadd.f32 v42, v33;
	v1 =	vsel vm5, v58, v1  }
0x548: {  	v29 =	vsel vm0, v29, v52;
	v42 =	vld [tilespmem:s21+$0xFFFFFEC0];
	(erf) = vpow2.f32 v41;
	v58 =	vpop (erf);
	[tilespmem:s21+$0x10] =	vst v1;
	v1 =	vsel vm7, v50, v2  }
0x549: {  	v41 =	vld [tilespmem:s21+$0xFFFFFF40];
	v60 =	vadd.f32 v60, v35;
	v35 =	vmul.f32 $1.442695020e+00, v56;
	v2 =	vadd.f32 $-1.000000000e+00, v58;
	v58 =	vpop (erf)  }
0x54a: {  	v31 =	vsel vm2, v31, v55;
	[tilespmem:s20+$0x1F0] =	vst v36;
	v33 =	vadd.f32 $-1.000000000e+00, v58;
	v58 =	vadd.f32 v63, v40;
	v40 =	vld [tilespmem:s23+$0x20]  }
0x54b: {  	vm6 =	vgt.f32 v53, $0.0e+00;
	v36 =	vld [tilespmem:s21+$0xFFFFFFC0];
	v50 =	vmul.f32 $1.442695020e+00, v60;
	[tilespmem:s21+$0x90] =	vst v1;
	v1 =	vpop (erf);
	(erf) = vpow2.f32 v35  }
0x54c: {  	vm3 =	vgt.f32 v61, $0.0e+00;
	vm4 =	vgt.f32 v30, $0.0e+00;
	[tilespmem:s28+$0xFFFFFEF0] =	vst v31;
	v63 =	vld [tilespmem:s23+$0xA0];
	v2 =	vsel vm6, v53, v2  }
0x54d: {  	v35 =	vsel vm3, v61, v33;
	v61 =	vmul.f32 $1.442695020e+00, v58;
	v33 =	vld [tilespmem:s21+$0x40];
	[tilespmem:s21+$0x110] =	vst v2;
	(erf) = vpow2.f32 v50  }
0x54e: {  	vm0 =	vgt.f32 v0, $0.0e+00;
	vm1 =	vgt.f32 v26, $0.0e+00;
	v31 =	vsel vm9, v38, v62;
	[tilespmem:s21+$0xFFFFFE10] =	vst v35;
	v2 =	vld [tilespmem:s23+$0x120]  }
0x54f: {  	v50 =	vadd.f32 $-1.000000000e+00, v1;
	v1 =	vld [tilespmem:s23+$0xFFFFFE20];
	(erf) = vpow2.f32 v61;
	v52 =	vadd.f32 v40, v34  }
0x550: {  	vm7 =	vgt.f32 v56, $0.0e+00;
	vm3 =	vgt.f32 v60, $0.0e+00;
	v35 =	vld [tilespmem:s21+$0x140];
	[tilespmem:s28+$0xFFFFFE70] =	vst v29;
	v29 =	vsel vm4, v30, v57  }
0x551: {  	v38 =	vld [tilespmem:s5+$0x150];
	v30 =	vsel vm8, v37, v59;
	v51 =	vadd.f32 v63, v51;
	v57 =	vpop (erf);
	v59 =	vmul.f32 $1.442695020e+00, v52  }
0x552: {  	vm5 =	vgt.f32 v58, $0.0e+00;
	v37 =	vsel vm10, v39, v54;
	v61 =	vld [tilespmem:s5+$0x50];
	[tilespmem:s28+$0x70] =	vst v31;
	v34 =	vadd.f32 $-1.000000000e+00, v57  }
0x553: {  	v39 =	vld [tilespmem:s5+$0xFFFFFE50];
	[tilespmem:s28+$0xFFFFFF70] =	vst v29;
	v29 =	vmul.f32 $1.442695020e+00, v51;
	v2 =	vadd.f32 v2, v49;
	(erf) = vpow2.f32 v59  }
0x554: {  	[tilespmem:s28+$0xFFFFFFF0] =	vst v30;
	v30 =	vld [tilespmem:s5+$0xD0];
	v26 =	vsel vm1, v26, v50;
	v1 =	vadd.f32 v1, v28;
	v0 =	vsel vm0, v0, v34;
	v31 =	vpop (erf)  }
0x555: {  	v28 =	vmul.f32 $1.442695020e+00, v2;
	[tilespmem:s21+$0x1A0] =	vst v0;
	v0 =	vld [tilespmem:s21+$0x1B0];
	(erf) = vpow2.f32 v29;
	v31 =	vadd.f32 $-1.000000000e+00, v31  }
0x556: {  	vm2 =	vgt.f32 v52, $0.0e+00;
	vm6 =	vgt.f32 v51, $0.0e+00;
	v62 =	vmul.f32 $1.442695020e+00, v1;
	v63 =	vld [tilespmem:s23+$0x1B0];
	v57 =	vpop (erf)  }
0x557: {  	v40 =	vld [tilespmem:s21+$0xC0];
	[tilespmem:s28+$0xF0] =	vst v37;
	(erf) = vpow2.f32 v28;
	v59 =	vadd.f32 $-1.000000000e+00, v57;
	v28 =	vsel vm7, v56, v31  }
0x558: {  	v37 =	vadd.f32 v38, v20;
	v34 =	vld [tilespmem:s21+$0xFFFFFF50];
	v39 =	vadd.f32 v39, v15;
	(erf) = vpow2.f32 v62;
	v29 =	vpop (erf);
	[tilespmem:s21+$0xFFFFFEA0] =	vst v28  }
0x559: {  	v31 =	vsel vm3, v60, v59;
	v60 =	vadd.f32 $-1.000000000e+00, v29;
	v29 =	vadd.f32 v61, v18;
	v18 =	vld [tilespmem:s23+$0xFFFFFEB0]  }
0x55a: {  	vm8 =	vgt.f32 v2, $0.0e+00;
	v15 =	vld [tilespmem:s21+$0xFFFFFE50];
	v61 =	vmul.f32 $1.442695020e+00, v39;
	[tilespmem:s21+$0xFFFFFF20] =	vst v31;
	v31 =	vadd.f32 v30, v19  }
0x55b: {  	v0 =	vadd.f32 v63, v0;
	v19 =	vld [tilespmem:s23+$0xFFFFFF30];
	v30 =	vsel vm5, v58, v60;
	v62 =	vmul.f32 $1.442695020e+00, v29  }
0x55c: {  	vm13 =	vgt.f32 v37, $0.0e+00;
	v28 =	vld [tilespmem:s21+$0xFFFFFED0];
	(erf) = vpow2.f32 v61;
	[tilespmem:s21+$0xFFFFFFA0] =	vst v30;
	v63 =	vmul.f32 $1.442695020e+00, v31;
	v59 =	vpop (erf)  }
0x55d: {  	v20 =	vmul.f32 $1.442695020e+00, v0;
	v38 =	vld [tilespmem:s23+$0xFFFFFFB0];
	(erf) = vpow2.f32 v62;
	v60 =	vadd.f32 $-1.000000000e+00, v59  }
0x55e: {  	v30 =	vld [tilespmem:s21+$0xFFFFFFD0];
	v62 =	vmul.f32 $1.442695020e+00, v37;
	v61 =	vpop (erf);
	(erf) = vpow2.f32 v63;
	v46 =	vadd.f32 v18, v46  }
0x55f: {  	v18 =	vld [tilespmem:s21+$0x50];
	v63 =	vadd.f32 $-1.000000000e+00, v61;
	(erf) = vpow2.f32 v20;
	v20 =	vsel vm2, v52, v60  }
0x560: {  	vm4 =	vgt.f32 v1, $0.0e+00;
	v56 =	vpop (erf);
	v47 =	vadd.f32 v19, v47;
	v19 =	vld [tilespmem:s21+$0xD0];
	(erf) = vpow2.f32 v62;
	[tilespmem:s21+$0x20] =	vst v20  }
0x561: {  	v49 =	vadd.f32 $-1.000000000e+00, v56;
	v58 =	vpop (erf);
	v57 =	vmul.f32 $1.442695020e+00, v46;
	v51 =	vsel vm6, v51, v63;
	v60 =	vld [tilespmem:s23+$0x30]  }
0x562: {  	v20 =	vld [tilespmem:s21+$0x150];
	v53 =	vadd.f32 $-1.000000000e+00, v58;
	v59 =	vmul.f32 $1.442695020e+00, v47;
	v38 =	vadd.f32 v38, v48;
	[tilespmem:s21+$0xA0] =	vst v51  }
0x563: {  	vm3 =	vgt.f32 v39, $0.0e+00;
	v2 =	vsel vm8, v2, v49;
	v51 =	vld [tilespmem:s23+$0xB0];
	(erf) = vpow2.f32 v57  }
0x564: {  	v56 =	vld [tilespmem:s21+$0xFFFFFEE0];
	v1 =	vsel vm4, v1, v53;
	[tilespmem:s21+$0x120] =	vst v2;
	v61 =	vmul.f32 $1.442695020e+00, v38;
	(erf) = vpow2.f32 v59  }
0x565: {  	vm0 =	vgt.f32 v29, $0.0e+00;
	vm7 =	vgt.f32 v31, $0.0e+00;
	vm1 =	vgt.f32 v0, $0.0e+00;
	[tilespmem:s21+$0xFFFFFE20] =	vst v1;
	v1 =	vld [tilespmem:s23+$0x130];
	v62 =	vpop (erf)  }
0x566: {  	vm6 =	vgt.f32 v46, $0.0e+00;
	v53 =	vld [tilespmem:s23+$0xFFFFFE30];
	(erf) = vpow2.f32 v61;
	v57 =	vpop (erf);
	v43 =	vadd.f32 v60, v43  }
0x567: {  	vm8 =	vgt.f32 v47, $0.0e+00;
	v48 =	vld [tilespmem:s5+$0xFFFFFF60];
	vm4 =	vgt.f32 v38, $0.0e+00;
	v63 =	vadd.f32 $-1.000000000e+00, v62;
	v58 =	vpop (erf)  }
0x568: {  	v49 =	vld [tilespmem:s5+$0xFFFFFFE0];
	v52 =	vadd.f32 $-1.000000000e+00, v57;
	v44 =	vadd.f32 v51, v44;
	v59 =	vpop (erf);
	v61 =	vmul.f32 $1.442695020e+00, v43  }
0x569: {  	v2 =	vld [tilespmem:s5+$0xFFFFFEE0];
	[tilespmem:s28+$0x170] =	vst v26;
	s28 =	smov.u32 s7;
	s7 =	smov.u32 s20;
	v60 =	vsel vm3, v39, v63;
	v51 =	vadd.f32 $-1.000000000e+00, v58;
	v62 =	vadd.f32 $-1.000000000e+00, v59  }
0x56a: {  	v26 =	vld [tilespmem:s21+$0xFFFFFE60];
	vm2 =	vgt.f32 v43, $0.0e+00;
	[tilespmem:s7+$0xFFFFFE50] =	vst v60;
	v1 =	vadd.f32 v1, v45;
	v63 =	vmul.f32 $1.442695020e+00, v44  }
0x56b: {  	v39 =	vpop (erf);
	v45 =	vld [tilespmem:s5+$0xFFFFFE60];
	v53 =	vadd.f32 v53, v32;
	(erf) = vpow2.f32 v61;
	v0 =	vsel vm1, v0, v62  }
0x56c: {  	v29 =	vsel vm0, v29, v52;
	v60 =	vmul.f32 $1.442695020e+00, v1;
	[tilespmem:s21+$0x1B0] =	vst v0;
	v0 =	vld [tilespmem:s21+$0x1C0];
	v61 =	vpop (erf);
	(erf) = vpow2.f32 v63  }
0x56d: {  	v59 =	vsel vm7, v31, v51;
	v62 =	vmul.f32 $1.442695020e+00, v53;
	v63 =	vadd.f32 $-1.000000000e+00, v61;
	v55 =	vld [tilespmem:s23+$0x1C0];
	v50 =	vpop (erf)  }
0x56e: {  	v58 =	vld [tilespmem:s21+$0xFFFFFF60];
	vm3 =	vgt.f32 v44, $0.0e+00;
	[tilespmem:s7+$0xD0] =	vst v59;
	(erf) = vpow2.f32 v60;
	v57 =	vadd.f32 $-1.000000000e+00, v50  }
0x56f: {  	v39 =	vadd.f32 $-1.000000000e+00, v39;
	(erf) = vpow2.f32 v62;
	v50 =	vld [tilespmem:s21+$0x60];
	[tilespmem:s7+$0x50] =	vst v29;
	v60 =	vsel vm6, v46, v63;
	v61 =	vpop (erf)  }
0x570: {  	v29 =	vadd.f32 v49, v25;
	v49 =	vld [tilespmem:s5+$0xE0];
	[tilespmem:s21+$0xFFFFFEB0] =	vst v60;
	v62 =	vsel vm8, v47, v57;
	v63 =	vadd.f32 $-1.000000000e+00, v61  }
0x571: {  	v32 =	vadd.f32 v2, v22;
	v31 =	vadd.f32 v48, v21;
	v37 =	vsel vm13, v37, v39;
	v57 =	vld [tilespmem:s23+$0xFFFFFEC0];
	[tilespmem:s21+$0xFFFFFF30] =	vst v62  }
0x572: {  	[tilespmem:s7+$0x150] =	vst v37;
	v52 =	vadd.f32 v45, v16;
	v60 =	vld [tilespmem:s23+$0xFFFFFF40];
	v47 =	vsel vm4, v38, v63;
	v0 =	vadd.f32 v55, v0  }
0x573: {  	vm5 =	vgt.f32 v1, $0.0e+00;
	vm1 =	vgt.f32 v53, $0.0e+00;
	v16 =	vmovc v26;
	v26 =	vmul.f32 $1.442695020e+00, v32;
	v59 =	vld [tilespmem:s21+$0x160];
	[tilespmem:s21+$0xFFFFFFB0] =	vst v47  }
0x574: {  	v2 =	vmul.f32 $1.442695020e+00, v52;
	vm8 =	vgt.f32 v52, $0.0e+00;
	v22 =	vpop (erf);
	v25 =	vld [tilespmem:s23+$0xFFFFFFC0];
	v61 =	vmul.f32 $1.442695020e+00, v0  }
0x575: {  	v46 =	vld [tilespmem:s21+$0xFFFFFFE0];
	v48 =	vmul.f32 $1.442695020e+00, v29;
	vm4 =	vgt.f32 v31, $0.0e+00;
	v62 =	vadd.f32 $-1.000000000e+00, v22;
	v22 =	vpop (erf)  }
0x576: {  	v21 =	vmovc v58;
	v38 =	vld [tilespmem:s5+$0x60];
	v54 =	vadd.f32 v57, v42;
	v63 =	vadd.f32 $-1.000000000e+00, v22;
	(erf) = vpow2.f32 v61;
	v22 =	vmovc v56  }
0x577: {  	v42 =	vld [tilespmem:s5+$0x160];
	v51 =	vsel vm2, v43, v62;
	v57 =	vpop (erf);
	v55 =	vadd.f32 v60, v41;
	(erf) = vpow2.f32 v2  }
0x578: {  	v56 =	vld [tilespmem:s21+$0xE0];
	[tilespmem:s21+$0x30] =	vst v51;
	v58 =	vadd.f32 $-1.000000000e+00, v57;
	v60 =	vpop (erf);
	v2 =	vmul.f32 $1.442695020e+00, v54;
	v37 =	vsel vm3, v44, v63  }
0x579: {  	v43 =	vadd.f32 $-1.000000000e+00, v60;
	v62 =	vld [tilespmem:s23+$0x40];
	v61 =	vmul.f32 $1.442695020e+00, v55;
	v36 =	vadd.f32 v25, v36;
	[tilespmem:s21+$0xB0] =	vst v37  }
0x57a: {  	v39 =	vadd.f32 v49, v23;
	v1 =	vsel vm5, v1, v58;
	v63 =	vld [tilespmem:s23+$0xC0];
	(erf) = vpow2.f32 v2  }
0x57b: {  	v2 =	vsel vm1, v53, v43;
	[tilespmem:s21+$0x130] =	vst v1;
	v43 =	vld [tilespmem:s8+$0xFFFFFE70];
	v60 =	vmul.f32 $1.442695020e+00, v36;
	(erf) = vpow2.f32 v61  }
0x57c: {  	v47 =	vmul.f32 $1.442695020e+00, v31;
	v38 =	vadd.f32 v38, v17;
	v57 =	vmul.f32 $1.442695020e+00, v39;
	[tilespmem:s21+$0xFFFFFE30] =	vst v2;
	v1 =	vld [tilespmem:s23+$0x140]  }
0x57d: {  	vm0 =	vgt.f32 v54, $0.0e+00;
	vm3 =	vgt.f32 v0, $0.0e+00;
	v2 =	vld [tilespmem:s23+$0xFFFFFE40];
	(erf) = vpow2.f32 v60  }
0x57e: {  	v45 =	vld [tilespmem:s8+$0xFFFFFEF0];
	vm2 =	vgt.f32 v55, $0.0e+00;
	vm5 =	vgt.f32 v39, $0.0e+00;
	v23 =	vmovc v56;
	v56 =	vadd.f32 v62, v33  }
0x57f: {  	v41 =	vld [tilespmem:s8+$0x70];
	v25 =	vmovc v46;
	vm1 =	vgt.f32 v36, $0.0e+00;
	v33 =	vmul.f32 $1.442695020e+00, v38;
	v58 =	vadd.f32 v63, v40  }
0x580: {  	v46 =	vld [tilespmem:s8+$0xFFFFFF70];
	v37 =	vadd.f32 v42, v24;
	(erf) = vpow2.f32 v26;
	v26 =	vpop (erf);
	v61 =	vmul.f32 $1.442695020e+00, v56  }
0x581: {  	v17 =	vmovc v50;
	v24 =	vmovc v59;
	v42 =	vld [tilespmem:s8+$0xF0];
	v26 =	vadd.f32 $-1.000000000e+00, v26;
	v49 =	vadd.f32 v1, v35;
	v62 =	vmul.f32 $1.442695020e+00, v58  }
0x582: {  	v44 =	vld [tilespmem:s8+$0x170];
	v59 =	vmul.f32 $1.442695020e+00, v37;
	v50 =	vpop (erf);
	v51 =	vadd.f32 v2, v27;
	(erf) = vpow2.f32 v61  }
0x583: {  	v40 =	vld [tilespmem:s8+$0xFFFFFFF0];
	v0 =	vsel vm3, v0, v26;
	v1 =	vmul.f32 $1.442695020e+00, v49;
	v2 =	vpop (erf);
	(erf) = vpow2.f32 v62  }
0x584: {  	vm14 =	vgt.f32 v56, $0.0e+00;
	[tilespmem:s21+$0x1C0] =	vst v0;
	v0 =	vld [tilespmem:s21+$0x1D0];
	v26 =	vmul.f32 $1.442695020e+00, v51;
	v60 =	vadd.f32 $-1.000000000e+00, v2;
	v27 =	vpop (erf)  }
0x585: {  	vm15 =	vgt.f32 v58, $0.0e+00;
	v35 =	vld [tilespmem:s23+$0x1D0];
	(erf) = vpow2.f32 v1;
	v63 =	vadd.f32 $-1.000000000e+00, v27  }
0x586: {  	vm7 =	vgt.f32 v49, $0.0e+00;
	v27 =	vld [tilespmem:s21+$0xFFFFFE70];
	(erf) = vpow2.f32 v26;
	v1 =	vsel vm0, v54, v60;
	v2 =	vpop (erf)  }
0x587: {  	v26 =	vld [tilespmem:s21+$0xFFFFFEF0];
	v54 =	vadd.f32 $-1.000000000e+00, v50;
	[tilespmem:s21+$0xFFFFFEC0] =	vst v1;
	v1 =	vsel vm2, v55, v63;
	v2 =	vadd.f32 $-1.000000000e+00, v2  }
0x588: {  	vm3 =	vgt.f32 v38, $0.0e+00;
	vm6 =	vgt.f32 v51, $0.0e+00;
	vm0 =	vgt.f32 v32, $0.0e+00;
	v61 =	vld [tilespmem:s23+$0xFFFFFED0];
	[tilespmem:s21+$0xFFFFFF40] =	vst v1  }
0x589: {  	s9 =	sadd.s32 $0x8, s9;
	vm2 =	vgt.f32 v37, $0.0e+00;
	v60 =	vpop (erf);
	(erf) = vpow2.f32 v47;
	v52 =	vsel vm8, v52, v54;
	v1 =	vld [tilespmem:s23+$0xFFFFFF50]  }
0x58a: {  	p0 =	slt.u32 s9, $0x48;
	(erf) = vpow2.f32 v48;
	v62 =	vsel vm1, v36, v2;
	v53 =	vadd.f32 v35, v0;
	v36 =	vld [tilespmem:s21+$0xFFFFFF70]  }
.Ltmp1:
0x58b: {  	v50 =	vadd.f32 $-1.000000000e+00, v60;
	vm1 =	vgt.f32 v29, $0.0e+00;
	v35 =	vld [tilespmem:s21+$0xFFFFFFF0];
	(erf) = vpow2.f32 v33;
	v2 =	vpop (erf);
	(pc) =	sbr.rel @p0 .LBB2_5-.Ltmp1, $4  }
0x58c: {  	[tilespmem:s21+$0xFFFFFFC0] =	vst v62;
	v33 =	vld [tilespmem:s21+$0x70];
	(erf) = vpow2.f32 v57;
	v0 =	vmul.f32 $1.442695020e+00, v53;
	v2 =	vadd.f32 $-1.000000000e+00, v2;
	v63 =	vpop (erf)  }
0x58d: {  	v55 =	vld [tilespmem:s23+$0xFFFFFFD0];
	(erf) = vpow2.f32 v59;
	v48 =	vadd.f32 v61, v28;
	v28 =	vadd.f32 $-1.000000000e+00, v63  }
0x58e: {  	s20 =	smov.u32 s21;
	(erf) = vpow2.f32 v0;
	v47 =	vadd.f32 v1, v34;
	v0 =	vsel vm14, v56, v2;
	v34 =	vld [tilespmem:s21+$0xF0];
	v1 =	vpop (erf)  }
0x58f: {  	s8 =	smov.u32 s5;
	s5 =	smov.u32 s23;
	s21 =	sadd.s32 $0x400, s21;
	v57 =	vmul.f32 $1.442695020e+00, v48;
	[tilespmem:s20+$0x40] =	vst v0;
	v54 =	vsel vm15, v58, v28;
	v56 =	vadd.f32 $-1.000000000e+00, v1;
	v28 =	vld [tilespmem:s20+$0x170];
	v58 =	vpop (erf)  }
0x590: {  	_ =	sdelay $0x1  }
0x591: {  	v0 =	vpop (erf)  }
0x592: {  	v59 =	vpop (erf)  }
0x593: {  	v60 =	vpop (erf)  }
0x594: {  	v61 =	vpop (erf)  }
0x595: {  	v62 =	vpop (erf)  }
0x596: {  	v1 =	vpop (erf)  }
0x597: {  	v1 =	vadd.f32 $-1.000000000e+00, v1  }
0x598: {  	vm8 =	vgt.f32 v53, $0.0e+00  }
0x599: {  	v1 =	vsel vm8, v53, v1  }
0x59a: {  	v63 =	vld [tilespmem:s20+$0x1E0];
	[tilespmem:s20+$0x1D0] =	vst v1  }
0x59b: {  	v2 =	vld [tilespmem:s5+$0x1E0];
	_ =	sdelay $0x3  }
0x59c: {  	v30 =	vadd.f32 v55, v30  }
0x59d: {  	v53 =	vmul.f32 $1.442695020e+00, v47;
	v1 =	vadd.f32 v2, v63  }
0x59e: {  	(erf) = vpow2.f32 v57;
	v63 =	vmul.f32 $1.442695020e+00, v30  }
0x59f: {  	(erf) = vpow2.f32 v53;
	v57 =	vmul.f32 $1.442695020e+00, v1  }
0x5a0: {  	(erf) = vpow2.f32 v63  }
0x5a1: {  	(erf) = vpow2.f32 v57;
	_ =	sdelay $0x5  }
0x5a2: {  	v53 =	vpop (erf)  }
0x5a3: {  	v55 =	vpop (erf)  }
0x5a4: {  	v57 =	vpop (erf)  }
0x5a5: {  	v63 =	vpop (erf)  }
0x5a6: {  	v2 =	vadd.f32 $-1.000000000e+00, v63  }
0x5a7: {  	vm13 =	vgt.f32 v1, $0.0e+00  }
0x5a8: {  	v1 =	vsel vm13, v1, v2  }
0x5a9: {  	v58 =	vadd.f32 $-1.000000000e+00, v58;
	[tilespmem:s20+$0x1E0] =	vst v1  }
0x5aa: {  	v63 =	vld [tilespmem:$0x1FF00]  }
0x5ab: {  	v1 =	vsel vm6, v51, v58  }
0x5ac: {  	[tilespmem:s20+$0xFFFFFE40] =	vst v1  }
0x5ad: {  	v1 =	vld [tilespmem:$0x1FF10];
	_ =	sdelay $0x1  }
0x5ae: {  	v3 =	vadd.f32 v45, v3;
	v45 =	vld [tilespmem:s5+$0x1F0];
	v2 =	vadd.f32 v43, v63  }
0x5af: {  	v43 =	vld [tilespmem:s20+$0x1F0]  }
0x5b0: {  	v7 =	vadd.f32 v46, v7;
	v4 =	vadd.f32 v41, v4;
	v58 =	vmul.f32 $1.442695020e+00, v2  }
0x5b1: {  	v6 =	vadd.f32 v42, v6;
	v51 =	vld [tilespmem:s5+$0xFFFFFE50];
	v63 =	vmul.f32 $1.442695020e+00, v3;
	v1 =	vadd.f32 v40, v1  }
0x5b2: {  	v49 =	vsel vm7, v49, v56;
	v56 =	vmul.f32 $1.442695020e+00, v7;
	(erf) = vpow2.f32 v58  }
0x5b3: {  	v5 =	vadd.f32 v44, v5;
	v58 =	vmul.f32 $1.442695020e+00, v1;
	(erf) = vpow2.f32 v63  }
0x5b4: {  	v63 =	vmul.f32 $1.442695020e+00, v4;
	v42 =	vadd.f32 v45, v43;
	(erf) = vpow2.f32 v56  }
0x5b5: {  	v0 =	vadd.f32 $-1.000000000e+00, v0;
	[tilespmem:s20+$0xC0] =	vst v54;
	v54 =	vld [tilespmem:s5+$0x50];
	v43 =	vmul.f32 $1.442695020e+00, v6;
	(erf) = vpow2.f32 v58  }
0x5b6: {  	[tilespmem:s20+$0x140] =	vst v49;
	v15 =	vadd.f32 v51, v15;
	v56 =	vmul.f32 $1.442695020e+00, v42;
	v58 =	vld [tilespmem:s5+$0xD0];
	(erf) = vpow2.f32 v63  }
0x5b7: {  	v49 =	vld [tilespmem:s5+$0x150];
	v63 =	vmul.f32 $1.442695020e+00, v5;
	(erf) = vpow2.f32 v43  }
0x5b8: {  	v0 =	vsel vm4, v31, v0;
	v51 =	vmul.f32 $1.442695020e+00, v15;
	(erf) = vpow2.f32 v56  }
0x5b9: {  	[tilespmem:s7+$0xFFFFFF60] =	vst v0;
	(erf) = vpow2.f32 v63  }
0x5ba: {  	[tilespmem:s7+$0xFFFFFE60] =	vst v52;
	v52 =	vld [tilespmem:s8+$0xFFFFFF70];
	v18 =	vadd.f32 v54, v18;
	(erf) = vpow2.f32 v51  }
0x5bb: {  	vm14 =	vgt.f32 v48, $0.0e+00;
	v19 =	vadd.f32 v58, v19;
	v40 =	vpop (erf)  }
0x5bc: {  	vm15 =	vgt.f32 v47, $0.0e+00;
	v20 =	vadd.f32 v49, v20;
	v54 =	vmul.f32 $1.442695020e+00, v18;
	v41 =	vpop (erf)  }
0x5bd: {  	v32 =	vsel vm0, v32, v50;
	vm9 =	vgt.f32 v30, $0.0e+00;
	v56 =	vmul.f32 $1.442695020e+00, v19;
	v43 =	vpop (erf)  }
0x5be: {  	vm0 =	vgt.f32 v2, $0.0e+00;
	v58 =	vmul.f32 $1.442695020e+00, v20;
	v46 =	vpop (erf);
	(erf) = vpow2.f32 v54  }
0x5bf: {  	v11 =	vadd.f32 v52, v11;
	vm10 =	vgt.f32 v15, $0.0e+00;
	v49 =	vpop (erf);
	(erf) = vpow2.f32 v56  }
0x5c0: {  	v54 =	vadd.f32 $-1.000000000e+00, v60;
	v60 =	vadd.f32 $-1.000000000e+00, v53;
	v45 =	vpop (erf);
	(erf) = vpow2.f32 v58  }
0x5c1: {  	vm11 =	vgt.f32 v18, $0.0e+00;
	v51 =	vadd.f32 $-1.000000000e+00, v59;
	v56 =	vadd.f32 $-1.000000000e+00, v61;
	v44 =	vpop (erf)  }
0x5c2: {  	v61 =	vadd.f32 $-1.000000000e+00, v55;
	v58 =	vadd.f32 $-1.000000000e+00, v62;
	v62 =	vsel vm14, v48, v60;
	v50 =	vpop (erf)  }
0x5c3: {  	vm13 =	vgt.f32 v20, $0.0e+00;
	v52 =	vmul.f32 $1.442695020e+00, v11;
	vm4 =	vgt.f32 v11, $0.0e+00;
	[tilespmem:s20+$0xFFFFFED0] =	vst v62;
	v63 =	vpop (erf)  }
0x5c4: {  	v29 =	vsel vm1, v29, v51;
	v55 =	vsel vm15, v47, v61;
	v59 =	vld [tilespmem:s5+$0xFFFFFEE0];
	v31 =	vadd.f32 $-1.000000000e+00, v63  }
0x5c5: {  	vm12 =	vgt.f32 v19, $0.0e+00;
	v38 =	vsel vm3, v38, v54;
	vm14 =	vgt.f32 v3, $0.0e+00;
	[tilespmem:s20+$0xFFFFFF50] =	vst v55  }
0x5c6: {  	v53 =	vadd.f32 $-1.000000000e+00, v49;
	v61 =	vld [tilespmem:s5+$0xFFFFFF60];
	v63 =	vadd.f32 $-1.000000000e+00, v57;
	v15 =	vsel vm10, v15, v31  }
0x5c7: {  	vm15 =	vgt.f32 v7, $0.0e+00;
	v55 =	vadd.f32 $-1.000000000e+00, v44;
	v31 =	vsel vm5, v39, v56;
	v54 =	vpop (erf);
	[tilespmem:s20+$0xFFFFFE50] =	vst v15  }
0x5c8: {  	v30 =	vsel vm9, v30, v63;
	v15 =	vsel vm2, v37, v58;
	v56 =	vadd.f32 $-1.000000000e+00, v54;
	v57 =	vpop (erf);
	v58 =	vld [tilespmem:s5+$0xFFFFFE60]  }
0x5c9: {  	[tilespmem:s7+$0xFFFFFFE0] =	vst v29;
	vm10 =	vgt.f32 v42, $0.0e+00;
	v22 =	vadd.f32 v59, v22;
	v47 =	vadd.f32 $-1.000000000e+00, v57;
	v60 =	vpop (erf)  }
0x5ca: {  	[tilespmem:s20+$0xFFFFFFD0] =	vst v30;
	v30 =	vsel vm10, v42, v55;
	v55 =	vld [tilespmem:s8+$0xFFFFFFF0];
	v48 =	vadd.f32 $-1.000000000e+00, v60;
	v18 =	vsel vm11, v18, v56  }
0x5cb: {  	vm9 =	vgt.f32 v1, $0.0e+00;
	v62 =	vld [tilespmem:s5+$0xFFFFFFE0];
	v21 =	vadd.f32 v61, v21;
	v19 =	vsel vm12, v19, v47;
	[tilespmem:s20+$0x50] =	vst v18  }
0x5cc: {  	v61 =	vadd.f32 $-1.000000000e+00, v45;
	v56 =	vmul.f32 $1.442695020e+00, v22;
	v20 =	vsel vm13, v20, v48;
	v63 =	vld [tilespmem:s5+$0x60];
	[tilespmem:s20+$0xD0] =	vst v19  }
0x5cd: {  	v57 =	vmul.f32 $1.442695020e+00, v21;
	vm11 =	vgt.f32 v4, $0.0e+00;
	v16 =	vadd.f32 v58, v16;
	v48 =	vld [tilespmem:s5+$0xE0];
	[tilespmem:s20+$0x150] =	vst v20  }
0x5ce: {  	v18 =	vadd.f32 $-1.000000000e+00, v40;
	v40 =	vadd.f32 $-1.000000000e+00, v41;
	vm12 =	vgt.f32 v6, $0.0e+00;
	v51 =	vld [tilespmem:s5+$0x160]  }
0x5cf: {  	v4 =	vsel vm11, v4, v53;
	v19 =	vadd.f32 $-1.000000000e+00, v43;
	v54 =	vmul.f32 $1.442695020e+00, v16  }
0x5d0: {  	vm13 =	vgt.f32 v5, $0.0e+00;
	v6 =	vsel vm12, v6, v61;
	v25 =	vadd.f32 v62, v25  }
0x5d1: {  	v14 =	vadd.f32 v55, v14;
	(erf) = vpow2.f32 v54;
	v17 =	vadd.f32 v63, v17  }
0x5d2: {  	v58 =	vmul.f32 $1.442695020e+00, v25;
	v23 =	vadd.f32 v48, v23;
	(erf) = vpow2.f32 v56  }
0x5d3: {  	v62 =	vld [tilespmem:s8+$0xFFFFFE70];
	v24 =	vadd.f32 v51, v24;
	v59 =	vmul.f32 $1.442695020e+00, v17;
	(erf) = vpow2.f32 v57  }
0x5d4: {  	v20 =	vadd.f32 $-1.000000000e+00, v46;
	v60 =	vmul.f32 $1.442695020e+00, v23;
	(erf) = vpow2.f32 v58  }
0x5d5: {  	v2 =	vsel vm0, v2, v18;
	v63 =	vmul.f32 $1.442695020e+00, v24;
	(erf) = vpow2.f32 v59  }
0x5d6: {  	[tilespmem:s7+$0xFFFFFEE0] =	vst v32;
	v3 =	vsel vm14, v3, v40;
	v7 =	vsel vm15, v7, v19;
	(erf) = vpow2.f32 v60  }
0x5d7: {  	[tilespmem:s7+$0x60] =	vst v38;
	vm15 =	vgt.f32 v22, $0.0e+00;
	v48 =	vadd.f32 $-1.000000000e+00, v50;
	v50 =	vld [tilespmem:s8+$0xFFFFFEF0];
	(erf) = vpow2.f32 v63  }
0x5d8: {  	v55 =	vmul.f32 $1.442695020e+00, v14;
	v1 =	vsel vm9, v1, v20;
	v8 =	vadd.f32 v62, v8;
	v57 =	vld [tilespmem:s8+$0x70]  }
0x5d9: {  	[tilespmem:s7+$0xE0] =	vst v31;
	vm14 =	vgt.f32 v16, $0.0e+00;
	vm9 =	vgt.f32 v21, $0.0e+00;
	vm10 =	vgt.f32 v25, $0.0e+00  }
0x5da: {  	[tilespmem:s7+$0x160] =	vst v15;
	vm11 =	vgt.f32 v17, $0.0e+00;
	v0 =	vsel vm13, v5, v48;
	v54 =	vmul.f32 $1.442695020e+00, v8;
	v59 =	vld [tilespmem:s8+$0xF0];
	v49 =	vpop (erf)  }
0x5db: {  	vm12 =	vgt.f32 v23, $0.0e+00;
	vm13 =	vgt.f32 v24, $0.0e+00;
	v63 =	vld [tilespmem:s8+$0x170];
	v18 =	vadd.f32 $-1.000000000e+00, v49;
	v51 =	vpop (erf)  }
0x5dc: {  	v5 =	vadd.f32 v50, v9;
	(erf) = vpow2.f32 v54;
	v19 =	vadd.f32 $-1.000000000e+00, v51;
	v53 =	vpop (erf)  }
0x5dd: {  	v10 =	vadd.f32 v57, v10;
	v56 =	vpop (erf);
	v16 =	vsel vm14, v16, v18;
	v60 =	vadd.f32 $-1.000000000e+00, v53  }
0x5de: {  	v50 =	vmul.f32 $1.442695020e+00, v5;
	v58 =	vpop (erf);
	v62 =	vadd.f32 $-1.000000000e+00, v56;
	v19 =	vsel vm15, v22, v19;
	[tilespmem:s20+$0xFFFFFE60] =	vst v16  }
0x5df: {  	v12 =	vadd.f32 v59, v12;
	v61 =	vpop (erf);
	v39 =	vadd.f32 $-1.000000000e+00, v58;
	v18 =	vsel vm9, v21, v60;
	[tilespmem:s20+$0xFFFFFEE0] =	vst v19;
	v51 =	vld [tilespmem:s5+$0xFFFFFE70]  }
0x5e0: {  	v54 =	vadd.f32 v63, v13;
	v44 =	vpop (erf);
	v45 =	vadd.f32 $-1.000000000e+00, v61;
	v47 =	vsel vm10, v25, v62;
	[tilespmem:s20+$0xFFFFFF60] =	vst v18;
	v53 =	vld [tilespmem:s5+$0xFFFFFEF0]  }
0x5e1: {  	v59 =	vmul.f32 $1.442695020e+00, v12;
	v46 =	vadd.f32 $-1.000000000e+00, v44;
	v48 =	vsel vm11, v17, v39;
	[tilespmem:s20+$0xFFFFFFE0] =	vst v47;
	v56 =	vld [tilespmem:s5+$0xFFFFFF70]  }
0x5e2: {  	vm14 =	vgt.f32 v8, $0.0e+00;
	(erf) = vpow2.f32 v50;
	v49 =	vsel vm12, v23, v45;
	[tilespmem:s20+$0x60] =	vst v48;
	v60 =	vld [tilespmem:s5+$0xFFFFFFF0]  }
0x5e3: {  	v58 =	vmul.f32 $1.442695020e+00, v10;
	(erf) = vpow2.f32 v52;
	v57 =	vsel vm13, v24, v46;
	[tilespmem:s20+$0xE0] =	vst v49;
	v63 =	vld [tilespmem:s5+$0x70]  }
0x5e4: {  	vm15 =	vgt.f32 v5, $0.0e+00;
	(erf) = vpow2.f32 v55;
	[tilespmem:s20+$0x160] =	vst v57;
	v29 =	vld [tilespmem:s5+$0xF0];
	v20 =	vadd.f32 v51, v27  }
0x5e5: {  	v61 =	vmul.f32 $1.442695020e+00, v54;
	(erf) = vpow2.f32 v58;
	v31 =	vld [tilespmem:s5+$0x170];
	v18 =	vadd.f32 v53, v26  }
0x5e6: {  	[tilespmem:s20+$0x1F0] =	vst v30;
	(erf) = vpow2.f32 v59;
	v19 =	vadd.f32 v56, v36;
	v32 =	vmul.f32 $1.442695020e+00, v20  }
0x5e7: {  	[tilespmem:s28+$0x70] =	vst v4;
	(erf) = vpow2.f32 v61;
	v35 =	vadd.f32 v60, v35;
	v36 =	vmul.f32 $1.442695020e+00, v18  }
0x5e8: {  	[tilespmem:s28+$0xF0] =	vst v6;
	v37 =	vadd.f32 v63, v33;
	v38 =	vmul.f32 $1.442695020e+00, v19;
	(erf) = vpow2.f32 v32  }
0x5e9: {  	[tilespmem:s28+$0xFFFFFE70] =	vst v2;
	v62 =	vpop (erf);
	v39 =	vadd.f32 v29, v34;
	v40 =	vmul.f32 $1.442695020e+00, v35;
	(erf) = vpow2.f32 v36  }
0x5ea: {  	[tilespmem:s28+$0xFFFFFEF0] =	vst v3;
	v16 =	vadd.f32 v31, v28;
	v42 =	vmul.f32 $1.442695020e+00, v37;
	(erf) = vpow2.f32 v38  }
0x5eb: {  	[tilespmem:s28+$0xFFFFFF70] =	vst v7;
	v25 =	vadd.f32 $-1.000000000e+00, v62;
	v41 =	vpop (erf);
	v43 =	vmul.f32 $1.442695020e+00, v39;
	(erf) = vpow2.f32 v40  }
0x5ec: {  	[tilespmem:s28+$0xFFFFFFF0] =	vst v1;
	v1 =	vadd.f32 $-1.000000000e+00, v41;
	v44 =	vpop (erf);
	v45 =	vmul.f32 $1.442695020e+00, v16;
	(erf) = vpow2.f32 v42  }
0x5ed: {  	[tilespmem:s28+$0x170] =	vst v0;
	v8 =	vsel vm14, v8, v25;
	v46 =	vpop (erf);
	v6 =	vadd.f32 $-1.000000000e+00, v44;
	(erf) = vpow2.f32 v43  }
0x5ee: {  	[tilespmem:s7+$0xFFFFFE70] =	vst v8;
	v47 =	vpop (erf);
	v0 =	vadd.f32 $-1.000000000e+00, v46;
	v1 =	vsel vm15, v5, v1;
	(erf) = vpow2.f32 v45  }
0x5ef: {  	vm5 =	vgt.f32 v14, $0.0e+00;
	v48 =	vpop (erf);
	v4 =	vadd.f32 $-1.000000000e+00, v47;
	v6 =	vsel vm4, v11, v6;
	[tilespmem:s7+$0xFFFFFEF0] =	vst v1  }
0x5f0: {  	vm6 =	vgt.f32 v10, $0.0e+00;
	v49 =	vpop (erf);
	v5 =	vadd.f32 $-1.000000000e+00, v48;
	v0 =	vsel vm5, v14, v0;
	[tilespmem:s7+$0xFFFFFF70] =	vst v6  }
0x5f1: {  	vm7 =	vgt.f32 v12, $0.0e+00;
	v1 =	vadd.f32 $-1.000000000e+00, v49;
	v4 =	vsel vm6, v10, v4;
	[tilespmem:s7+$0xFFFFFFF0] =	vst v0;
	v50 =	vpop (erf)  }
0x5f2: {  	vm8 =	vgt.f32 v54, $0.0e+00;
	v51 =	vsel vm7, v12, v5;
	[tilespmem:s7+$0x70] =	vst v4;
	v52 =	vadd.f32 $-1.000000000e+00, v50;
	v53 =	vpop (erf)  }
0x5f3: {  	vm9 =	vgt.f32 v20, $0.0e+00;
	[tilespmem:s7+$0xF0] =	vst v51;
	v54 =	vsel vm8, v54, v1;
	v55 =	vpop (erf);
	v5 =	vadd.f32 $-1.000000000e+00, v53  }
0x5f4: {  	vm10 =	vgt.f32 v18, $0.0e+00;
	[tilespmem:s7+$0x170] =	vst v54;
	v56 =	vpop (erf);
	v1 =	vadd.f32 $-1.000000000e+00, v55;
	v4 =	vsel vm9, v20, v52  }
0x5f5: {  	vm11 =	vgt.f32 v19, $0.0e+00;
	v57 =	vpop (erf);
	v0 =	vadd.f32 $-1.000000000e+00, v56;
	v5 =	vsel vm10, v18, v5;
	[tilespmem:s20+$0xFFFFFE70] =	vst v4  }
0x5f6: {  	vm12 =	vgt.f32 v35, $0.0e+00;
	v58 =	vpop (erf);
	v6 =	vadd.f32 $-1.000000000e+00, v57;
	v1 =	vsel vm11, v19, v1;
	[tilespmem:s20+$0xFFFFFEF0] =	vst v5  }
0x5f7: {  	vm13 =	vgt.f32 v37, $0.0e+00;
	v4 =	vadd.f32 $-1.000000000e+00, v58;
	v59 =	vpop (erf);
	v0 =	vsel vm12, v35, v0;
	[tilespmem:s20+$0xFFFFFF70] =	vst v1  }
0x5f8: {  	vm14 =	vgt.f32 v39, $0.0e+00;
	v60 =	vadd.f32 $-1.000000000e+00, v59;
	v61 =	vsel vm13, v37, v6;
	[tilespmem:s20+$0xFFFFFFF0] =	vst v0  }
0x5f9: {  	vm15 =	vgt.f32 v16, $0.0e+00;
	v62 =	vsel vm14, v39, v4;
	[tilespmem:s20+$0x70] =	vst v61  }
0x5fa: {  	[tilespmem:s20+$0xF0] =	vst v62;
	v63 =	vsel vm15, v16, v60  }
0x5fb: {  	[tilespmem:s20+$0x170] =	vst v63  }
0x5fc: {  	s7 =	sld [smem:$0x7EE]  }
0x5fd: {  	s26 =	smin.u32 s26, $0x7A  }
0x5fe: {  	[spmem:s14] =	stream.indirect.scatter.add.f32 [tilespmem:s4], [sflag:$0x5], $0x80, s1, s29, $0xb8;
	[tilespmem:$0x1E200] =	vst v63  }
0x5ff: {  	s24 =	sadd.s32 $0x1, s24;
	s5 =	sadd.s32 s26, s7  }
0x600: {  	p0 =	sne.s32 s24, $0x3F;
	_ =	swait.ge [sflag:s31], $0x2800;
	s5 =	smul.u32 $0xA, s5  }
.Ltmp2:
0x601: {  	[sflag:s31] =	ssyncset.done $0x0;
	(pc) =	sbr.rel @p0 .LBB2_2-.Ltmp2, $4  }
0x602: {  	[sflag:s31] =	ssyncadd.s32 $0xFFFFD800;
	s28 =	sadd.s32 s22, s5  }
0x603: {  	[tilespmem:s30], [sflag:$0x2] =	stream.linear.gather [hbm4b:s28+s11], $0x50, $0x38;
	[tilespmem:$0x1E200] =	vst v63  }
0x604: {  	s5 =	sadd.s32 s13, s5  }
0x605: {  	[tilespmem:s1], [sflag:$0x2] =	stream.linear.gather [hbm4b:s5+s11], $0x50, $0x38;
	[tilespmem:$0x1E200] =	vst v63  }
0x606: {  	_ =	swait.ge [sflag:s2], $0x2800  }
0x607: {  	[sflag:s2] =	ssyncset.done $0x0  }
0x608: {  	[sflag:s2] =	ssyncadd.s32 $0xFFFFD800  }
0x609: {  	_ =	swait.ge [sflag:s2], $0x2800  }
0x60a: {  	[sflag:s2] =	ssyncset.done $0x0  }
0x60b: {  	[sflag:s2] =	ssyncadd.s32 $0xFFFFD800  }
0x60c: {  	_ =	swait.ge [sflag:s3], $0x50  }
0x60d: {  	[sflag:s3] =	ssyncset.done $0x0  }
0x60e: {  	[sflag:s3] =	ssyncadd.s32 $0xFFFFFFB0  }
0x60f: {  	_ =	swait.ge [sflag:s3], $0x50  }
0x610: {  	[sflag:s3] =	ssyncset.done $0x0  }
0x611: {  	[sflag:s3] =	ssyncadd.s32 $0xFFFFFFB0  }
0x612: {  	[bflag:$0x0] =	sbarrier.arrive $0xFFFF  }
0x613: {  	s7 =	sld [smem:$0x7DF];
	_ =	sdelay $0x1  }
0x614: {  	s5 =	rddreg [dreg:$0xc]  }
0x615: {  	[hbm:s5], [sflag:s25] =	dma.local [spmem:s7], $0x500  }
0x616: {  	_ =	swait.ge [sflag:s31], $0x500  }
0x617: {  	[sflag:s31] =	ssyncset.done $0x0  }
0x618: {  	s24 =	rddreg [dreg:$0x4];
	[sflag:s31] =	ssyncadd.s32 $0xFFFFFB00  }
0x619: {  	[spmem:s7], [sflag:s25] =	dma.local [hbm:s24], $0x500  }
0x61a: {  	_ =	swait.ge [sflag:s31], $0x500  }
0x61b: {  	s20 =	sld [smem:$0x7E0]  }
0x61c: {  	[sflag:s31] =	ssyncset.done $0x0  }
0x61d: {  	s9 =	rddreg [dreg:$0xd];
	[sflag:s31] =	ssyncadd.s32 $0xFFFFFB00  }
0x61e: {  	[hbm:s9], [sflag:s25] =	dma.local [spmem:s20], $0x500  }
0x61f: {  	_ =	swait.ge [sflag:s31], $0x500  }
0x620: {  	[sflag:s31] =	ssyncset.done $0x0  }
0x621: {  	s26 =	rddreg [dreg:$0x5];
	[sflag:s31] =	ssyncadd.s32 $0xFFFFFB00  }
0x622: {  	[spmem:s20], [sflag:s25] =	dma.local [hbm:s26], $0x500  }
0x623: {  	_ =	swait.ge [sflag:s31], $0x500  }
0x624: {  	s23 =	sld [smem:$0x7E1]  }
0x625: {  	[sflag:s31] =	ssyncset.done $0x0  }
0x626: {  	s21 =	rddreg [dreg:$0xe];
	[sflag:s31] =	ssyncadd.s32 $0xFFFFFB00  }
0x627: {  	[hbm:s21], [sflag:s25] =	dma.local [spmem:s23], $0x500  }
0x628: {  	_ =	swait.ge [sflag:s31], $0x500  }
0x629: {  	[sflag:s31] =	ssyncset.done $0x0  }
0x62a: {  	s28 =	rddreg [dreg:$0x6];
	[sflag:s31] =	ssyncadd.s32 $0xFFFFFB00  }
0x62b: {  	[spmem:s23], [sflag:s25] =	dma.local [hbm:s28], $0x500  }
0x62c: {  	_ =	swait.ge [sflag:s31], $0x500  }
0x62d: {  	s9 =	sld [smem:$0x7E2]  }
0x62e: {  	[sflag:s31] =	ssyncset.done $0x0  }
0x62f: {  	s8 =	rddreg [dreg:$0xf];
	[sflag:s31] =	ssyncadd.s32 $0xFFFFFB00  }
0x630: {  	[hbm:s8], [sflag:s25] =	dma.local [spmem:s9], $0x500  }
0x631: {  	_ =	swait.ge [sflag:s31], $0x500  }
0x632: {  	[sflag:s31] =	ssyncset.done $0x0  }
0x633: {  	s20 =	rddreg [dreg:$0x7];
	[sflag:s31] =	ssyncadd.s32 $0xFFFFFB00  }
0x634: {  	[spmem:s9], [sflag:s25] =	dma.local [hbm:s20], $0x500  }
0x635: {  	_ =	swait.ge [sflag:s31], $0x500  }
0x636: {  	s23 =	sld [smem:$0x7E3]  }
0x637: {  	[sflag:s31] =	ssyncset.done $0x0  }
0x638: {  	s21 =	rddreg [dreg:$0x10];
	[sflag:s31] =	ssyncadd.s32 $0xFFFFFB00  }
0x639: {  	[hbm:s21], [sflag:s25] =	dma.local [spmem:s23], $0x500  }
0x63a: {  	_ =	swait.ge [sflag:s31], $0x500  }
0x63b: {  	[sflag:s31] =	ssyncset.done $0x0  }
0x63c: {  	s21 =	rddreg [dreg:$0x8];
	[sflag:s31] =	ssyncadd.s32 $0xFFFFFB00  }
0x63d: {  	[spmem:s23], [sflag:s25] =	dma.local [hbm:s21], $0x500  }
0x63e: {  	_ =	swait.ge [sflag:s31], $0x500  }
0x63f: {  	s9 =	sld [smem:$0x7E4]  }
0x640: {  	[sflag:s31] =	ssyncset.done $0x0  }
0x641: {  	s8 =	rddreg [dreg:$0x11];
	[sflag:s31] =	ssyncadd.s32 $0xFFFFFB00  }
0x642: {  	[hbm:s8], [sflag:s25] =	dma.local [spmem:s9], $0x500  }
0x643: {  	_ =	swait.ge [sflag:s31], $0x500  }
0x644: {  	[sflag:s31] =	ssyncset.done $0x0  }
0x645: {  	s23 =	rddreg [dreg:$0x9];
	[sflag:s31] =	ssyncadd.s32 $0xFFFFFB00  }
0x646: {  	[spmem:s9], [sflag:s25] =	dma.local [hbm:s23], $0x500  }
0x647: {  	_ =	swait.ge [sflag:s31], $0x500  }
0x648: {  	s8 =	sld [smem:$0x7E5]  }
0x649: {  	[sflag:s31] =	ssyncset.done $0x0  }
0x64a: {  	s7 =	rddreg [dreg:$0x12];
	[sflag:s31] =	ssyncadd.s32 $0xFFFFFB00  }
0x64b: {  	[hbm:s7], [sflag:s25] =	dma.local [spmem:s8], $0x500  }
0x64c: {  	_ =	swait.ge [sflag:s31], $0x500  }
0x64d: {  	[sflag:s31] =	ssyncset.done $0x0  }
0x64e: {  	s9 =	rddreg [dreg:$0xa];
	[sflag:s31] =	ssyncadd.s32 $0xFFFFFB00  }
0x64f: {  	[spmem:s8], [sflag:s25] =	dma.local [hbm:s9], $0x500  }
0x650: {  	_ =	swait.ge [sflag:s31], $0x500  }
0x651: {  	s9 =	sld [smem:$0x7E6]  }
0x652: {  	[sflag:s31] =	ssyncset.done $0x0  }
0x653: {  	s8 =	rddreg [dreg:$0x13];
	[sflag:s31] =	ssyncadd.s32 $0xFFFFFB00  }
0x654: {  	[hbm:s8], [sflag:s25] =	dma.local [spmem:s9], $0x500  }
0x655: {  	_ =	swait.ge [sflag:s31], $0x500  }
0x656: {  	[sflag:s31] =	ssyncset.done $0x0  }
0x657: {  	s8 =	rddreg [dreg:$0xb];
	[sflag:s31] =	ssyncadd.s32 $0xFFFFFB00  }
0x658: {  	[spmem:s9], [sflag:s25] =	dma.local [hbm:s8], $0x500  }
0x659: {  	_ =	swait.ge [sflag:s31], $0x500  }
0x65a: {  	[sflag:s31] =	ssyncset.done $0x0  }
0x65b: {  	[sflag:s31] =	ssyncadd.s32 $0xFFFFFB00  }
0x65c: {  	[bflag:$0x0] =	sbarrier.arrive $0xFFFF  }
0x65d: {  	s9 =	sld [smem:$0x7F8];
	_ =	sdelay $0x1  }
0x65e: {  	s5 =	simm.s32 $0x0;
	s8 =	sld [smem:$0x7F9]  }
0x65f: {  	[tilespmem:s5], [sflag:$0x1] =	stream.linear.gather [hbm4b:s9+s5], $0x50, $0x38;
	[tilespmem:$0x1E200] =	vst v63  }
0x660: {  	_ = 	snop  }
0x661: {  	[tilespmem:s0], [sflag:$0x1] =	stream.linear.gather [hbm4b:s8+s5], $0x50, $0x38;
	[tilespmem:$0x1E200] =	vst v63  }
0x662: {  	_ =	swait.ge [sflag:s10], $0x50  }
0x663: {  	[sflag:s10] =	ssyncset.done $0x0  }
0x664: {  	[sflag:s10] =	ssyncadd.s32 $0xFFFFFFB0  }
0x665: {  	_ =	swait.ge [sflag:s10], $0x50  }
0x666: {  	[sflag:s10] =	ssyncset.done $0x0  }
0x667: {  	s9 =	sld [smem:$0x7EB];
	[sflag:s10] =	ssyncadd.s32 $0xFFFFFFB0  }
0x668: {  	[tilespmem:s19], [sflag:$0x3] =	stream.indirect.gather [hbm4b:s18+s29], $0x80, s5, s29, $0xb8;
	[tilespmem:$0x1E200] =	vst v63  }
0x669: {  	s8 =	sld [smem:$0x7EC]  }
0x66a: {  	[tilespmem:s30], [sflag:$0x2] =	stream.linear.gather [hbm4b:s9+s5], $0x50, $0x38;
	[tilespmem:$0x1E200] =	vst v63  }
0x66b: {  	_ = 	snop  }
0x66c: {  	[tilespmem:s1], [sflag:$0x2] =	stream.linear.gather [hbm4b:s8+s5], $0x50, $0x38;
	[tilespmem:$0x1E200] =	vst v63  }
0x66d: {  	_ =	swait.ge [sflag:s2], $0x2800  }
0x66e: {  	[sflag:s2] =	ssyncset.done $0x0  }
0x66f: {  	[sflag:s2] =	ssyncadd.s32 $0xFFFFD800  }
0x670: {  	_ =	swait.ge [sflag:s3], $0x50  }
0x671: {  	[sflag:s3] =	ssyncset.done $0x0  }
0x672: {  	[sflag:s3] =	ssyncadd.s32 $0xFFFFFFB0  }
0x673: {  	_ =	swait.ge [sflag:s3], $0x50  }
0x674: {  	[sflag:s3] =	ssyncset.done $0x0  }
0x675: {  	[sflag:s3] =	ssyncadd.s32 $0xFFFFFFB0  }
0x676: {  	[tilespmem:s4], [sflag:$0x4] =	stream.indirect.gather [hbm4b:s18+s29], $0x80, s30, s29, $0xb8;
	[tilespmem:$0x1E200] =	vst v63  }
0x677: {  	_ = 	snop  }
0x678: {  	[spmem:s14] =	stream.indirect.scatter.add.f32 [tilespmem:s19], [sflag:$0x5], $0x80, s0, s29, $0xb8;
	[tilespmem:$0x1E200] =	vst v63  }
0x679: {  	_ =	swait.ge [sflag:s31], $0x2800  }
0x67a: {  	s5 =	sadd.s32 $0x0, s12;
	[sflag:s31] =	ssyncset.done $0x0  }
0x67b: {  	s8 =	sadd.s32 $0x0, s15;
	s9 =	sadd.s32 $0x14, s5;
	[sflag:s31] =	ssyncadd.s32 $0xFFFFD800  }
0x67c: {  	[tilespmem:s11], [sflag:$0x1] =	stream.linear.gather [hbm4b:s9+s11], $0x50, $0x38;
	[tilespmem:$0x1E200] =	vst v63  }
0x67d: {  	s9 =	sadd.s32 $0x14, s8  }
0x67e: {  	[tilespmem:s0], [sflag:$0x1] =	stream.linear.gather [hbm4b:s9+s11], $0x50, $0x38;
	[tilespmem:$0x1E200] =	vst v63  }
0x67f: {  	_ =	swait.ge [sflag:s6], $0x2800  }
0x680: {  	[sflag:s6] =	ssyncset.done $0x0  }
0x681: {  	[sflag:s6] =	ssyncadd.s32 $0xFFFFD800  }
0x682: {  	_ =	swait.ge [sflag:s10], $0x50  }
0x683: {  	[sflag:s10] =	ssyncset.done $0x0  }
0x684: {  	[sflag:s10] =	ssyncadd.s32 $0xFFFFFFB0  }
0x685: {  	_ =	swait.ge [sflag:s10], $0x50  }
0x686: {  	[sflag:s10] =	ssyncset.done $0x0  }
0x687: {  	[sflag:s10] =	ssyncadd.s32 $0xFFFFFFB0  }
0x688: {  	[tilespmem:s19], [sflag:$0x3] =	stream.indirect.gather [hbm4b:s18+s29], $0x80, s11, s29, $0xb8;
	[tilespmem:$0x1E200] =	vst v63  }
0x689: {  	_ = 	snop  }
0x68a: {  	[spmem:s14] =	stream.indirect.scatter.add.f32 [tilespmem:s4], [sflag:$0x5], $0x80, s1, s29, $0xb8;
	[tilespmem:$0x1E200] =	vst v63  }
0x68b: {  	_ =	swait.ge [sflag:s31], $0x2800  }
0x68c: {  	[sflag:s31] =	ssyncset.done $0x0  }
0x68d: {  	s5 =	sadd.s32 $0x1E, s5;
	[sflag:s31] =	ssyncadd.s32 $0xFFFFD800  }
0x68e: {  	[tilespmem:s30], [sflag:$0x2] =	stream.linear.gather [hbm4b:s5+s11], $0x50, $0x38;
	[tilespmem:$0x1E200] =	vst v63  }
0x68f: {  	s7 =	sadd.s32 $0x1E, s8;
	s5 =	simm.s32 $0x14  }
.LBB2_8:
0x690: {  	[tilespmem:s1], [sflag:$0x2] =	stream.linear.gather [hbm4b:s7+s11], $0x50, $0x38;
	[tilespmem:$0x1E200] =	vst v63  }
0x691: {  	s7 =	smov.u32 s5  }
0x692: {  	p0 =	sne.s32 s5, $0x4B0;
	s5 =	sadd.s32 $0x14, s5;
	_ =	swait.ge [sflag:s2], $0x2800  }
0x693: {  	[sflag:s2] =	ssyncset.done $0x0  }
0x694: {  	[sflag:s2] =	ssyncadd.s32 $0xFFFFD800  }
0x695: {  	_ =	swait.ge [sflag:s3], $0x50  }
0x696: {  	[sflag:s3] =	ssyncset.done $0x0  }
0x697: {  	[sflag:s3] =	ssyncadd.s32 $0xFFFFFFB0  }
0x698: {  	_ =	swait.ge [sflag:s3], $0x50  }
0x699: {  	[sflag:s3] =	ssyncset.done $0x0  }
0x69a: {  	[sflag:s3] =	ssyncadd.s32 $0xFFFFFFB0  }
0x69b: {  	[tilespmem:s4], [sflag:$0x4] =	stream.indirect.gather [hbm4b:s18+s29], $0x80, s30, s29, $0xb8;
	[tilespmem:$0x1E200] =	vst v63  }
0x69c: {  	_ = 	snop  }
0x69d: {  	[spmem:s14] =	stream.indirect.scatter.add.f32 [tilespmem:s19], [sflag:$0x5], $0x80, s0, s29, $0xb8;
	[tilespmem:$0x1E200] =	vst v63  }
0x69e: {  	_ =	swait.ge [sflag:s31], $0x2800  }
0x69f: {  	s8 =	sadd.s32 s7, s12;
	[sflag:s31] =	ssyncset.done $0x0  }
0x6a0: {  	s7 =	sadd.s32 s7, s15;
	s9 =	sadd.s32 $0x14, s8;
	[sflag:s31] =	ssyncadd.s32 $0xFFFFD800  }
0x6a1: {  	[tilespmem:s11], [sflag:$0x1] =	stream.linear.gather [hbm4b:s9+s11], $0x50, $0x38;
	[tilespmem:$0x1E200] =	vst v63  }
0x6a2: {  	s9 =	sadd.s32 $0x14, s7  }
0x6a3: {  	[tilespmem:s0], [sflag:$0x1] =	stream.linear.gather [hbm4b:s9+s11], $0x50, $0x38;
	[tilespmem:$0x1E200] =	vst v63  }
0x6a4: {  	_ =	swait.ge [sflag:s6], $0x2800  }
0x6a5: {  	[sflag:s6] =	ssyncset.done $0x0  }
0x6a6: {  	[sflag:s6] =	ssyncadd.s32 $0xFFFFD800  }
0x6a7: {  	_ =	swait.ge [sflag:s10], $0x50  }
0x6a8: {  	[sflag:s10] =	ssyncset.done $0x0  }
0x6a9: {  	[sflag:s10] =	ssyncadd.s32 $0xFFFFFFB0  }
0x6aa: {  	_ =	swait.ge [sflag:s10], $0x50  }
0x6ab: {  	[sflag:s10] =	ssyncset.done $0x0  }
0x6ac: {  	[sflag:s10] =	ssyncadd.s32 $0xFFFFFFB0  }
0x6ad: {  	[tilespmem:s19], [sflag:$0x3] =	stream.indirect.gather [hbm4b:s18+s29], $0x80, s11, s29, $0xb8;
	[tilespmem:$0x1E200] =	vst v63  }
0x6ae: {  	_ = 	snop  }
0x6af: {  	[spmem:s14] =	stream.indirect.scatter.add.f32 [tilespmem:s4], [sflag:$0x5], $0x80, s1, s29, $0xb8;
	[tilespmem:$0x1E200] =	vst v63  }
.Ltmp3:
0x6b0: {  	_ =	swait.ge [sflag:s31], $0x2800;
	(pc) =	sbr.rel @p0 .LBB2_8-.Ltmp3, $4  }
0x6b1: {  	[sflag:s31] =	ssyncset.done $0x0  }
0x6b2: {  	s8 =	sadd.s32 $0x1E, s8;
	[sflag:s31] =	ssyncadd.s32 $0xFFFFD800  }
0x6b3: {  	[tilespmem:s30], [sflag:$0x2] =	stream.linear.gather [hbm4b:s8+s11], $0x50, $0x38;
	[tilespmem:$0x1E200] =	vst v63  }
0x6b4: {  	s7 =	sadd.s32 $0x1E, s7  }
0x6b5: {  	[tilespmem:s1], [sflag:$0x2] =	stream.linear.gather [hbm4b:s7+s11], $0x50, $0x38;
	[tilespmem:$0x1E200] =	vst v63  }
0x6b6: {  	_ =	swait.ge [sflag:s2], $0x2800  }
0x6b7: {  	[sflag:s2] =	ssyncset.done $0x0  }
0x6b8: {  	[sflag:s2] =	ssyncadd.s32 $0xFFFFD800  }
0x6b9: {  	_ =	swait.ge [sflag:s3], $0x50  }
0x6ba: {  	[sflag:s3] =	ssyncset.done $0x0  }
0x6bb: {  	[sflag:s3] =	ssyncadd.s32 $0xFFFFFFB0  }
0x6bc: {  	_ =	swait.ge [sflag:s3], $0x50  }
0x6bd: {  	[sflag:s3] =	ssyncset.done $0x0  }
0x6be: {  	[sflag:s3] =	ssyncadd.s32 $0xFFFFFFB0  }
0x6bf: {  	[tilespmem:s4], [sflag:$0x4] =	stream.indirect.gather [hbm4b:s18+s29], $0x80, s30, s29, $0xb8;
	[tilespmem:$0x1E200] =	vst v63  }
0x6c0: {  	_ = 	snop  }
0x6c1: {  	[spmem:s14] =	stream.indirect.scatter.add.f32 [tilespmem:s19], [sflag:$0x5], $0x80, s0, s29, $0xb8;
	[tilespmem:$0x1E200] =	vst v63  }
0x6c2: {  	_ =	swait.ge [sflag:s31], $0x2800  }
0x6c3: {  	s8 =	sld [smem:$0x7FB]  }
0x6c4: {  	[sflag:s31] =	ssyncset.done $0x0  }
0x6c5: {  	s5 =	simm.s32 $0x0;
	s9 =	sld [smem:$0x7FC];
	[sflag:s31] =	ssyncadd.s32 $0xFFFFD800  }
0x6c6: {  	[tilespmem:s5], [sflag:$0x1] =	stream.linear.gather [hbm4b:s8+s5], $0x50, $0x38;
	[tilespmem:$0x1E200] =	vst v63  }
0x6c7: {  	_ = 	snop  }
0x6c8: {  	[tilespmem:s0], [sflag:$0x1] =	stream.linear.gather [hbm4b:s9+s5], $0x50, $0x38;
	[tilespmem:$0x1E200] =	vst v63  }
0x6c9: {  	_ =	swait.ge [sflag:s6], $0x2800  }
0x6ca: {  	[sflag:s6] =	ssyncset.done $0x0  }
0x6cb: {  	[sflag:s6] =	ssyncadd.s32 $0xFFFFD800  }
0x6cc: {  	_ =	swait.ge [sflag:s10], $0x50  }
0x6cd: {  	[sflag:s10] =	ssyncset.done $0x0  }
0x6ce: {  	[sflag:s10] =	ssyncadd.s32 $0xFFFFFFB0  }
0x6cf: {  	_ =	swait.ge [sflag:s10], $0x50  }
0x6d0: {  	[sflag:s10] =	ssyncset.done $0x0  }
0x6d1: {  	[sflag:s10] =	ssyncadd.s32 $0xFFFFFFB0  }
0x6d2: {  	[tilespmem:s19], [sflag:$0x3] =	stream.indirect.gather [hbm4b:s18+s29], $0x80, s5, s29, $0xb8;
	[tilespmem:$0x1E200] =	vst v63  }
0x6d3: {  	_ = 	snop  }
0x6d4: {  	[spmem:s14] =	stream.indirect.scatter.add.f32 [tilespmem:s4], [sflag:$0x5], $0x80, s1, s29, $0xb8;
	[tilespmem:$0x1E200] =	vst v63  }
0x6d5: {  	_ =	swait.ge [sflag:s31], $0x2800  }
0x6d6: {  	s8 =	sld [smem:$0x7FA]  }
0x6d7: {  	[sflag:s31] =	ssyncset.done $0x0  }
0x6d8: {  	s9 =	sld [smem:$0x7FD];
	[sflag:s31] =	ssyncadd.s32 $0xFFFFD800  }
0x6d9: {  	[tilespmem:s30], [sflag:$0x2] =	stream.linear.gather [hbm4b:s8+s5], $0x50, $0x38;
	[tilespmem:$0x1E200] =	vst v63  }
0x6da: {  	_ = 	snop  }
0x6db: {  	[tilespmem:s1], [sflag:$0x2] =	stream.linear.gather [hbm4b:s9+s5], $0x50, $0x38;
	[tilespmem:$0x1E200] =	vst v63  }
0x6dc: {  	_ =	swait.ge [sflag:s2], $0x2800  }
0x6dd: {  	[sflag:s2] =	ssyncset.done $0x0  }
0x6de: {  	[sflag:s2] =	ssyncadd.s32 $0xFFFFD800  }
0x6df: {  	_ =	swait.ge [sflag:s3], $0x50  }
0x6e0: {  	[sflag:s3] =	ssyncset.done $0x0  }
0x6e1: {  	[sflag:s3] =	ssyncadd.s32 $0xFFFFFFB0  }
0x6e2: {  	_ =	swait.ge [sflag:s3], $0x50  }
0x6e3: {  	[sflag:s3] =	ssyncset.done $0x0  }
0x6e4: {  	[sflag:s3] =	ssyncadd.s32 $0xFFFFFFB0  }
0x6e5: {  	[tilespmem:s4], [sflag:$0x4] =	stream.indirect.gather [hbm4b:s18+s29], $0x80, s30, s29, $0xb8;
	[tilespmem:$0x1E200] =	vst v63  }
0x6e6: {  	_ = 	snop  }
0x6e7: {  	[spmem:s14] =	stream.indirect.scatter.add.f32 [tilespmem:s19], [sflag:$0x5], $0x80, s0, s29, $0xb8;
	[tilespmem:$0x1E200] =	vst v63  }
0x6e8: {  	_ =	swait.ge [sflag:s31], $0x2800  }
0x6e9: {  	[sflag:s31] =	ssyncset.done $0x0  }
0x6ea: {  	[sflag:s31] =	ssyncadd.s32 $0xFFFFD800  }
0x6eb: {  	[tilespmem:s5], [sflag:$0x1] =	stream.linear.gather [hbm4b:s8+s5], $0x50, $0x38;
	[tilespmem:$0x1E200] =	vst v63  }
0x6ec: {  	_ = 	snop  }
0x6ed: {  	[tilespmem:s0], [sflag:$0x1] =	stream.linear.gather [hbm4b:s9+s5], $0x50, $0x38;
	[tilespmem:$0x1E200] =	vst v63  }
0x6ee: {  	_ =	swait.ge [sflag:s6], $0x2800  }
0x6ef: {  	[sflag:s6] =	ssyncset.done $0x0  }
0x6f0: {  	[sflag:s6] =	ssyncadd.s32 $0xFFFFD800  }
0x6f1: {  	_ =	swait.ge [sflag:s10], $0x50  }
0x6f2: {  	[sflag:s10] =	ssyncset.done $0x0  }
0x6f3: {  	[sflag:s10] =	ssyncadd.s32 $0xFFFFFFB0  }
0x6f4: {  	_ =	swait.ge [sflag:s10], $0x50  }
0x6f5: {  	[sflag:s10] =	ssyncset.done $0x0  }
0x6f6: {  	[sflag:s10] =	ssyncadd.s32 $0xFFFFFFB0  }
0x6f7: {  	[tilespmem:s19], [sflag:$0x3] =	stream.indirect.gather [hbm4b:s18+s29], $0x80, s5, s29, $0xb8;
	[tilespmem:$0x1E200] =	vst v63  }
0x6f8: {  	_ = 	snop  }
0x6f9: {  	[spmem:s14] =	stream.indirect.scatter.add.f32 [tilespmem:s4], [sflag:$0x5], $0x80, s1, s29, $0xb8;
	[tilespmem:$0x1E200] =	vst v63  }
0x6fa: {  	_ =	swait.ge [sflag:s31], $0x2800  }
0x6fb: {  	[sflag:s31] =	ssyncset.done $0x0  }
0x6fc: {  	[sflag:s31] =	ssyncadd.s32 $0xFFFFD800  }
0x6fd: {  	[tilespmem:s30], [sflag:$0x2] =	stream.linear.gather [hbm4b:s8+s5], $0x50, $0x38;
	[tilespmem:$0x1E200] =	vst v63  }
0x6fe: {  	_ = 	snop  }
0x6ff: {  	[tilespmem:s1], [sflag:$0x2] =	stream.linear.gather [hbm4b:s9+s5], $0x50, $0x38;
	[tilespmem:$0x1E200] =	vst v63  }
0x700: {  	_ =	swait.ge [sflag:s2], $0x2800  }
0x701: {  	[sflag:s2] =	ssyncset.done $0x0  }
0x702: {  	[sflag:s2] =	ssyncadd.s32 $0xFFFFD800  }
0x703: {  	_ =	swait.ge [sflag:s3], $0x50  }
0x704: {  	[sflag:s3] =	ssyncset.done $0x0  }
0x705: {  	[sflag:s3] =	ssyncadd.s32 $0xFFFFFFB0  }
0x706: {  	_ =	swait.ge [sflag:s3], $0x50  }
0x707: {  	[sflag:s3] =	ssyncset.done $0x0  }
0x708: {  	[sflag:s3] =	ssyncadd.s32 $0xFFFFFFB0  }
0x709: {  	[bflag:$0x0] =	sbarrier.arrive $0xFFFF  }
0x70a: {  	s8 =	sld [smem:$0x7DF];
	_ =	sdelay $0x1  }
0x70b: {  	s7 =	rddreg [dreg:$0x15]  }
0x70c: {  	[hbm:s7], [sflag:s25] =	dma.local [spmem:s8], $0x500  }
0x70d: {  	_ =	swait.ge [sflag:s31], $0x500  }
0x70e: {  	[sflag:s31] =	ssyncset.done $0x0  }
0x70f: {  	[sflag:s31] =	ssyncadd.s32 $0xFFFFFB00  }
0x710: {  	[spmem:s8], [sflag:s25] =	dma.local [hbm:s24], $0x500  }
0x711: {  	_ =	swait.ge [sflag:s31], $0x500  }
0x712: {  	s8 =	sld [smem:$0x7E0]  }
0x713: {  	[sflag:s31] =	ssyncset.done $0x0  }
0x714: {  	s7 =	rddreg [dreg:$0x16];
	[sflag:s31] =	ssyncadd.s32 $0xFFFFFB00  }
0x715: {  	[hbm:s7], [sflag:s25] =	dma.local [spmem:s8], $0x500  }
0x716: {  	_ =	swait.ge [sflag:s31], $0x500  }
0x717: {  	[sflag:s31] =	ssyncset.done $0x0  }
0x718: {  	[sflag:s31] =	ssyncadd.s32 $0xFFFFFB00  }
0x719: {  	[spmem:s8], [sflag:s25] =	dma.local [hbm:s26], $0x500  }
0x71a: {  	_ =	swait.ge [sflag:s31], $0x500  }
0x71b: {  	s8 =	sld [smem:$0x7E1]  }
0x71c: {  	[sflag:s31] =	ssyncset.done $0x0  }
0x71d: {  	s7 =	rddreg [dreg:$0x17];
	[sflag:s31] =	ssyncadd.s32 $0xFFFFFB00  }
0x71e: {  	[hbm:s7], [sflag:s25] =	dma.local [spmem:s8], $0x500  }
0x71f: {  	_ =	swait.ge [sflag:s31], $0x500  }
0x720: {  	[sflag:s31] =	ssyncset.done $0x0  }
0x721: {  	[sflag:s31] =	ssyncadd.s32 $0xFFFFFB00  }
0x722: {  	[spmem:s8], [sflag:s25] =	dma.local [hbm:s28], $0x500  }
0x723: {  	_ =	swait.ge [sflag:s31], $0x500  }
0x724: {  	s8 =	sld [smem:$0x7E2]  }
0x725: {  	[sflag:s31] =	ssyncset.done $0x0  }
0x726: {  	s7 =	rddreg [dreg:$0x18];
	[sflag:s31] =	ssyncadd.s32 $0xFFFFFB00  }
0x727: {  	[hbm:s7], [sflag:s25] =	dma.local [spmem:s8], $0x500  }
0x728: {  	_ =	swait.ge [sflag:s31], $0x500  }
0x729: {  	[sflag:s31] =	ssyncset.done $0x0  }
0x72a: {  	[sflag:s31] =	ssyncadd.s32 $0xFFFFFB00  }
0x72b: {  	[spmem:s8], [sflag:s25] =	dma.local [hbm:s20], $0x500  }
0x72c: {  	_ =	swait.ge [sflag:s31], $0x500  }
0x72d: {  	s8 =	sld [smem:$0x7E3]  }
0x72e: {  	[sflag:s31] =	ssyncset.done $0x0  }
0x72f: {  	s7 =	rddreg [dreg:$0x19];
	[sflag:s31] =	ssyncadd.s32 $0xFFFFFB00  }
0x730: {  	[hbm:s7], [sflag:s25] =	dma.local [spmem:s8], $0x500  }
0x731: {  	_ =	swait.ge [sflag:s31], $0x500  }
0x732: {  	[sflag:s31] =	ssyncset.done $0x0  }
0x733: {  	[sflag:s31] =	ssyncadd.s32 $0xFFFFFB00  }
0x734: {  	[spmem:s8], [sflag:s25] =	dma.local [hbm:s21], $0x500  }
0x735: {  	_ =	swait.ge [sflag:s31], $0x500  }
0x736: {  	s8 =	sld [smem:$0x7E4]  }
0x737: {  	[sflag:s31] =	ssyncset.done $0x0  }
0x738: {  	s7 =	rddreg [dreg:$0x1a];
	[sflag:s31] =	ssyncadd.s32 $0xFFFFFB00  }
0x739: {  	[hbm:s7], [sflag:s25] =	dma.local [spmem:s8], $0x500  }
0x73a: {  	_ =	swait.ge [sflag:s31], $0x500  }
0x73b: {  	[sflag:s31] =	ssyncset.done $0x0  }
0x73c: {  	[sflag:s31] =	ssyncadd.s32 $0xFFFFFB00  }
0x73d: {  	[spmem:s8], [sflag:s25] =	dma.local [hbm:s23], $0x500  }
0x73e: {  	_ =	swait.ge [sflag:s31], $0x500  }
0x73f: {  	s7 =	sld [smem:$0x7E5]  }
0x740: {  	[sflag:s31] =	ssyncset.done $0x0  }
0x741: {  	s8 =	rddreg [dreg:$0x1b];
	[sflag:s31] =	ssyncadd.s32 $0xFFFFFB00  }
0x742: {  	[hbm:s8], [sflag:s25] =	dma.local [spmem:s7], $0x500  }
0x743: {  	_ =	swait.ge [sflag:s31], $0x500  }
0x744: {  	[sflag:s31] =	ssyncset.done $0x0  }
0x745: {  	s8 =	rddreg [dreg:$0xa];
	[sflag:s31] =	ssyncadd.s32 $0xFFFFFB00  }
0x746: {  	[spmem:s7], [sflag:s25] =	dma.local [hbm:s8], $0x500  }
0x747: {  	_ =	swait.ge [sflag:s31], $0x500  }
0x748: {  	s7 =	sld [smem:$0x7E6]  }
0x749: {  	[sflag:s31] =	ssyncset.done $0x0  }
0x74a: {  	s8 =	rddreg [dreg:$0x1c];
	[sflag:s31] =	ssyncadd.s32 $0xFFFFFB00  }
0x74b: {  	[hbm:s8], [sflag:s25] =	dma.local [spmem:s7], $0x500  }
0x74c: {  	_ =	swait.ge [sflag:s31], $0x500  }
0x74d: {  	[sflag:s31] =	ssyncset.done $0x0  }
0x74e: {  	s8 =	rddreg [dreg:$0xb];
	[sflag:s31] =	ssyncadd.s32 $0xFFFFFB00  }
0x74f: {  	[spmem:s7], [sflag:s25] =	dma.local [hbm:s8], $0x500  }
0x750: {  	_ =	swait.ge [sflag:s31], $0x500  }
0x751: {  	[sflag:s31] =	ssyncset.done $0x0  }
0x752: {  	v0 =	vimm.f32 $1.000000000e+00;
	s5 =	simm.s32 $0x0;
	s7 =	simm.s32 $0x200;
	[sflag:s31] =	ssyncadd.s32 $0xFFFFFB00  }
.LBB2_10:
0x753: {  	p0 =	sne.s32 s7, $0x9E00;
	[tilespmem:s5+$0x270] =	vst v0  }
0x754: {  	[tilespmem:s5+$0x200] =	vst v0  }
0x755: {  	[tilespmem:s5+$0x210] =	vst v0  }
.Ltmp4:
0x756: {  	[tilespmem:s5+$0x220] =	vst v0;
	(pc) =	sbr.rel @p0 .LBB2_10-.Ltmp4, $4  }
0x757: {  	[tilespmem:s5+$0x230] =	vst v0  }
0x758: {  	[tilespmem:s5+$0x240] =	vst v0  }
0x759: {  	[tilespmem:s5+$0x250] =	vst v0  }
0x75a: {  	[tilespmem:s5+$0x260] =	vst v0;
	s5 =	sshra.s32 s7, $0x2;
	s7 =	sadd.s32 $0x200, s7  }
0x75b: {  	[tilespmem:s5+$0x270] =	vst v0  }
0x75c: {  	[tilespmem:s5+$0x200] =	vst v0  }
0x75d: {  	[tilespmem:s5+$0x210] =	vst v0  }
0x75e: {  	[tilespmem:s5+$0x220] =	vst v0  }
0x75f: {  	[tilespmem:s5+$0x230] =	vst v0  }
0x760: {  	[tilespmem:s5+$0x240] =	vst v0  }
0x761: {  	[tilespmem:s5+$0x250] =	vst v0  }
0x762: {  	[tilespmem:s5+$0x260] =	vst v0  }
0x763: {  	[bflag:$0x0] =	sbarrier.arrive $0xFFFF  }
0x764: {  	s8 =	sld [smem:$0x7F9];
	_ =	sdelay $0x2  }
0x765: {  	[tilespmem:s0], [sflag:$0x1] =	stream.linear.gather [hbm4b:s8+s11], $0x50, $0x38;
	[tilespmem:$0x1E200] =	vst v63  }
0x766: {  	_ =	swait.ge [sflag:s10], $0x50  }
0x767: {  	s7 =	sld [smem:$0x7EC]  }
0x768: {  	[sflag:s10] =	ssyncset.done $0x0  }
0x769: {  	[sflag:s10] =	ssyncadd.s32 $0xFFFFFFB0  }
0x76a: {  	[tilespmem:s1], [sflag:$0x2] =	stream.linear.gather [hbm4b:s7+s11], $0x50, $0x38;
	[tilespmem:$0x1E200] =	vst v63  }
0x76b: {  	_ =	swait.ge [sflag:s3], $0x50  }
0x76c: {  	[sflag:s3] =	ssyncset.done $0x0  }
0x76d: {  	[sflag:s3] =	ssyncadd.s32 $0xFFFFFFB0  }
0x76e: {  	[spmem:s14] =	stream.indirect.scatter.add.f32 [tilespmem:s19], [sflag:$0x5], $0x80, s0, s29, $0xb8;
	[tilespmem:$0x1E200] =	vst v63  }
0x76f: {  	_ =	swait.ge [sflag:s31], $0x2800  }
0x770: {  	s7 =	sadd.s32 $0xFFFFFB3C, s15;
	[sflag:s31] =	ssyncset.done $0x0  }
0x771: {  	s8 =	sadd.s32 $0x4D8, s7;
	[sflag:s31] =	ssyncadd.s32 $0xFFFFD800  }
0x772: {  	[tilespmem:s0], [sflag:$0x1] =	stream.linear.gather [hbm4b:s8+s11], $0x50, $0x38;
	[tilespmem:$0x1E200] =	vst v63  }
0x773: {  	_ =	swait.ge [sflag:s10], $0x50  }
0x774: {  	[sflag:s10] =	ssyncset.done $0x0  }
0x775: {  	[sflag:s10] =	ssyncadd.s32 $0xFFFFFFB0  }
0x776: {  	[spmem:s14] =	stream.indirect.scatter.add.f32 [tilespmem:s19], [sflag:$0x5], $0x80, s1, s29, $0xb8;
	[tilespmem:$0x1E200] =	vst v63  }
0x777: {  	_ =	swait.ge [sflag:s31], $0x2800  }
0x778: {  	[sflag:s31] =	ssyncset.done $0x0  }
0x779: {  	s5 =	simm.s32 $0xFFFFFB50;
	s7 =	sadd.s32 $0x4E2, s7;
	[sflag:s31] =	ssyncadd.s32 $0xFFFFD800  }
.LBB2_12:
0x77a: {  	[tilespmem:s1], [sflag:$0x2] =	stream.linear.gather [hbm4b:s7+s11], $0x50, $0x38;
	[tilespmem:$0x1E200] =	vst v63  }
0x77b: {  	s7 =	smov.u32 s5  }
0x77c: {  	p0 =	sne.s32 s5, $0xFFFFFFEC;
	s5 =	sadd.s32 $0x14, s5;
	_ =	swait.ge [sflag:s3], $0x50  }
0x77d: {  	[sflag:s3] =	ssyncset.done $0x0  }
0x77e: {  	[sflag:s3] =	ssyncadd.s32 $0xFFFFFFB0  }
0x77f: {  	[spmem:s14] =	stream.indirect.scatter.add.f32 [tilespmem:s19], [sflag:$0x5], $0x80, s0, s29, $0xb8;
	[tilespmem:$0x1E200] =	vst v63  }
0x780: {  	_ =	swait.ge [sflag:s31], $0x2800  }
0x781: {  	s7 =	sadd.s32 s7, s15;
	[sflag:s31] =	ssyncset.done $0x0  }
0x782: {  	s8 =	sadd.s32 $0x4D8, s7;
	[sflag:s31] =	ssyncadd.s32 $0xFFFFD800  }
0x783: {  	[tilespmem:s0], [sflag:$0x1] =	stream.linear.gather [hbm4b:s8+s11], $0x50, $0x38;
	[tilespmem:$0x1E200] =	vst v63  }
0x784: {  	_ =	swait.ge [sflag:s10], $0x50  }
0x785: {  	[sflag:s10] =	ssyncset.done $0x0  }
.Ltmp5:
0x786: {  	[sflag:s10] =	ssyncadd.s32 $0xFFFFFFB0;
	(pc) =	sbr.rel @p0 .LBB2_12-.Ltmp5, $4  }
0x787: {  	[spmem:s14] =	stream.indirect.scatter.add.f32 [tilespmem:s19], [sflag:$0x5], $0x80, s1, s29, $0xb8;
	[tilespmem:$0x1E200] =	vst v63  }
0x788: {  	_ =	swait.ge [sflag:s31], $0x2800  }
0x789: {  	[sflag:s31] =	ssyncset.done $0x0  }
0x78a: {  	s7 =	sadd.s32 $0x4E2, s7;
	[sflag:s31] =	ssyncadd.s32 $0xFFFFD800  }
0x78b: {  	[tilespmem:s1], [sflag:$0x2] =	stream.linear.gather [hbm4b:s7+s11], $0x50, $0x38;
	[tilespmem:$0x1E200] =	vst v63  }
0x78c: {  	_ =	swait.ge [sflag:s3], $0x50  }
0x78d: {  	[sflag:s3] =	ssyncset.done $0x0  }
0x78e: {  	[sflag:s3] =	ssyncadd.s32 $0xFFFFFFB0  }
0x78f: {  	[spmem:s14] =	stream.indirect.scatter.add.f32 [tilespmem:s19], [sflag:$0x5], $0x80, s0, s29, $0xb8;
	[tilespmem:$0x1E200] =	vst v63  }
0x790: {  	_ =	swait.ge [sflag:s31], $0x2800  }
0x791: {  	s5 =	sld [smem:$0x7FC]  }
0x792: {  	[sflag:s31] =	ssyncset.done $0x0  }
0x793: {  	[sflag:s31] =	ssyncadd.s32 $0xFFFFD800  }
0x794: {  	[tilespmem:s0], [sflag:$0x1] =	stream.linear.gather [hbm4b:s5+s11], $0x50, $0x38;
	[tilespmem:$0x1E200] =	vst v63  }
0x795: {  	_ =	swait.ge [sflag:s10], $0x50  }
0x796: {  	[sflag:s10] =	ssyncset.done $0x0  }
0x797: {  	[sflag:s10] =	ssyncadd.s32 $0xFFFFFFB0  }
0x798: {  	[spmem:s14] =	stream.indirect.scatter.add.f32 [tilespmem:s19], [sflag:$0x5], $0x80, s1, s29, $0xb8;
	[tilespmem:$0x1E200] =	vst v63  }
0x799: {  	_ =	swait.ge [sflag:s31], $0x2800  }
0x79a: {  	[sflag:s31] =	ssyncset.done $0x0  }
0x79b: {  	[sflag:s31] =	ssyncadd.s32 $0xFFFFD800  }
0x79c: {  	[tilespmem:s1], [sflag:$0x2] =	stream.linear.gather [hbm4b:s9+s11], $0x50, $0x38;
	[tilespmem:$0x1E200] =	vst v63  }
0x79d: {  	_ =	swait.ge [sflag:s3], $0x50  }
0x79e: {  	[sflag:s3] =	ssyncset.done $0x0  }
0x79f: {  	[sflag:s3] =	ssyncadd.s32 $0xFFFFFFB0  }
0x7a0: {  	[spmem:s14] =	stream.indirect.scatter.add.f32 [tilespmem:s19], [sflag:$0x5], $0x80, s0, s29, $0xb8;
	[tilespmem:$0x1E200] =	vst v63  }
0x7a1: {  	_ =	swait.ge [sflag:s31], $0x2800  }
0x7a2: {  	[sflag:s31] =	ssyncset.done $0x0  }
0x7a3: {  	[sflag:s31] =	ssyncadd.s32 $0xFFFFD800  }
0x7a4: {  	[tilespmem:s0], [sflag:$0x1] =	stream.linear.gather [hbm4b:s9+s11], $0x50, $0x38;
	[tilespmem:$0x1E200] =	vst v63  }
0x7a5: {  	_ =	swait.ge [sflag:s10], $0x50  }
0x7a6: {  	[sflag:s10] =	ssyncset.done $0x0  }
0x7a7: {  	[sflag:s10] =	ssyncadd.s32 $0xFFFFFFB0  }
0x7a8: {  	[spmem:s14] =	stream.indirect.scatter.add.f32 [tilespmem:s19], [sflag:$0x5], $0x80, s1, s29, $0xb8;
	[tilespmem:$0x1E200] =	vst v63  }
0x7a9: {  	_ =	swait.ge [sflag:s31], $0x2800  }
0x7aa: {  	[sflag:s31] =	ssyncset.done $0x0  }
0x7ab: {  	[sflag:s31] =	ssyncadd.s32 $0xFFFFD800  }
0x7ac: {  	[tilespmem:s1], [sflag:$0x2] =	stream.linear.gather [hbm4b:s9+s11], $0x50, $0x38;
	[tilespmem:$0x1E200] =	vst v63  }
0x7ad: {  	_ =	swait.ge [sflag:s3], $0x50  }
0x7ae: {  	[sflag:s3] =	ssyncset.done $0x0  }
0x7af: {  	[sflag:s3] =	ssyncadd.s32 $0xFFFFFFB0  }
0x7b0: {  	[bflag:$0x0] =	sbarrier.arrive $0xFFFF  }
0x7b1: {  	s9 =	sld [smem:$0x7DF];
	_ =	sdelay $0x1  }
0x7b2: {  	s8 =	rddreg [dreg:$0x14]  }
0x7b3: {  	[hbm:s8], [sflag:s25] =	dma.local [spmem:s9], $0x500  }
0x7b4: {  	_ =	swait.ge [sflag:s31], $0x500  }
0x7b5: {  	s9 =	sld [smem:$0x7E0]  }
0x7b6: {  	[sflag:s31] =	ssyncset.done $0x0  }
0x7b7: {  	s8 =	rddreg [dreg:$0x1d];
	[sflag:s31] =	ssyncadd.s32 $0xFFFFFB00  }
0x7b8: {  	[hbm:s8], [sflag:s25] =	dma.local [spmem:s9], $0x500  }
0x7b9: {  	_ =	swait.ge [sflag:s31], $0x500  }
0x7ba: {  	s9 =	sld [smem:$0x7E1]  }
0x7bb: {  	[sflag:s31] =	ssyncset.done $0x0  }
0x7bc: {  	s8 =	rddreg [dreg:$0x1e];
	[sflag:s31] =	ssyncadd.s32 $0xFFFFFB00  }
0x7bd: {  	[hbm:s8], [sflag:s25] =	dma.local [spmem:s9], $0x500  }
0x7be: {  	_ =	swait.ge [sflag:s31], $0x500  }
0x7bf: {  	s9 =	sld [smem:$0x7E2]  }
0x7c0: {  	[sflag:s31] =	ssyncset.done $0x0  }
0x7c1: {  	s8 =	rddreg [dreg:$0x1f];
	[sflag:s31] =	ssyncadd.s32 $0xFFFFFB00  }
0x7c2: {  	[hbm:s8], [sflag:s25] =	dma.local [spmem:s9], $0x500  }
0x7c3: {  	_ =	swait.ge [sflag:s31], $0x500  }
0x7c4: {  	s8 =	sld [smem:$0x7E7]  }
0x7c5: {  	s9 =	sld [smem:$0x7E3]  }
0x7c6: {  	[sflag:s31] =	ssyncset.done $0x0  }
0x7c7: {  	[sflag:s31] =	ssyncadd.s32 $0xFFFFFB00  }
0x7c8: {  	[hbm:s8], [sflag:s25] =	dma.local [spmem:s9], $0x500  }
0x7c9: {  	_ =	swait.ge [sflag:s31], $0x500  }
0x7ca: {  	s8 =	sld [smem:$0x7E8]  }
0x7cb: {  	s9 =	sld [smem:$0x7E4]  }
0x7cc: {  	[sflag:s31] =	ssyncset.done $0x0  }
0x7cd: {  	[sflag:s31] =	ssyncadd.s32 $0xFFFFFB00  }
0x7ce: {  	[hbm:s8], [sflag:s25] =	dma.local [spmem:s9], $0x500  }
0x7cf: {  	_ =	swait.ge [sflag:s31], $0x500  }
0x7d0: {  	s8 =	sld [smem:$0x7E9]  }
0x7d1: {  	s9 =	sld [smem:$0x7E5]  }
0x7d2: {  	[sflag:s31] =	ssyncset.done $0x0  }
0x7d3: {  	[sflag:s31] =	ssyncadd.s32 $0xFFFFFB00  }
0x7d4: {  	[hbm:s8], [sflag:s25] =	dma.local [spmem:s9], $0x500  }
0x7d5: {  	_ =	swait.ge [sflag:s31], $0x500  }
0x7d6: {  	s8 =	sld [smem:$0x7EA]  }
0x7d7: {  	s9 =	sld [smem:$0x7E6]  }
0x7d8: {  	[sflag:s31] =	ssyncset.done $0x0  }
0x7d9: {  	[sflag:s31] =	ssyncadd.s32 $0xFFFFFB00  }
0x7da: {  	[hbm:s8], [sflag:s25] =	dma.local [spmem:s9], $0x500  }
0x7db: {  	_ =	swait.ge [sflag:s31], $0x500  }
0x7dc: {  	s8 =	sld [smem:$0x7DE]  }
0x7dd: {  	s9 =	sld [smem:$0x7F0];
	_ =	sdelay $0x1  }
0x7de: {  	s7 =	sadd.s32 $0x1, s8  }
0x7df: {  	p0 =	sne.s32 s7, s9  }
.Ltmp6:
0x7e0: {  	_ = 	snop;
	(pc) =	sbr.rel @p0 .LBB2_1-.Ltmp6, $3  }
0x7e1: {  	_ =	sdelay $0x1  }
0x7e2: {  	[sflag:s31] =	ssyncset.done $0x0  }
0x7e3: {  	[sflag:s31] =	ssyncadd.s32 $0xFFFFFB00  }
0x7e4: {  	_ =	sfence.sel $0x180000  }
0x7e5: {  	[bflag:$0x0] =	sbarrier.arrive $0xFFFF  }
0x7e6: {  	_ =	strace $0x90000047  }
0x7e7: {  	s0 =	stileid.u32;
	[bflag:$0x2] =	sbarrier.arrive $0xFFFF  }
0x7e8: {  	p0 =	sne.s32 s0, $0x0;
	s0 =	rddreg [dreg:$0x3]  }
0x7e9: {  	s0 =	sadd.s32 @!p0 $0x100000, s0  }
0x7ea: {  	[sflag:s0] =	ssyncadd.tile.s32 @!p0 $0x1;
	_ =	shalt  }
.Lfunc_end2:
_tile_overlayer_lowered:
.L_overlay_start_2:
0x7eb: {  	(tag) =	ssettag $0x2  }
0x7ec: {  	s0 =	rddreg [dreg:$0x0];
	s2 =	stileid.u32  }
0x7ed: {  	s1 =	rddreg [dreg:$0x1];
	p0 =	sne.s32 s2, $0x0  }
0x7ee: {  	s3 =	rddreg [dreg:$0x2];
	[bflag:$0x3] =	sbarrier.arrive $0xFFFF;
	s2 =	simm.s32 @!p0 $0x1C05  }
0x7ef: {  	[timem:s3], [sflag:s2] =	dma.local @!p0 [hbm:s0], s1  }
0x7f0: {  	s0 =	simm.s32 @!p0 $0x5  }
0x7f1: {  	_ =	swait.ge @!p0 [sflag:s0], s1  }
0x7f2: {  	s1 =	ssub.s32 @!p0 $0x0, s1;
	[sflag:s0] =	ssyncset.done @!p0 $0x0  }
0x7f3: {  	[sflag:s0] =	ssyncadd.s32 @!p0 s1  }
0x7f4: {  	[bflag:$0x3] =	sbarrier.arrive $0xFFFF  }
0x7f5: {  	_ =	shalt  }

</sc_bundles>
